<compile_context>
chip_gen: v7x
topology: tpu7x:2x2x1
jax: 0.10.2.dev20260603
libtpu: 0.0.44.dev20260713+nightly
codegen_flags: <defaults>
</compile_context>

<pallas_src>
import functools

import jax
import jax.numpy as jnp
from jax import lax
from jax.experimental import pallas as pl
from jax.experimental.pallas import tpu as pltpu
from jax.experimental.pallas import tpu_sc as plsc

N = 10000
D = 256
H = 128
E = 160000
NUM_TILES = 16
CHUNK = 64
GROUP = 40
NBUF = 4
EDGES_PER_TILE = 10240
E_PAD = EDGES_PER_TILE * NUM_TILES
CHUNKS_PER_TILE = EDGES_PER_TILE // CHUNK
GROUPS_PER_TILE = CHUNKS_PER_TILE // GROUP
CHUNK_ROWS = E_PAD // CHUNK
Z_ROWS = 10240
ROWS_PER_TILE = Z_ROWS // NUM_TILES
TRASH_ROW = Z_ROWS - 1


def _mlp_pre_body(x_ref, w1_ref, b1_ref, w2_ref, b2_ref, o_ref):
    h1 = jnp.dot(x_ref[...], w1_ref[...], preferred_element_type=jnp.float32)
    h1 = jnp.maximum(h1 + b1_ref[...], 0.0)
    m = jnp.dot(h1, w2_ref[...], preferred_element_type=jnp.float32)
    m = jnp.maximum(m + b2_ref[...], 0.0)
    o_ref[0] = m[:, :H]
    o_ref[1] = m[:, H:]


def _mlp_pre(x, W1, b1, W2, b2):
    R = 2000
    grid = (N // R,)
    return pl.pallas_call(
        _mlp_pre_body,
        grid=grid,
        in_specs=[
            pl.BlockSpec((R, D), lambda i: (i, 0)),
            pl.BlockSpec((D, D), lambda i: (0, 0)),
            pl.BlockSpec((1, D), lambda i: (0, 0)),
            pl.BlockSpec((D, D), lambda i: (0, 0)),
            pl.BlockSpec((1, D), lambda i: (0, 0)),
        ],
        out_specs=pl.BlockSpec((2, R, H), lambda i: (0, i, 0)),
        out_shape=jax.ShapeDtypeStruct((2, N, H), jnp.float32),
    )(x, W1, b1.reshape(1, D), W2, b2.reshape(1, D))


_SC_MESH = plsc.VectorSubcoreMesh(core_axis_name="c", subcore_axis_name="s")


@functools.partial(
    pl.kernel,
    out_type=jax.ShapeDtypeStruct((2 * Z_ROWS, H), jnp.float32),
    mesh=_SC_MESH,
    scratch_types=[
        pltpu.VMEM((GROUP, CHUNK), jnp.int32),
        pltpu.VMEM((GROUP, CHUNK), jnp.int32),
        pltpu.VMEM((NBUF, CHUNK, H), jnp.float32),
        pltpu.VMEM_SHARED((Z_ROWS, H), jnp.float32),
        pltpu.SemaphoreType.DMA,
        pltpu.SemaphoreType.DMA,
        pltpu.SemaphoreType.DMA,
        pltpu.SemaphoreType.DMA,
        pltpu.SemaphoreType.DMA,
        pltpu.SemaphoreType.DMA,
        pltpu.SemaphoreType.DMA,
        pltpu.SemaphoreType.DMA,
    ],
)
def _scatter_sum(msg_hbm, src_hbm, dst_hbm, zeros_hbm, out_hbm,
                 src_g, dst_g, stage, z_sh,
                 g0, g1, g2, g3, s0, s1, s2, s3):
    c = lax.axis_index("c")
    s = lax.axis_index("s")
    my_rows = s * ROWS_PER_TILE
    pltpu.sync_copy(zeros_hbm, z_sh.at[pl.ds(my_rows, ROWS_PER_TILE)])
    plsc.subcore_barrier()

    srow0 = c * CHUNK_ROWS + s * CHUNKS_PER_TILE
    drow0 = s * CHUNKS_PER_TILE
    gsem = (g0, g1, g2, g3)
    ssem = (s0, s1, s2, s3)

    def group_body(g, carry):
        pltpu.sync_copy(src_hbm.at[pl.ds(srow0 + g * GROUP, GROUP)], src_g)
        pltpu.sync_copy(dst_hbm.at[pl.ds(drow0 + g * GROUP, GROUP)], dst_g)
        for p in range(NBUF - 1):
            pltpu.async_copy(msg_hbm.at[src_g.at[p]], stage.at[p], gsem[p])
        for b in range(GROUP):
            cur = b % NBUF
            nxt = b + NBUF - 1
            if nxt < GROUP:
                slot = nxt % NBUF
                if nxt >= NBUF:
                    pltpu.make_async_copy(stage.at[slot],
                                          z_sh.at[dst_g.at[nxt - NBUF]],
                                          ssem[slot]).wait()
                pltpu.async_copy(msg_hbm.at[src_g.at[nxt]],
                                 stage.at[slot], gsem[slot])
            pltpu.make_async_copy(msg_hbm.at[src_g.at[b]],
                                  stage.at[cur], gsem[cur]).wait()
            pltpu.async_copy(stage.at[cur], z_sh.at[dst_g.at[b]],
                             ssem[cur], add=True)
        for b in range(GROUP - NBUF, GROUP):
            slot = b % NBUF
            pltpu.make_async_copy(stage.at[slot], z_sh.at[dst_g.at[b]],
                                  ssem[slot]).wait()
        return carry

    lax.fori_loop(0, GROUPS_PER_TILE, group_body, 0)
    plsc.subcore_barrier()
    out_off = c * Z_ROWS + my_rows
    pltpu.sync_copy(z_sh.at[pl.ds(my_rows, ROWS_PER_TILE)],
                    out_hbm.at[pl.ds(out_off, ROWS_PER_TILE)])


def _mlp_post_body(z_ref, w3t_ref, w3b_ref, b3_ref, w4_ref, b4_ref, o_ref):
    acc = jnp.dot(z_ref[0], w3t_ref[...], preferred_element_type=jnp.float32)
    acc += jnp.dot(z_ref[1], w3b_ref[...], preferred_element_type=jnp.float32)
    h2 = jnp.maximum(acc + b3_ref[...], 0.0)
    h = jnp.dot(h2, w4_ref[...], preferred_element_type=jnp.float32)
    o_ref[...] = jnp.maximum(h + b4_ref[...], 0.0)


def _mlp_post(z2, W3, b3, W4, b4):
    R = 2000
    grid = (N // R,)
    return pl.pallas_call(
        _mlp_post_body,
        grid=grid,
        in_specs=[
            pl.BlockSpec((2, R, H), lambda i: (0, i, 0)),
            pl.BlockSpec((H, D), lambda i: (0, 0)),
            pl.BlockSpec((H, D), lambda i: (0, 0)),
            pl.BlockSpec((1, D), lambda i: (0, 0)),
            pl.BlockSpec((D, D), lambda i: (0, 0)),
            pl.BlockSpec((1, D), lambda i: (0, 0)),
        ],
        out_specs=pl.BlockSpec((R, D), lambda i: (i, 0)),
        out_shape=jax.ShapeDtypeStruct((N, D), jnp.float32),
    )(z2, W3[:H], W3[H:], b3.reshape(1, D), W4, b4.reshape(1, D))


def kernel(x, edge_index, W1, b1, W2, b2, W3, b3, W4, b4):
    msg = _mlp_pre(x, W1, b1, W2, b2)
    msg2 = msg.reshape(2 * N, H)

    pad = E_PAD - E
    src_p = jnp.concatenate([edge_index[0], jnp.zeros((pad,), jnp.int32)])
    dst_p = jnp.concatenate([edge_index[1],
                             jnp.full((pad,), TRASH_ROW, jnp.int32)])
    src_rows = src_p.reshape(CHUNK_ROWS, CHUNK)
    src_arr = jnp.concatenate([src_rows, src_rows + N], axis=0)
    dst_arr = dst_p.reshape(CHUNK_ROWS, CHUNK)
    zeros = jnp.zeros((ROWS_PER_TILE, H), jnp.float32)

    z_flat = _scatter_sum(msg2, src_arr, dst_arr, zeros)
    z2 = z_flat.reshape(2, Z_ROWS, H)

    return _mlp_post(z2, W3, b3, W4, b4)

# --- scband reference (transcript-rebuilt; emitter-appended) ---
"""Pipeline reference for scband-aggregator-59030030516963 (READ-ONLY COPY).

The authoritative reference and input builder live on the scoring server;
editing this copy changes nothing except your own understanding.
"""

import jax, jax.numpy as jnp
import numpy as np

N_NODES = 10000
N_EDGES = 160000
NODE_DIM = 256
EMB_DIM = 256
OUT_DIM = 256


def setup_inputs(seed: int = 0) -> dict:
    key = jax.random.key(seed)
    ks = jax.random.split(key, 12)
    x = jax.random.normal(ks[0], (N_NODES, NODE_DIM), dtype=jnp.float32)
    edge_index = jax.random.randint(ks[1], (2, N_EDGES), 0, N_NODES, dtype=jnp.int32)
    # pre_layers: FNN(node_dim, [node_dim], emb_dim) -> Linear(256,256) + ReLU + Linear(256,256)
    W1 = jax.random.normal(ks[2], (NODE_DIM, NODE_DIM), dtype=jnp.float32) / np.sqrt(NODE_DIM)
    b1 = jnp.zeros((NODE_DIM,), dtype=jnp.float32)
    W2 = jax.random.normal(ks[3], (NODE_DIM, EMB_DIM), dtype=jnp.float32) / np.sqrt(NODE_DIM)
    b2 = jnp.zeros((EMB_DIM,), dtype=jnp.float32)
    # update_layers: FNN(emb_dim, [emb_dim], out_dim)
    W3 = jax.random.normal(ks[4], (EMB_DIM, EMB_DIM), dtype=jnp.float32) / np.sqrt(EMB_DIM)
    b3 = jnp.zeros((EMB_DIM,), dtype=jnp.float32)
    W4 = jax.random.normal(ks[5], (EMB_DIM, OUT_DIM), dtype=jnp.float32) / np.sqrt(EMB_DIM)
    b4 = jnp.zeros((OUT_DIM,), dtype=jnp.float32)
    return {"x": x, "edge_index": edge_index, "W1": W1, "b1": b1, "W2": W2, "b2": b2, "W3": W3, "b3": b3, "W4": W4, "b4": b4}


def reference(x, edge_index, W1, b1, W2, b2, W3, b3, W4, b4):
    # reverse=False, so no graph reversal.
    src = edge_index[0]
    dst = edge_index[1]
    # msg_func: msg = relu(pre_layers(src node features)).
    # pre_layers is per-node deterministic, so compute per-node then gather per-edge (same math).
    h1 = jax.nn.relu(x @ W1 + b1)
    pre_out = h1 @ W2 + b2
    msg_per_node = jax.nn.relu(pre_out)
    msg = jnp.take(msg_per_node, src, axis=0)  # [E, emb_dim] gather
    # fn.sum('m', 'z'): scatter-add messages to destination nodes
    z = jax.ops.segment_sum(msg, dst, num_segments=N_NODES)  # [N, emb_dim]
    # node_update: h = relu(update_layers(z))
    h2 = jax.nn.relu(z @ W3 + b3)
    h = jax.nn.relu(h2 @ W4 + b4)
    return h

if __name__ == "__main__":
    import jax
    _d = setup_inputs()
    print(jax.jit(kernel)(*tuple(_d.values())))

</pallas_src>

<mosaic_0001>
#map = affine_map<(d0, d1) -> (0, 0)>
module attributes {stable_mosaic.version = 14 : i64} {
  func.func @_scatter_sum(%arg0: i32, %arg1: i32, %arg2: memref<20000x128xf32, #tpu.memory_space<hbm>>, %arg3: memref<5120x64xi32, #tpu.memory_space<hbm>>, %arg4: memref<2560x64xi32, #tpu.memory_space<hbm>>, %arg5: memref<640x128xf32, #tpu.memory_space<hbm>>, %arg6: memref<20480x128xf32, #tpu.memory_space<hbm>>, %arg7: memref<40x64xi32, #tpu.memory_space<vmem>>, %arg8: memref<40x64xi32, #tpu.memory_space<vmem>>, %arg9: memref<4x64x128xf32, #tpu.memory_space<vmem>>, %arg10: memref<10240x128xf32, #tpu.memory_space<vmem_shared>>, %arg11: memref<!tpu.dma_semaphore, #tpu.memory_space<semaphore_mem>>, %arg12: memref<!tpu.dma_semaphore, #tpu.memory_space<semaphore_mem>>, %arg13: memref<!tpu.dma_semaphore, #tpu.memory_space<semaphore_mem>>, %arg14: memref<!tpu.dma_semaphore, #tpu.memory_space<semaphore_mem>>, %arg15: memref<!tpu.dma_semaphore, #tpu.memory_space<semaphore_mem>>, %arg16: memref<!tpu.dma_semaphore, #tpu.memory_space<semaphore_mem>>, %arg17: memref<!tpu.dma_semaphore, #tpu.memory_space<semaphore_mem>>, %arg18: memref<!tpu.dma_semaphore, #tpu.memory_space<semaphore_mem>>) attributes {dimension_semantics = [#tpu.dimension_semantics<core_parallel>, #tpu.dimension_semantics<subcore_parallel>], iteration_bounds = array<i64: 2, 16>, scalar_prefetch = 0 : i64, scratch_operands = 12 : i64, tpu.core_type = #tpu.core_type<sc_vector_subcore>, window_params = [{transform_indices = #map}, {transform_indices = #map}, {transform_indices = #map}, {transform_indices = #map}, {transform_indices = #map}]} {
    %mul3A = arith.constant 640 : i32
    %mul3A_0 = arith.muli %arg1, %mul3A : i32
    "tpu.region"() ({
      %run_scoped3A = tpu.sem_alloc : memref<!tpu.dma_semaphore, #tpu.memory_space<semaphore_mem>>
      %dma_start3A = arith.constant 0 : i32
      %dma_start3A_16 = tpu.memref_slice %arg10[%mul3A_0, %dma_start3A] : memref<10240x128xf32, #tpu.memory_space<vmem_shared>> -> memref<640x128xf32, #tpu.memory_space<vmem_shared>>
      tpu.enqueue_dma source(%arg5 : memref<640x128xf32, #tpu.memory_space<hbm>>) target(%dma_start3A_16 : memref<640x128xf32, #tpu.memory_space<vmem_shared>>) target_semaphore(%run_scoped3A : memref<!tpu.dma_semaphore, #tpu.memory_space<semaphore_mem>>)
      %dma_wait3A = arith.constant 0 : i32
      %dma_wait3A_17 = tpu.memref_slice %arg10[%mul3A_0, %dma_wait3A] : memref<10240x128xf32, #tpu.memory_space<vmem_shared>> -> memref<640x128xf32, #tpu.memory_space<vmem_shared>>
      tpu.wait_dma2 semaphore(%run_scoped3A : memref<!tpu.dma_semaphore, #tpu.memory_space<semaphore_mem>>) src(%arg5 : memref<640x128xf32, #tpu.memory_space<hbm>>) dst(%dma_wait3A_17 : memref<640x128xf32, #tpu.memory_space<vmem_shared>>)
      tpu.yield
    }) : () -> ()
    %barrier3A = arith.constant 0 : index
    tpu.barrier barrier_id(%barrier3A)
    %mul3A_1 = arith.constant 2560 : i32
    %mul3A_2 = arith.muli %arg0, %mul3A_1 : i32
    %mul3A_3 = arith.constant 160 : i32
    %mul3A_4 = arith.muli %arg1, %mul3A_3 : i32
    %add3A = arith.addi %mul3A_2, %mul3A_4 : i32
    %mul3A_5 = arith.constant 160 : i32
    %mul3A_6 = arith.muli %arg1, %mul3A_5 : i32
    %scan3A = arith.constant 0 : i32
    %scan3A_7 = arith.constant 0 : i32
    %scan3A_8 = arith.constant 4 : i32
    %scan3A_9 = arith.addi %scan3A_7, %scan3A_8 : i32
    %scan3A_10 = arith.constant 1 : i32
    scf.for %scan3A_16 = %scan3A_7 to %scan3A_9 step %scan3A_10  : i32 {
      %mul3A_17 = arith.constant 40 : i32
      %mul3A_18 = arith.muli %scan3A_16, %mul3A_17 : i32
      %add3A_19 = arith.addi %add3A, %mul3A_18 : i32
      "tpu.region"() ({
        %run_scoped3A = tpu.sem_alloc : memref<!tpu.dma_semaphore, #tpu.memory_space<semaphore_mem>>
        %dma_start3A_1941 = arith.constant 0 : i32
        %dma_start3A_1942 = tpu.memref_slice %arg3[%add3A_19, %dma_start3A_1941] : memref<5120x64xi32, #tpu.memory_space<hbm>> -> memref<40x64xi32, #tpu.memory_space<hbm>>
        %dma_start3A_1943 = arith.constant 0 : i32
        %dma_start3A_1944 = tpu.memref_slice %arg3[%add3A_19, %dma_start3A_1943] : memref<5120x64xi32, #tpu.memory_space<hbm>> -> memref<40x64xi32, #tpu.memory_space<hbm>>
        tpu.enqueue_dma source(%dma_start3A_1944 : memref<40x64xi32, #tpu.memory_space<hbm>>) target(%arg7 : memref<40x64xi32, #tpu.memory_space<vmem>>) target_semaphore(%run_scoped3A : memref<!tpu.dma_semaphore, #tpu.memory_space<semaphore_mem>>)
        %dma_wait3A_1945 = arith.constant 0 : i32
        %dma_wait3A_1946 = tpu.memref_slice %arg3[%add3A_19, %dma_wait3A_1945] : memref<5120x64xi32, #tpu.memory_space<hbm>> -> memref<40x64xi32, #tpu.memory_space<hbm>>
        %dma_wait3A_1947 = arith.constant 0 : i32
        %dma_wait3A_1948 = tpu.memref_slice %arg3[%add3A_19, %dma_wait3A_1947] : memref<5120x64xi32, #tpu.memory_space<hbm>> -> memref<40x64xi32, #tpu.memory_space<hbm>>
        tpu.wait_dma2 semaphore(%run_scoped3A : memref<!tpu.dma_semaphore, #tpu.memory_space<semaphore_mem>>) src(%dma_wait3A_1948 : memref<40x64xi32, #tpu.memory_space<hbm>>) dst(%arg7 : memref<40x64xi32, #tpu.memory_space<vmem>>)
        tpu.yield
      }) : () -> ()
      %mul3A_20 = arith.constant 40 : i32
      %mul3A_21 = arith.muli %scan3A_16, %mul3A_20 : i32
      %add3A_22 = arith.addi %mul3A_6, %mul3A_21 : i32
      "tpu.region"() ({
        %run_scoped3A = tpu.sem_alloc : memref<!tpu.dma_semaphore, #tpu.memory_space<semaphore_mem>>
        %dma_start3A_1941 = arith.constant 0 : i32
        %dma_start3A_1942 = tpu.memref_slice %arg4[%add3A_22, %dma_start3A_1941] : memref<2560x64xi32, #tpu.memory_space<hbm>> -> memref<40x64xi32, #tpu.memory_space<hbm>>
        %dma_start3A_1943 = arith.constant 0 : i32
        %dma_start3A_1944 = tpu.memref_slice %arg4[%add3A_22, %dma_start3A_1943] : memref<2560x64xi32, #tpu.memory_space<hbm>> -> memref<40x64xi32, #tpu.memory_space<hbm>>
        tpu.enqueue_dma source(%dma_start3A_1944 : memref<40x64xi32, #tpu.memory_space<hbm>>) target(%arg8 : memref<40x64xi32, #tpu.memory_space<vmem>>) target_semaphore(%run_scoped3A : memref<!tpu.dma_semaphore, #tpu.memory_space<semaphore_mem>>)
        %dma_wait3A_1945 = arith.constant 0 : i32
        %dma_wait3A_1946 = tpu.memref_slice %arg4[%add3A_22, %dma_wait3A_1945] : memref<2560x64xi32, #tpu.memory_space<hbm>> -> memref<40x64xi32, #tpu.memory_space<hbm>>
        %dma_wait3A_1947 = arith.constant 0 : i32
        %dma_wait3A_1948 = tpu.memref_slice %arg4[%add3A_22, %dma_wait3A_1947] : memref<2560x64xi32, #tpu.memory_space<hbm>> -> memref<40x64xi32, #tpu.memory_space<hbm>>
        tpu.wait_dma2 semaphore(%run_scoped3A : memref<!tpu.dma_semaphore, #tpu.memory_space<semaphore_mem>>) src(%dma_wait3A_1948 : memref<40x64xi32, #tpu.memory_space<hbm>>) dst(%arg8 : memref<40x64xi32, #tpu.memory_space<vmem>>)
        tpu.yield
      }) : () -> ()
      %dma_start3A = arith.constant 0 : i32
      %dma_start3A_23 = arith.constant 0 : i32
      %dma_start3A_24 = arith.constant 0 : i32
      %dma_start3A_25 = arith.constant 0 : i32
      %dma_start3A_26 = tpu.memref_slice %arg9[%dma_start3A_23, %dma_start3A_24, %dma_start3A_25] : memref<4x64x128xf32, #tpu.memory_space<vmem>> -> memref<1x64x128xf32, #tpu.memory_space<vmem>>
      %dma_start3A_27 = tpu.memref_squeeze %dma_start3A_26 : memref<1x64x128xf32, #tpu.memory_space<vmem>> -> memref<64x128xf32, #tpu.memory_space<vmem>>
      %dma_start3A_28 = arith.constant 0 : i32
      %dma_start3A_29 = tpu.memref_slice %arg7[%dma_start3A, %dma_start3A_28] : memref<40x64xi32, #tpu.memory_space<vmem>> -> memref<1x64xi32, #tpu.memory_space<vmem>>
      %dma_start3A_30 = tpu.memref_squeeze %dma_start3A_29 : memref<1x64xi32, #tpu.memory_space<vmem>> -> memref<64xi32, #tpu.memory_space<vmem>>
      %dma_start3A_31 = arith.constant 0 : i32
      %dma_start3A_32 = arith.constant 0 : i32
      %dma_start3A_33 = tpu.memref_slice %arg2[%dma_start3A_31, %dma_start3A_32] : memref<20000x128xf32, #tpu.memory_space<hbm>> -> memref<20000x128xf32, #tpu.memory_space<hbm>>
      tpu.enqueue_indirect_dma source(%dma_start3A_33 : memref<20000x128xf32, #tpu.memory_space<hbm>>) target(%dma_start3A_27 : memref<64x128xf32, #tpu.memory_space<vmem>>) offsets(%dma_start3A_30 : memref<64xi32, #tpu.memory_space<vmem>>) semaphore(%arg11 : memref<!tpu.dma_semaphore, #tpu.memory_space<semaphore_mem>>)
      %dma_start3A_34 = arith.constant 1 : i32
      %dma_start3A_35 = arith.constant 1 : i32
      %dma_start3A_36 = arith.constant 0 : i32
      %dma_start3A_37 = arith.constant 0 : i32
      %dma_start3A_38 = tpu.memref_slice %arg9[%dma_start3A_35, %dma_start3A_36, %dma_start3A_37] : memref<4x64x128xf32, #tpu.memory_space<vmem>> -> memref<1x64x128xf32, #tpu.memory_space<vmem>>
      %dma_start3A_39 = tpu.memref_squeeze %dma_start3A_38 : memref<1x64x128xf32, #tpu.memory_space<vmem>> -> memref<64x128xf32, #tpu.memory_space<vmem>>
      %dma_start3A_40 = arith.constant 0 : i32
      %dma_start3A_41 = tpu.memref_slice %arg7[%dma_start3A_34, %dma_start3A_40] : memref<40x64xi32, #tpu.memory_space<vmem>> -> memref<1x64xi32, #tpu.memory_space<vmem>>
      %dma_start3A_42 = tpu.memref_squeeze %dma_start3A_41 : memref<1x64xi32, #tpu.memory_space<vmem>> -> memref<64xi32, #tpu.memory_space<vmem>>
      %dma_start3A_43 = arith.constant 0 : i32
      %dma_start3A_44 = arith.constant 0 : i32
      %dma_start3A_45 = tpu.memref_slice %arg2[%dma_start3A_43, %dma_start3A_44] : memref<20000x128xf32, #tpu.memory_space<hbm>> -> memref<20000x128xf32, #tpu.memory_space<hbm>>
      tpu.enqueue_indirect_dma source(%dma_start3A_45 : memref<20000x128xf32, #tpu.memory_space<hbm>>) target(%dma_start3A_39 : memref<64x128xf32, #tpu.memory_space<vmem>>) offsets(%dma_start3A_42 : memref<64xi32, #tpu.memory_space<vmem>>) semaphore(%arg12 : memref<!tpu.dma_semaphore, #tpu.memory_space<semaphore_mem>>)
      %dma_start3A_46 = arith.constant 2 : i32
      %dma_start3A_47 = arith.constant 2 : i32
      %dma_start3A_48 = arith.constant 0 : i32
      %dma_start3A_49 = arith.constant 0 : i32
      %dma_start3A_50 = tpu.memref_slice %arg9[%dma_start3A_47, %dma_start3A_48, %dma_start3A_49] : memref<4x64x128xf32, #tpu.memory_space<vmem>> -> memref<1x64x128xf32, #tpu.memory_space<vmem>>
      %dma_start3A_51 = tpu.memref_squeeze %dma_start3A_50 : memref<1x64x128xf32, #tpu.memory_space<vmem>> -> memref<64x128xf32, #tpu.memory_space<vmem>>
      %dma_start3A_52 = arith.constant 0 : i32
      %dma_start3A_53 = tpu.memref_slice %arg7[%dma_start3A_46, %dma_start3A_52] : memref<40x64xi32, #tpu.memory_space<vmem>> -> memref<1x64xi32, #tpu.memory_space<vmem>>
      %dma_start3A_54 = tpu.memref_squeeze %dma_start3A_53 : memref<1x64xi32, #tpu.memory_space<vmem>> -> memref<64xi32, #tpu.memory_space<vmem>>
      %dma_start3A_55 = arith.constant 0 : i32
      %dma_start3A_56 = arith.constant 0 : i32
      %dma_start3A_57 = tpu.memref_slice %arg2[%dma_start3A_55, %dma_start3A_56] : memref<20000x128xf32, #tpu.memory_space<hbm>> -> memref<20000x128xf32, #tpu.memory_space<hbm>>
      tpu.enqueue_indirect_dma source(%dma_start3A_57 : memref<20000x128xf32, #tpu.memory_space<hbm>>) target(%dma_start3A_51 : memref<64x128xf32, #tpu.memory_space<vmem>>) offsets(%dma_start3A_54 : memref<64xi32, #tpu.memory_space<vmem>>) semaphore(%arg13 : memref<!tpu.dma_semaphore, #tpu.memory_space<semaphore_mem>>)
      %dma_start3A_58 = arith.constant 3 : i32
      %dma_start3A_59 = arith.constant 3 : i32
      %dma_start3A_60 = arith.constant 0 : i32
      %dma_start3A_61 = arith.constant 0 : i32
      %dma_start3A_62 = tpu.memref_slice %arg9[%dma_start3A_59, %dma_start3A_60, %dma_start3A_61] : memref<4x64x128xf32, #tpu.memory_space<vmem>> -> memref<1x64x128xf32, #tpu.memory_space<vmem>>
      %dma_start3A_63 = tpu.memref_squeeze %dma_start3A_62 : memref<1x64x128xf32, #tpu.memory_space<vmem>> -> memref<64x128xf32, #tpu.memory_space<vmem>>
      %dma_start3A_64 = arith.constant 0 : i32
      %dma_start3A_65 = tpu.memref_slice %arg7[%dma_start3A_58, %dma_start3A_64] : memref<40x64xi32, #tpu.memory_space<vmem>> -> memref<1x64xi32, #tpu.memory_space<vmem>>
      %dma_start3A_66 = tpu.memref_squeeze %dma_start3A_65 : memref<1x64xi32, #tpu.memory_space<vmem>> -> memref<64xi32, #tpu.memory_space<vmem>>
      %dma_start3A_67 = arith.constant 0 : i32
      %dma_start3A_68 = arith.constant 0 : i32
      %dma_start3A_69 = tpu.memref_slice %arg2[%dma_start3A_67, %dma_start3A_68] : memref<20000x128xf32, #tpu.memory_space<hbm>> -> memref<20000x128xf32, #tpu.memory_space<hbm>>
      tpu.enqueue_indirect_dma source(%dma_start3A_69 : memref<20000x128xf32, #tpu.memory_space<hbm>>) target(%dma_start3A_63 : memref<64x128xf32, #tpu.memory_space<vmem>>) offsets(%dma_start3A_66 : memref<64xi32, #tpu.memory_space<vmem>>) semaphore(%arg14 : memref<!tpu.dma_semaphore, #tpu.memory_space<semaphore_mem>>)
      %dma_wait3A = arith.constant 0 : i32
      %dma_wait3A_70 = arith.constant 0 : i32
      %dma_wait3A_71 = arith.constant 0 : i32
      %dma_wait3A_72 = arith.constant 0 : i32
      %dma_wait3A_73 = tpu.memref_slice %arg9[%dma_wait3A_70, %dma_wait3A_71, %dma_wait3A_72] : memref<4x64x128xf32, #tpu.memory_space<vmem>> -> memref<1x64x128xf32, #tpu.memory_space<vmem>>
      %dma_wait3A_74 = tpu.memref_squeeze %dma_wait3A_73 : memref<1x64x128xf32, #tpu.memory_space<vmem>> -> memref<64x128xf32, #tpu.memory_space<vmem>>
      %dma_wait3A_75 = arith.constant 0 : i32
      %dma_wait3A_76 = tpu.memref_slice %arg7[%dma_wait3A, %dma_wait3A_75] : memref<40x64xi32, #tpu.memory_space<vmem>> -> memref<1x64xi32, #tpu.memory_space<vmem>>
      %dma_wait3A_77 = tpu.memref_squeeze %dma_wait3A_76 : memref<1x64xi32, #tpu.memory_space<vmem>> -> memref<64xi32, #tpu.memory_space<vmem>>
      %dma_wait3A_78 = arith.constant 0 : i32
      %dma_wait3A_79 = arith.constant 0 : i32
      %dma_wait3A_80 = tpu.memref_slice %arg2[%dma_wait3A_78, %dma_wait3A_79] : memref<20000x128xf32, #tpu.memory_space<hbm>> -> memref<20000x128xf32, #tpu.memory_space<hbm>>
      tpu.wait_indirect_dma semaphore(%arg11 : memref<!tpu.dma_semaphore, #tpu.memory_space<semaphore_mem>>) src(%dma_wait3A_80 : memref<20000x128xf32, #tpu.memory_space<hbm>>) dst(%dma_wait3A_74 : memref<64x128xf32, #tpu.memory_space<vmem>>)
      %dma_start3A_81 = arith.constant 0 : i32
      %dma_start3A_82 = arith.constant 0 : i32
      %dma_start3A_83 = arith.constant 0 : i32
      %dma_start3A_84 = arith.constant 0 : i32
      %dma_start3A_85 = tpu.memref_slice %arg9[%dma_start3A_81, %dma_start3A_83, %dma_start3A_84] : memref<4x64x128xf32, #tpu.memory_space<vmem>> -> memref<1x64x128xf32, #tpu.memory_space<vmem>>
      %dma_start3A_86 = tpu.memref_squeeze %dma_start3A_85 : memref<1x64x128xf32, #tpu.memory_space<vmem>> -> memref<64x128xf32, #tpu.memory_space<vmem>>
      %dma_start3A_87 = arith.constant 0 : i32
      %dma_start3A_88 = tpu.memref_slice %arg8[%dma_start3A_82, %dma_start3A_87] : memref<40x64xi32, #tpu.memory_space<vmem>> -> memref<1x64xi32, #tpu.memory_space<vmem>>
      %dma_start3A_89 = tpu.memref_squeeze %dma_start3A_88 : memref<1x64xi32, #tpu.memory_space<vmem>> -> memref<64xi32, #tpu.memory_space<vmem>>
      %dma_start3A_90 = arith.constant 0 : i32
      %dma_start3A_91 = arith.constant 0 : i32
      %dma_start3A_92 = tpu.memref_slice %arg10[%dma_start3A_90, %dma_start3A_91] : memref<10240x128xf32, #tpu.memory_space<vmem_shared>> -> memref<10240x128xf32, #tpu.memory_space<vmem_shared>>
      tpu.enqueue_indirect_dma source(%dma_start3A_86 : memref<64x128xf32, #tpu.memory_space<vmem>>) target(%dma_start3A_92 : memref<10240x128xf32, #tpu.memory_space<vmem_shared>>) offsets(%dma_start3A_89 : memref<64xi32, #tpu.memory_space<vmem>>) semaphore(%arg15 : memref<!tpu.dma_semaphore, #tpu.memory_space<semaphore_mem>>) {add = true}
      %dma_wait3A_93 = arith.constant 0 : i32
      %dma_wait3A_94 = arith.constant 0 : i32
      %dma_wait3A_95 = arith.constant 0 : i32
      %dma_wait3A_96 = arith.constant 0 : i32
      %dma_wait3A_97 = tpu.memref_slice %arg9[%dma_wait3A_93, %dma_wait3A_95, %dma_wait3A_96] : memref<4x64x128xf32, #tpu.memory_space<vmem>> -> memref<1x64x128xf32, #tpu.memory_space<vmem>>
      %dma_wait3A_98 = tpu.memref_squeeze %dma_wait3A_97 : memref<1x64x128xf32, #tpu.memory_space<vmem>> -> memref<64x128xf32, #tpu.memory_space<vmem>>
      %dma_wait3A_99 = arith.constant 0 : i32
      %dma_wait3A_100 = tpu.memref_slice %arg8[%dma_wait3A_94, %dma_wait3A_99] : memref<40x64xi32, #tpu.memory_space<vmem>> -> memref<1x64xi32, #tpu.memory_space<vmem>>
      %dma_wait3A_101 = tpu.memref_squeeze %dma_wait3A_100 : memref<1x64xi32, #tpu.memory_space<vmem>> -> memref<64xi32, #tpu.memory_space<vmem>>
      %dma_wait3A_102 = arith.constant 0 : i32
      %dma_wait3A_103 = arith.constant 0 : i32
      %dma_wait3A_104 = tpu.memref_slice %arg10[%dma_wait3A_102, %dma_wait3A_103] : memref<10240x128xf32, #tpu.memory_space<vmem_shared>> -> memref<10240x128xf32, #tpu.memory_space<vmem_shared>>
      tpu.wait_indirect_dma semaphore(%arg15 : memref<!tpu.dma_semaphore, #tpu.memory_space<semaphore_mem>>) src(%dma_wait3A_98 : memref<64x128xf32, #tpu.memory_space<vmem>>) dst(%dma_wait3A_104 : memref<10240x128xf32, #tpu.memory_space<vmem_shared>>)
      %dma_start3A_105 = arith.constant 4 : i32
      %dma_start3A_106 = arith.constant 0 : i32
      %dma_start3A_107 = arith.constant 0 : i32
      %dma_start3A_108 = arith.constant 0 : i32
      %dma_start3A_109 = tpu.memref_slice %arg9[%dma_start3A_106, %dma_start3A_107, %dma_start3A_108] : memref<4x64x128xf32, #tpu.memory_space<vmem>> -> memref<1x64x128xf32, #tpu.memory_space<vmem>>
      %dma_start3A_110 = tpu.memref_squeeze %dma_start3A_109 : memref<1x64x128xf32, #tpu.memory_space<vmem>> -> memref<64x128xf32, #tpu.memory_space<vmem>>
      %dma_start3A_111 = arith.constant 0 : i32
      %dma_start3A_112 = tpu.memref_slice %arg7[%dma_start3A_105, %dma_start3A_111] : memref<40x64xi32, #tpu.memory_space<vmem>> -> memref<1x64xi32, #tpu.memory_space<vmem>>
      %dma_start3A_113 = tpu.memref_squeeze %dma_start3A_112 : memref<1x64xi32, #tpu.memory_space<vmem>> -> memref<64xi32, #tpu.memory_space<vmem>>
      %dma_start3A_114 = arith.constant 0 : i32
      %dma_start3A_115 = arith.constant 0 : i32
      %dma_start3A_116 = tpu.memref_slice %arg2[%dma_start3A_114, %dma_start3A_115] : memref<20000x128xf32, #tpu.memory_space<hbm>> -> memref<20000x128xf32, #tpu.memory_space<hbm>>
      tpu.enqueue_indirect_dma source(%dma_start3A_116 : memref<20000x128xf32, #tpu.memory_space<hbm>>) target(%dma_start3A_110 : memref<64x128xf32, #tpu.memory_space<vmem>>) offsets(%dma_start3A_113 : memref<64xi32, #tpu.memory_space<vmem>>) semaphore(%arg11 : memref<!tpu.dma_semaphore, #tpu.memory_space<semaphore_mem>>)
      %dma_wait3A_117 = arith.constant 1 : i32
      %dma_wait3A_118 = arith.constant 1 : i32
      %dma_wait3A_119 = arith.constant 0 : i32
      %dma_wait3A_120 = arith.constant 0 : i32
      %dma_wait3A_121 = tpu.memref_slice %arg9[%dma_wait3A_118, %dma_wait3A_119, %dma_wait3A_120] : memref<4x64x128xf32, #tpu.memory_space<vmem>> -> memref<1x64x128xf32, #tpu.memory_space<vmem>>
      %dma_wait3A_122 = tpu.memref_squeeze %dma_wait3A_121 : memref<1x64x128xf32, #tpu.memory_space<vmem>> -> memref<64x128xf32, #tpu.memory_space<vmem>>
      %dma_wait3A_123 = arith.constant 0 : i32
      %dma_wait3A_124 = tpu.memref_slice %arg7[%dma_wait3A_117, %dma_wait3A_123] : memref<40x64xi32, #tpu.memory_space<vmem>> -> memref<1x64xi32, #tpu.memory_space<vmem>>
      %dma_wait3A_125 = tpu.memref_squeeze %dma_wait3A_124 : memref<1x64xi32, #tpu.memory_space<vmem>> -> memref<64xi32, #tpu.memory_space<vmem>>
      %dma_wait3A_126 = arith.constant 0 : i32
      %dma_wait3A_127 = arith.constant 0 : i32
      %dma_wait3A_128 = tpu.memref_slice %arg2[%dma_wait3A_126, %dma_wait3A_127] : memref<20000x128xf32, #tpu.memory_space<hbm>> -> memref<20000x128xf32, #tpu.memory_space<hbm>>
      tpu.wait_indirect_dma semaphore(%arg12 : memref<!tpu.dma_semaphore, #tpu.memory_space<semaphore_mem>>) src(%dma_wait3A_128 : memref<20000x128xf32, #tpu.memory_space<hbm>>) dst(%dma_wait3A_122 : memref<64x128xf32, #tpu.memory_space<vmem>>)
      %dma_start3A_129 = arith.constant 1 : i32
      %dma_start3A_130 = arith.constant 1 : i32
      %dma_start3A_131 = arith.constant 0 : i32
      %dma_start3A_132 = arith.constant 0 : i32
      %dma_start3A_133 = tpu.memref_slice %arg9[%dma_start3A_129, %dma_start3A_131, %dma_start3A_132] : memref<4x64x128xf32, #tpu.memory_space<vmem>> -> memref<1x64x128xf32, #tpu.memory_space<vmem>>
      %dma_start3A_134 = tpu.memref_squeeze %dma_start3A_133 : memref<1x64x128xf32, #tpu.memory_space<vmem>> -> memref<64x128xf32, #tpu.memory_space<vmem>>
      %dma_start3A_135 = arith.constant 0 : i32
      %dma_start3A_136 = tpu.memref_slice %arg8[%dma_start3A_130, %dma_start3A_135] : memref<40x64xi32, #tpu.memory_space<vmem>> -> memref<1x64xi32, #tpu.memory_space<vmem>>
      %dma_start3A_137 = tpu.memref_squeeze %dma_start3A_136 : memref<1x64xi32, #tpu.memory_space<vmem>> -> memref<64xi32, #tpu.memory_space<vmem>>
      %dma_start3A_138 = arith.constant 0 : i32
      %dma_start3A_139 = arith.constant 0 : i32
      %dma_start3A_140 = tpu.memref_slice %arg10[%dma_start3A_138, %dma_start3A_139] : memref<10240x128xf32, #tpu.memory_space<vmem_shared>> -> memref<10240x128xf32, #tpu.memory_space<vmem_shared>>
      tpu.enqueue_indirect_dma source(%dma_start3A_134 : memref<64x128xf32, #tpu.memory_space<vmem>>) target(%dma_start3A_140 : memref<10240x128xf32, #tpu.memory_space<vmem_shared>>) offsets(%dma_start3A_137 : memref<64xi32, #tpu.memory_space<vmem>>) semaphore(%arg16 : memref<!tpu.dma_semaphore, #tpu.memory_space<semaphore_mem>>) {add = true}
      %dma_wait3A_141 = arith.constant 1 : i32
      %dma_wait3A_142 = arith.constant 1 : i32
      %dma_wait3A_143 = arith.constant 0 : i32
      %dma_wait3A_144 = arith.constant 0 : i32
      %dma_wait3A_145 = tpu.memref_slice %arg9[%dma_wait3A_141, %dma_wait3A_143, %dma_wait3A_144] : memref<4x64x128xf32, #tpu.memory_space<vmem>> -> memref<1x64x128xf32, #tpu.memory_space<vmem>>
      %dma_wait3A_146 = tpu.memref_squeeze %dma_wait3A_145 : memref<1x64x128xf32, #tpu.memory_space<vmem>> -> memref<64x128xf32, #tpu.memory_space<vmem>>
      %dma_wait3A_147 = arith.constant 0 : i32
      %dma_wait3A_148 = tpu.memref_slice %arg8[%dma_wait3A_142, %dma_wait3A_147] : memref<40x64xi32, #tpu.memory_space<vmem>> -> memref<1x64xi32, #tpu.memory_space<vmem>>
      %dma_wait3A_149 = tpu.memref_squeeze %dma_wait3A_148 : memref<1x64xi32, #tpu.memory_space<vmem>> -> memref<64xi32, #tpu.memory_space<vmem>>
      %dma_wait3A_150 = arith.constant 0 : i32
      %dma_wait3A_151 = arith.constant 0 : i32
      %dma_wait3A_152 = tpu.memref_slice %arg10[%dma_wait3A_150, %dma_wait3A_151] : memref<10240x128xf32, #tpu.memory_space<vmem_shared>> -> memref<10240x128xf32, #tpu.memory_space<vmem_shared>>
      tpu.wait_indirect_dma semaphore(%arg16 : memref<!tpu.dma_semaphore, #tpu.memory_space<semaphore_mem>>) src(%dma_wait3A_146 : memref<64x128xf32, #tpu.memory_space<vmem>>) dst(%dma_wait3A_152 : memref<10240x128xf32, #tpu.memory_space<vmem_shared>>)
      %dma_start3A_153 = arith.constant 5 : i32
      %dma_start3A_154 = arith.constant 1 : i32
      %dma_start3A_155 = arith.constant 0 : i32
      %dma_start3A_156 = arith.constant 0 : i32
      %dma_start3A_157 = tpu.memref_slice %arg9[%dma_start3A_154, %dma_start3A_155, %dma_start3A_156] : memref<4x64x128xf32, #tpu.memory_space<vmem>> -> memref<1x64x128xf32, #tpu.memory_space<vmem>>
      %dma_start3A_158 = tpu.memref_squeeze %dma_start3A_157 : memref<1x64x128xf32, #tpu.memory_space<vmem>> -> memref<64x128xf32, #tpu.memory_space<vmem>>
      %dma_start3A_159 = arith.constant 0 : i32
      %dma_start3A_160 = tpu.memref_slice %arg7[%dma_start3A_153, %dma_start3A_159] : memref<40x64xi32, #tpu.memory_space<vmem>> -> memref<1x64xi32, #tpu.memory_space<vmem>>
      %dma_start3A_161 = tpu.memref_squeeze %dma_start3A_160 : memref<1x64xi32, #tpu.memory_space<vmem>> -> memref<64xi32, #tpu.memory_space<vmem>>
      %dma_start3A_162 = arith.constant 0 : i32
      %dma_start3A_163 = arith.constant 0 : i32
      %dma_start3A_164 = tpu.memref_slice %arg2[%dma_start3A_162, %dma_start3A_163] : memref<20000x128xf32, #tpu.memory_space<hbm>> -> memref<20000x128xf32, #tpu.memory_space<hbm>>
      tpu.enqueue_indirect_dma source(%dma_start3A_164 : memref<20000x128xf32, #tpu.memory_space<hbm>>) target(%dma_start3A_158 : memref<64x128xf32, #tpu.memory_space<vmem>>) offsets(%dma_start3A_161 : memref<64xi32, #tpu.memory_space<vmem>>) semaphore(%arg12 : memref<!tpu.dma_semaphore, #tpu.memory_space<semaphore_mem>>)
      %dma_wait3A_165 = arith.constant 2 : i32
      %dma_wait3A_166 = arith.constant 2 : i32
      %dma_wait3A_167 = arith.constant 0 : i32
      %dma_wait3A_168 = arith.constant 0 : i32
      %dma_wait3A_169 = tpu.memref_slice %arg9[%dma_wait3A_166, %dma_wait3A_167, %dma_wait3A_168] : memref<4x64x128xf32, #tpu.memory_space<vmem>> -> memref<1x64x128xf32, #tpu.memory_space<vmem>>
      %dma_wait3A_170 = tpu.memref_squeeze %dma_wait3A_169 : memref<1x64x128xf32, #tpu.memory_space<vmem>> -> memref<64x128xf32, #tpu.memory_space<vmem>>
      %dma_wait3A_171 = arith.constant 0 : i32
      %dma_wait3A_172 = tpu.memref_slice %arg7[%dma_wait3A_165, %dma_wait3A_171] : memref<40x64xi32, #tpu.memory_space<vmem>> -> memref<1x64xi32, #tpu.memory_space<vmem>>
      %dma_wait3A_173 = tpu.memref_squeeze %dma_wait3A_172 : memref<1x64xi32, #tpu.memory_space<vmem>> -> memref<64xi32, #tpu.memory_space<vmem>>
      %dma_wait3A_174 = arith.constant 0 : i32
      %dma_wait3A_175 = arith.constant 0 : i32
      %dma_wait3A_176 = tpu.memref_slice %arg2[%dma_wait3A_174, %dma_wait3A_175] : memref<20000x128xf32, #tpu.memory_space<hbm>> -> memref<20000x128xf32, #tpu.memory_space<hbm>>
      tpu.wait_indirect_dma semaphore(%arg13 : memref<!tpu.dma_semaphore, #tpu.memory_space<semaphore_mem>>) src(%dma_wait3A_176 : memref<20000x128xf32, #tpu.memory_space<hbm>>) dst(%dma_wait3A_170 : memref<64x128xf32, #tpu.memory_space<vmem>>)
      %dma_start3A_177 = arith.constant 2 : i32
      %dma_start3A_178 = arith.constant 2 : i32
      %dma_start3A_179 = arith.constant 0 : i32
      %dma_start3A_180 = arith.constant 0 : i32
      %dma_start3A_181 = tpu.memref_slice %arg9[%dma_start3A_177, %dma_start3A_179, %dma_start3A_180] : memref<4x64x128xf32, #tpu.memory_space<vmem>> -> memref<1x64x128xf32, #tpu.memory_space<vmem>>
      %dma_start3A_182 = tpu.memref_squeeze %dma_start3A_181 : memref<1x64x128xf32, #tpu.memory_space<vmem>> -> memref<64x128xf32, #tpu.memory_space<vmem>>
      %dma_start3A_183 = arith.constant 0 : i32
      %dma_start3A_184 = tpu.memref_slice %arg8[%dma_start3A_178, %dma_start3A_183] : memref<40x64xi32, #tpu.memory_space<vmem>> -> memref<1x64xi32, #tpu.memory_space<vmem>>
      %dma_start3A_185 = tpu.memref_squeeze %dma_start3A_184 : memref<1x64xi32, #tpu.memory_space<vmem>> -> memref<64xi32, #tpu.memory_space<vmem>>
      %dma_start3A_186 = arith.constant 0 : i32
      %dma_start3A_187 = arith.constant 0 : i32
      %dma_start3A_188 = tpu.memref_slice %arg10[%dma_start3A_186, %dma_start3A_187] : memref<10240x128xf32, #tpu.memory_space<vmem_shared>> -> memref<10240x128xf32, #tpu.memory_space<vmem_shared>>
      tpu.enqueue_indirect_dma source(%dma_start3A_182 : memref<64x128xf32, #tpu.memory_space<vmem>>) target(%dma_start3A_188 : memref<10240x128xf32, #tpu.memory_space<vmem_shared>>) offsets(%dma_start3A_185 : memref<64xi32, #tpu.memory_space<vmem>>) semaphore(%arg17 : memref<!tpu.dma_semaphore, #tpu.memory_space<semaphore_mem>>) {add = true}
      %dma_wait3A_189 = arith.constant 2 : i32
      %dma_wait3A_190 = arith.constant 2 : i32
      %dma_wait3A_191 = arith.constant 0 : i32
      %dma_wait3A_192 = arith.constant 0 : i32
      %dma_wait3A_193 = tpu.memref_slice %arg9[%dma_wait3A_189, %dma_wait3A_191, %dma_wait3A_192] : memref<4x64x128xf32, #tpu.memory_space<vmem>> -> memref<1x64x128xf32, #tpu.memory_space<vmem>>
      %dma_wait3A_194 = tpu.memref_squeeze %dma_wait3A_193 : memref<1x64x128xf32, #tpu.memory_space<vmem>> -> memref<64x128xf32, #tpu.memory_space<vmem>>
      %dma_wait3A_195 = arith.constant 0 : i32
      %dma_wait3A_196 = tpu.memref_slice %arg8[%dma_wait3A_190, %dma_wait3A_195] : memref<40x64xi32, #tpu.memory_space<vmem>> -> memref<1x64xi32, #tpu.memory_space<vmem>>
      %dma_wait3A_197 = tpu.memref_squeeze %dma_wait3A_196 : memref<1x64xi32, #tpu.memory_space<vmem>> -> memref<64xi32, #tpu.memory_space<vmem>>
      %dma_wait3A_198 = arith.constant 0 : i32
      %dma_wait3A_199 = arith.constant 0 : i32
      %dma_wait3A_200 = tpu.memref_slice %arg10[%dma_wait3A_198, %dma_wait3A_199] : memref<10240x128xf32, #tpu.memory_space<vmem_shared>> -> memref<10240x128xf32, #tpu.memory_space<vmem_shared>>
      tpu.wait_indirect_dma semaphore(%arg17 : memref<!tpu.dma_semaphore, #tpu.memory_space<semaphore_mem>>) src(%dma_wait3A_194 : memref<64x128xf32, #tpu.memory_space<vmem>>) dst(%dma_wait3A_200 : memref<10240x128xf32, #tpu.memory_space<vmem_shared>>)
      %dma_start3A_201 = arith.constant 6 : i32
      %dma_start3A_202 = arith.constant 2 : i32
      %dma_start3A_203 = arith.constant 0 : i32
      %dma_start3A_204 = arith.constant 0 : i32
      %dma_start3A_205 = tpu.memref_slice %arg9[%dma_start3A_202, %dma_start3A_203, %dma_start3A_204] : memref<4x64x128xf32, #tpu.memory_space<vmem>> -> memref<1x64x128xf32, #tpu.memory_space<vmem>>
      %dma_start3A_206 = tpu.memref_squeeze %dma_start3A_205 : memref<1x64x128xf32, #tpu.memory_space<vmem>> -> memref<64x128xf32, #tpu.memory_space<vmem>>
      %dma_start3A_207 = arith.constant 0 : i32
      %dma_start3A_208 = tpu.memref_slice %arg7[%dma_start3A_201, %dma_start3A_207] : memref<40x64xi32, #tpu.memory_space<vmem>> -> memref<1x64xi32, #tpu.memory_space<vmem>>
      %dma_start3A_209 = tpu.memref_squeeze %dma_start3A_208 : memref<1x64xi32, #tpu.memory_space<vmem>> -> memref<64xi32, #tpu.memory_space<vmem>>
      %dma_start3A_210 = arith.constant 0 : i32
      %dma_start3A_211 = arith.constant 0 : i32
      %dma_start3A_212 = tpu.memref_slice %arg2[%dma_start3A_210, %dma_start3A_211] : memref<20000x128xf32, #tpu.memory_space<hbm>> -> memref<20000x128xf32, #tpu.memory_space<hbm>>
      tpu.enqueue_indirect_dma source(%dma_start3A_212 : memref<20000x128xf32, #tpu.memory_space<hbm>>) target(%dma_start3A_206 : memref<64x128xf32, #tpu.memory_space<vmem>>) offsets(%dma_start3A_209 : memref<64xi32, #tpu.memory_space<vmem>>) semaphore(%arg13 : memref<!tpu.dma_semaphore, #tpu.memory_space<semaphore_mem>>)
      %dma_wait3A_213 = arith.constant 3 : i32
      %dma_wait3A_214 = arith.constant 3 : i32
      %dma_wait3A_215 = arith.constant 0 : i32
      %dma_wait3A_216 = arith.constant 0 : i32
      %dma_wait3A_217 = tpu.memref_slice %arg9[%dma_wait3A_214, %dma_wait3A_215, %dma_wait3A_216] : memref<4x64x128xf32, #tpu.memory_space<vmem>> -> memref<1x64x128xf32, #tpu.memory_space<vmem>>
      %dma_wait3A_218 = tpu.memref_squeeze %dma_wait3A_217 : memref<1x64x128xf32, #tpu.memory_space<vmem>> -> memref<64x128xf32, #tpu.memory_space<vmem>>
      %dma_wait3A_219 = arith.constant 0 : i32
      %dma_wait3A_220 = tpu.memref_slice %arg7[%dma_wait3A_213, %dma_wait3A_219] : memref<40x64xi32, #tpu.memory_space<vmem>> -> memref<1x64xi32, #tpu.memory_space<vmem>>
      %dma_wait3A_221 = tpu.memref_squeeze %dma_wait3A_220 : memref<1x64xi32, #tpu.memory_space<vmem>> -> memref<64xi32, #tpu.memory_space<vmem>>
      %dma_wait3A_222 = arith.constant 0 : i32
      %dma_wait3A_223 = arith.constant 0 : i32
      %dma_wait3A_224 = tpu.memref_slice %arg2[%dma_wait3A_222, %dma_wait3A_223] : memref<20000x128xf32, #tpu.memory_space<hbm>> -> memref<20000x128xf32, #tpu.memory_space<hbm>>
      tpu.wait_indirect_dma semaphore(%arg14 : memref<!tpu.dma_semaphore, #tpu.memory_space<semaphore_mem>>) src(%dma_wait3A_224 : memref<20000x128xf32, #tpu.memory_space<hbm>>) dst(%dma_wait3A_218 : memref<64x128xf32, #tpu.memory_space<vmem>>)
      %dma_start3A_225 = arith.constant 3 : i32
      %dma_start3A_226 = arith.constant 3 : i32
      %dma_start3A_227 = arith.constant 0 : i32
      %dma_start3A_228 = arith.constant 0 : i32
      %dma_start3A_229 = tpu.memref_slice %arg9[%dma_start3A_225, %dma_start3A_227, %dma_start3A_228] : memref<4x64x128xf32, #tpu.memory_space<vmem>> -> memref<1x64x128xf32, #tpu.memory_space<vmem>>
      %dma_start3A_230 = tpu.memref_squeeze %dma_start3A_229 : memref<1x64x128xf32, #tpu.memory_space<vmem>> -> memref<64x128xf32, #tpu.memory_space<vmem>>
      %dma_start3A_231 = arith.constant 0 : i32
      %dma_start3A_232 = tpu.memref_slice %arg8[%dma_start3A_226, %dma_start3A_231] : memref<40x64xi32, #tpu.memory_space<vmem>> -> memref<1x64xi32, #tpu.memory_space<vmem>>
      %dma_start3A_233 = tpu.memref_squeeze %dma_start3A_232 : memref<1x64xi32, #tpu.memory_space<vmem>> -> memref<64xi32, #tpu.memory_space<vmem>>
      %dma_start3A_234 = arith.constant 0 : i32
      %dma_start3A_235 = arith.constant 0 : i32
      %dma_start3A_236 = tpu.memref_slice %arg10[%dma_start3A_234, %dma_start3A_235] : memref<10240x128xf32, #tpu.memory_space<vmem_shared>> -> memref<10240x128xf32, #tpu.memory_space<vmem_shared>>
      tpu.enqueue_indirect_dma source(%dma_start3A_230 : memref<64x128xf32, #tpu.memory_space<vmem>>) target(%dma_start3A_236 : memref<10240x128xf32, #tpu.memory_space<vmem_shared>>) offsets(%dma_start3A_233 : memref<64xi32, #tpu.memory_space<vmem>>) semaphore(%arg18 : memref<!tpu.dma_semaphore, #tpu.memory_space<semaphore_mem>>) {add = true}
      %dma_wait3A_237 = arith.constant 3 : i32
      %dma_wait3A_238 = arith.constant 3 : i32
      %dma_wait3A_239 = arith.constant 0 : i32
      %dma_wait3A_240 = arith.constant 0 : i32
      %dma_wait3A_241 = tpu.memref_slice %arg9[%dma_wait3A_237, %dma_wait3A_239, %dma_wait3A_240] : memref<4x64x128xf32, #tpu.memory_space<vmem>> -> memref<1x64x128xf32, #tpu.memory_space<vmem>>
      %dma_wait3A_242 = tpu.memref_squeeze %dma_wait3A_241 : memref<1x64x128xf32, #tpu.memory_space<vmem>> -> memref<64x128xf32, #tpu.memory_space<vmem>>
      %dma_wait3A_243 = arith.constant 0 : i32
      %dma_wait3A_244 = tpu.memref_slice %arg8[%dma_wait3A_238, %dma_wait3A_243] : memref<40x64xi32, #tpu.memory_space<vmem>> -> memref<1x64xi32, #tpu.memory_space<vmem>>
      %dma_wait3A_245 = tpu.memref_squeeze %dma_wait3A_244 : memref<1x64xi32, #tpu.memory_space<vmem>> -> memref<64xi32, #tpu.memory_space<vmem>>
      %dma_wait3A_246 = arith.constant 0 : i32
      %dma_wait3A_247 = arith.constant 0 : i32
      %dma_wait3A_248 = tpu.memref_slice %arg10[%dma_wait3A_246, %dma_wait3A_247] : memref<10240x128xf32, #tpu.memory_space<vmem_shared>> -> memref<10240x128xf32, #tpu.memory_space<vmem_shared>>
      tpu.wait_indirect_dma semaphore(%arg18 : memref<!tpu.dma_semaphore, #tpu.memory_space<semaphore_mem>>) src(%dma_wait3A_242 : memref<64x128xf32, #tpu.memory_space<vmem>>) dst(%dma_wait3A_248 : memref<10240x128xf32, #tpu.memory_space<vmem_shared>>)
      %dma_start3A_249 = arith.constant 7 : i32
      %dma_start3A_250 = arith.constant 3 : i32
      %dma_start3A_251 = arith.constant 0 : i32
      %dma_start3A_252 = arith.constant 0 : i32
      %dma_start3A_253 = tpu.memref_slice %arg9[%dma_start3A_250, %dma_start3A_251, %dma_start3A_252] : memref<4x64x128xf32, #tpu.memory_space<vmem>> -> memref<1x64x128xf32, #tpu.memory_space<vmem>>
      %dma_start3A_254 = tpu.memref_squeeze %dma_start3A_253 : memref<1x64x128xf32, #tpu.memory_space<vmem>> -> memref<64x128xf32, #tpu.memory_space<vmem>>
      %dma_start3A_255 = arith.constant 0 : i32
      %dma_start3A_256 = tpu.memref_slice %arg7[%dma_start3A_249, %dma_start3A_255] : memref<40x64xi32, #tpu.memory_space<vmem>> -> memref<1x64xi32, #tpu.memory_space<vmem>>
      %dma_start3A_257 = tpu.memref_squeeze %dma_start3A_256 : memref<1x64xi32, #tpu.memory_space<vmem>> -> memref<64xi32, #tpu.memory_space<vmem>>
      %dma_start3A_258 = arith.constant 0 : i32
      %dma_start3A_259 = arith.constant 0 : i32
      %dma_start3A_260 = tpu.memref_slice %arg2[%dma_start3A_258, %dma_start3A_259] : memref<20000x128xf32, #tpu.memory_space<hbm>> -> memref<20000x128xf32, #tpu.memory_space<hbm>>
      tpu.enqueue_indirect_dma source(%dma_start3A_260 : memref<20000x128xf32, #tpu.memory_space<hbm>>) target(%dma_start3A_254 : memref<64x128xf32, #tpu.memory_space<vmem>>) offsets(%dma_start3A_257 : memref<64xi32, #tpu.memory_space<vmem>>) semaphore(%arg14 : memref<!tpu.dma_semaphore, #tpu.memory_space<semaphore_mem>>)
      %dma_wait3A_261 = arith.constant 4 : i32
      %dma_wait3A_262 = arith.constant 0 : i32
      %dma_wait3A_263 = arith.constant 0 : i32
      %dma_wait3A_264 = arith.constant 0 : i32
      %dma_wait3A_265 = tpu.memref_slice %arg9[%dma_wait3A_262, %dma_wait3A_263, %dma_wait3A_264] : memref<4x64x128xf32, #tpu.memory_space<vmem>> -> memref<1x64x128xf32, #tpu.memory_space<vmem>>
      %dma_wait3A_266 = tpu.memref_squeeze %dma_wait3A_265 : memref<1x64x128xf32, #tpu.memory_space<vmem>> -> memref<64x128xf32, #tpu.memory_space<vmem>>
      %dma_wait3A_267 = arith.constant 0 : i32
      %dma_wait3A_268 = tpu.memref_slice %arg7[%dma_wait3A_261, %dma_wait3A_267] : memref<40x64xi32, #tpu.memory_space<vmem>> -> memref<1x64xi32, #tpu.memory_space<vmem>>
      %dma_wait3A_269 = tpu.memref_squeeze %dma_wait3A_268 : memref<1x64xi32, #tpu.memory_space<vmem>> -> memref<64xi32, #tpu.memory_space<vmem>>
      %dma_wait3A_270 = arith.constant 0 : i32
      %dma_wait3A_271 = arith.constant 0 : i32
      %dma_wait3A_272 = tpu.memref_slice %arg2[%dma_wait3A_270, %dma_wait3A_271] : memref<20000x128xf32, #tpu.memory_space<hbm>> -> memref<20000x128xf32, #tpu.memory_space<hbm>>
      tpu.wait_indirect_dma semaphore(%arg11 : memref<!tpu.dma_semaphore, #tpu.memory_space<semaphore_mem>>) src(%dma_wait3A_272 : memref<20000x128xf32, #tpu.memory_space<hbm>>) dst(%dma_wait3A_266 : memref<64x128xf32, #tpu.memory_space<vmem>>)
      %dma_start3A_273 = arith.constant 0 : i32
      %dma_start3A_274 = arith.constant 4 : i32
      %dma_start3A_275 = arith.constant 0 : i32
      %dma_start3A_276 = arith.constant 0 : i32
      %dma_start3A_277 = tpu.memref_slice %arg9[%dma_start3A_273, %dma_start3A_275, %dma_start3A_276] : memref<4x64x128xf32, #tpu.memory_space<vmem>> -> memref<1x64x128xf32, #tpu.memory_space<vmem>>
      %dma_start3A_278 = tpu.memref_squeeze %dma_start3A_277 : memref<1x64x128xf32, #tpu.memory_space<vmem>> -> memref<64x128xf32, #tpu.memory_space<vmem>>
      %dma_start3A_279 = arith.constant 0 : i32
      %dma_start3A_280 = tpu.memref_slice %arg8[%dma_start3A_274, %dma_start3A_279] : memref<40x64xi32, #tpu.memory_space<vmem>> -> memref<1x64xi32, #tpu.memory_space<vmem>>
      %dma_start3A_281 = tpu.memref_squeeze %dma_start3A_280 : memref<1x64xi32, #tpu.memory_space<vmem>> -> memref<64xi32, #tpu.memory_space<vmem>>
      %dma_start3A_282 = arith.constant 0 : i32
      %dma_start3A_283 = arith.constant 0 : i32
      %dma_start3A_284 = tpu.memref_slice %arg10[%dma_start3A_282, %dma_start3A_283] : memref<10240x128xf32, #tpu.memory_space<vmem_shared>> -> memref<10240x128xf32, #tpu.memory_space<vmem_shared>>
      tpu.enqueue_indirect_dma source(%dma_start3A_278 : memref<64x128xf32, #tpu.memory_space<vmem>>) target(%dma_start3A_284 : memref<10240x128xf32, #tpu.memory_space<vmem_shared>>) offsets(%dma_start3A_281 : memref<64xi32, #tpu.memory_space<vmem>>) semaphore(%arg15 : memref<!tpu.dma_semaphore, #tpu.memory_space<semaphore_mem>>) {add = true}
      %dma_wait3A_285 = arith.constant 0 : i32
      %dma_wait3A_286 = arith.constant 4 : i32
      %dma_wait3A_287 = arith.constant 0 : i32
      %dma_wait3A_288 = arith.constant 0 : i32
      %dma_wait3A_289 = tpu.memref_slice %arg9[%dma_wait3A_285, %dma_wait3A_287, %dma_wait3A_288] : memref<4x64x128xf32, #tpu.memory_space<vmem>> -> memref<1x64x128xf32, #tpu.memory_space<vmem>>
      %dma_wait3A_290 = tpu.memref_squeeze %dma_wait3A_289 : memref<1x64x128xf32, #tpu.memory_space<vmem>> -> memref<64x128xf32, #tpu.memory_space<vmem>>
      %dma_wait3A_291 = arith.constant 0 : i32
      %dma_wait3A_292 = tpu.memref_slice %arg8[%dma_wait3A_286, %dma_wait3A_291] : memref<40x64xi32, #tpu.memory_space<vmem>> -> memref<1x64xi32, #tpu.memory_space<vmem>>
      %dma_wait3A_293 = tpu.memref_squeeze %dma_wait3A_292 : memref<1x64xi32, #tpu.memory_space<vmem>> -> memref<64xi32, #tpu.memory_space<vmem>>
      %dma_wait3A_294 = arith.constant 0 : i32
      %dma_wait3A_295 = arith.constant 0 : i32
      %dma_wait3A_296 = tpu.memref_slice %arg10[%dma_wait3A_294, %dma_wait3A_295] : memref<10240x128xf32, #tpu.memory_space<vmem_shared>> -> memref<10240x128xf32, #tpu.memory_space<vmem_shared>>
      tpu.wait_indirect_dma semaphore(%arg15 : memref<!tpu.dma_semaphore, #tpu.memory_space<semaphore_mem>>) src(%dma_wait3A_290 : memref<64x128xf32, #tpu.memory_space<vmem>>) dst(%dma_wait3A_296 : memref<10240x128xf32, #tpu.memory_space<vmem_shared>>)
      %dma_start3A_297 = arith.constant 8 : i32
      %dma_start3A_298 = arith.constant 0 : i32
      %dma_start3A_299 = arith.constant 0 : i32
      %dma_start3A_300 = arith.constant 0 : i32
      %dma_start3A_301 = tpu.memref_slice %arg9[%dma_start3A_298, %dma_start3A_299, %dma_start3A_300] : memref<4x64x128xf32, #tpu.memory_space<vmem>> -> memref<1x64x128xf32, #tpu.memory_space<vmem>>
      %dma_start3A_302 = tpu.memref_squeeze %dma_start3A_301 : memref<1x64x128xf32, #tpu.memory_space<vmem>> -> memref<64x128xf32, #tpu.memory_space<vmem>>
      %dma_start3A_303 = arith.constant 0 : i32
      %dma_start3A_304 = tpu.memref_slice %arg7[%dma_start3A_297, %dma_start3A_303] : memref<40x64xi32, #tpu.memory_space<vmem>> -> memref<1x64xi32, #tpu.memory_space<vmem>>
      %dma_start3A_305 = tpu.memref_squeeze %dma_start3A_304 : memref<1x64xi32, #tpu.memory_space<vmem>> -> memref<64xi32, #tpu.memory_space<vmem>>
      %dma_start3A_306 = arith.constant 0 : i32
      %dma_start3A_307 = arith.constant 0 : i32
      %dma_start3A_308 = tpu.memref_slice %arg2[%dma_start3A_306, %dma_start3A_307] : memref<20000x128xf32, #tpu.memory_space<hbm>> -> memref<20000x128xf32, #tpu.memory_space<hbm>>
      tpu.enqueue_indirect_dma source(%dma_start3A_308 : memref<20000x128xf32, #tpu.memory_space<hbm>>) target(%dma_start3A_302 : memref<64x128xf32, #tpu.memory_space<vmem>>) offsets(%dma_start3A_305 : memref<64xi32, #tpu.memory_space<vmem>>) semaphore(%arg11 : memref<!tpu.dma_semaphore, #tpu.memory_space<semaphore_mem>>)
      %dma_wait3A_309 = arith.constant 5 : i32
      %dma_wait3A_310 = arith.constant 1 : i32
      %dma_wait3A_311 = arith.constant 0 : i32
      %dma_wait3A_312 = arith.constant 0 : i32
      %dma_wait3A_313 = tpu.memref_slice %arg9[%dma_wait3A_310, %dma_wait3A_311, %dma_wait3A_312] : memref<4x64x128xf32, #tpu.memory_space<vmem>> -> memref<1x64x128xf32, #tpu.memory_space<vmem>>
      %dma_wait3A_314 = tpu.memref_squeeze %dma_wait3A_313 : memref<1x64x128xf32, #tpu.memory_space<vmem>> -> memref<64x128xf32, #tpu.memory_space<vmem>>
      %dma_wait3A_315 = arith.constant 0 : i32
      %dma_wait3A_316 = tpu.memref_slice %arg7[%dma_wait3A_309, %dma_wait3A_315] : memref<40x64xi32, #tpu.memory_space<vmem>> -> memref<1x64xi32, #tpu.memory_space<vmem>>
      %dma_wait3A_317 = tpu.memref_squeeze %dma_wait3A_316 : memref<1x64xi32, #tpu.memory_space<vmem>> -> memref<64xi32, #tpu.memory_space<vmem>>
      %dma_wait3A_318 = arith.constant 0 : i32
      %dma_wait3A_319 = arith.constant 0 : i32
      %dma_wait3A_320 = tpu.memref_slice %arg2[%dma_wait3A_318, %dma_wait3A_319] : memref<20000x128xf32, #tpu.memory_space<hbm>> -> memref<20000x128xf32, #tpu.memory_space<hbm>>
      tpu.wait_indirect_dma semaphore(%arg12 : memref<!tpu.dma_semaphore, #tpu.memory_space<semaphore_mem>>) src(%dma_wait3A_320 : memref<20000x128xf32, #tpu.memory_space<hbm>>) dst(%dma_wait3A_314 : memref<64x128xf32, #tpu.memory_space<vmem>>)
      %dma_start3A_321 = arith.constant 1 : i32
      %dma_start3A_322 = arith.constant 5 : i32
      %dma_start3A_323 = arith.constant 0 : i32
      %dma_start3A_324 = arith.constant 0 : i32
      %dma_start3A_325 = tpu.memref_slice %arg9[%dma_start3A_321, %dma_start3A_323, %dma_start3A_324] : memref<4x64x128xf32, #tpu.memory_space<vmem>> -> memref<1x64x128xf32, #tpu.memory_space<vmem>>
      %dma_start3A_326 = tpu.memref_squeeze %dma_start3A_325 : memref<1x64x128xf32, #tpu.memory_space<vmem>> -> memref<64x128xf32, #tpu.memory_space<vmem>>
      %dma_start3A_327 = arith.constant 0 : i32
      %dma_start3A_328 = tpu.memref_slice %arg8[%dma_start3A_322, %dma_start3A_327] : memref<40x64xi32, #tpu.memory_space<vmem>> -> memref<1x64xi32, #tpu.memory_space<vmem>>
      %dma_start3A_329 = tpu.memref_squeeze %dma_start3A_328 : memref<1x64xi32, #tpu.memory_space<vmem>> -> memref<64xi32, #tpu.memory_space<vmem>>
      %dma_start3A_330 = arith.constant 0 : i32
      %dma_start3A_331 = arith.constant 0 : i32
      %dma_start3A_332 = tpu.memref_slice %arg10[%dma_start3A_330, %dma_start3A_331] : memref<10240x128xf32, #tpu.memory_space<vmem_shared>> -> memref<10240x128xf32, #tpu.memory_space<vmem_shared>>
      tpu.enqueue_indirect_dma source(%dma_start3A_326 : memref<64x128xf32, #tpu.memory_space<vmem>>) target(%dma_start3A_332 : memref<10240x128xf32, #tpu.memory_space<vmem_shared>>) offsets(%dma_start3A_329 : memref<64xi32, #tpu.memory_space<vmem>>) semaphore(%arg16 : memref<!tpu.dma_semaphore, #tpu.memory_space<semaphore_mem>>) {add = true}
      %dma_wait3A_333 = arith.constant 1 : i32
      %dma_wait3A_334 = arith.constant 5 : i32
      %dma_wait3A_335 = arith.constant 0 : i32
      %dma_wait3A_336 = arith.constant 0 : i32
      %dma_wait3A_337 = tpu.memref_slice %arg9[%dma_wait3A_333, %dma_wait3A_335, %dma_wait3A_336] : memref<4x64x128xf32, #tpu.memory_space<vmem>> -> memref<1x64x128xf32, #tpu.memory_space<vmem>>
      %dma_wait3A_338 = tpu.memref_squeeze %dma_wait3A_337 : memref<1x64x128xf32, #tpu.memory_space<vmem>> -> memref<64x128xf32, #tpu.memory_space<vmem>>
      %dma_wait3A_339 = arith.constant 0 : i32
      %dma_wait3A_340 = tpu.memref_slice %arg8[%dma_wait3A_334, %dma_wait3A_339] : memref<40x64xi32, #tpu.memory_space<vmem>> -> memref<1x64xi32, #tpu.memory_space<vmem>>
      %dma_wait3A_341 = tpu.memref_squeeze %dma_wait3A_340 : memref<1x64xi32, #tpu.memory_space<vmem>> -> memref<64xi32, #tpu.memory_space<vmem>>
      %dma_wait3A_342 = arith.constant 0 : i32
      %dma_wait3A_343 = arith.constant 0 : i32
      %dma_wait3A_344 = tpu.memref_slice %arg10[%dma_wait3A_342, %dma_wait3A_343] : memref<10240x128xf32, #tpu.memory_space<vmem_shared>> -> memref<10240x128xf32, #tpu.memory_space<vmem_shared>>
      tpu.wait_indirect_dma semaphore(%arg16 : memref<!tpu.dma_semaphore, #tpu.memory_space<semaphore_mem>>) src(%dma_wait3A_338 : memref<64x128xf32, #tpu.memory_space<vmem>>) dst(%dma_wait3A_344 : memref<10240x128xf32, #tpu.memory_space<vmem_shared>>)
      %dma_start3A_345 = arith.constant 9 : i32
      %dma_start3A_346 = arith.constant 1 : i32
      %dma_start3A_347 = arith.constant 0 : i32
      %dma_start3A_348 = arith.constant 0 : i32
      %dma_start3A_349 = tpu.memref_slice %arg9[%dma_start3A_346, %dma_start3A_347, %dma_start3A_348] : memref<4x64x128xf32, #tpu.memory_space<vmem>> -> memref<1x64x128xf32, #tpu.memory_space<vmem>>
      %dma_start3A_350 = tpu.memref_squeeze %dma_start3A_349 : memref<1x64x128xf32, #tpu.memory_space<vmem>> -> memref<64x128xf32, #tpu.memory_space<vmem>>
      %dma_start3A_351 = arith.constant 0 : i32
      %dma_start3A_352 = tpu.memref_slice %arg7[%dma_start3A_345, %dma_start3A_351] : memref<40x64xi32, #tpu.memory_space<vmem>> -> memref<1x64xi32, #tpu.memory_space<vmem>>
      %dma_start3A_353 = tpu.memref_squeeze %dma_start3A_352 : memref<1x64xi32, #tpu.memory_space<vmem>> -> memref<64xi32, #tpu.memory_space<vmem>>
      %dma_start3A_354 = arith.constant 0 : i32
      %dma_start3A_355 = arith.constant 0 : i32
      %dma_start3A_356 = tpu.memref_slice %arg2[%dma_start3A_354, %dma_start3A_355] : memref<20000x128xf32, #tpu.memory_space<hbm>> -> memref<20000x128xf32, #tpu.memory_space<hbm>>
      tpu.enqueue_indirect_dma source(%dma_start3A_356 : memref<20000x128xf32, #tpu.memory_space<hbm>>) target(%dma_start3A_350 : memref<64x128xf32, #tpu.memory_space<vmem>>) offsets(%dma_start3A_353 : memref<64xi32, #tpu.memory_space<vmem>>) semaphore(%arg12 : memref<!tpu.dma_semaphore, #tpu.memory_space<semaphore_mem>>)
      %dma_wait3A_357 = arith.constant 6 : i32
      %dma_wait3A_358 = arith.constant 2 : i32
      %dma_wait3A_359 = arith.constant 0 : i32
      %dma_wait3A_360 = arith.constant 0 : i32
      %dma_wait3A_361 = tpu.memref_slice %arg9[%dma_wait3A_358, %dma_wait3A_359, %dma_wait3A_360] : memref<4x64x128xf32, #tpu.memory_space<vmem>> -> memref<1x64x128xf32, #tpu.memory_space<vmem>>
      %dma_wait3A_362 = tpu.memref_squeeze %dma_wait3A_361 : memref<1x64x128xf32, #tpu.memory_space<vmem>> -> memref<64x128xf32, #tpu.memory_space<vmem>>
      %dma_wait3A_363 = arith.constant 0 : i32
      %dma_wait3A_364 = tpu.memref_slice %arg7[%dma_wait3A_357, %dma_wait3A_363] : memref<40x64xi32, #tpu.memory_space<vmem>> -> memref<1x64xi32, #tpu.memory_space<vmem>>
      %dma_wait3A_365 = tpu.memref_squeeze %dma_wait3A_364 : memref<1x64xi32, #tpu.memory_space<vmem>> -> memref<64xi32, #tpu.memory_space<vmem>>
      %dma_wait3A_366 = arith.constant 0 : i32
      %dma_wait3A_367 = arith.constant 0 : i32
      %dma_wait3A_368 = tpu.memref_slice %arg2[%dma_wait3A_366, %dma_wait3A_367] : memref<20000x128xf32, #tpu.memory_space<hbm>> -> memref<20000x128xf32, #tpu.memory_space<hbm>>
      tpu.wait_indirect_dma semaphore(%arg13 : memref<!tpu.dma_semaphore, #tpu.memory_space<semaphore_mem>>) src(%dma_wait3A_368 : memref<20000x128xf32, #tpu.memory_space<hbm>>) dst(%dma_wait3A_362 : memref<64x128xf32, #tpu.memory_space<vmem>>)
      %dma_start3A_369 = arith.constant 2 : i32
      %dma_start3A_370 = arith.constant 6 : i32
      %dma_start3A_371 = arith.constant 0 : i32
      %dma_start3A_372 = arith.constant 0 : i32
      %dma_start3A_373 = tpu.memref_slice %arg9[%dma_start3A_369, %dma_start3A_371, %dma_start3A_372] : memref<4x64x128xf32, #tpu.memory_space<vmem>> -> memref<1x64x128xf32, #tpu.memory_space<vmem>>
      %dma_start3A_374 = tpu.memref_squeeze %dma_start3A_373 : memref<1x64x128xf32, #tpu.memory_space<vmem>> -> memref<64x128xf32, #tpu.memory_space<vmem>>
      %dma_start3A_375 = arith.constant 0 : i32
      %dma_start3A_376 = tpu.memref_slice %arg8[%dma_start3A_370, %dma_start3A_375] : memref<40x64xi32, #tpu.memory_space<vmem>> -> memref<1x64xi32, #tpu.memory_space<vmem>>
      %dma_start3A_377 = tpu.memref_squeeze %dma_start3A_376 : memref<1x64xi32, #tpu.memory_space<vmem>> -> memref<64xi32, #tpu.memory_space<vmem>>
      %dma_start3A_378 = arith.constant 0 : i32
      %dma_start3A_379 = arith.constant 0 : i32
      %dma_start3A_380 = tpu.memref_slice %arg10[%dma_start3A_378, %dma_start3A_379] : memref<10240x128xf32, #tpu.memory_space<vmem_shared>> -> memref<10240x128xf32, #tpu.memory_space<vmem_shared>>
      tpu.enqueue_indirect_dma source(%dma_start3A_374 : memref<64x128xf32, #tpu.memory_space<vmem>>) target(%dma_start3A_380 : memref<10240x128xf32, #tpu.memory_space<vmem_shared>>) offsets(%dma_start3A_377 : memref<64xi32, #tpu.memory_space<vmem>>) semaphore(%arg17 : memref<!tpu.dma_semaphore, #tpu.memory_space<semaphore_mem>>) {add = true}
      %dma_wait3A_381 = arith.constant 2 : i32
      %dma_wait3A_382 = arith.constant 6 : i32
      %dma_wait3A_383 = arith.constant 0 : i32
      %dma_wait3A_384 = arith.constant 0 : i32
      %dma_wait3A_385 = tpu.memref_slice %arg9[%dma_wait3A_381, %dma_wait3A_383, %dma_wait3A_384] : memref<4x64x128xf32, #tpu.memory_space<vmem>> -> memref<1x64x128xf32, #tpu.memory_space<vmem>>
      %dma_wait3A_386 = tpu.memref_squeeze %dma_wait3A_385 : memref<1x64x128xf32, #tpu.memory_space<vmem>> -> memref<64x128xf32, #tpu.memory_space<vmem>>
      %dma_wait3A_387 = arith.constant 0 : i32
      %dma_wait3A_388 = tpu.memref_slice %arg8[%dma_wait3A_382, %dma_wait3A_387] : memref<40x64xi32, #tpu.memory_space<vmem>> -> memref<1x64xi32, #tpu.memory_space<vmem>>
      %dma_wait3A_389 = tpu.memref_squeeze %dma_wait3A_388 : memref<1x64xi32, #tpu.memory_space<vmem>> -> memref<64xi32, #tpu.memory_space<vmem>>
      %dma_wait3A_390 = arith.constant 0 : i32
      %dma_wait3A_391 = arith.constant 0 : i32
      %dma_wait3A_392 = tpu.memref_slice %arg10[%dma_wait3A_390, %dma_wait3A_391] : memref<10240x128xf32, #tpu.memory_space<vmem_shared>> -> memref<10240x128xf32, #tpu.memory_space<vmem_shared>>
      tpu.wait_indirect_dma semaphore(%arg17 : memref<!tpu.dma_semaphore, #tpu.memory_space<semaphore_mem>>) src(%dma_wait3A_386 : memref<64x128xf32, #tpu.memory_space<vmem>>) dst(%dma_wait3A_392 : memref<10240x128xf32, #tpu.memory_space<vmem_shared>>)
      %dma_start3A_393 = arith.constant 10 : i32
      %dma_start3A_394 = arith.constant 2 : i32
      %dma_start3A_395 = arith.constant 0 : i32
      %dma_start3A_396 = arith.constant 0 : i32
      %dma_start3A_397 = tpu.memref_slice %arg9[%dma_start3A_394, %dma_start3A_395, %dma_start3A_396] : memref<4x64x128xf32, #tpu.memory_space<vmem>> -> memref<1x64x128xf32, #tpu.memory_space<vmem>>
      %dma_start3A_398 = tpu.memref_squeeze %dma_start3A_397 : memref<1x64x128xf32, #tpu.memory_space<vmem>> -> memref<64x128xf32, #tpu.memory_space<vmem>>
      %dma_start3A_399 = arith.constant 0 : i32
      %dma_start3A_400 = tpu.memref_slice %arg7[%dma_start3A_393, %dma_start3A_399] : memref<40x64xi32, #tpu.memory_space<vmem>> -> memref<1x64xi32, #tpu.memory_space<vmem>>
      %dma_start3A_401 = tpu.memref_squeeze %dma_start3A_400 : memref<1x64xi32, #tpu.memory_space<vmem>> -> memref<64xi32, #tpu.memory_space<vmem>>
      %dma_start3A_402 = arith.constant 0 : i32
      %dma_start3A_403 = arith.constant 0 : i32
      %dma_start3A_404 = tpu.memref_slice %arg2[%dma_start3A_402, %dma_start3A_403] : memref<20000x128xf32, #tpu.memory_space<hbm>> -> memref<20000x128xf32, #tpu.memory_space<hbm>>
      tpu.enqueue_indirect_dma source(%dma_start3A_404 : memref<20000x128xf32, #tpu.memory_space<hbm>>) target(%dma_start3A_398 : memref<64x128xf32, #tpu.memory_space<vmem>>) offsets(%dma_start3A_401 : memref<64xi32, #tpu.memory_space<vmem>>) semaphore(%arg13 : memref<!tpu.dma_semaphore, #tpu.memory_space<semaphore_mem>>)
      %dma_wait3A_405 = arith.constant 7 : i32
      %dma_wait3A_406 = arith.constant 3 : i32
      %dma_wait3A_407 = arith.constant 0 : i32
      %dma_wait3A_408 = arith.constant 0 : i32
      %dma_wait3A_409 = tpu.memref_slice %arg9[%dma_wait3A_406, %dma_wait3A_407, %dma_wait3A_408] : memref<4x64x128xf32, #tpu.memory_space<vmem>> -> memref<1x64x128xf32, #tpu.memory_space<vmem>>
      %dma_wait3A_410 = tpu.memref_squeeze %dma_wait3A_409 : memref<1x64x128xf32, #tpu.memory_space<vmem>> -> memref<64x128xf32, #tpu.memory_space<vmem>>
      %dma_wait3A_411 = arith.constant 0 : i32
      %dma_wait3A_412 = tpu.memref_slice %arg7[%dma_wait3A_405, %dma_wait3A_411] : memref<40x64xi32, #tpu.memory_space<vmem>> -> memref<1x64xi32, #tpu.memory_space<vmem>>
      %dma_wait3A_413 = tpu.memref_squeeze %dma_wait3A_412 : memref<1x64xi32, #tpu.memory_space<vmem>> -> memref<64xi32, #tpu.memory_space<vmem>>
      %dma_wait3A_414 = arith.constant 0 : i32
      %dma_wait3A_415 = arith.constant 0 : i32
      %dma_wait3A_416 = tpu.memref_slice %arg2[%dma_wait3A_414, %dma_wait3A_415] : memref<20000x128xf32, #tpu.memory_space<hbm>> -> memref<20000x128xf32, #tpu.memory_space<hbm>>
      tpu.wait_indirect_dma semaphore(%arg14 : memref<!tpu.dma_semaphore, #tpu.memory_space<semaphore_mem>>) src(%dma_wait3A_416 : memref<20000x128xf32, #tpu.memory_space<hbm>>) dst(%dma_wait3A_410 : memref<64x128xf32, #tpu.memory_space<vmem>>)
      %dma_start3A_417 = arith.constant 3 : i32
      %dma_start3A_418 = arith.constant 7 : i32
      %dma_start3A_419 = arith.constant 0 : i32
      %dma_start3A_420 = arith.constant 0 : i32
      %dma_start3A_421 = tpu.memref_slice %arg9[%dma_start3A_417, %dma_start3A_419, %dma_start3A_420] : memref<4x64x128xf32, #tpu.memory_space<vmem>> -> memref<1x64x128xf32, #tpu.memory_space<vmem>>
      %dma_start3A_422 = tpu.memref_squeeze %dma_start3A_421 : memref<1x64x128xf32, #tpu.memory_space<vmem>> -> memref<64x128xf32, #tpu.memory_space<vmem>>
      %dma_start3A_423 = arith.constant 0 : i32
      %dma_start3A_424 = tpu.memref_slice %arg8[%dma_start3A_418, %dma_start3A_423] : memref<40x64xi32, #tpu.memory_space<vmem>> -> memref<1x64xi32, #tpu.memory_space<vmem>>
      %dma_start3A_425 = tpu.memref_squeeze %dma_start3A_424 : memref<1x64xi32, #tpu.memory_space<vmem>> -> memref<64xi32, #tpu.memory_space<vmem>>
      %dma_start3A_426 = arith.constant 0 : i32
      %dma_start3A_427 = arith.constant 0 : i32
      %dma_start3A_428 = tpu.memref_slice %arg10[%dma_start3A_426, %dma_start3A_427] : memref<10240x128xf32, #tpu.memory_space<vmem_shared>> -> memref<10240x128xf32, #tpu.memory_space<vmem_shared>>
      tpu.enqueue_indirect_dma source(%dma_start3A_422 : memref<64x128xf32, #tpu.memory_space<vmem>>) target(%dma_start3A_428 : memref<10240x128xf32, #tpu.memory_space<vmem_shared>>) offsets(%dma_start3A_425 : memref<64xi32, #tpu.memory_space<vmem>>) semaphore(%arg18 : memref<!tpu.dma_semaphore, #tpu.memory_space<semaphore_mem>>) {add = true}
      %dma_wait3A_429 = arith.constant 3 : i32
      %dma_wait3A_430 = arith.constant 7 : i32
      %dma_wait3A_431 = arith.constant 0 : i32
      %dma_wait3A_432 = arith.constant 0 : i32
      %dma_wait3A_433 = tpu.memref_slice %arg9[%dma_wait3A_429, %dma_wait3A_431, %dma_wait3A_432] : memref<4x64x128xf32, #tpu.memory_space<vmem>> -> memref<1x64x128xf32, #tpu.memory_space<vmem>>
      %dma_wait3A_434 = tpu.memref_squeeze %dma_wait3A_433 : memref<1x64x128xf32, #tpu.memory_space<vmem>> -> memref<64x128xf32, #tpu.memory_space<vmem>>
      %dma_wait3A_435 = arith.constant 0 : i32
      %dma_wait3A_436 = tpu.memref_slice %arg8[%dma_wait3A_430, %dma_wait3A_435] : memref<40x64xi32, #tpu.memory_space<vmem>> -> memref<1x64xi32, #tpu.memory_space<vmem>>
      %dma_wait3A_437 = tpu.memref_squeeze %dma_wait3A_436 : memref<1x64xi32, #tpu.memory_space<vmem>> -> memref<64xi32, #tpu.memory_space<vmem>>
      %dma_wait3A_438 = arith.constant 0 : i32
      %dma_wait3A_439 = arith.constant 0 : i32
      %dma_wait3A_440 = tpu.memref_slice %arg10[%dma_wait3A_438, %dma_wait3A_439] : memref<10240x128xf32, #tpu.memory_space<vmem_shared>> -> memref<10240x128xf32, #tpu.memory_space<vmem_shared>>
      tpu.wait_indirect_dma semaphore(%arg18 : memref<!tpu.dma_semaphore, #tpu.memory_space<semaphore_mem>>) src(%dma_wait3A_434 : memref<64x128xf32, #tpu.memory_space<vmem>>) dst(%dma_wait3A_440 : memref<10240x128xf32, #tpu.memory_space<vmem_shared>>)
      %dma_start3A_441 = arith.constant 11 : i32
      %dma_start3A_442 = arith.constant 3 : i32
      %dma_start3A_443 = arith.constant 0 : i32
      %dma_start3A_444 = arith.constant 0 : i32
      %dma_start3A_445 = tpu.memref_slice %arg9[%dma_start3A_442, %dma_start3A_443, %dma_start3A_444] : memref<4x64x128xf32, #tpu.memory_space<vmem>> -> memref<1x64x128xf32, #tpu.memory_space<vmem>>
      %dma_start3A_446 = tpu.memref_squeeze %dma_start3A_445 : memref<1x64x128xf32, #tpu.memory_space<vmem>> -> memref<64x128xf32, #tpu.memory_space<vmem>>
      %dma_start3A_447 = arith.constant 0 : i32
      %dma_start3A_448 = tpu.memref_slice %arg7[%dma_start3A_441, %dma_start3A_447] : memref<40x64xi32, #tpu.memory_space<vmem>> -> memref<1x64xi32, #tpu.memory_space<vmem>>
      %dma_start3A_449 = tpu.memref_squeeze %dma_start3A_448 : memref<1x64xi32, #tpu.memory_space<vmem>> -> memref<64xi32, #tpu.memory_space<vmem>>
      %dma_start3A_450 = arith.constant 0 : i32
      %dma_start3A_451 = arith.constant 0 : i32
      %dma_start3A_452 = tpu.memref_slice %arg2[%dma_start3A_450, %dma_start3A_451] : memref<20000x128xf32, #tpu.memory_space<hbm>> -> memref<20000x128xf32, #tpu.memory_space<hbm>>
      tpu.enqueue_indirect_dma source(%dma_start3A_452 : memref<20000x128xf32, #tpu.memory_space<hbm>>) target(%dma_start3A_446 : memref<64x128xf32, #tpu.memory_space<vmem>>) offsets(%dma_start3A_449 : memref<64xi32, #tpu.memory_space<vmem>>) semaphore(%arg14 : memref<!tpu.dma_semaphore, #tpu.memory_space<semaphore_mem>>)
      %dma_wait3A_453 = arith.constant 8 : i32
      %dma_wait3A_454 = arith.constant 0 : i32
      %dma_wait3A_455 = arith.constant 0 : i32
      %dma_wait3A_456 = arith.constant 0 : i32
      %dma_wait3A_457 = tpu.memref_slice %arg9[%dma_wait3A_454, %dma_wait3A_455, %dma_wait3A_456] : memref<4x64x128xf32, #tpu.memory_space<vmem>> -> memref<1x64x128xf32, #tpu.memory_space<vmem>>
      %dma_wait3A_458 = tpu.memref_squeeze %dma_wait3A_457 : memref<1x64x128xf32, #tpu.memory_space<vmem>> -> memref<64x128xf32, #tpu.memory_space<vmem>>
      %dma_wait3A_459 = arith.constant 0 : i32
      %dma_wait3A_460 = tpu.memref_slice %arg7[%dma_wait3A_453, %dma_wait3A_459] : memref<40x64xi32, #tpu.memory_space<vmem>> -> memref<1x64xi32, #tpu.memory_space<vmem>>
      %dma_wait3A_461 = tpu.memref_squeeze %dma_wait3A_460 : memref<1x64xi32, #tpu.memory_space<vmem>> -> memref<64xi32, #tpu.memory_space<vmem>>
      %dma_wait3A_462 = arith.constant 0 : i32
      %dma_wait3A_463 = arith.constant 0 : i32
      %dma_wait3A_464 = tpu.memref_slice %arg2[%dma_wait3A_462, %dma_wait3A_463] : memref<20000x128xf32, #tpu.memory_space<hbm>> -> memref<20000x128xf32, #tpu.memory_space<hbm>>
      tpu.wait_indirect_dma semaphore(%arg11 : memref<!tpu.dma_semaphore, #tpu.memory_space<semaphore_mem>>) src(%dma_wait3A_464 : memref<20000x128xf32, #tpu.memory_space<hbm>>) dst(%dma_wait3A_458 : memref<64x128xf32, #tpu.memory_space<vmem>>)
      %dma_start3A_465 = arith.constant 0 : i32
      %dma_start3A_466 = arith.constant 8 : i32
      %dma_start3A_467 = arith.constant 0 : i32
      %dma_start3A_468 = arith.constant 0 : i32
      %dma_start3A_469 = tpu.memref_slice %arg9[%dma_start3A_465, %dma_start3A_467, %dma_start3A_468] : memref<4x64x128xf32, #tpu.memory_space<vmem>> -> memref<1x64x128xf32, #tpu.memory_space<vmem>>
      %dma_start3A_470 = tpu.memref_squeeze %dma_start3A_469 : memref<1x64x128xf32, #tpu.memory_space<vmem>> -> memref<64x128xf32, #tpu.memory_space<vmem>>
      %dma_start3A_471 = arith.constant 0 : i32
      %dma_start3A_472 = tpu.memref_slice %arg8[%dma_start3A_466, %dma_start3A_471] : memref<40x64xi32, #tpu.memory_space<vmem>> -> memref<1x64xi32, #tpu.memory_space<vmem>>
      %dma_start3A_473 = tpu.memref_squeeze %dma_start3A_472 : memref<1x64xi32, #tpu.memory_space<vmem>> -> memref<64xi32, #tpu.memory_space<vmem>>
      %dma_start3A_474 = arith.constant 0 : i32
      %dma_start3A_475 = arith.constant 0 : i32
      %dma_start3A_476 = tpu.memref_slice %arg10[%dma_start3A_474, %dma_start3A_475] : memref<10240x128xf32, #tpu.memory_space<vmem_shared>> -> memref<10240x128xf32, #tpu.memory_space<vmem_shared>>
      tpu.enqueue_indirect_dma source(%dma_start3A_470 : memref<64x128xf32, #tpu.memory_space<vmem>>) target(%dma_start3A_476 : memref<10240x128xf32, #tpu.memory_space<vmem_shared>>) offsets(%dma_start3A_473 : memref<64xi32, #tpu.memory_space<vmem>>) semaphore(%arg15 : memref<!tpu.dma_semaphore, #tpu.memory_space<semaphore_mem>>) {add = true}
      %dma_wait3A_477 = arith.constant 0 : i32
      %dma_wait3A_478 = arith.constant 8 : i32
      %dma_wait3A_479 = arith.constant 0 : i32
      %dma_wait3A_480 = arith.constant 0 : i32
      %dma_wait3A_481 = tpu.memref_slice %arg9[%dma_wait3A_477, %dma_wait3A_479, %dma_wait3A_480] : memref<4x64x128xf32, #tpu.memory_space<vmem>> -> memref<1x64x128xf32, #tpu.memory_space<vmem>>
      %dma_wait3A_482 = tpu.memref_squeeze %dma_wait3A_481 : memref<1x64x128xf32, #tpu.memory_space<vmem>> -> memref<64x128xf32, #tpu.memory_space<vmem>>
      %dma_wait3A_483 = arith.constant 0 : i32
      %dma_wait3A_484 = tpu.memref_slice %arg8[%dma_wait3A_478, %dma_wait3A_483] : memref<40x64xi32, #tpu.memory_space<vmem>> -> memref<1x64xi32, #tpu.memory_space<vmem>>
      %dma_wait3A_485 = tpu.memref_squeeze %dma_wait3A_484 : memref<1x64xi32, #tpu.memory_space<vmem>> -> memref<64xi32, #tpu.memory_space<vmem>>
      %dma_wait3A_486 = arith.constant 0 : i32
      %dma_wait3A_487 = arith.constant 0 : i32
      %dma_wait3A_488 = tpu.memref_slice %arg10[%dma_wait3A_486, %dma_wait3A_487] : memref<10240x128xf32, #tpu.memory_space<vmem_shared>> -> memref<10240x128xf32, #tpu.memory_space<vmem_shared>>
      tpu.wait_indirect_dma semaphore(%arg15 : memref<!tpu.dma_semaphore, #tpu.memory_space<semaphore_mem>>) src(%dma_wait3A_482 : memref<64x128xf32, #tpu.memory_space<vmem>>) dst(%dma_wait3A_488 : memref<10240x128xf32, #tpu.memory_space<vmem_shared>>)
      %dma_start3A_489 = arith.constant 12 : i32
      %dma_start3A_490 = arith.constant 0 : i32
      %dma_start3A_491 = arith.constant 0 : i32
      %dma_start3A_492 = arith.constant 0 : i32
      %dma_start3A_493 = tpu.memref_slice %arg9[%dma_start3A_490, %dma_start3A_491, %dma_start3A_492] : memref<4x64x128xf32, #tpu.memory_space<vmem>> -> memref<1x64x128xf32, #tpu.memory_space<vmem>>
      %dma_start3A_494 = tpu.memref_squeeze %dma_start3A_493 : memref<1x64x128xf32, #tpu.memory_space<vmem>> -> memref<64x128xf32, #tpu.memory_space<vmem>>
      %dma_start3A_495 = arith.constant 0 : i32
      %dma_start3A_496 = tpu.memref_slice %arg7[%dma_start3A_489, %dma_start3A_495] : memref<40x64xi32, #tpu.memory_space<vmem>> -> memref<1x64xi32, #tpu.memory_space<vmem>>
      %dma_start3A_497 = tpu.memref_squeeze %dma_start3A_496 : memref<1x64xi32, #tpu.memory_space<vmem>> -> memref<64xi32, #tpu.memory_space<vmem>>
      %dma_start3A_498 = arith.constant 0 : i32
      %dma_start3A_499 = arith.constant 0 : i32
      %dma_start3A_500 = tpu.memref_slice %arg2[%dma_start3A_498, %dma_start3A_499] : memref<20000x128xf32, #tpu.memory_space<hbm>> -> memref<20000x128xf32, #tpu.memory_space<hbm>>
      tpu.enqueue_indirect_dma source(%dma_start3A_500 : memref<20000x128xf32, #tpu.memory_space<hbm>>) target(%dma_start3A_494 : memref<64x128xf32, #tpu.memory_space<vmem>>) offsets(%dma_start3A_497 : memref<64xi32, #tpu.memory_space<vmem>>) semaphore(%arg11 : memref<!tpu.dma_semaphore, #tpu.memory_space<semaphore_mem>>)
      %dma_wait3A_501 = arith.constant 9 : i32
      %dma_wait3A_502 = arith.constant 1 : i32
      %dma_wait3A_503 = arith.constant 0 : i32
      %dma_wait3A_504 = arith.constant 0 : i32
      %dma_wait3A_505 = tpu.memref_slice %arg9[%dma_wait3A_502, %dma_wait3A_503, %dma_wait3A_504] : memref<4x64x128xf32, #tpu.memory_space<vmem>> -> memref<1x64x128xf32, #tpu.memory_space<vmem>>
      %dma_wait3A_506 = tpu.memref_squeeze %dma_wait3A_505 : memref<1x64x128xf32, #tpu.memory_space<vmem>> -> memref<64x128xf32, #tpu.memory_space<vmem>>
      %dma_wait3A_507 = arith.constant 0 : i32
      %dma_wait3A_508 = tpu.memref_slice %arg7[%dma_wait3A_501, %dma_wait3A_507] : memref<40x64xi32, #tpu.memory_space<vmem>> -> memref<1x64xi32, #tpu.memory_space<vmem>>
      %dma_wait3A_509 = tpu.memref_squeeze %dma_wait3A_508 : memref<1x64xi32, #tpu.memory_space<vmem>> -> memref<64xi32, #tpu.memory_space<vmem>>
      %dma_wait3A_510 = arith.constant 0 : i32
      %dma_wait3A_511 = arith.constant 0 : i32
      %dma_wait3A_512 = tpu.memref_slice %arg2[%dma_wait3A_510, %dma_wait3A_511] : memref<20000x128xf32, #tpu.memory_space<hbm>> -> memref<20000x128xf32, #tpu.memory_space<hbm>>
      tpu.wait_indirect_dma semaphore(%arg12 : memref<!tpu.dma_semaphore, #tpu.memory_space<semaphore_mem>>) src(%dma_wait3A_512 : memref<20000x128xf32, #tpu.memory_space<hbm>>) dst(%dma_wait3A_506 : memref<64x128xf32, #tpu.memory_space<vmem>>)
      %dma_start3A_513 = arith.constant 1 : i32
      %dma_start3A_514 = arith.constant 9 : i32
      %dma_start3A_515 = arith.constant 0 : i32
      %dma_start3A_516 = arith.constant 0 : i32
      %dma_start3A_517 = tpu.memref_slice %arg9[%dma_start3A_513, %dma_start3A_515, %dma_start3A_516] : memref<4x64x128xf32, #tpu.memory_space<vmem>> -> memref<1x64x128xf32, #tpu.memory_space<vmem>>
      %dma_start3A_518 = tpu.memref_squeeze %dma_start3A_517 : memref<1x64x128xf32, #tpu.memory_space<vmem>> -> memref<64x128xf32, #tpu.memory_space<vmem>>
      %dma_start3A_519 = arith.constant 0 : i32
      %dma_start3A_520 = tpu.memref_slice %arg8[%dma_start3A_514, %dma_start3A_519] : memref<40x64xi32, #tpu.memory_space<vmem>> -> memref<1x64xi32, #tpu.memory_space<vmem>>
      %dma_start3A_521 = tpu.memref_squeeze %dma_start3A_520 : memref<1x64xi32, #tpu.memory_space<vmem>> -> memref<64xi32, #tpu.memory_space<vmem>>
      %dma_start3A_522 = arith.constant 0 : i32
      %dma_start3A_523 = arith.constant 0 : i32
      %dma_start3A_524 = tpu.memref_slice %arg10[%dma_start3A_522, %dma_start3A_523] : memref<10240x128xf32, #tpu.memory_space<vmem_shared>> -> memref<10240x128xf32, #tpu.memory_space<vmem_shared>>
      tpu.enqueue_indirect_dma source(%dma_start3A_518 : memref<64x128xf32, #tpu.memory_space<vmem>>) target(%dma_start3A_524 : memref<10240x128xf32, #tpu.memory_space<vmem_shared>>) offsets(%dma_start3A_521 : memref<64xi32, #tpu.memory_space<vmem>>) semaphore(%arg16 : memref<!tpu.dma_semaphore, #tpu.memory_space<semaphore_mem>>) {add = true}
      %dma_wait3A_525 = arith.constant 1 : i32
      %dma_wait3A_526 = arith.constant 9 : i32
      %dma_wait3A_527 = arith.constant 0 : i32
      %dma_wait3A_528 = arith.constant 0 : i32
      %dma_wait3A_529 = tpu.memref_slice %arg9[%dma_wait3A_525, %dma_wait3A_527, %dma_wait3A_528] : memref<4x64x128xf32, #tpu.memory_space<vmem>> -> memref<1x64x128xf32, #tpu.memory_space<vmem>>
      %dma_wait3A_530 = tpu.memref_squeeze %dma_wait3A_529 : memref<1x64x128xf32, #tpu.memory_space<vmem>> -> memref<64x128xf32, #tpu.memory_space<vmem>>
      %dma_wait3A_531 = arith.constant 0 : i32
      %dma_wait3A_532 = tpu.memref_slice %arg8[%dma_wait3A_526, %dma_wait3A_531] : memref<40x64xi32, #tpu.memory_space<vmem>> -> memref<1x64xi32, #tpu.memory_space<vmem>>
      %dma_wait3A_533 = tpu.memref_squeeze %dma_wait3A_532 : memref<1x64xi32, #tpu.memory_space<vmem>> -> memref<64xi32, #tpu.memory_space<vmem>>
      %dma_wait3A_534 = arith.constant 0 : i32
      %dma_wait3A_535 = arith.constant 0 : i32
      %dma_wait3A_536 = tpu.memref_slice %arg10[%dma_wait3A_534, %dma_wait3A_535] : memref<10240x128xf32, #tpu.memory_space<vmem_shared>> -> memref<10240x128xf32, #tpu.memory_space<vmem_shared>>
      tpu.wait_indirect_dma semaphore(%arg16 : memref<!tpu.dma_semaphore, #tpu.memory_space<semaphore_mem>>) src(%dma_wait3A_530 : memref<64x128xf32, #tpu.memory_space<vmem>>) dst(%dma_wait3A_536 : memref<10240x128xf32, #tpu.memory_space<vmem_shared>>)
      %dma_start3A_537 = arith.constant 13 : i32
      %dma_start3A_538 = arith.constant 1 : i32
      %dma_start3A_539 = arith.constant 0 : i32
      %dma_start3A_540 = arith.constant 0 : i32
      %dma_start3A_541 = tpu.memref_slice %arg9[%dma_start3A_538, %dma_start3A_539, %dma_start3A_540] : memref<4x64x128xf32, #tpu.memory_space<vmem>> -> memref<1x64x128xf32, #tpu.memory_space<vmem>>
      %dma_start3A_542 = tpu.memref_squeeze %dma_start3A_541 : memref<1x64x128xf32, #tpu.memory_space<vmem>> -> memref<64x128xf32, #tpu.memory_space<vmem>>
      %dma_start3A_543 = arith.constant 0 : i32
      %dma_start3A_544 = tpu.memref_slice %arg7[%dma_start3A_537, %dma_start3A_543] : memref<40x64xi32, #tpu.memory_space<vmem>> -> memref<1x64xi32, #tpu.memory_space<vmem>>
      %dma_start3A_545 = tpu.memref_squeeze %dma_start3A_544 : memref<1x64xi32, #tpu.memory_space<vmem>> -> memref<64xi32, #tpu.memory_space<vmem>>
      %dma_start3A_546 = arith.constant 0 : i32
      %dma_start3A_547 = arith.constant 0 : i32
      %dma_start3A_548 = tpu.memref_slice %arg2[%dma_start3A_546, %dma_start3A_547] : memref<20000x128xf32, #tpu.memory_space<hbm>> -> memref<20000x128xf32, #tpu.memory_space<hbm>>
      tpu.enqueue_indirect_dma source(%dma_start3A_548 : memref<20000x128xf32, #tpu.memory_space<hbm>>) target(%dma_start3A_542 : memref<64x128xf32, #tpu.memory_space<vmem>>) offsets(%dma_start3A_545 : memref<64xi32, #tpu.memory_space<vmem>>) semaphore(%arg12 : memref<!tpu.dma_semaphore, #tpu.memory_space<semaphore_mem>>)
      %dma_wait3A_549 = arith.constant 10 : i32
      %dma_wait3A_550 = arith.constant 2 : i32
      %dma_wait3A_551 = arith.constant 0 : i32
      %dma_wait3A_552 = arith.constant 0 : i32
      %dma_wait3A_553 = tpu.memref_slice %arg9[%dma_wait3A_550, %dma_wait3A_551, %dma_wait3A_552] : memref<4x64x128xf32, #tpu.memory_space<vmem>> -> memref<1x64x128xf32, #tpu.memory_space<vmem>>
      %dma_wait3A_554 = tpu.memref_squeeze %dma_wait3A_553 : memref<1x64x128xf32, #tpu.memory_space<vmem>> -> memref<64x128xf32, #tpu.memory_space<vmem>>
      %dma_wait3A_555 = arith.constant 0 : i32
      %dma_wait3A_556 = tpu.memref_slice %arg7[%dma_wait3A_549, %dma_wait3A_555] : memref<40x64xi32, #tpu.memory_space<vmem>> -> memref<1x64xi32, #tpu.memory_space<vmem>>
      %dma_wait3A_557 = tpu.memref_squeeze %dma_wait3A_556 : memref<1x64xi32, #tpu.memory_space<vmem>> -> memref<64xi32, #tpu.memory_space<vmem>>
      %dma_wait3A_558 = arith.constant 0 : i32
      %dma_wait3A_559 = arith.constant 0 : i32
      %dma_wait3A_560 = tpu.memref_slice %arg2[%dma_wait3A_558, %dma_wait3A_559] : memref<20000x128xf32, #tpu.memory_space<hbm>> -> memref<20000x128xf32, #tpu.memory_space<hbm>>
      tpu.wait_indirect_dma semaphore(%arg13 : memref<!tpu.dma_semaphore, #tpu.memory_space<semaphore_mem>>) src(%dma_wait3A_560 : memref<20000x128xf32, #tpu.memory_space<hbm>>) dst(%dma_wait3A_554 : memref<64x128xf32, #tpu.memory_space<vmem>>)
      %dma_start3A_561 = arith.constant 2 : i32
      %dma_start3A_562 = arith.constant 10 : i32
      %dma_start3A_563 = arith.constant 0 : i32
      %dma_start3A_564 = arith.constant 0 : i32
      %dma_start3A_565 = tpu.memref_slice %arg9[%dma_start3A_561, %dma_start3A_563, %dma_start3A_564] : memref<4x64x128xf32, #tpu.memory_space<vmem>> -> memref<1x64x128xf32, #tpu.memory_space<vmem>>
      %dma_start3A_566 = tpu.memref_squeeze %dma_start3A_565 : memref<1x64x128xf32, #tpu.memory_space<vmem>> -> memref<64x128xf32, #tpu.memory_space<vmem>>
      %dma_start3A_567 = arith.constant 0 : i32
      %dma_start3A_568 = tpu.memref_slice %arg8[%dma_start3A_562, %dma_start3A_567] : memref<40x64xi32, #tpu.memory_space<vmem>> -> memref<1x64xi32, #tpu.memory_space<vmem>>
      %dma_start3A_569 = tpu.memref_squeeze %dma_start3A_568 : memref<1x64xi32, #tpu.memory_space<vmem>> -> memref<64xi32, #tpu.memory_space<vmem>>
      %dma_start3A_570 = arith.constant 0 : i32
      %dma_start3A_571 = arith.constant 0 : i32
      %dma_start3A_572 = tpu.memref_slice %arg10[%dma_start3A_570, %dma_start3A_571] : memref<10240x128xf32, #tpu.memory_space<vmem_shared>> -> memref<10240x128xf32, #tpu.memory_space<vmem_shared>>
      tpu.enqueue_indirect_dma source(%dma_start3A_566 : memref<64x128xf32, #tpu.memory_space<vmem>>) target(%dma_start3A_572 : memref<10240x128xf32, #tpu.memory_space<vmem_shared>>) offsets(%dma_start3A_569 : memref<64xi32, #tpu.memory_space<vmem>>) semaphore(%arg17 : memref<!tpu.dma_semaphore, #tpu.memory_space<semaphore_mem>>) {add = true}
      %dma_wait3A_573 = arith.constant 2 : i32
      %dma_wait3A_574 = arith.constant 10 : i32
      %dma_wait3A_575 = arith.constant 0 : i32
      %dma_wait3A_576 = arith.constant 0 : i32
      %dma_wait3A_577 = tpu.memref_slice %arg9[%dma_wait3A_573, %dma_wait3A_575, %dma_wait3A_576] : memref<4x64x128xf32, #tpu.memory_space<vmem>> -> memref<1x64x128xf32, #tpu.memory_space<vmem>>
      %dma_wait3A_578 = tpu.memref_squeeze %dma_wait3A_577 : memref<1x64x128xf32, #tpu.memory_space<vmem>> -> memref<64x128xf32, #tpu.memory_space<vmem>>
      %dma_wait3A_579 = arith.constant 0 : i32
      %dma_wait3A_580 = tpu.memref_slice %arg8[%dma_wait3A_574, %dma_wait3A_579] : memref<40x64xi32, #tpu.memory_space<vmem>> -> memref<1x64xi32, #tpu.memory_space<vmem>>
      %dma_wait3A_581 = tpu.memref_squeeze %dma_wait3A_580 : memref<1x64xi32, #tpu.memory_space<vmem>> -> memref<64xi32, #tpu.memory_space<vmem>>
      %dma_wait3A_582 = arith.constant 0 : i32
      %dma_wait3A_583 = arith.constant 0 : i32
      %dma_wait3A_584 = tpu.memref_slice %arg10[%dma_wait3A_582, %dma_wait3A_583] : memref<10240x128xf32, #tpu.memory_space<vmem_shared>> -> memref<10240x128xf32, #tpu.memory_space<vmem_shared>>
      tpu.wait_indirect_dma semaphore(%arg17 : memref<!tpu.dma_semaphore, #tpu.memory_space<semaphore_mem>>) src(%dma_wait3A_578 : memref<64x128xf32, #tpu.memory_space<vmem>>) dst(%dma_wait3A_584 : memref<10240x128xf32, #tpu.memory_space<vmem_shared>>)
      %dma_start3A_585 = arith.constant 14 : i32
      %dma_start3A_586 = arith.constant 2 : i32
      %dma_start3A_587 = arith.constant 0 : i32
      %dma_start3A_588 = arith.constant 0 : i32
      %dma_start3A_589 = tpu.memref_slice %arg9[%dma_start3A_586, %dma_start3A_587, %dma_start3A_588] : memref<4x64x128xf32, #tpu.memory_space<vmem>> -> memref<1x64x128xf32, #tpu.memory_space<vmem>>
      %dma_start3A_590 = tpu.memref_squeeze %dma_start3A_589 : memref<1x64x128xf32, #tpu.memory_space<vmem>> -> memref<64x128xf32, #tpu.memory_space<vmem>>
      %dma_start3A_591 = arith.constant 0 : i32
      %dma_start3A_592 = tpu.memref_slice %arg7[%dma_start3A_585, %dma_start3A_591] : memref<40x64xi32, #tpu.memory_space<vmem>> -> memref<1x64xi32, #tpu.memory_space<vmem>>
      %dma_start3A_593 = tpu.memref_squeeze %dma_start3A_592 : memref<1x64xi32, #tpu.memory_space<vmem>> -> memref<64xi32, #tpu.memory_space<vmem>>
      %dma_start3A_594 = arith.constant 0 : i32
      %dma_start3A_595 = arith.constant 0 : i32
      %dma_start3A_596 = tpu.memref_slice %arg2[%dma_start3A_594, %dma_start3A_595] : memref<20000x128xf32, #tpu.memory_space<hbm>> -> memref<20000x128xf32, #tpu.memory_space<hbm>>
      tpu.enqueue_indirect_dma source(%dma_start3A_596 : memref<20000x128xf32, #tpu.memory_space<hbm>>) target(%dma_start3A_590 : memref<64x128xf32, #tpu.memory_space<vmem>>) offsets(%dma_start3A_593 : memref<64xi32, #tpu.memory_space<vmem>>) semaphore(%arg13 : memref<!tpu.dma_semaphore, #tpu.memory_space<semaphore_mem>>)
      %dma_wait3A_597 = arith.constant 11 : i32
      %dma_wait3A_598 = arith.constant 3 : i32
      %dma_wait3A_599 = arith.constant 0 : i32
      %dma_wait3A_600 = arith.constant 0 : i32
      %dma_wait3A_601 = tpu.memref_slice %arg9[%dma_wait3A_598, %dma_wait3A_599, %dma_wait3A_600] : memref<4x64x128xf32, #tpu.memory_space<vmem>> -> memref<1x64x128xf32, #tpu.memory_space<vmem>>
      %dma_wait3A_602 = tpu.memref_squeeze %dma_wait3A_601 : memref<1x64x128xf32, #tpu.memory_space<vmem>> -> memref<64x128xf32, #tpu.memory_space<vmem>>
      %dma_wait3A_603 = arith.constant 0 : i32
      %dma_wait3A_604 = tpu.memref_slice %arg7[%dma_wait3A_597, %dma_wait3A_603] : memref<40x64xi32, #tpu.memory_space<vmem>> -> memref<1x64xi32, #tpu.memory_space<vmem>>
      %dma_wait3A_605 = tpu.memref_squeeze %dma_wait3A_604 : memref<1x64xi32, #tpu.memory_space<vmem>> -> memref<64xi32, #tpu.memory_space<vmem>>
      %dma_wait3A_606 = arith.constant 0 : i32
      %dma_wait3A_607 = arith.constant 0 : i32
      %dma_wait3A_608 = tpu.memref_slice %arg2[%dma_wait3A_606, %dma_wait3A_607] : memref<20000x128xf32, #tpu.memory_space<hbm>> -> memref<20000x128xf32, #tpu.memory_space<hbm>>
      tpu.wait_indirect_dma semaphore(%arg14 : memref<!tpu.dma_semaphore, #tpu.memory_space<semaphore_mem>>) src(%dma_wait3A_608 : memref<20000x128xf32, #tpu.memory_space<hbm>>) dst(%dma_wait3A_602 : memref<64x128xf32, #tpu.memory_space<vmem>>)
      %dma_start3A_609 = arith.constant 3 : i32
      %dma_start3A_610 = arith.constant 11 : i32
      %dma_start3A_611 = arith.constant 0 : i32
      %dma_start3A_612 = arith.constant 0 : i32
      %dma_start3A_613 = tpu.memref_slice %arg9[%dma_start3A_609, %dma_start3A_611, %dma_start3A_612] : memref<4x64x128xf32, #tpu.memory_space<vmem>> -> memref<1x64x128xf32, #tpu.memory_space<vmem>>
      %dma_start3A_614 = tpu.memref_squeeze %dma_start3A_613 : memref<1x64x128xf32, #tpu.memory_space<vmem>> -> memref<64x128xf32, #tpu.memory_space<vmem>>
      %dma_start3A_615 = arith.constant 0 : i32
      %dma_start3A_616 = tpu.memref_slice %arg8[%dma_start3A_610, %dma_start3A_615] : memref<40x64xi32, #tpu.memory_space<vmem>> -> memref<1x64xi32, #tpu.memory_space<vmem>>
      %dma_start3A_617 = tpu.memref_squeeze %dma_start3A_616 : memref<1x64xi32, #tpu.memory_space<vmem>> -> memref<64xi32, #tpu.memory_space<vmem>>
      %dma_start3A_618 = arith.constant 0 : i32
      %dma_start3A_619 = arith.constant 0 : i32
      %dma_start3A_620 = tpu.memref_slice %arg10[%dma_start3A_618, %dma_start3A_619] : memref<10240x128xf32, #tpu.memory_space<vmem_shared>> -> memref<10240x128xf32, #tpu.memory_space<vmem_shared>>
      tpu.enqueue_indirect_dma source(%dma_start3A_614 : memref<64x128xf32, #tpu.memory_space<vmem>>) target(%dma_start3A_620 : memref<10240x128xf32, #tpu.memory_space<vmem_shared>>) offsets(%dma_start3A_617 : memref<64xi32, #tpu.memory_space<vmem>>) semaphore(%arg18 : memref<!tpu.dma_semaphore, #tpu.memory_space<semaphore_mem>>) {add = true}
      %dma_wait3A_621 = arith.constant 3 : i32
      %dma_wait3A_622 = arith.constant 11 : i32
      %dma_wait3A_623 = arith.constant 0 : i32
      %dma_wait3A_624 = arith.constant 0 : i32
      %dma_wait3A_625 = tpu.memref_slice %arg9[%dma_wait3A_621, %dma_wait3A_623, %dma_wait3A_624] : memref<4x64x128xf32, #tpu.memory_space<vmem>> -> memref<1x64x128xf32, #tpu.memory_space<vmem>>
      %dma_wait3A_626 = tpu.memref_squeeze %dma_wait3A_625 : memref<1x64x128xf32, #tpu.memory_space<vmem>> -> memref<64x128xf32, #tpu.memory_space<vmem>>
      %dma_wait3A_627 = arith.constant 0 : i32
      %dma_wait3A_628 = tpu.memref_slice %arg8[%dma_wait3A_622, %dma_wait3A_627] : memref<40x64xi32, #tpu.memory_space<vmem>> -> memref<1x64xi32, #tpu.memory_space<vmem>>
      %dma_wait3A_629 = tpu.memref_squeeze %dma_wait3A_628 : memref<1x64xi32, #tpu.memory_space<vmem>> -> memref<64xi32, #tpu.memory_space<vmem>>
      %dma_wait3A_630 = arith.constant 0 : i32
      %dma_wait3A_631 = arith.constant 0 : i32
      %dma_wait3A_632 = tpu.memref_slice %arg10[%dma_wait3A_630, %dma_wait3A_631] : memref<10240x128xf32, #tpu.memory_space<vmem_shared>> -> memref<10240x128xf32, #tpu.memory_space<vmem_shared>>
      tpu.wait_indirect_dma semaphore(%arg18 : memref<!tpu.dma_semaphore, #tpu.memory_space<semaphore_mem>>) src(%dma_wait3A_626 : memref<64x128xf32, #tpu.memory_space<vmem>>) dst(%dma_wait3A_632 : memref<10240x128xf32, #tpu.memory_space<vmem_shared>>)
      %dma_start3A_633 = arith.constant 15 : i32
      %dma_start3A_634 = arith.constant 3 : i32
      %dma_start3A_635 = arith.constant 0 : i32
      %dma_start3A_636 = arith.constant 0 : i32
      %dma_start3A_637 = tpu.memref_slice %arg9[%dma_start3A_634, %dma_start3A_635, %dma_start3A_636] : memref<4x64x128xf32, #tpu.memory_space<vmem>> -> memref<1x64x128xf32, #tpu.memory_space<vmem>>
      %dma_start3A_638 = tpu.memref_squeeze %dma_start3A_637 : memref<1x64x128xf32, #tpu.memory_space<vmem>> -> memref<64x128xf32, #tpu.memory_space<vmem>>
      %dma_start3A_639 = arith.constant 0 : i32
      %dma_start3A_640 = tpu.memref_slice %arg7[%dma_start3A_633, %dma_start3A_639] : memref<40x64xi32, #tpu.memory_space<vmem>> -> memref<1x64xi32, #tpu.memory_space<vmem>>
      %dma_start3A_641 = tpu.memref_squeeze %dma_start3A_640 : memref<1x64xi32, #tpu.memory_space<vmem>> -> memref<64xi32, #tpu.memory_space<vmem>>
      %dma_start3A_642 = arith.constant 0 : i32
      %dma_start3A_643 = arith.constant 0 : i32
      %dma_start3A_644 = tpu.memref_slice %arg2[%dma_start3A_642, %dma_start3A_643] : memref<20000x128xf32, #tpu.memory_space<hbm>> -> memref<20000x128xf32, #tpu.memory_space<hbm>>
      tpu.enqueue_indirect_dma source(%dma_start3A_644 : memref<20000x128xf32, #tpu.memory_space<hbm>>) target(%dma_start3A_638 : memref<64x128xf32, #tpu.memory_space<vmem>>) offsets(%dma_start3A_641 : memref<64xi32, #tpu.memory_space<vmem>>) semaphore(%arg14 : memref<!tpu.dma_semaphore, #tpu.memory_space<semaphore_mem>>)
      %dma_wait3A_645 = arith.constant 12 : i32
      %dma_wait3A_646 = arith.constant 0 : i32
      %dma_wait3A_647 = arith.constant 0 : i32
      %dma_wait3A_648 = arith.constant 0 : i32
      %dma_wait3A_649 = tpu.memref_slice %arg9[%dma_wait3A_646, %dma_wait3A_647, %dma_wait3A_648] : memref<4x64x128xf32, #tpu.memory_space<vmem>> -> memref<1x64x128xf32, #tpu.memory_space<vmem>>
      %dma_wait3A_650 = tpu.memref_squeeze %dma_wait3A_649 : memref<1x64x128xf32, #tpu.memory_space<vmem>> -> memref<64x128xf32, #tpu.memory_space<vmem>>
      %dma_wait3A_651 = arith.constant 0 : i32
      %dma_wait3A_652 = tpu.memref_slice %arg7[%dma_wait3A_645, %dma_wait3A_651] : memref<40x64xi32, #tpu.memory_space<vmem>> -> memref<1x64xi32, #tpu.memory_space<vmem>>
      %dma_wait3A_653 = tpu.memref_squeeze %dma_wait3A_652 : memref<1x64xi32, #tpu.memory_space<vmem>> -> memref<64xi32, #tpu.memory_space<vmem>>
      %dma_wait3A_654 = arith.constant 0 : i32
      %dma_wait3A_655 = arith.constant 0 : i32
      %dma_wait3A_656 = tpu.memref_slice %arg2[%dma_wait3A_654, %dma_wait3A_655] : memref<20000x128xf32, #tpu.memory_space<hbm>> -> memref<20000x128xf32, #tpu.memory_space<hbm>>
      tpu.wait_indirect_dma semaphore(%arg11 : memref<!tpu.dma_semaphore, #tpu.memory_space<semaphore_mem>>) src(%dma_wait3A_656 : memref<20000x128xf32, #tpu.memory_space<hbm>>) dst(%dma_wait3A_650 : memref<64x128xf32, #tpu.memory_space<vmem>>)
      %dma_start3A_657 = arith.constant 0 : i32
      %dma_start3A_658 = arith.constant 12 : i32
      %dma_start3A_659 = arith.constant 0 : i32
      %dma_start3A_660 = arith.constant 0 : i32
      %dma_start3A_661 = tpu.memref_slice %arg9[%dma_start3A_657, %dma_start3A_659, %dma_start3A_660] : memref<4x64x128xf32, #tpu.memory_space<vmem>> -> memref<1x64x128xf32, #tpu.memory_space<vmem>>
      %dma_start3A_662 = tpu.memref_squeeze %dma_start3A_661 : memref<1x64x128xf32, #tpu.memory_space<vmem>> -> memref<64x128xf32, #tpu.memory_space<vmem>>
      %dma_start3A_663 = arith.constant 0 : i32
      %dma_start3A_664 = tpu.memref_slice %arg8[%dma_start3A_658, %dma_start3A_663] : memref<40x64xi32, #tpu.memory_space<vmem>> -> memref<1x64xi32, #tpu.memory_space<vmem>>
      %dma_start3A_665 = tpu.memref_squeeze %dma_start3A_664 : memref<1x64xi32, #tpu.memory_space<vmem>> -> memref<64xi32, #tpu.memory_space<vmem>>
      %dma_start3A_666 = arith.constant 0 : i32
      %dma_start3A_667 = arith.constant 0 : i32
      %dma_start3A_668 = tpu.memref_slice %arg10[%dma_start3A_666, %dma_start3A_667] : memref<10240x128xf32, #tpu.memory_space<vmem_shared>> -> memref<10240x128xf32, #tpu.memory_space<vmem_shared>>
      tpu.enqueue_indirect_dma source(%dma_start3A_662 : memref<64x128xf32, #tpu.memory_space<vmem>>) target(%dma_start3A_668 : memref<10240x128xf32, #tpu.memory_space<vmem_shared>>) offsets(%dma_start3A_665 : memref<64xi32, #tpu.memory_space<vmem>>) semaphore(%arg15 : memref<!tpu.dma_semaphore, #tpu.memory_space<semaphore_mem>>) {add = true}
      %dma_wait3A_669 = arith.constant 0 : i32
      %dma_wait3A_670 = arith.constant 12 : i32
      %dma_wait3A_671 = arith.constant 0 : i32
      %dma_wait3A_672 = arith.constant 0 : i32
      %dma_wait3A_673 = tpu.memref_slice %arg9[%dma_wait3A_669, %dma_wait3A_671, %dma_wait3A_672] : memref<4x64x128xf32, #tpu.memory_space<vmem>> -> memref<1x64x128xf32, #tpu.memory_space<vmem>>
      %dma_wait3A_674 = tpu.memref_squeeze %dma_wait3A_673 : memref<1x64x128xf32, #tpu.memory_space<vmem>> -> memref<64x128xf32, #tpu.memory_space<vmem>>
      %dma_wait3A_675 = arith.constant 0 : i32
      %dma_wait3A_676 = tpu.memref_slice %arg8[%dma_wait3A_670, %dma_wait3A_675] : memref<40x64xi32, #tpu.memory_space<vmem>> -> memref<1x64xi32, #tpu.memory_space<vmem>>
      %dma_wait3A_677 = tpu.memref_squeeze %dma_wait3A_676 : memref<1x64xi32, #tpu.memory_space<vmem>> -> memref<64xi32, #tpu.memory_space<vmem>>
      %dma_wait3A_678 = arith.constant 0 : i32
      %dma_wait3A_679 = arith.constant 0 : i32
      %dma_wait3A_680 = tpu.memref_slice %arg10[%dma_wait3A_678, %dma_wait3A_679] : memref<10240x128xf32, #tpu.memory_space<vmem_shared>> -> memref<10240x128xf32, #tpu.memory_space<vmem_shared>>
      tpu.wait_indirect_dma semaphore(%arg15 : memref<!tpu.dma_semaphore, #tpu.memory_space<semaphore_mem>>) src(%dma_wait3A_674 : memref<64x128xf32, #tpu.memory_space<vmem>>) dst(%dma_wait3A_680 : memref<10240x128xf32, #tpu.memory_space<vmem_shared>>)
      %dma_start3A_681 = arith.constant 16 : i32
      %dma_start3A_682 = arith.constant 0 : i32
      %dma_start3A_683 = arith.constant 0 : i32
      %dma_start3A_684 = arith.constant 0 : i32
      %dma_start3A_685 = tpu.memref_slice %arg9[%dma_start3A_682, %dma_start3A_683, %dma_start3A_684] : memref<4x64x128xf32, #tpu.memory_space<vmem>> -> memref<1x64x128xf32, #tpu.memory_space<vmem>>
      %dma_start3A_686 = tpu.memref_squeeze %dma_start3A_685 : memref<1x64x128xf32, #tpu.memory_space<vmem>> -> memref<64x128xf32, #tpu.memory_space<vmem>>
      %dma_start3A_687 = arith.constant 0 : i32
      %dma_start3A_688 = tpu.memref_slice %arg7[%dma_start3A_681, %dma_start3A_687] : memref<40x64xi32, #tpu.memory_space<vmem>> -> memref<1x64xi32, #tpu.memory_space<vmem>>
      %dma_start3A_689 = tpu.memref_squeeze %dma_start3A_688 : memref<1x64xi32, #tpu.memory_space<vmem>> -> memref<64xi32, #tpu.memory_space<vmem>>
      %dma_start3A_690 = arith.constant 0 : i32
      %dma_start3A_691 = arith.constant 0 : i32
      %dma_start3A_692 = tpu.memref_slice %arg2[%dma_start3A_690, %dma_start3A_691] : memref<20000x128xf32, #tpu.memory_space<hbm>> -> memref<20000x128xf32, #tpu.memory_space<hbm>>
      tpu.enqueue_indirect_dma source(%dma_start3A_692 : memref<20000x128xf32, #tpu.memory_space<hbm>>) target(%dma_start3A_686 : memref<64x128xf32, #tpu.memory_space<vmem>>) offsets(%dma_start3A_689 : memref<64xi32, #tpu.memory_space<vmem>>) semaphore(%arg11 : memref<!tpu.dma_semaphore, #tpu.memory_space<semaphore_mem>>)
      %dma_wait3A_693 = arith.constant 13 : i32
      %dma_wait3A_694 = arith.constant 1 : i32
      %dma_wait3A_695 = arith.constant 0 : i32
      %dma_wait3A_696 = arith.constant 0 : i32
      %dma_wait3A_697 = tpu.memref_slice %arg9[%dma_wait3A_694, %dma_wait3A_695, %dma_wait3A_696] : memref<4x64x128xf32, #tpu.memory_space<vmem>> -> memref<1x64x128xf32, #tpu.memory_space<vmem>>
      %dma_wait3A_698 = tpu.memref_squeeze %dma_wait3A_697 : memref<1x64x128xf32, #tpu.memory_space<vmem>> -> memref<64x128xf32, #tpu.memory_space<vmem>>
      %dma_wait3A_699 = arith.constant 0 : i32
      %dma_wait3A_700 = tpu.memref_slice %arg7[%dma_wait3A_693, %dma_wait3A_699] : memref<40x64xi32, #tpu.memory_space<vmem>> -> memref<1x64xi32, #tpu.memory_space<vmem>>
      %dma_wait3A_701 = tpu.memref_squeeze %dma_wait3A_700 : memref<1x64xi32, #tpu.memory_space<vmem>> -> memref<64xi32, #tpu.memory_space<vmem>>
      %dma_wait3A_702 = arith.constant 0 : i32
      %dma_wait3A_703 = arith.constant 0 : i32
      %dma_wait3A_704 = tpu.memref_slice %arg2[%dma_wait3A_702, %dma_wait3A_703] : memref<20000x128xf32, #tpu.memory_space<hbm>> -> memref<20000x128xf32, #tpu.memory_space<hbm>>
      tpu.wait_indirect_dma semaphore(%arg12 : memref<!tpu.dma_semaphore, #tpu.memory_space<semaphore_mem>>) src(%dma_wait3A_704 : memref<20000x128xf32, #tpu.memory_space<hbm>>) dst(%dma_wait3A_698 : memref<64x128xf32, #tpu.memory_space<vmem>>)
      %dma_start3A_705 = arith.constant 1 : i32
      %dma_start3A_706 = arith.constant 13 : i32
      %dma_start3A_707 = arith.constant 0 : i32
      %dma_start3A_708 = arith.constant 0 : i32
      %dma_start3A_709 = tpu.memref_slice %arg9[%dma_start3A_705, %dma_start3A_707, %dma_start3A_708] : memref<4x64x128xf32, #tpu.memory_space<vmem>> -> memref<1x64x128xf32, #tpu.memory_space<vmem>>
      %dma_start3A_710 = tpu.memref_squeeze %dma_start3A_709 : memref<1x64x128xf32, #tpu.memory_space<vmem>> -> memref<64x128xf32, #tpu.memory_space<vmem>>
      %dma_start3A_711 = arith.constant 0 : i32
      %dma_start3A_712 = tpu.memref_slice %arg8[%dma_start3A_706, %dma_start3A_711] : memref<40x64xi32, #tpu.memory_space<vmem>> -> memref<1x64xi32, #tpu.memory_space<vmem>>
      %dma_start3A_713 = tpu.memref_squeeze %dma_start3A_712 : memref<1x64xi32, #tpu.memory_space<vmem>> -> memref<64xi32, #tpu.memory_space<vmem>>
      %dma_start3A_714 = arith.constant 0 : i32
      %dma_start3A_715 = arith.constant 0 : i32
      %dma_start3A_716 = tpu.memref_slice %arg10[%dma_start3A_714, %dma_start3A_715] : memref<10240x128xf32, #tpu.memory_space<vmem_shared>> -> memref<10240x128xf32, #tpu.memory_space<vmem_shared>>
      tpu.enqueue_indirect_dma source(%dma_start3A_710 : memref<64x128xf32, #tpu.memory_space<vmem>>) target(%dma_start3A_716 : memref<10240x128xf32, #tpu.memory_space<vmem_shared>>) offsets(%dma_start3A_713 : memref<64xi32, #tpu.memory_space<vmem>>) semaphore(%arg16 : memref<!tpu.dma_semaphore, #tpu.memory_space<semaphore_mem>>) {add = true}
      %dma_wait3A_717 = arith.constant 1 : i32
      %dma_wait3A_718 = arith.constant 13 : i32
      %dma_wait3A_719 = arith.constant 0 : i32
      %dma_wait3A_720 = arith.constant 0 : i32
      %dma_wait3A_721 = tpu.memref_slice %arg9[%dma_wait3A_717, %dma_wait3A_719, %dma_wait3A_720] : memref<4x64x128xf32, #tpu.memory_space<vmem>> -> memref<1x64x128xf32, #tpu.memory_space<vmem>>
      %dma_wait3A_722 = tpu.memref_squeeze %dma_wait3A_721 : memref<1x64x128xf32, #tpu.memory_space<vmem>> -> memref<64x128xf32, #tpu.memory_space<vmem>>
      %dma_wait3A_723 = arith.constant 0 : i32
      %dma_wait3A_724 = tpu.memref_slice %arg8[%dma_wait3A_718, %dma_wait3A_723] : memref<40x64xi32, #tpu.memory_space<vmem>> -> memref<1x64xi32, #tpu.memory_space<vmem>>
      %dma_wait3A_725 = tpu.memref_squeeze %dma_wait3A_724 : memref<1x64xi32, #tpu.memory_space<vmem>> -> memref<64xi32, #tpu.memory_space<vmem>>
      %dma_wait3A_726 = arith.constant 0 : i32
      %dma_wait3A_727 = arith.constant 0 : i32
      %dma_wait3A_728 = tpu.memref_slice %arg10[%dma_wait3A_726, %dma_wait3A_727] : memref<10240x128xf32, #tpu.memory_space<vmem_shared>> -> memref<10240x128xf32, #tpu.memory_space<vmem_shared>>
      tpu.wait_indirect_dma semaphore(%arg16 : memref<!tpu.dma_semaphore, #tpu.memory_space<semaphore_mem>>) src(%dma_wait3A_722 : memref<64x128xf32, #tpu.memory_space<vmem>>) dst(%dma_wait3A_728 : memref<10240x128xf32, #tpu.memory_space<vmem_shared>>)
      %dma_start3A_729 = arith.constant 17 : i32
      %dma_start3A_730 = arith.constant 1 : i32
      %dma_start3A_731 = arith.constant 0 : i32
      %dma_start3A_732 = arith.constant 0 : i32
      %dma_start3A_733 = tpu.memref_slice %arg9[%dma_start3A_730, %dma_start3A_731, %dma_start3A_732] : memref<4x64x128xf32, #tpu.memory_space<vmem>> -> memref<1x64x128xf32, #tpu.memory_space<vmem>>
      %dma_start3A_734 = tpu.memref_squeeze %dma_start3A_733 : memref<1x64x128xf32, #tpu.memory_space<vmem>> -> memref<64x128xf32, #tpu.memory_space<vmem>>
      %dma_start3A_735 = arith.constant 0 : i32
      %dma_start3A_736 = tpu.memref_slice %arg7[%dma_start3A_729, %dma_start3A_735] : memref<40x64xi32, #tpu.memory_space<vmem>> -> memref<1x64xi32, #tpu.memory_space<vmem>>
      %dma_start3A_737 = tpu.memref_squeeze %dma_start3A_736 : memref<1x64xi32, #tpu.memory_space<vmem>> -> memref<64xi32, #tpu.memory_space<vmem>>
      %dma_start3A_738 = arith.constant 0 : i32
      %dma_start3A_739 = arith.constant 0 : i32
      %dma_start3A_740 = tpu.memref_slice %arg2[%dma_start3A_738, %dma_start3A_739] : memref<20000x128xf32, #tpu.memory_space<hbm>> -> memref<20000x128xf32, #tpu.memory_space<hbm>>
      tpu.enqueue_indirect_dma source(%dma_start3A_740 : memref<20000x128xf32, #tpu.memory_space<hbm>>) target(%dma_start3A_734 : memref<64x128xf32, #tpu.memory_space<vmem>>) offsets(%dma_start3A_737 : memref<64xi32, #tpu.memory_space<vmem>>) semaphore(%arg12 : memref<!tpu.dma_semaphore, #tpu.memory_space<semaphore_mem>>)
      %dma_wait3A_741 = arith.constant 14 : i32
      %dma_wait3A_742 = arith.constant 2 : i32
      %dma_wait3A_743 = arith.constant 0 : i32
      %dma_wait3A_744 = arith.constant 0 : i32
      %dma_wait3A_745 = tpu.memref_slice %arg9[%dma_wait3A_742, %dma_wait3A_743, %dma_wait3A_744] : memref<4x64x128xf32, #tpu.memory_space<vmem>> -> memref<1x64x128xf32, #tpu.memory_space<vmem>>
      %dma_wait3A_746 = tpu.memref_squeeze %dma_wait3A_745 : memref<1x64x128xf32, #tpu.memory_space<vmem>> -> memref<64x128xf32, #tpu.memory_space<vmem>>
      %dma_wait3A_747 = arith.constant 0 : i32
      %dma_wait3A_748 = tpu.memref_slice %arg7[%dma_wait3A_741, %dma_wait3A_747] : memref<40x64xi32, #tpu.memory_space<vmem>> -> memref<1x64xi32, #tpu.memory_space<vmem>>
      %dma_wait3A_749 = tpu.memref_squeeze %dma_wait3A_748 : memref<1x64xi32, #tpu.memory_space<vmem>> -> memref<64xi32, #tpu.memory_space<vmem>>
      %dma_wait3A_750 = arith.constant 0 : i32
      %dma_wait3A_751 = arith.constant 0 : i32
      %dma_wait3A_752 = tpu.memref_slice %arg2[%dma_wait3A_750, %dma_wait3A_751] : memref<20000x128xf32, #tpu.memory_space<hbm>> -> memref<20000x128xf32, #tpu.memory_space<hbm>>
      tpu.wait_indirect_dma semaphore(%arg13 : memref<!tpu.dma_semaphore, #tpu.memory_space<semaphore_mem>>) src(%dma_wait3A_752 : memref<20000x128xf32, #tpu.memory_space<hbm>>) dst(%dma_wait3A_746 : memref<64x128xf32, #tpu.memory_space<vmem>>)
      %dma_start3A_753 = arith.constant 2 : i32
      %dma_start3A_754 = arith.constant 14 : i32
      %dma_start3A_755 = arith.constant 0 : i32
      %dma_start3A_756 = arith.constant 0 : i32
      %dma_start3A_757 = tpu.memref_slice %arg9[%dma_start3A_753, %dma_start3A_755, %dma_start3A_756] : memref<4x64x128xf32, #tpu.memory_space<vmem>> -> memref<1x64x128xf32, #tpu.memory_space<vmem>>
      %dma_start3A_758 = tpu.memref_squeeze %dma_start3A_757 : memref<1x64x128xf32, #tpu.memory_space<vmem>> -> memref<64x128xf32, #tpu.memory_space<vmem>>
      %dma_start3A_759 = arith.constant 0 : i32
      %dma_start3A_760 = tpu.memref_slice %arg8[%dma_start3A_754, %dma_start3A_759] : memref<40x64xi32, #tpu.memory_space<vmem>> -> memref<1x64xi32, #tpu.memory_space<vmem>>
      %dma_start3A_761 = tpu.memref_squeeze %dma_start3A_760 : memref<1x64xi32, #tpu.memory_space<vmem>> -> memref<64xi32, #tpu.memory_space<vmem>>
      %dma_start3A_762 = arith.constant 0 : i32
      %dma_start3A_763 = arith.constant 0 : i32
      %dma_start3A_764 = tpu.memref_slice %arg10[%dma_start3A_762, %dma_start3A_763] : memref<10240x128xf32, #tpu.memory_space<vmem_shared>> -> memref<10240x128xf32, #tpu.memory_space<vmem_shared>>
      tpu.enqueue_indirect_dma source(%dma_start3A_758 : memref<64x128xf32, #tpu.memory_space<vmem>>) target(%dma_start3A_764 : memref<10240x128xf32, #tpu.memory_space<vmem_shared>>) offsets(%dma_start3A_761 : memref<64xi32, #tpu.memory_space<vmem>>) semaphore(%arg17 : memref<!tpu.dma_semaphore, #tpu.memory_space<semaphore_mem>>) {add = true}
      %dma_wait3A_765 = arith.constant 2 : i32
      %dma_wait3A_766 = arith.constant 14 : i32
      %dma_wait3A_767 = arith.constant 0 : i32
      %dma_wait3A_768 = arith.constant 0 : i32
      %dma_wait3A_769 = tpu.memref_slice %arg9[%dma_wait3A_765, %dma_wait3A_767, %dma_wait3A_768] : memref<4x64x128xf32, #tpu.memory_space<vmem>> -> memref<1x64x128xf32, #tpu.memory_space<vmem>>
      %dma_wait3A_770 = tpu.memref_squeeze %dma_wait3A_769 : memref<1x64x128xf32, #tpu.memory_space<vmem>> -> memref<64x128xf32, #tpu.memory_space<vmem>>
      %dma_wait3A_771 = arith.constant 0 : i32
      %dma_wait3A_772 = tpu.memref_slice %arg8[%dma_wait3A_766, %dma_wait3A_771] : memref<40x64xi32, #tpu.memory_space<vmem>> -> memref<1x64xi32, #tpu.memory_space<vmem>>
      %dma_wait3A_773 = tpu.memref_squeeze %dma_wait3A_772 : memref<1x64xi32, #tpu.memory_space<vmem>> -> memref<64xi32, #tpu.memory_space<vmem>>
      %dma_wait3A_774 = arith.constant 0 : i32
      %dma_wait3A_775 = arith.constant 0 : i32
      %dma_wait3A_776 = tpu.memref_slice %arg10[%dma_wait3A_774, %dma_wait3A_775] : memref<10240x128xf32, #tpu.memory_space<vmem_shared>> -> memref<10240x128xf32, #tpu.memory_space<vmem_shared>>
      tpu.wait_indirect_dma semaphore(%arg17 : memref<!tpu.dma_semaphore, #tpu.memory_space<semaphore_mem>>) src(%dma_wait3A_770 : memref<64x128xf32, #tpu.memory_space<vmem>>) dst(%dma_wait3A_776 : memref<10240x128xf32, #tpu.memory_space<vmem_shared>>)
      %dma_start3A_777 = arith.constant 18 : i32
      %dma_start3A_778 = arith.constant 2 : i32
      %dma_start3A_779 = arith.constant 0 : i32
      %dma_start3A_780 = arith.constant 0 : i32
      %dma_start3A_781 = tpu.memref_slice %arg9[%dma_start3A_778, %dma_start3A_779, %dma_start3A_780] : memref<4x64x128xf32, #tpu.memory_space<vmem>> -> memref<1x64x128xf32, #tpu.memory_space<vmem>>
      %dma_start3A_782 = tpu.memref_squeeze %dma_start3A_781 : memref<1x64x128xf32, #tpu.memory_space<vmem>> -> memref<64x128xf32, #tpu.memory_space<vmem>>
      %dma_start3A_783 = arith.constant 0 : i32
      %dma_start3A_784 = tpu.memref_slice %arg7[%dma_start3A_777, %dma_start3A_783] : memref<40x64xi32, #tpu.memory_space<vmem>> -> memref<1x64xi32, #tpu.memory_space<vmem>>
      %dma_start3A_785 = tpu.memref_squeeze %dma_start3A_784 : memref<1x64xi32, #tpu.memory_space<vmem>> -> memref<64xi32, #tpu.memory_space<vmem>>
      %dma_start3A_786 = arith.constant 0 : i32
      %dma_start3A_787 = arith.constant 0 : i32
      %dma_start3A_788 = tpu.memref_slice %arg2[%dma_start3A_786, %dma_start3A_787] : memref<20000x128xf32, #tpu.memory_space<hbm>> -> memref<20000x128xf32, #tpu.memory_space<hbm>>
      tpu.enqueue_indirect_dma source(%dma_start3A_788 : memref<20000x128xf32, #tpu.memory_space<hbm>>) target(%dma_start3A_782 : memref<64x128xf32, #tpu.memory_space<vmem>>) offsets(%dma_start3A_785 : memref<64xi32, #tpu.memory_space<vmem>>) semaphore(%arg13 : memref<!tpu.dma_semaphore, #tpu.memory_space<semaphore_mem>>)
      %dma_wait3A_789 = arith.constant 15 : i32
      %dma_wait3A_790 = arith.constant 3 : i32
      %dma_wait3A_791 = arith.constant 0 : i32
      %dma_wait3A_792 = arith.constant 0 : i32
      %dma_wait3A_793 = tpu.memref_slice %arg9[%dma_wait3A_790, %dma_wait3A_791, %dma_wait3A_792] : memref<4x64x128xf32, #tpu.memory_space<vmem>> -> memref<1x64x128xf32, #tpu.memory_space<vmem>>
      %dma_wait3A_794 = tpu.memref_squeeze %dma_wait3A_793 : memref<1x64x128xf32, #tpu.memory_space<vmem>> -> memref<64x128xf32, #tpu.memory_space<vmem>>
      %dma_wait3A_795 = arith.constant 0 : i32
      %dma_wait3A_796 = tpu.memref_slice %arg7[%dma_wait3A_789, %dma_wait3A_795] : memref<40x64xi32, #tpu.memory_space<vmem>> -> memref<1x64xi32, #tpu.memory_space<vmem>>
      %dma_wait3A_797 = tpu.memref_squeeze %dma_wait3A_796 : memref<1x64xi32, #tpu.memory_space<vmem>> -> memref<64xi32, #tpu.memory_space<vmem>>
      %dma_wait3A_798 = arith.constant 0 : i32
      %dma_wait3A_799 = arith.constant 0 : i32
      %dma_wait3A_800 = tpu.memref_slice %arg2[%dma_wait3A_798, %dma_wait3A_799] : memref<20000x128xf32, #tpu.memory_space<hbm>> -> memref<20000x128xf32, #tpu.memory_space<hbm>>
      tpu.wait_indirect_dma semaphore(%arg14 : memref<!tpu.dma_semaphore, #tpu.memory_space<semaphore_mem>>) src(%dma_wait3A_800 : memref<20000x128xf32, #tpu.memory_space<hbm>>) dst(%dma_wait3A_794 : memref<64x128xf32, #tpu.memory_space<vmem>>)
      %dma_start3A_801 = arith.constant 3 : i32
      %dma_start3A_802 = arith.constant 15 : i32
      %dma_start3A_803 = arith.constant 0 : i32
      %dma_start3A_804 = arith.constant 0 : i32
      %dma_start3A_805 = tpu.memref_slice %arg9[%dma_start3A_801, %dma_start3A_803, %dma_start3A_804] : memref<4x64x128xf32, #tpu.memory_space<vmem>> -> memref<1x64x128xf32, #tpu.memory_space<vmem>>
      %dma_start3A_806 = tpu.memref_squeeze %dma_start3A_805 : memref<1x64x128xf32, #tpu.memory_space<vmem>> -> memref<64x128xf32, #tpu.memory_space<vmem>>
      %dma_start3A_807 = arith.constant 0 : i32
      %dma_start3A_808 = tpu.memref_slice %arg8[%dma_start3A_802, %dma_start3A_807] : memref<40x64xi32, #tpu.memory_space<vmem>> -> memref<1x64xi32, #tpu.memory_space<vmem>>
      %dma_start3A_809 = tpu.memref_squeeze %dma_start3A_808 : memref<1x64xi32, #tpu.memory_space<vmem>> -> memref<64xi32, #tpu.memory_space<vmem>>
      %dma_start3A_810 = arith.constant 0 : i32
      %dma_start3A_811 = arith.constant 0 : i32
      %dma_start3A_812 = tpu.memref_slice %arg10[%dma_start3A_810, %dma_start3A_811] : memref<10240x128xf32, #tpu.memory_space<vmem_shared>> -> memref<10240x128xf32, #tpu.memory_space<vmem_shared>>
      tpu.enqueue_indirect_dma source(%dma_start3A_806 : memref<64x128xf32, #tpu.memory_space<vmem>>) target(%dma_start3A_812 : memref<10240x128xf32, #tpu.memory_space<vmem_shared>>) offsets(%dma_start3A_809 : memref<64xi32, #tpu.memory_space<vmem>>) semaphore(%arg18 : memref<!tpu.dma_semaphore, #tpu.memory_space<semaphore_mem>>) {add = true}
      %dma_wait3A_813 = arith.constant 3 : i32
      %dma_wait3A_814 = arith.constant 15 : i32
      %dma_wait3A_815 = arith.constant 0 : i32
      %dma_wait3A_816 = arith.constant 0 : i32
      %dma_wait3A_817 = tpu.memref_slice %arg9[%dma_wait3A_813, %dma_wait3A_815, %dma_wait3A_816] : memref<4x64x128xf32, #tpu.memory_space<vmem>> -> memref<1x64x128xf32, #tpu.memory_space<vmem>>
      %dma_wait3A_818 = tpu.memref_squeeze %dma_wait3A_817 : memref<1x64x128xf32, #tpu.memory_space<vmem>> -> memref<64x128xf32, #tpu.memory_space<vmem>>
      %dma_wait3A_819 = arith.constant 0 : i32
      %dma_wait3A_820 = tpu.memref_slice %arg8[%dma_wait3A_814, %dma_wait3A_819] : memref<40x64xi32, #tpu.memory_space<vmem>> -> memref<1x64xi32, #tpu.memory_space<vmem>>
      %dma_wait3A_821 = tpu.memref_squeeze %dma_wait3A_820 : memref<1x64xi32, #tpu.memory_space<vmem>> -> memref<64xi32, #tpu.memory_space<vmem>>
      %dma_wait3A_822 = arith.constant 0 : i32
      %dma_wait3A_823 = arith.constant 0 : i32
      %dma_wait3A_824 = tpu.memref_slice %arg10[%dma_wait3A_822, %dma_wait3A_823] : memref<10240x128xf32, #tpu.memory_space<vmem_shared>> -> memref<10240x128xf32, #tpu.memory_space<vmem_shared>>
      tpu.wait_indirect_dma semaphore(%arg18 : memref<!tpu.dma_semaphore, #tpu.memory_space<semaphore_mem>>) src(%dma_wait3A_818 : memref<64x128xf32, #tpu.memory_space<vmem>>) dst(%dma_wait3A_824 : memref<10240x128xf32, #tpu.memory_space<vmem_shared>>)
      %dma_start3A_825 = arith.constant 19 : i32
      %dma_start3A_826 = arith.constant 3 : i32
      %dma_start3A_827 = arith.constant 0 : i32
      %dma_start3A_828 = arith.constant 0 : i32
      %dma_start3A_829 = tpu.memref_slice %arg9[%dma_start3A_826, %dma_start3A_827, %dma_start3A_828] : memref<4x64x128xf32, #tpu.memory_space<vmem>> -> memref<1x64x128xf32, #tpu.memory_space<vmem>>
      %dma_start3A_830 = tpu.memref_squeeze %dma_start3A_829 : memref<1x64x128xf32, #tpu.memory_space<vmem>> -> memref<64x128xf32, #tpu.memory_space<vmem>>
      %dma_start3A_831 = arith.constant 0 : i32
      %dma_start3A_832 = tpu.memref_slice %arg7[%dma_start3A_825, %dma_start3A_831] : memref<40x64xi32, #tpu.memory_space<vmem>> -> memref<1x64xi32, #tpu.memory_space<vmem>>
      %dma_start3A_833 = tpu.memref_squeeze %dma_start3A_832 : memref<1x64xi32, #tpu.memory_space<vmem>> -> memref<64xi32, #tpu.memory_space<vmem>>
      %dma_start3A_834 = arith.constant 0 : i32
      %dma_start3A_835 = arith.constant 0 : i32
      %dma_start3A_836 = tpu.memref_slice %arg2[%dma_start3A_834, %dma_start3A_835] : memref<20000x128xf32, #tpu.memory_space<hbm>> -> memref<20000x128xf32, #tpu.memory_space<hbm>>
      tpu.enqueue_indirect_dma source(%dma_start3A_836 : memref<20000x128xf32, #tpu.memory_space<hbm>>) target(%dma_start3A_830 : memref<64x128xf32, #tpu.memory_space<vmem>>) offsets(%dma_start3A_833 : memref<64xi32, #tpu.memory_space<vmem>>) semaphore(%arg14 : memref<!tpu.dma_semaphore, #tpu.memory_space<semaphore_mem>>)
      %dma_wait3A_837 = arith.constant 16 : i32
      %dma_wait3A_838 = arith.constant 0 : i32
      %dma_wait3A_839 = arith.constant 0 : i32
      %dma_wait3A_840 = arith.constant 0 : i32
      %dma_wait3A_841 = tpu.memref_slice %arg9[%dma_wait3A_838, %dma_wait3A_839, %dma_wait3A_840] : memref<4x64x128xf32, #tpu.memory_space<vmem>> -> memref<1x64x128xf32, #tpu.memory_space<vmem>>
      %dma_wait3A_842 = tpu.memref_squeeze %dma_wait3A_841 : memref<1x64x128xf32, #tpu.memory_space<vmem>> -> memref<64x128xf32, #tpu.memory_space<vmem>>
      %dma_wait3A_843 = arith.constant 0 : i32
      %dma_wait3A_844 = tpu.memref_slice %arg7[%dma_wait3A_837, %dma_wait3A_843] : memref<40x64xi32, #tpu.memory_space<vmem>> -> memref<1x64xi32, #tpu.memory_space<vmem>>
      %dma_wait3A_845 = tpu.memref_squeeze %dma_wait3A_844 : memref<1x64xi32, #tpu.memory_space<vmem>> -> memref<64xi32, #tpu.memory_space<vmem>>
      %dma_wait3A_846 = arith.constant 0 : i32
      %dma_wait3A_847 = arith.constant 0 : i32
      %dma_wait3A_848 = tpu.memref_slice %arg2[%dma_wait3A_846, %dma_wait3A_847] : memref<20000x128xf32, #tpu.memory_space<hbm>> -> memref<20000x128xf32, #tpu.memory_space<hbm>>
      tpu.wait_indirect_dma semaphore(%arg11 : memref<!tpu.dma_semaphore, #tpu.memory_space<semaphore_mem>>) src(%dma_wait3A_848 : memref<20000x128xf32, #tpu.memory_space<hbm>>) dst(%dma_wait3A_842 : memref<64x128xf32, #tpu.memory_space<vmem>>)
      %dma_start3A_849 = arith.constant 0 : i32
      %dma_start3A_850 = arith.constant 16 : i32
      %dma_start3A_851 = arith.constant 0 : i32
      %dma_start3A_852 = arith.constant 0 : i32
      %dma_start3A_853 = tpu.memref_slice %arg9[%dma_start3A_849, %dma_start3A_851, %dma_start3A_852] : memref<4x64x128xf32, #tpu.memory_space<vmem>> -> memref<1x64x128xf32, #tpu.memory_space<vmem>>
      %dma_start3A_854 = tpu.memref_squeeze %dma_start3A_853 : memref<1x64x128xf32, #tpu.memory_space<vmem>> -> memref<64x128xf32, #tpu.memory_space<vmem>>
      %dma_start3A_855 = arith.constant 0 : i32
      %dma_start3A_856 = tpu.memref_slice %arg8[%dma_start3A_850, %dma_start3A_855] : memref<40x64xi32, #tpu.memory_space<vmem>> -> memref<1x64xi32, #tpu.memory_space<vmem>>
      %dma_start3A_857 = tpu.memref_squeeze %dma_start3A_856 : memref<1x64xi32, #tpu.memory_space<vmem>> -> memref<64xi32, #tpu.memory_space<vmem>>
      %dma_start3A_858 = arith.constant 0 : i32
      %dma_start3A_859 = arith.constant 0 : i32
      %dma_start3A_860 = tpu.memref_slice %arg10[%dma_start3A_858, %dma_start3A_859] : memref<10240x128xf32, #tpu.memory_space<vmem_shared>> -> memref<10240x128xf32, #tpu.memory_space<vmem_shared>>
      tpu.enqueue_indirect_dma source(%dma_start3A_854 : memref<64x128xf32, #tpu.memory_space<vmem>>) target(%dma_start3A_860 : memref<10240x128xf32, #tpu.memory_space<vmem_shared>>) offsets(%dma_start3A_857 : memref<64xi32, #tpu.memory_space<vmem>>) semaphore(%arg15 : memref<!tpu.dma_semaphore, #tpu.memory_space<semaphore_mem>>) {add = true}
      %dma_wait3A_861 = arith.constant 0 : i32
      %dma_wait3A_862 = arith.constant 16 : i32
      %dma_wait3A_863 = arith.constant 0 : i32
      %dma_wait3A_864 = arith.constant 0 : i32
      %dma_wait3A_865 = tpu.memref_slice %arg9[%dma_wait3A_861, %dma_wait3A_863, %dma_wait3A_864] : memref<4x64x128xf32, #tpu.memory_space<vmem>> -> memref<1x64x128xf32, #tpu.memory_space<vmem>>
      %dma_wait3A_866 = tpu.memref_squeeze %dma_wait3A_865 : memref<1x64x128xf32, #tpu.memory_space<vmem>> -> memref<64x128xf32, #tpu.memory_space<vmem>>
      %dma_wait3A_867 = arith.constant 0 : i32
      %dma_wait3A_868 = tpu.memref_slice %arg8[%dma_wait3A_862, %dma_wait3A_867] : memref<40x64xi32, #tpu.memory_space<vmem>> -> memref<1x64xi32, #tpu.memory_space<vmem>>
      %dma_wait3A_869 = tpu.memref_squeeze %dma_wait3A_868 : memref<1x64xi32, #tpu.memory_space<vmem>> -> memref<64xi32, #tpu.memory_space<vmem>>
      %dma_wait3A_870 = arith.constant 0 : i32
      %dma_wait3A_871 = arith.constant 0 : i32
      %dma_wait3A_872 = tpu.memref_slice %arg10[%dma_wait3A_870, %dma_wait3A_871] : memref<10240x128xf32, #tpu.memory_space<vmem_shared>> -> memref<10240x128xf32, #tpu.memory_space<vmem_shared>>
      tpu.wait_indirect_dma semaphore(%arg15 : memref<!tpu.dma_semaphore, #tpu.memory_space<semaphore_mem>>) src(%dma_wait3A_866 : memref<64x128xf32, #tpu.memory_space<vmem>>) dst(%dma_wait3A_872 : memref<10240x128xf32, #tpu.memory_space<vmem_shared>>)
      %dma_start3A_873 = arith.constant 20 : i32
      %dma_start3A_874 = arith.constant 0 : i32
      %dma_start3A_875 = arith.constant 0 : i32
      %dma_start3A_876 = arith.constant 0 : i32
      %dma_start3A_877 = tpu.memref_slice %arg9[%dma_start3A_874, %dma_start3A_875, %dma_start3A_876] : memref<4x64x128xf32, #tpu.memory_space<vmem>> -> memref<1x64x128xf32, #tpu.memory_space<vmem>>
      %dma_start3A_878 = tpu.memref_squeeze %dma_start3A_877 : memref<1x64x128xf32, #tpu.memory_space<vmem>> -> memref<64x128xf32, #tpu.memory_space<vmem>>
      %dma_start3A_879 = arith.constant 0 : i32
      %dma_start3A_880 = tpu.memref_slice %arg7[%dma_start3A_873, %dma_start3A_879] : memref<40x64xi32, #tpu.memory_space<vmem>> -> memref<1x64xi32, #tpu.memory_space<vmem>>
      %dma_start3A_881 = tpu.memref_squeeze %dma_start3A_880 : memref<1x64xi32, #tpu.memory_space<vmem>> -> memref<64xi32, #tpu.memory_space<vmem>>
      %dma_start3A_882 = arith.constant 0 : i32
      %dma_start3A_883 = arith.constant 0 : i32
      %dma_start3A_884 = tpu.memref_slice %arg2[%dma_start3A_882, %dma_start3A_883] : memref<20000x128xf32, #tpu.memory_space<hbm>> -> memref<20000x128xf32, #tpu.memory_space<hbm>>
      tpu.enqueue_indirect_dma source(%dma_start3A_884 : memref<20000x128xf32, #tpu.memory_space<hbm>>) target(%dma_start3A_878 : memref<64x128xf32, #tpu.memory_space<vmem>>) offsets(%dma_start3A_881 : memref<64xi32, #tpu.memory_space<vmem>>) semaphore(%arg11 : memref<!tpu.dma_semaphore, #tpu.memory_space<semaphore_mem>>)
      %dma_wait3A_885 = arith.constant 17 : i32
      %dma_wait3A_886 = arith.constant 1 : i32
      %dma_wait3A_887 = arith.constant 0 : i32
      %dma_wait3A_888 = arith.constant 0 : i32
      %dma_wait3A_889 = tpu.memref_slice %arg9[%dma_wait3A_886, %dma_wait3A_887, %dma_wait3A_888] : memref<4x64x128xf32, #tpu.memory_space<vmem>> -> memref<1x64x128xf32, #tpu.memory_space<vmem>>
      %dma_wait3A_890 = tpu.memref_squeeze %dma_wait3A_889 : memref<1x64x128xf32, #tpu.memory_space<vmem>> -> memref<64x128xf32, #tpu.memory_space<vmem>>
      %dma_wait3A_891 = arith.constant 0 : i32
      %dma_wait3A_892 = tpu.memref_slice %arg7[%dma_wait3A_885, %dma_wait3A_891] : memref<40x64xi32, #tpu.memory_space<vmem>> -> memref<1x64xi32, #tpu.memory_space<vmem>>
      %dma_wait3A_893 = tpu.memref_squeeze %dma_wait3A_892 : memref<1x64xi32, #tpu.memory_space<vmem>> -> memref<64xi32, #tpu.memory_space<vmem>>
      %dma_wait3A_894 = arith.constant 0 : i32
      %dma_wait3A_895 = arith.constant 0 : i32
      %dma_wait3A_896 = tpu.memref_slice %arg2[%dma_wait3A_894, %dma_wait3A_895] : memref<20000x128xf32, #tpu.memory_space<hbm>> -> memref<20000x128xf32, #tpu.memory_space<hbm>>
      tpu.wait_indirect_dma semaphore(%arg12 : memref<!tpu.dma_semaphore, #tpu.memory_space<semaphore_mem>>) src(%dma_wait3A_896 : memref<20000x128xf32, #tpu.memory_space<hbm>>) dst(%dma_wait3A_890 : memref<64x128xf32, #tpu.memory_space<vmem>>)
      %dma_start3A_897 = arith.constant 1 : i32
      %dma_start3A_898 = arith.constant 17 : i32
      %dma_start3A_899 = arith.constant 0 : i32
      %dma_start3A_900 = arith.constant 0 : i32
      %dma_start3A_901 = tpu.memref_slice %arg9[%dma_start3A_897, %dma_start3A_899, %dma_start3A_900] : memref<4x64x128xf32, #tpu.memory_space<vmem>> -> memref<1x64x128xf32, #tpu.memory_space<vmem>>
      %dma_start3A_902 = tpu.memref_squeeze %dma_start3A_901 : memref<1x64x128xf32, #tpu.memory_space<vmem>> -> memref<64x128xf32, #tpu.memory_space<vmem>>
      %dma_start3A_903 = arith.constant 0 : i32
      %dma_start3A_904 = tpu.memref_slice %arg8[%dma_start3A_898, %dma_start3A_903] : memref<40x64xi32, #tpu.memory_space<vmem>> -> memref<1x64xi32, #tpu.memory_space<vmem>>
      %dma_start3A_905 = tpu.memref_squeeze %dma_start3A_904 : memref<1x64xi32, #tpu.memory_space<vmem>> -> memref<64xi32, #tpu.memory_space<vmem>>
      %dma_start3A_906 = arith.constant 0 : i32
      %dma_start3A_907 = arith.constant 0 : i32
      %dma_start3A_908 = tpu.memref_slice %arg10[%dma_start3A_906, %dma_start3A_907] : memref<10240x128xf32, #tpu.memory_space<vmem_shared>> -> memref<10240x128xf32, #tpu.memory_space<vmem_shared>>
      tpu.enqueue_indirect_dma source(%dma_start3A_902 : memref<64x128xf32, #tpu.memory_space<vmem>>) target(%dma_start3A_908 : memref<10240x128xf32, #tpu.memory_space<vmem_shared>>) offsets(%dma_start3A_905 : memref<64xi32, #tpu.memory_space<vmem>>) semaphore(%arg16 : memref<!tpu.dma_semaphore, #tpu.memory_space<semaphore_mem>>) {add = true}
      %dma_wait3A_909 = arith.constant 1 : i32
      %dma_wait3A_910 = arith.constant 17 : i32
      %dma_wait3A_911 = arith.constant 0 : i32
      %dma_wait3A_912 = arith.constant 0 : i32
      %dma_wait3A_913 = tpu.memref_slice %arg9[%dma_wait3A_909, %dma_wait3A_911, %dma_wait3A_912] : memref<4x64x128xf32, #tpu.memory_space<vmem>> -> memref<1x64x128xf32, #tpu.memory_space<vmem>>
      %dma_wait3A_914 = tpu.memref_squeeze %dma_wait3A_913 : memref<1x64x128xf32, #tpu.memory_space<vmem>> -> memref<64x128xf32, #tpu.memory_space<vmem>>
      %dma_wait3A_915 = arith.constant 0 : i32
      %dma_wait3A_916 = tpu.memref_slice %arg8[%dma_wait3A_910, %dma_wait3A_915] : memref<40x64xi32, #tpu.memory_space<vmem>> -> memref<1x64xi32, #tpu.memory_space<vmem>>
      %dma_wait3A_917 = tpu.memref_squeeze %dma_wait3A_916 : memref<1x64xi32, #tpu.memory_space<vmem>> -> memref<64xi32, #tpu.memory_space<vmem>>
      %dma_wait3A_918 = arith.constant 0 : i32
      %dma_wait3A_919 = arith.constant 0 : i32
      %dma_wait3A_920 = tpu.memref_slice %arg10[%dma_wait3A_918, %dma_wait3A_919] : memref<10240x128xf32, #tpu.memory_space<vmem_shared>> -> memref<10240x128xf32, #tpu.memory_space<vmem_shared>>
      tpu.wait_indirect_dma semaphore(%arg16 : memref<!tpu.dma_semaphore, #tpu.memory_space<semaphore_mem>>) src(%dma_wait3A_914 : memref<64x128xf32, #tpu.memory_space<vmem>>) dst(%dma_wait3A_920 : memref<10240x128xf32, #tpu.memory_space<vmem_shared>>)
      %dma_start3A_921 = arith.constant 21 : i32
      %dma_start3A_922 = arith.constant 1 : i32
      %dma_start3A_923 = arith.constant 0 : i32
      %dma_start3A_924 = arith.constant 0 : i32
      %dma_start3A_925 = tpu.memref_slice %arg9[%dma_start3A_922, %dma_start3A_923, %dma_start3A_924] : memref<4x64x128xf32, #tpu.memory_space<vmem>> -> memref<1x64x128xf32, #tpu.memory_space<vmem>>
      %dma_start3A_926 = tpu.memref_squeeze %dma_start3A_925 : memref<1x64x128xf32, #tpu.memory_space<vmem>> -> memref<64x128xf32, #tpu.memory_space<vmem>>
      %dma_start3A_927 = arith.constant 0 : i32
      %dma_start3A_928 = tpu.memref_slice %arg7[%dma_start3A_921, %dma_start3A_927] : memref<40x64xi32, #tpu.memory_space<vmem>> -> memref<1x64xi32, #tpu.memory_space<vmem>>
      %dma_start3A_929 = tpu.memref_squeeze %dma_start3A_928 : memref<1x64xi32, #tpu.memory_space<vmem>> -> memref<64xi32, #tpu.memory_space<vmem>>
      %dma_start3A_930 = arith.constant 0 : i32
      %dma_start3A_931 = arith.constant 0 : i32
      %dma_start3A_932 = tpu.memref_slice %arg2[%dma_start3A_930, %dma_start3A_931] : memref<20000x128xf32, #tpu.memory_space<hbm>> -> memref<20000x128xf32, #tpu.memory_space<hbm>>
      tpu.enqueue_indirect_dma source(%dma_start3A_932 : memref<20000x128xf32, #tpu.memory_space<hbm>>) target(%dma_start3A_926 : memref<64x128xf32, #tpu.memory_space<vmem>>) offsets(%dma_start3A_929 : memref<64xi32, #tpu.memory_space<vmem>>) semaphore(%arg12 : memref<!tpu.dma_semaphore, #tpu.memory_space<semaphore_mem>>)
      %dma_wait3A_933 = arith.constant 18 : i32
      %dma_wait3A_934 = arith.constant 2 : i32
      %dma_wait3A_935 = arith.constant 0 : i32
      %dma_wait3A_936 = arith.constant 0 : i32
      %dma_wait3A_937 = tpu.memref_slice %arg9[%dma_wait3A_934, %dma_wait3A_935, %dma_wait3A_936] : memref<4x64x128xf32, #tpu.memory_space<vmem>> -> memref<1x64x128xf32, #tpu.memory_space<vmem>>
      %dma_wait3A_938 = tpu.memref_squeeze %dma_wait3A_937 : memref<1x64x128xf32, #tpu.memory_space<vmem>> -> memref<64x128xf32, #tpu.memory_space<vmem>>
      %dma_wait3A_939 = arith.constant 0 : i32
      %dma_wait3A_940 = tpu.memref_slice %arg7[%dma_wait3A_933, %dma_wait3A_939] : memref<40x64xi32, #tpu.memory_space<vmem>> -> memref<1x64xi32, #tpu.memory_space<vmem>>
      %dma_wait3A_941 = tpu.memref_squeeze %dma_wait3A_940 : memref<1x64xi32, #tpu.memory_space<vmem>> -> memref<64xi32, #tpu.memory_space<vmem>>
      %dma_wait3A_942 = arith.constant 0 : i32
      %dma_wait3A_943 = arith.constant 0 : i32
      %dma_wait3A_944 = tpu.memref_slice %arg2[%dma_wait3A_942, %dma_wait3A_943] : memref<20000x128xf32, #tpu.memory_space<hbm>> -> memref<20000x128xf32, #tpu.memory_space<hbm>>
      tpu.wait_indirect_dma semaphore(%arg13 : memref<!tpu.dma_semaphore, #tpu.memory_space<semaphore_mem>>) src(%dma_wait3A_944 : memref<20000x128xf32, #tpu.memory_space<hbm>>) dst(%dma_wait3A_938 : memref<64x128xf32, #tpu.memory_space<vmem>>)
      %dma_start3A_945 = arith.constant 2 : i32
      %dma_start3A_946 = arith.constant 18 : i32
      %dma_start3A_947 = arith.constant 0 : i32
      %dma_start3A_948 = arith.constant 0 : i32
      %dma_start3A_949 = tpu.memref_slice %arg9[%dma_start3A_945, %dma_start3A_947, %dma_start3A_948] : memref<4x64x128xf32, #tpu.memory_space<vmem>> -> memref<1x64x128xf32, #tpu.memory_space<vmem>>
      %dma_start3A_950 = tpu.memref_squeeze %dma_start3A_949 : memref<1x64x128xf32, #tpu.memory_space<vmem>> -> memref<64x128xf32, #tpu.memory_space<vmem>>
      %dma_start3A_951 = arith.constant 0 : i32
      %dma_start3A_952 = tpu.memref_slice %arg8[%dma_start3A_946, %dma_start3A_951] : memref<40x64xi32, #tpu.memory_space<vmem>> -> memref<1x64xi32, #tpu.memory_space<vmem>>
      %dma_start3A_953 = tpu.memref_squeeze %dma_start3A_952 : memref<1x64xi32, #tpu.memory_space<vmem>> -> memref<64xi32, #tpu.memory_space<vmem>>
      %dma_start3A_954 = arith.constant 0 : i32
      %dma_start3A_955 = arith.constant 0 : i32
      %dma_start3A_956 = tpu.memref_slice %arg10[%dma_start3A_954, %dma_start3A_955] : memref<10240x128xf32, #tpu.memory_space<vmem_shared>> -> memref<10240x128xf32, #tpu.memory_space<vmem_shared>>
      tpu.enqueue_indirect_dma source(%dma_start3A_950 : memref<64x128xf32, #tpu.memory_space<vmem>>) target(%dma_start3A_956 : memref<10240x128xf32, #tpu.memory_space<vmem_shared>>) offsets(%dma_start3A_953 : memref<64xi32, #tpu.memory_space<vmem>>) semaphore(%arg17 : memref<!tpu.dma_semaphore, #tpu.memory_space<semaphore_mem>>) {add = true}
      %dma_wait3A_957 = arith.constant 2 : i32
      %dma_wait3A_958 = arith.constant 18 : i32
      %dma_wait3A_959 = arith.constant 0 : i32
      %dma_wait3A_960 = arith.constant 0 : i32
      %dma_wait3A_961 = tpu.memref_slice %arg9[%dma_wait3A_957, %dma_wait3A_959, %dma_wait3A_960] : memref<4x64x128xf32, #tpu.memory_space<vmem>> -> memref<1x64x128xf32, #tpu.memory_space<vmem>>
      %dma_wait3A_962 = tpu.memref_squeeze %dma_wait3A_961 : memref<1x64x128xf32, #tpu.memory_space<vmem>> -> memref<64x128xf32, #tpu.memory_space<vmem>>
      %dma_wait3A_963 = arith.constant 0 : i32
      %dma_wait3A_964 = tpu.memref_slice %arg8[%dma_wait3A_958, %dma_wait3A_963] : memref<40x64xi32, #tpu.memory_space<vmem>> -> memref<1x64xi32, #tpu.memory_space<vmem>>
      %dma_wait3A_965 = tpu.memref_squeeze %dma_wait3A_964 : memref<1x64xi32, #tpu.memory_space<vmem>> -> memref<64xi32, #tpu.memory_space<vmem>>
      %dma_wait3A_966 = arith.constant 0 : i32
      %dma_wait3A_967 = arith.constant 0 : i32
      %dma_wait3A_968 = tpu.memref_slice %arg10[%dma_wait3A_966, %dma_wait3A_967] : memref<10240x128xf32, #tpu.memory_space<vmem_shared>> -> memref<10240x128xf32, #tpu.memory_space<vmem_shared>>
      tpu.wait_indirect_dma semaphore(%arg17 : memref<!tpu.dma_semaphore, #tpu.memory_space<semaphore_mem>>) src(%dma_wait3A_962 : memref<64x128xf32, #tpu.memory_space<vmem>>) dst(%dma_wait3A_968 : memref<10240x128xf32, #tpu.memory_space<vmem_shared>>)
      %dma_start3A_969 = arith.constant 22 : i32
      %dma_start3A_970 = arith.constant 2 : i32
      %dma_start3A_971 = arith.constant 0 : i32
      %dma_start3A_972 = arith.constant 0 : i32
      %dma_start3A_973 = tpu.memref_slice %arg9[%dma_start3A_970, %dma_start3A_971, %dma_start3A_972] : memref<4x64x128xf32, #tpu.memory_space<vmem>> -> memref<1x64x128xf32, #tpu.memory_space<vmem>>
      %dma_start3A_974 = tpu.memref_squeeze %dma_start3A_973 : memref<1x64x128xf32, #tpu.memory_space<vmem>> -> memref<64x128xf32, #tpu.memory_space<vmem>>
      %dma_start3A_975 = arith.constant 0 : i32
      %dma_start3A_976 = tpu.memref_slice %arg7[%dma_start3A_969, %dma_start3A_975] : memref<40x64xi32, #tpu.memory_space<vmem>> -> memref<1x64xi32, #tpu.memory_space<vmem>>
      %dma_start3A_977 = tpu.memref_squeeze %dma_start3A_976 : memref<1x64xi32, #tpu.memory_space<vmem>> -> memref<64xi32, #tpu.memory_space<vmem>>
      %dma_start3A_978 = arith.constant 0 : i32
      %dma_start3A_979 = arith.constant 0 : i32
      %dma_start3A_980 = tpu.memref_slice %arg2[%dma_start3A_978, %dma_start3A_979] : memref<20000x128xf32, #tpu.memory_space<hbm>> -> memref<20000x128xf32, #tpu.memory_space<hbm>>
      tpu.enqueue_indirect_dma source(%dma_start3A_980 : memref<20000x128xf32, #tpu.memory_space<hbm>>) target(%dma_start3A_974 : memref<64x128xf32, #tpu.memory_space<vmem>>) offsets(%dma_start3A_977 : memref<64xi32, #tpu.memory_space<vmem>>) semaphore(%arg13 : memref<!tpu.dma_semaphore, #tpu.memory_space<semaphore_mem>>)
      %dma_wait3A_981 = arith.constant 19 : i32
      %dma_wait3A_982 = arith.constant 3 : i32
      %dma_wait3A_983 = arith.constant 0 : i32
      %dma_wait3A_984 = arith.constant 0 : i32
      %dma_wait3A_985 = tpu.memref_slice %arg9[%dma_wait3A_982, %dma_wait3A_983, %dma_wait3A_984] : memref<4x64x128xf32, #tpu.memory_space<vmem>> -> memref<1x64x128xf32, #tpu.memory_space<vmem>>
      %dma_wait3A_986 = tpu.memref_squeeze %dma_wait3A_985 : memref<1x64x128xf32, #tpu.memory_space<vmem>> -> memref<64x128xf32, #tpu.memory_space<vmem>>
      %dma_wait3A_987 = arith.constant 0 : i32
      %dma_wait3A_988 = tpu.memref_slice %arg7[%dma_wait3A_981, %dma_wait3A_987] : memref<40x64xi32, #tpu.memory_space<vmem>> -> memref<1x64xi32, #tpu.memory_space<vmem>>
      %dma_wait3A_989 = tpu.memref_squeeze %dma_wait3A_988 : memref<1x64xi32, #tpu.memory_space<vmem>> -> memref<64xi32, #tpu.memory_space<vmem>>
      %dma_wait3A_990 = arith.constant 0 : i32
      %dma_wait3A_991 = arith.constant 0 : i32
      %dma_wait3A_992 = tpu.memref_slice %arg2[%dma_wait3A_990, %dma_wait3A_991] : memref<20000x128xf32, #tpu.memory_space<hbm>> -> memref<20000x128xf32, #tpu.memory_space<hbm>>
      tpu.wait_indirect_dma semaphore(%arg14 : memref<!tpu.dma_semaphore, #tpu.memory_space<semaphore_mem>>) src(%dma_wait3A_992 : memref<20000x128xf32, #tpu.memory_space<hbm>>) dst(%dma_wait3A_986 : memref<64x128xf32, #tpu.memory_space<vmem>>)
      %dma_start3A_993 = arith.constant 3 : i32
      %dma_start3A_994 = arith.constant 19 : i32
      %dma_start3A_995 = arith.constant 0 : i32
      %dma_start3A_996 = arith.constant 0 : i32
      %dma_start3A_997 = tpu.memref_slice %arg9[%dma_start3A_993, %dma_start3A_995, %dma_start3A_996] : memref<4x64x128xf32, #tpu.memory_space<vmem>> -> memref<1x64x128xf32, #tpu.memory_space<vmem>>
      %dma_start3A_998 = tpu.memref_squeeze %dma_start3A_997 : memref<1x64x128xf32, #tpu.memory_space<vmem>> -> memref<64x128xf32, #tpu.memory_space<vmem>>
      %dma_start3A_999 = arith.constant 0 : i32
      %dma_start3A_1000 = tpu.memref_slice %arg8[%dma_start3A_994, %dma_start3A_999] : memref<40x64xi32, #tpu.memory_space<vmem>> -> memref<1x64xi32, #tpu.memory_space<vmem>>
      %dma_start3A_1001 = tpu.memref_squeeze %dma_start3A_1000 : memref<1x64xi32, #tpu.memory_space<vmem>> -> memref<64xi32, #tpu.memory_space<vmem>>
      %dma_start3A_1002 = arith.constant 0 : i32
      %dma_start3A_1003 = arith.constant 0 : i32
      %dma_start3A_1004 = tpu.memref_slice %arg10[%dma_start3A_1002, %dma_start3A_1003] : memref<10240x128xf32, #tpu.memory_space<vmem_shared>> -> memref<10240x128xf32, #tpu.memory_space<vmem_shared>>
      tpu.enqueue_indirect_dma source(%dma_start3A_998 : memref<64x128xf32, #tpu.memory_space<vmem>>) target(%dma_start3A_1004 : memref<10240x128xf32, #tpu.memory_space<vmem_shared>>) offsets(%dma_start3A_1001 : memref<64xi32, #tpu.memory_space<vmem>>) semaphore(%arg18 : memref<!tpu.dma_semaphore, #tpu.memory_space<semaphore_mem>>) {add = true}
      %dma_wait3A_1005 = arith.constant 3 : i32
      %dma_wait3A_1006 = arith.constant 19 : i32
      %dma_wait3A_1007 = arith.constant 0 : i32
      %dma_wait3A_1008 = arith.constant 0 : i32
      %dma_wait3A_1009 = tpu.memref_slice %arg9[%dma_wait3A_1005, %dma_wait3A_1007, %dma_wait3A_1008] : memref<4x64x128xf32, #tpu.memory_space<vmem>> -> memref<1x64x128xf32, #tpu.memory_space<vmem>>
      %dma_wait3A_1010 = tpu.memref_squeeze %dma_wait3A_1009 : memref<1x64x128xf32, #tpu.memory_space<vmem>> -> memref<64x128xf32, #tpu.memory_space<vmem>>
      %dma_wait3A_1011 = arith.constant 0 : i32
      %dma_wait3A_1012 = tpu.memref_slice %arg8[%dma_wait3A_1006, %dma_wait3A_1011] : memref<40x64xi32, #tpu.memory_space<vmem>> -> memref<1x64xi32, #tpu.memory_space<vmem>>
      %dma_wait3A_1013 = tpu.memref_squeeze %dma_wait3A_1012 : memref<1x64xi32, #tpu.memory_space<vmem>> -> memref<64xi32, #tpu.memory_space<vmem>>
      %dma_wait3A_1014 = arith.constant 0 : i32
      %dma_wait3A_1015 = arith.constant 0 : i32
      %dma_wait3A_1016 = tpu.memref_slice %arg10[%dma_wait3A_1014, %dma_wait3A_1015] : memref<10240x128xf32, #tpu.memory_space<vmem_shared>> -> memref<10240x128xf32, #tpu.memory_space<vmem_shared>>
      tpu.wait_indirect_dma semaphore(%arg18 : memref<!tpu.dma_semaphore, #tpu.memory_space<semaphore_mem>>) src(%dma_wait3A_1010 : memref<64x128xf32, #tpu.memory_space<vmem>>) dst(%dma_wait3A_1016 : memref<10240x128xf32, #tpu.memory_space<vmem_shared>>)
      %dma_start3A_1017 = arith.constant 23 : i32
      %dma_start3A_1018 = arith.constant 3 : i32
      %dma_start3A_1019 = arith.constant 0 : i32
      %dma_start3A_1020 = arith.constant 0 : i32
      %dma_start3A_1021 = tpu.memref_slice %arg9[%dma_start3A_1018, %dma_start3A_1019, %dma_start3A_1020] : memref<4x64x128xf32, #tpu.memory_space<vmem>> -> memref<1x64x128xf32, #tpu.memory_space<vmem>>
      %dma_start3A_1022 = tpu.memref_squeeze %dma_start3A_1021 : memref<1x64x128xf32, #tpu.memory_space<vmem>> -> memref<64x128xf32, #tpu.memory_space<vmem>>
      %dma_start3A_1023 = arith.constant 0 : i32
      %dma_start3A_1024 = tpu.memref_slice %arg7[%dma_start3A_1017, %dma_start3A_1023] : memref<40x64xi32, #tpu.memory_space<vmem>> -> memref<1x64xi32, #tpu.memory_space<vmem>>
      %dma_start3A_1025 = tpu.memref_squeeze %dma_start3A_1024 : memref<1x64xi32, #tpu.memory_space<vmem>> -> memref<64xi32, #tpu.memory_space<vmem>>
      %dma_start3A_1026 = arith.constant 0 : i32
      %dma_start3A_1027 = arith.constant 0 : i32
      %dma_start3A_1028 = tpu.memref_slice %arg2[%dma_start3A_1026, %dma_start3A_1027] : memref<20000x128xf32, #tpu.memory_space<hbm>> -> memref<20000x128xf32, #tpu.memory_space<hbm>>
      tpu.enqueue_indirect_dma source(%dma_start3A_1028 : memref<20000x128xf32, #tpu.memory_space<hbm>>) target(%dma_start3A_1022 : memref<64x128xf32, #tpu.memory_space<vmem>>) offsets(%dma_start3A_1025 : memref<64xi32, #tpu.memory_space<vmem>>) semaphore(%arg14 : memref<!tpu.dma_semaphore, #tpu.memory_space<semaphore_mem>>)
      %dma_wait3A_1029 = arith.constant 20 : i32
      %dma_wait3A_1030 = arith.constant 0 : i32
      %dma_wait3A_1031 = arith.constant 0 : i32
      %dma_wait3A_1032 = arith.constant 0 : i32
      %dma_wait3A_1033 = tpu.memref_slice %arg9[%dma_wait3A_1030, %dma_wait3A_1031, %dma_wait3A_1032] : memref<4x64x128xf32, #tpu.memory_space<vmem>> -> memref<1x64x128xf32, #tpu.memory_space<vmem>>
      %dma_wait3A_1034 = tpu.memref_squeeze %dma_wait3A_1033 : memref<1x64x128xf32, #tpu.memory_space<vmem>> -> memref<64x128xf32, #tpu.memory_space<vmem>>
      %dma_wait3A_1035 = arith.constant 0 : i32
      %dma_wait3A_1036 = tpu.memref_slice %arg7[%dma_wait3A_1029, %dma_wait3A_1035] : memref<40x64xi32, #tpu.memory_space<vmem>> -> memref<1x64xi32, #tpu.memory_space<vmem>>
      %dma_wait3A_1037 = tpu.memref_squeeze %dma_wait3A_1036 : memref<1x64xi32, #tpu.memory_space<vmem>> -> memref<64xi32, #tpu.memory_space<vmem>>
      %dma_wait3A_1038 = arith.constant 0 : i32
      %dma_wait3A_1039 = arith.constant 0 : i32
      %dma_wait3A_1040 = tpu.memref_slice %arg2[%dma_wait3A_1038, %dma_wait3A_1039] : memref<20000x128xf32, #tpu.memory_space<hbm>> -> memref<20000x128xf32, #tpu.memory_space<hbm>>
      tpu.wait_indirect_dma semaphore(%arg11 : memref<!tpu.dma_semaphore, #tpu.memory_space<semaphore_mem>>) src(%dma_wait3A_1040 : memref<20000x128xf32, #tpu.memory_space<hbm>>) dst(%dma_wait3A_1034 : memref<64x128xf32, #tpu.memory_space<vmem>>)
      %dma_start3A_1041 = arith.constant 0 : i32
      %dma_start3A_1042 = arith.constant 20 : i32
      %dma_start3A_1043 = arith.constant 0 : i32
      %dma_start3A_1044 = arith.constant 0 : i32
      %dma_start3A_1045 = tpu.memref_slice %arg9[%dma_start3A_1041, %dma_start3A_1043, %dma_start3A_1044] : memref<4x64x128xf32, #tpu.memory_space<vmem>> -> memref<1x64x128xf32, #tpu.memory_space<vmem>>
      %dma_start3A_1046 = tpu.memref_squeeze %dma_start3A_1045 : memref<1x64x128xf32, #tpu.memory_space<vmem>> -> memref<64x128xf32, #tpu.memory_space<vmem>>
      %dma_start3A_1047 = arith.constant 0 : i32
      %dma_start3A_1048 = tpu.memref_slice %arg8[%dma_start3A_1042, %dma_start3A_1047] : memref<40x64xi32, #tpu.memory_space<vmem>> -> memref<1x64xi32, #tpu.memory_space<vmem>>
      %dma_start3A_1049 = tpu.memref_squeeze %dma_start3A_1048 : memref<1x64xi32, #tpu.memory_space<vmem>> -> memref<64xi32, #tpu.memory_space<vmem>>
      %dma_start3A_1050 = arith.constant 0 : i32
      %dma_start3A_1051 = arith.constant 0 : i32
      %dma_start3A_1052 = tpu.memref_slice %arg10[%dma_start3A_1050, %dma_start3A_1051] : memref<10240x128xf32, #tpu.memory_space<vmem_shared>> -> memref<10240x128xf32, #tpu.memory_space<vmem_shared>>
      tpu.enqueue_indirect_dma source(%dma_start3A_1046 : memref<64x128xf32, #tpu.memory_space<vmem>>) target(%dma_start3A_1052 : memref<10240x128xf32, #tpu.memory_space<vmem_shared>>) offsets(%dma_start3A_1049 : memref<64xi32, #tpu.memory_space<vmem>>) semaphore(%arg15 : memref<!tpu.dma_semaphore, #tpu.memory_space<semaphore_mem>>) {add = true}
      %dma_wait3A_1053 = arith.constant 0 : i32
      %dma_wait3A_1054 = arith.constant 20 : i32
      %dma_wait3A_1055 = arith.constant 0 : i32
      %dma_wait3A_1056 = arith.constant 0 : i32
      %dma_wait3A_1057 = tpu.memref_slice %arg9[%dma_wait3A_1053, %dma_wait3A_1055, %dma_wait3A_1056] : memref<4x64x128xf32, #tpu.memory_space<vmem>> -> memref<1x64x128xf32, #tpu.memory_space<vmem>>
      %dma_wait3A_1058 = tpu.memref_squeeze %dma_wait3A_1057 : memref<1x64x128xf32, #tpu.memory_space<vmem>> -> memref<64x128xf32, #tpu.memory_space<vmem>>
      %dma_wait3A_1059 = arith.constant 0 : i32
      %dma_wait3A_1060 = tpu.memref_slice %arg8[%dma_wait3A_1054, %dma_wait3A_1059] : memref<40x64xi32, #tpu.memory_space<vmem>> -> memref<1x64xi32, #tpu.memory_space<vmem>>
      %dma_wait3A_1061 = tpu.memref_squeeze %dma_wait3A_1060 : memref<1x64xi32, #tpu.memory_space<vmem>> -> memref<64xi32, #tpu.memory_space<vmem>>
      %dma_wait3A_1062 = arith.constant 0 : i32
      %dma_wait3A_1063 = arith.constant 0 : i32
      %dma_wait3A_1064 = tpu.memref_slice %arg10[%dma_wait3A_1062, %dma_wait3A_1063] : memref<10240x128xf32, #tpu.memory_space<vmem_shared>> -> memref<10240x128xf32, #tpu.memory_space<vmem_shared>>
      tpu.wait_indirect_dma semaphore(%arg15 : memref<!tpu.dma_semaphore, #tpu.memory_space<semaphore_mem>>) src(%dma_wait3A_1058 : memref<64x128xf32, #tpu.memory_space<vmem>>) dst(%dma_wait3A_1064 : memref<10240x128xf32, #tpu.memory_space<vmem_shared>>)
      %dma_start3A_1065 = arith.constant 24 : i32
      %dma_start3A_1066 = arith.constant 0 : i32
      %dma_start3A_1067 = arith.constant 0 : i32
      %dma_start3A_1068 = arith.constant 0 : i32
      %dma_start3A_1069 = tpu.memref_slice %arg9[%dma_start3A_1066, %dma_start3A_1067, %dma_start3A_1068] : memref<4x64x128xf32, #tpu.memory_space<vmem>> -> memref<1x64x128xf32, #tpu.memory_space<vmem>>
      %dma_start3A_1070 = tpu.memref_squeeze %dma_start3A_1069 : memref<1x64x128xf32, #tpu.memory_space<vmem>> -> memref<64x128xf32, #tpu.memory_space<vmem>>
      %dma_start3A_1071 = arith.constant 0 : i32
      %dma_start3A_1072 = tpu.memref_slice %arg7[%dma_start3A_1065, %dma_start3A_1071] : memref<40x64xi32, #tpu.memory_space<vmem>> -> memref<1x64xi32, #tpu.memory_space<vmem>>
      %dma_start3A_1073 = tpu.memref_squeeze %dma_start3A_1072 : memref<1x64xi32, #tpu.memory_space<vmem>> -> memref<64xi32, #tpu.memory_space<vmem>>
      %dma_start3A_1074 = arith.constant 0 : i32
      %dma_start3A_1075 = arith.constant 0 : i32
      %dma_start3A_1076 = tpu.memref_slice %arg2[%dma_start3A_1074, %dma_start3A_1075] : memref<20000x128xf32, #tpu.memory_space<hbm>> -> memref<20000x128xf32, #tpu.memory_space<hbm>>
      tpu.enqueue_indirect_dma source(%dma_start3A_1076 : memref<20000x128xf32, #tpu.memory_space<hbm>>) target(%dma_start3A_1070 : memref<64x128xf32, #tpu.memory_space<vmem>>) offsets(%dma_start3A_1073 : memref<64xi32, #tpu.memory_space<vmem>>) semaphore(%arg11 : memref<!tpu.dma_semaphore, #tpu.memory_space<semaphore_mem>>)
      %dma_wait3A_1077 = arith.constant 21 : i32
      %dma_wait3A_1078 = arith.constant 1 : i32
      %dma_wait3A_1079 = arith.constant 0 : i32
      %dma_wait3A_1080 = arith.constant 0 : i32
      %dma_wait3A_1081 = tpu.memref_slice %arg9[%dma_wait3A_1078, %dma_wait3A_1079, %dma_wait3A_1080] : memref<4x64x128xf32, #tpu.memory_space<vmem>> -> memref<1x64x128xf32, #tpu.memory_space<vmem>>
      %dma_wait3A_1082 = tpu.memref_squeeze %dma_wait3A_1081 : memref<1x64x128xf32, #tpu.memory_space<vmem>> -> memref<64x128xf32, #tpu.memory_space<vmem>>
      %dma_wait3A_1083 = arith.constant 0 : i32
      %dma_wait3A_1084 = tpu.memref_slice %arg7[%dma_wait3A_1077, %dma_wait3A_1083] : memref<40x64xi32, #tpu.memory_space<vmem>> -> memref<1x64xi32, #tpu.memory_space<vmem>>
      %dma_wait3A_1085 = tpu.memref_squeeze %dma_wait3A_1084 : memref<1x64xi32, #tpu.memory_space<vmem>> -> memref<64xi32, #tpu.memory_space<vmem>>
      %dma_wait3A_1086 = arith.constant 0 : i32
      %dma_wait3A_1087 = arith.constant 0 : i32
      %dma_wait3A_1088 = tpu.memref_slice %arg2[%dma_wait3A_1086, %dma_wait3A_1087] : memref<20000x128xf32, #tpu.memory_space<hbm>> -> memref<20000x128xf32, #tpu.memory_space<hbm>>
      tpu.wait_indirect_dma semaphore(%arg12 : memref<!tpu.dma_semaphore, #tpu.memory_space<semaphore_mem>>) src(%dma_wait3A_1088 : memref<20000x128xf32, #tpu.memory_space<hbm>>) dst(%dma_wait3A_1082 : memref<64x128xf32, #tpu.memory_space<vmem>>)
      %dma_start3A_1089 = arith.constant 1 : i32
      %dma_start3A_1090 = arith.constant 21 : i32
      %dma_start3A_1091 = arith.constant 0 : i32
      %dma_start3A_1092 = arith.constant 0 : i32
      %dma_start3A_1093 = tpu.memref_slice %arg9[%dma_start3A_1089, %dma_start3A_1091, %dma_start3A_1092] : memref<4x64x128xf32, #tpu.memory_space<vmem>> -> memref<1x64x128xf32, #tpu.memory_space<vmem>>
      %dma_start3A_1094 = tpu.memref_squeeze %dma_start3A_1093 : memref<1x64x128xf32, #tpu.memory_space<vmem>> -> memref<64x128xf32, #tpu.memory_space<vmem>>
      %dma_start3A_1095 = arith.constant 0 : i32
      %dma_start3A_1096 = tpu.memref_slice %arg8[%dma_start3A_1090, %dma_start3A_1095] : memref<40x64xi32, #tpu.memory_space<vmem>> -> memref<1x64xi32, #tpu.memory_space<vmem>>
      %dma_start3A_1097 = tpu.memref_squeeze %dma_start3A_1096 : memref<1x64xi32, #tpu.memory_space<vmem>> -> memref<64xi32, #tpu.memory_space<vmem>>
      %dma_start3A_1098 = arith.constant 0 : i32
      %dma_start3A_1099 = arith.constant 0 : i32
      %dma_start3A_1100 = tpu.memref_slice %arg10[%dma_start3A_1098, %dma_start3A_1099] : memref<10240x128xf32, #tpu.memory_space<vmem_shared>> -> memref<10240x128xf32, #tpu.memory_space<vmem_shared>>
      tpu.enqueue_indirect_dma source(%dma_start3A_1094 : memref<64x128xf32, #tpu.memory_space<vmem>>) target(%dma_start3A_1100 : memref<10240x128xf32, #tpu.memory_space<vmem_shared>>) offsets(%dma_start3A_1097 : memref<64xi32, #tpu.memory_space<vmem>>) semaphore(%arg16 : memref<!tpu.dma_semaphore, #tpu.memory_space<semaphore_mem>>) {add = true}
      %dma_wait3A_1101 = arith.constant 1 : i32
      %dma_wait3A_1102 = arith.constant 21 : i32
      %dma_wait3A_1103 = arith.constant 0 : i32
      %dma_wait3A_1104 = arith.constant 0 : i32
      %dma_wait3A_1105 = tpu.memref_slice %arg9[%dma_wait3A_1101, %dma_wait3A_1103, %dma_wait3A_1104] : memref<4x64x128xf32, #tpu.memory_space<vmem>> -> memref<1x64x128xf32, #tpu.memory_space<vmem>>
      %dma_wait3A_1106 = tpu.memref_squeeze %dma_wait3A_1105 : memref<1x64x128xf32, #tpu.memory_space<vmem>> -> memref<64x128xf32, #tpu.memory_space<vmem>>
      %dma_wait3A_1107 = arith.constant 0 : i32
      %dma_wait3A_1108 = tpu.memref_slice %arg8[%dma_wait3A_1102, %dma_wait3A_1107] : memref<40x64xi32, #tpu.memory_space<vmem>> -> memref<1x64xi32, #tpu.memory_space<vmem>>
      %dma_wait3A_1109 = tpu.memref_squeeze %dma_wait3A_1108 : memref<1x64xi32, #tpu.memory_space<vmem>> -> memref<64xi32, #tpu.memory_space<vmem>>
      %dma_wait3A_1110 = arith.constant 0 : i32
      %dma_wait3A_1111 = arith.constant 0 : i32
      %dma_wait3A_1112 = tpu.memref_slice %arg10[%dma_wait3A_1110, %dma_wait3A_1111] : memref<10240x128xf32, #tpu.memory_space<vmem_shared>> -> memref<10240x128xf32, #tpu.memory_space<vmem_shared>>
      tpu.wait_indirect_dma semaphore(%arg16 : memref<!tpu.dma_semaphore, #tpu.memory_space<semaphore_mem>>) src(%dma_wait3A_1106 : memref<64x128xf32, #tpu.memory_space<vmem>>) dst(%dma_wait3A_1112 : memref<10240x128xf32, #tpu.memory_space<vmem_shared>>)
      %dma_start3A_1113 = arith.constant 25 : i32
      %dma_start3A_1114 = arith.constant 1 : i32
      %dma_start3A_1115 = arith.constant 0 : i32
      %dma_start3A_1116 = arith.constant 0 : i32
      %dma_start3A_1117 = tpu.memref_slice %arg9[%dma_start3A_1114, %dma_start3A_1115, %dma_start3A_1116] : memref<4x64x128xf32, #tpu.memory_space<vmem>> -> memref<1x64x128xf32, #tpu.memory_space<vmem>>
      %dma_start3A_1118 = tpu.memref_squeeze %dma_start3A_1117 : memref<1x64x128xf32, #tpu.memory_space<vmem>> -> memref<64x128xf32, #tpu.memory_space<vmem>>
      %dma_start3A_1119 = arith.constant 0 : i32
      %dma_start3A_1120 = tpu.memref_slice %arg7[%dma_start3A_1113, %dma_start3A_1119] : memref<40x64xi32, #tpu.memory_space<vmem>> -> memref<1x64xi32, #tpu.memory_space<vmem>>
      %dma_start3A_1121 = tpu.memref_squeeze %dma_start3A_1120 : memref<1x64xi32, #tpu.memory_space<vmem>> -> memref<64xi32, #tpu.memory_space<vmem>>
      %dma_start3A_1122 = arith.constant 0 : i32
      %dma_start3A_1123 = arith.constant 0 : i32
      %dma_start3A_1124 = tpu.memref_slice %arg2[%dma_start3A_1122, %dma_start3A_1123] : memref<20000x128xf32, #tpu.memory_space<hbm>> -> memref<20000x128xf32, #tpu.memory_space<hbm>>
      tpu.enqueue_indirect_dma source(%dma_start3A_1124 : memref<20000x128xf32, #tpu.memory_space<hbm>>) target(%dma_start3A_1118 : memref<64x128xf32, #tpu.memory_space<vmem>>) offsets(%dma_start3A_1121 : memref<64xi32, #tpu.memory_space<vmem>>) semaphore(%arg12 : memref<!tpu.dma_semaphore, #tpu.memory_space<semaphore_mem>>)
      %dma_wait3A_1125 = arith.constant 22 : i32
      %dma_wait3A_1126 = arith.constant 2 : i32
      %dma_wait3A_1127 = arith.constant 0 : i32
      %dma_wait3A_1128 = arith.constant 0 : i32
      %dma_wait3A_1129 = tpu.memref_slice %arg9[%dma_wait3A_1126, %dma_wait3A_1127, %dma_wait3A_1128] : memref<4x64x128xf32, #tpu.memory_space<vmem>> -> memref<1x64x128xf32, #tpu.memory_space<vmem>>
      %dma_wait3A_1130 = tpu.memref_squeeze %dma_wait3A_1129 : memref<1x64x128xf32, #tpu.memory_space<vmem>> -> memref<64x128xf32, #tpu.memory_space<vmem>>
      %dma_wait3A_1131 = arith.constant 0 : i32
      %dma_wait3A_1132 = tpu.memref_slice %arg7[%dma_wait3A_1125, %dma_wait3A_1131] : memref<40x64xi32, #tpu.memory_space<vmem>> -> memref<1x64xi32, #tpu.memory_space<vmem>>
      %dma_wait3A_1133 = tpu.memref_squeeze %dma_wait3A_1132 : memref<1x64xi32, #tpu.memory_space<vmem>> -> memref<64xi32, #tpu.memory_space<vmem>>
      %dma_wait3A_1134 = arith.constant 0 : i32
      %dma_wait3A_1135 = arith.constant 0 : i32
      %dma_wait3A_1136 = tpu.memref_slice %arg2[%dma_wait3A_1134, %dma_wait3A_1135] : memref<20000x128xf32, #tpu.memory_space<hbm>> -> memref<20000x128xf32, #tpu.memory_space<hbm>>
      tpu.wait_indirect_dma semaphore(%arg13 : memref<!tpu.dma_semaphore, #tpu.memory_space<semaphore_mem>>) src(%dma_wait3A_1136 : memref<20000x128xf32, #tpu.memory_space<hbm>>) dst(%dma_wait3A_1130 : memref<64x128xf32, #tpu.memory_space<vmem>>)
      %dma_start3A_1137 = arith.constant 2 : i32
      %dma_start3A_1138 = arith.constant 22 : i32
      %dma_start3A_1139 = arith.constant 0 : i32
      %dma_start3A_1140 = arith.constant 0 : i32
      %dma_start3A_1141 = tpu.memref_slice %arg9[%dma_start3A_1137, %dma_start3A_1139, %dma_start3A_1140] : memref<4x64x128xf32, #tpu.memory_space<vmem>> -> memref<1x64x128xf32, #tpu.memory_space<vmem>>
      %dma_start3A_1142 = tpu.memref_squeeze %dma_start3A_1141 : memref<1x64x128xf32, #tpu.memory_space<vmem>> -> memref<64x128xf32, #tpu.memory_space<vmem>>
      %dma_start3A_1143 = arith.constant 0 : i32
      %dma_start3A_1144 = tpu.memref_slice %arg8[%dma_start3A_1138, %dma_start3A_1143] : memref<40x64xi32, #tpu.memory_space<vmem>> -> memref<1x64xi32, #tpu.memory_space<vmem>>
      %dma_start3A_1145 = tpu.memref_squeeze %dma_start3A_1144 : memref<1x64xi32, #tpu.memory_space<vmem>> -> memref<64xi32, #tpu.memory_space<vmem>>
      %dma_start3A_1146 = arith.constant 0 : i32
      %dma_start3A_1147 = arith.constant 0 : i32
      %dma_start3A_1148 = tpu.memref_slice %arg10[%dma_start3A_1146, %dma_start3A_1147] : memref<10240x128xf32, #tpu.memory_space<vmem_shared>> -> memref<10240x128xf32, #tpu.memory_space<vmem_shared>>
      tpu.enqueue_indirect_dma source(%dma_start3A_1142 : memref<64x128xf32, #tpu.memory_space<vmem>>) target(%dma_start3A_1148 : memref<10240x128xf32, #tpu.memory_space<vmem_shared>>) offsets(%dma_start3A_1145 : memref<64xi32, #tpu.memory_space<vmem>>) semaphore(%arg17 : memref<!tpu.dma_semaphore, #tpu.memory_space<semaphore_mem>>) {add = true}
      %dma_wait3A_1149 = arith.constant 2 : i32
      %dma_wait3A_1150 = arith.constant 22 : i32
      %dma_wait3A_1151 = arith.constant 0 : i32
      %dma_wait3A_1152 = arith.constant 0 : i32
      %dma_wait3A_1153 = tpu.memref_slice %arg9[%dma_wait3A_1149, %dma_wait3A_1151, %dma_wait3A_1152] : memref<4x64x128xf32, #tpu.memory_space<vmem>> -> memref<1x64x128xf32, #tpu.memory_space<vmem>>
      %dma_wait3A_1154 = tpu.memref_squeeze %dma_wait3A_1153 : memref<1x64x128xf32, #tpu.memory_space<vmem>> -> memref<64x128xf32, #tpu.memory_space<vmem>>
      %dma_wait3A_1155 = arith.constant 0 : i32
      %dma_wait3A_1156 = tpu.memref_slice %arg8[%dma_wait3A_1150, %dma_wait3A_1155] : memref<40x64xi32, #tpu.memory_space<vmem>> -> memref<1x64xi32, #tpu.memory_space<vmem>>
      %dma_wait3A_1157 = tpu.memref_squeeze %dma_wait3A_1156 : memref<1x64xi32, #tpu.memory_space<vmem>> -> memref<64xi32, #tpu.memory_space<vmem>>
      %dma_wait3A_1158 = arith.constant 0 : i32
      %dma_wait3A_1159 = arith.constant 0 : i32
      %dma_wait3A_1160 = tpu.memref_slice %arg10[%dma_wait3A_1158, %dma_wait3A_1159] : memref<10240x128xf32, #tpu.memory_space<vmem_shared>> -> memref<10240x128xf32, #tpu.memory_space<vmem_shared>>
      tpu.wait_indirect_dma semaphore(%arg17 : memref<!tpu.dma_semaphore, #tpu.memory_space<semaphore_mem>>) src(%dma_wait3A_1154 : memref<64x128xf32, #tpu.memory_space<vmem>>) dst(%dma_wait3A_1160 : memref<10240x128xf32, #tpu.memory_space<vmem_shared>>)
      %dma_start3A_1161 = arith.constant 26 : i32
      %dma_start3A_1162 = arith.constant 2 : i32
      %dma_start3A_1163 = arith.constant 0 : i32
      %dma_start3A_1164 = arith.constant 0 : i32
      %dma_start3A_1165 = tpu.memref_slice %arg9[%dma_start3A_1162, %dma_start3A_1163, %dma_start3A_1164] : memref<4x64x128xf32, #tpu.memory_space<vmem>> -> memref<1x64x128xf32, #tpu.memory_space<vmem>>
      %dma_start3A_1166 = tpu.memref_squeeze %dma_start3A_1165 : memref<1x64x128xf32, #tpu.memory_space<vmem>> -> memref<64x128xf32, #tpu.memory_space<vmem>>
      %dma_start3A_1167 = arith.constant 0 : i32
      %dma_start3A_1168 = tpu.memref_slice %arg7[%dma_start3A_1161, %dma_start3A_1167] : memref<40x64xi32, #tpu.memory_space<vmem>> -> memref<1x64xi32, #tpu.memory_space<vmem>>
      %dma_start3A_1169 = tpu.memref_squeeze %dma_start3A_1168 : memref<1x64xi32, #tpu.memory_space<vmem>> -> memref<64xi32, #tpu.memory_space<vmem>>
      %dma_start3A_1170 = arith.constant 0 : i32
      %dma_start3A_1171 = arith.constant 0 : i32
      %dma_start3A_1172 = tpu.memref_slice %arg2[%dma_start3A_1170, %dma_start3A_1171] : memref<20000x128xf32, #tpu.memory_space<hbm>> -> memref<20000x128xf32, #tpu.memory_space<hbm>>
      tpu.enqueue_indirect_dma source(%dma_start3A_1172 : memref<20000x128xf32, #tpu.memory_space<hbm>>) target(%dma_start3A_1166 : memref<64x128xf32, #tpu.memory_space<vmem>>) offsets(%dma_start3A_1169 : memref<64xi32, #tpu.memory_space<vmem>>) semaphore(%arg13 : memref<!tpu.dma_semaphore, #tpu.memory_space<semaphore_mem>>)
      %dma_wait3A_1173 = arith.constant 23 : i32
      %dma_wait3A_1174 = arith.constant 3 : i32
      %dma_wait3A_1175 = arith.constant 0 : i32
      %dma_wait3A_1176 = arith.constant 0 : i32
      %dma_wait3A_1177 = tpu.memref_slice %arg9[%dma_wait3A_1174, %dma_wait3A_1175, %dma_wait3A_1176] : memref<4x64x128xf32, #tpu.memory_space<vmem>> -> memref<1x64x128xf32, #tpu.memory_space<vmem>>
      %dma_wait3A_1178 = tpu.memref_squeeze %dma_wait3A_1177 : memref<1x64x128xf32, #tpu.memory_space<vmem>> -> memref<64x128xf32, #tpu.memory_space<vmem>>
      %dma_wait3A_1179 = arith.constant 0 : i32
      %dma_wait3A_1180 = tpu.memref_slice %arg7[%dma_wait3A_1173, %dma_wait3A_1179] : memref<40x64xi32, #tpu.memory_space<vmem>> -> memref<1x64xi32, #tpu.memory_space<vmem>>
      %dma_wait3A_1181 = tpu.memref_squeeze %dma_wait3A_1180 : memref<1x64xi32, #tpu.memory_space<vmem>> -> memref<64xi32, #tpu.memory_space<vmem>>
      %dma_wait3A_1182 = arith.constant 0 : i32
      %dma_wait3A_1183 = arith.constant 0 : i32
      %dma_wait3A_1184 = tpu.memref_slice %arg2[%dma_wait3A_1182, %dma_wait3A_1183] : memref<20000x128xf32, #tpu.memory_space<hbm>> -> memref<20000x128xf32, #tpu.memory_space<hbm>>
      tpu.wait_indirect_dma semaphore(%arg14 : memref<!tpu.dma_semaphore, #tpu.memory_space<semaphore_mem>>) src(%dma_wait3A_1184 : memref<20000x128xf32, #tpu.memory_space<hbm>>) dst(%dma_wait3A_1178 : memref<64x128xf32, #tpu.memory_space<vmem>>)
      %dma_start3A_1185 = arith.constant 3 : i32
      %dma_start3A_1186 = arith.constant 23 : i32
      %dma_start3A_1187 = arith.constant 0 : i32
      %dma_start3A_1188 = arith.constant 0 : i32
      %dma_start3A_1189 = tpu.memref_slice %arg9[%dma_start3A_1185, %dma_start3A_1187, %dma_start3A_1188] : memref<4x64x128xf32, #tpu.memory_space<vmem>> -> memref<1x64x128xf32, #tpu.memory_space<vmem>>
      %dma_start3A_1190 = tpu.memref_squeeze %dma_start3A_1189 : memref<1x64x128xf32, #tpu.memory_space<vmem>> -> memref<64x128xf32, #tpu.memory_space<vmem>>
      %dma_start3A_1191 = arith.constant 0 : i32
      %dma_start3A_1192 = tpu.memref_slice %arg8[%dma_start3A_1186, %dma_start3A_1191] : memref<40x64xi32, #tpu.memory_space<vmem>> -> memref<1x64xi32, #tpu.memory_space<vmem>>
      %dma_start3A_1193 = tpu.memref_squeeze %dma_start3A_1192 : memref<1x64xi32, #tpu.memory_space<vmem>> -> memref<64xi32, #tpu.memory_space<vmem>>
      %dma_start3A_1194 = arith.constant 0 : i32
      %dma_start3A_1195 = arith.constant 0 : i32
      %dma_start3A_1196 = tpu.memref_slice %arg10[%dma_start3A_1194, %dma_start3A_1195] : memref<10240x128xf32, #tpu.memory_space<vmem_shared>> -> memref<10240x128xf32, #tpu.memory_space<vmem_shared>>
      tpu.enqueue_indirect_dma source(%dma_start3A_1190 : memref<64x128xf32, #tpu.memory_space<vmem>>) target(%dma_start3A_1196 : memref<10240x128xf32, #tpu.memory_space<vmem_shared>>) offsets(%dma_start3A_1193 : memref<64xi32, #tpu.memory_space<vmem>>) semaphore(%arg18 : memref<!tpu.dma_semaphore, #tpu.memory_space<semaphore_mem>>) {add = true}
      %dma_wait3A_1197 = arith.constant 3 : i32
      %dma_wait3A_1198 = arith.constant 23 : i32
      %dma_wait3A_1199 = arith.constant 0 : i32
      %dma_wait3A_1200 = arith.constant 0 : i32
      %dma_wait3A_1201 = tpu.memref_slice %arg9[%dma_wait3A_1197, %dma_wait3A_1199, %dma_wait3A_1200] : memref<4x64x128xf32, #tpu.memory_space<vmem>> -> memref<1x64x128xf32, #tpu.memory_space<vmem>>
      %dma_wait3A_1202 = tpu.memref_squeeze %dma_wait3A_1201 : memref<1x64x128xf32, #tpu.memory_space<vmem>> -> memref<64x128xf32, #tpu.memory_space<vmem>>
      %dma_wait3A_1203 = arith.constant 0 : i32
      %dma_wait3A_1204 = tpu.memref_slice %arg8[%dma_wait3A_1198, %dma_wait3A_1203] : memref<40x64xi32, #tpu.memory_space<vmem>> -> memref<1x64xi32, #tpu.memory_space<vmem>>
      %dma_wait3A_1205 = tpu.memref_squeeze %dma_wait3A_1204 : memref<1x64xi32, #tpu.memory_space<vmem>> -> memref<64xi32, #tpu.memory_space<vmem>>
      %dma_wait3A_1206 = arith.constant 0 : i32
      %dma_wait3A_1207 = arith.constant 0 : i32
      %dma_wait3A_1208 = tpu.memref_slice %arg10[%dma_wait3A_1206, %dma_wait3A_1207] : memref<10240x128xf32, #tpu.memory_space<vmem_shared>> -> memref<10240x128xf32, #tpu.memory_space<vmem_shared>>
      tpu.wait_indirect_dma semaphore(%arg18 : memref<!tpu.dma_semaphore, #tpu.memory_space<semaphore_mem>>) src(%dma_wait3A_1202 : memref<64x128xf32, #tpu.memory_space<vmem>>) dst(%dma_wait3A_1208 : memref<10240x128xf32, #tpu.memory_space<vmem_shared>>)
      %dma_start3A_1209 = arith.constant 27 : i32
      %dma_start3A_1210 = arith.constant 3 : i32
      %dma_start3A_1211 = arith.constant 0 : i32
      %dma_start3A_1212 = arith.constant 0 : i32
      %dma_start3A_1213 = tpu.memref_slice %arg9[%dma_start3A_1210, %dma_start3A_1211, %dma_start3A_1212] : memref<4x64x128xf32, #tpu.memory_space<vmem>> -> memref<1x64x128xf32, #tpu.memory_space<vmem>>
      %dma_start3A_1214 = tpu.memref_squeeze %dma_start3A_1213 : memref<1x64x128xf32, #tpu.memory_space<vmem>> -> memref<64x128xf32, #tpu.memory_space<vmem>>
      %dma_start3A_1215 = arith.constant 0 : i32
      %dma_start3A_1216 = tpu.memref_slice %arg7[%dma_start3A_1209, %dma_start3A_1215] : memref<40x64xi32, #tpu.memory_space<vmem>> -> memref<1x64xi32, #tpu.memory_space<vmem>>
      %dma_start3A_1217 = tpu.memref_squeeze %dma_start3A_1216 : memref<1x64xi32, #tpu.memory_space<vmem>> -> memref<64xi32, #tpu.memory_space<vmem>>
      %dma_start3A_1218 = arith.constant 0 : i32
      %dma_start3A_1219 = arith.constant 0 : i32
      %dma_start3A_1220 = tpu.memref_slice %arg2[%dma_start3A_1218, %dma_start3A_1219] : memref<20000x128xf32, #tpu.memory_space<hbm>> -> memref<20000x128xf32, #tpu.memory_space<hbm>>
      tpu.enqueue_indirect_dma source(%dma_start3A_1220 : memref<20000x128xf32, #tpu.memory_space<hbm>>) target(%dma_start3A_1214 : memref<64x128xf32, #tpu.memory_space<vmem>>) offsets(%dma_start3A_1217 : memref<64xi32, #tpu.memory_space<vmem>>) semaphore(%arg14 : memref<!tpu.dma_semaphore, #tpu.memory_space<semaphore_mem>>)
      %dma_wait3A_1221 = arith.constant 24 : i32
      %dma_wait3A_1222 = arith.constant 0 : i32
      %dma_wait3A_1223 = arith.constant 0 : i32
      %dma_wait3A_1224 = arith.constant 0 : i32
      %dma_wait3A_1225 = tpu.memref_slice %arg9[%dma_wait3A_1222, %dma_wait3A_1223, %dma_wait3A_1224] : memref<4x64x128xf32, #tpu.memory_space<vmem>> -> memref<1x64x128xf32, #tpu.memory_space<vmem>>
      %dma_wait3A_1226 = tpu.memref_squeeze %dma_wait3A_1225 : memref<1x64x128xf32, #tpu.memory_space<vmem>> -> memref<64x128xf32, #tpu.memory_space<vmem>>
      %dma_wait3A_1227 = arith.constant 0 : i32
      %dma_wait3A_1228 = tpu.memref_slice %arg7[%dma_wait3A_1221, %dma_wait3A_1227] : memref<40x64xi32, #tpu.memory_space<vmem>> -> memref<1x64xi32, #tpu.memory_space<vmem>>
      %dma_wait3A_1229 = tpu.memref_squeeze %dma_wait3A_1228 : memref<1x64xi32, #tpu.memory_space<vmem>> -> memref<64xi32, #tpu.memory_space<vmem>>
      %dma_wait3A_1230 = arith.constant 0 : i32
      %dma_wait3A_1231 = arith.constant 0 : i32
      %dma_wait3A_1232 = tpu.memref_slice %arg2[%dma_wait3A_1230, %dma_wait3A_1231] : memref<20000x128xf32, #tpu.memory_space<hbm>> -> memref<20000x128xf32, #tpu.memory_space<hbm>>
      tpu.wait_indirect_dma semaphore(%arg11 : memref<!tpu.dma_semaphore, #tpu.memory_space<semaphore_mem>>) src(%dma_wait3A_1232 : memref<20000x128xf32, #tpu.memory_space<hbm>>) dst(%dma_wait3A_1226 : memref<64x128xf32, #tpu.memory_space<vmem>>)
      %dma_start3A_1233 = arith.constant 0 : i32
      %dma_start3A_1234 = arith.constant 24 : i32
      %dma_start3A_1235 = arith.constant 0 : i32
      %dma_start3A_1236 = arith.constant 0 : i32
      %dma_start3A_1237 = tpu.memref_slice %arg9[%dma_start3A_1233, %dma_start3A_1235, %dma_start3A_1236] : memref<4x64x128xf32, #tpu.memory_space<vmem>> -> memref<1x64x128xf32, #tpu.memory_space<vmem>>
      %dma_start3A_1238 = tpu.memref_squeeze %dma_start3A_1237 : memref<1x64x128xf32, #tpu.memory_space<vmem>> -> memref<64x128xf32, #tpu.memory_space<vmem>>
      %dma_start3A_1239 = arith.constant 0 : i32
      %dma_start3A_1240 = tpu.memref_slice %arg8[%dma_start3A_1234, %dma_start3A_1239] : memref<40x64xi32, #tpu.memory_space<vmem>> -> memref<1x64xi32, #tpu.memory_space<vmem>>
      %dma_start3A_1241 = tpu.memref_squeeze %dma_start3A_1240 : memref<1x64xi32, #tpu.memory_space<vmem>> -> memref<64xi32, #tpu.memory_space<vmem>>
      %dma_start3A_1242 = arith.constant 0 : i32
      %dma_start3A_1243 = arith.constant 0 : i32
      %dma_start3A_1244 = tpu.memref_slice %arg10[%dma_start3A_1242, %dma_start3A_1243] : memref<10240x128xf32, #tpu.memory_space<vmem_shared>> -> memref<10240x128xf32, #tpu.memory_space<vmem_shared>>
      tpu.enqueue_indirect_dma source(%dma_start3A_1238 : memref<64x128xf32, #tpu.memory_space<vmem>>) target(%dma_start3A_1244 : memref<10240x128xf32, #tpu.memory_space<vmem_shared>>) offsets(%dma_start3A_1241 : memref<64xi32, #tpu.memory_space<vmem>>) semaphore(%arg15 : memref<!tpu.dma_semaphore, #tpu.memory_space<semaphore_mem>>) {add = true}
      %dma_wait3A_1245 = arith.constant 0 : i32
      %dma_wait3A_1246 = arith.constant 24 : i32
      %dma_wait3A_1247 = arith.constant 0 : i32
      %dma_wait3A_1248 = arith.constant 0 : i32
      %dma_wait3A_1249 = tpu.memref_slice %arg9[%dma_wait3A_1245, %dma_wait3A_1247, %dma_wait3A_1248] : memref<4x64x128xf32, #tpu.memory_space<vmem>> -> memref<1x64x128xf32, #tpu.memory_space<vmem>>
      %dma_wait3A_1250 = tpu.memref_squeeze %dma_wait3A_1249 : memref<1x64x128xf32, #tpu.memory_space<vmem>> -> memref<64x128xf32, #tpu.memory_space<vmem>>
      %dma_wait3A_1251 = arith.constant 0 : i32
      %dma_wait3A_1252 = tpu.memref_slice %arg8[%dma_wait3A_1246, %dma_wait3A_1251] : memref<40x64xi32, #tpu.memory_space<vmem>> -> memref<1x64xi32, #tpu.memory_space<vmem>>
      %dma_wait3A_1253 = tpu.memref_squeeze %dma_wait3A_1252 : memref<1x64xi32, #tpu.memory_space<vmem>> -> memref<64xi32, #tpu.memory_space<vmem>>
      %dma_wait3A_1254 = arith.constant 0 : i32
      %dma_wait3A_1255 = arith.constant 0 : i32
      %dma_wait3A_1256 = tpu.memref_slice %arg10[%dma_wait3A_1254, %dma_wait3A_1255] : memref<10240x128xf32, #tpu.memory_space<vmem_shared>> -> memref<10240x128xf32, #tpu.memory_space<vmem_shared>>
      tpu.wait_indirect_dma semaphore(%arg15 : memref<!tpu.dma_semaphore, #tpu.memory_space<semaphore_mem>>) src(%dma_wait3A_1250 : memref<64x128xf32, #tpu.memory_space<vmem>>) dst(%dma_wait3A_1256 : memref<10240x128xf32, #tpu.memory_space<vmem_shared>>)
      %dma_start3A_1257 = arith.constant 28 : i32
      %dma_start3A_1258 = arith.constant 0 : i32
      %dma_start3A_1259 = arith.constant 0 : i32
      %dma_start3A_1260 = arith.constant 0 : i32
      %dma_start3A_1261 = tpu.memref_slice %arg9[%dma_start3A_1258, %dma_start3A_1259, %dma_start3A_1260] : memref<4x64x128xf32, #tpu.memory_space<vmem>> -> memref<1x64x128xf32, #tpu.memory_space<vmem>>
      %dma_start3A_1262 = tpu.memref_squeeze %dma_start3A_1261 : memref<1x64x128xf32, #tpu.memory_space<vmem>> -> memref<64x128xf32, #tpu.memory_space<vmem>>
      %dma_start3A_1263 = arith.constant 0 : i32
      %dma_start3A_1264 = tpu.memref_slice %arg7[%dma_start3A_1257, %dma_start3A_1263] : memref<40x64xi32, #tpu.memory_space<vmem>> -> memref<1x64xi32, #tpu.memory_space<vmem>>
      %dma_start3A_1265 = tpu.memref_squeeze %dma_start3A_1264 : memref<1x64xi32, #tpu.memory_space<vmem>> -> memref<64xi32, #tpu.memory_space<vmem>>
      %dma_start3A_1266 = arith.constant 0 : i32
      %dma_start3A_1267 = arith.constant 0 : i32
      %dma_start3A_1268 = tpu.memref_slice %arg2[%dma_start3A_1266, %dma_start3A_1267] : memref<20000x128xf32, #tpu.memory_space<hbm>> -> memref<20000x128xf32, #tpu.memory_space<hbm>>
      tpu.enqueue_indirect_dma source(%dma_start3A_1268 : memref<20000x128xf32, #tpu.memory_space<hbm>>) target(%dma_start3A_1262 : memref<64x128xf32, #tpu.memory_space<vmem>>) offsets(%dma_start3A_1265 : memref<64xi32, #tpu.memory_space<vmem>>) semaphore(%arg11 : memref<!tpu.dma_semaphore, #tpu.memory_space<semaphore_mem>>)
      %dma_wait3A_1269 = arith.constant 25 : i32
      %dma_wait3A_1270 = arith.constant 1 : i32
      %dma_wait3A_1271 = arith.constant 0 : i32
      %dma_wait3A_1272 = arith.constant 0 : i32
      %dma_wait3A_1273 = tpu.memref_slice %arg9[%dma_wait3A_1270, %dma_wait3A_1271, %dma_wait3A_1272] : memref<4x64x128xf32, #tpu.memory_space<vmem>> -> memref<1x64x128xf32, #tpu.memory_space<vmem>>
      %dma_wait3A_1274 = tpu.memref_squeeze %dma_wait3A_1273 : memref<1x64x128xf32, #tpu.memory_space<vmem>> -> memref<64x128xf32, #tpu.memory_space<vmem>>
      %dma_wait3A_1275 = arith.constant 0 : i32
      %dma_wait3A_1276 = tpu.memref_slice %arg7[%dma_wait3A_1269, %dma_wait3A_1275] : memref<40x64xi32, #tpu.memory_space<vmem>> -> memref<1x64xi32, #tpu.memory_space<vmem>>
      %dma_wait3A_1277 = tpu.memref_squeeze %dma_wait3A_1276 : memref<1x64xi32, #tpu.memory_space<vmem>> -> memref<64xi32, #tpu.memory_space<vmem>>
      %dma_wait3A_1278 = arith.constant 0 : i32
      %dma_wait3A_1279 = arith.constant 0 : i32
      %dma_wait3A_1280 = tpu.memref_slice %arg2[%dma_wait3A_1278, %dma_wait3A_1279] : memref<20000x128xf32, #tpu.memory_space<hbm>> -> memref<20000x128xf32, #tpu.memory_space<hbm>>
      tpu.wait_indirect_dma semaphore(%arg12 : memref<!tpu.dma_semaphore, #tpu.memory_space<semaphore_mem>>) src(%dma_wait3A_1280 : memref<20000x128xf32, #tpu.memory_space<hbm>>) dst(%dma_wait3A_1274 : memref<64x128xf32, #tpu.memory_space<vmem>>)
      %dma_start3A_1281 = arith.constant 1 : i32
      %dma_start3A_1282 = arith.constant 25 : i32
      %dma_start3A_1283 = arith.constant 0 : i32
      %dma_start3A_1284 = arith.constant 0 : i32
      %dma_start3A_1285 = tpu.memref_slice %arg9[%dma_start3A_1281, %dma_start3A_1283, %dma_start3A_1284] : memref<4x64x128xf32, #tpu.memory_space<vmem>> -> memref<1x64x128xf32, #tpu.memory_space<vmem>>
      %dma_start3A_1286 = tpu.memref_squeeze %dma_start3A_1285 : memref<1x64x128xf32, #tpu.memory_space<vmem>> -> memref<64x128xf32, #tpu.memory_space<vmem>>
      %dma_start3A_1287 = arith.constant 0 : i32
      %dma_start3A_1288 = tpu.memref_slice %arg8[%dma_start3A_1282, %dma_start3A_1287] : memref<40x64xi32, #tpu.memory_space<vmem>> -> memref<1x64xi32, #tpu.memory_space<vmem>>
      %dma_start3A_1289 = tpu.memref_squeeze %dma_start3A_1288 : memref<1x64xi32, #tpu.memory_space<vmem>> -> memref<64xi32, #tpu.memory_space<vmem>>
      %dma_start3A_1290 = arith.constant 0 : i32
      %dma_start3A_1291 = arith.constant 0 : i32
      %dma_start3A_1292 = tpu.memref_slice %arg10[%dma_start3A_1290, %dma_start3A_1291] : memref<10240x128xf32, #tpu.memory_space<vmem_shared>> -> memref<10240x128xf32, #tpu.memory_space<vmem_shared>>
      tpu.enqueue_indirect_dma source(%dma_start3A_1286 : memref<64x128xf32, #tpu.memory_space<vmem>>) target(%dma_start3A_1292 : memref<10240x128xf32, #tpu.memory_space<vmem_shared>>) offsets(%dma_start3A_1289 : memref<64xi32, #tpu.memory_space<vmem>>) semaphore(%arg16 : memref<!tpu.dma_semaphore, #tpu.memory_space<semaphore_mem>>) {add = true}
      %dma_wait3A_1293 = arith.constant 1 : i32
      %dma_wait3A_1294 = arith.constant 25 : i32
      %dma_wait3A_1295 = arith.constant 0 : i32
      %dma_wait3A_1296 = arith.constant 0 : i32
      %dma_wait3A_1297 = tpu.memref_slice %arg9[%dma_wait3A_1293, %dma_wait3A_1295, %dma_wait3A_1296] : memref<4x64x128xf32, #tpu.memory_space<vmem>> -> memref<1x64x128xf32, #tpu.memory_space<vmem>>
      %dma_wait3A_1298 = tpu.memref_squeeze %dma_wait3A_1297 : memref<1x64x128xf32, #tpu.memory_space<vmem>> -> memref<64x128xf32, #tpu.memory_space<vmem>>
      %dma_wait3A_1299 = arith.constant 0 : i32
      %dma_wait3A_1300 = tpu.memref_slice %arg8[%dma_wait3A_1294, %dma_wait3A_1299] : memref<40x64xi32, #tpu.memory_space<vmem>> -> memref<1x64xi32, #tpu.memory_space<vmem>>
      %dma_wait3A_1301 = tpu.memref_squeeze %dma_wait3A_1300 : memref<1x64xi32, #tpu.memory_space<vmem>> -> memref<64xi32, #tpu.memory_space<vmem>>
      %dma_wait3A_1302 = arith.constant 0 : i32
      %dma_wait3A_1303 = arith.constant 0 : i32
      %dma_wait3A_1304 = tpu.memref_slice %arg10[%dma_wait3A_1302, %dma_wait3A_1303] : memref<10240x128xf32, #tpu.memory_space<vmem_shared>> -> memref<10240x128xf32, #tpu.memory_space<vmem_shared>>
      tpu.wait_indirect_dma semaphore(%arg16 : memref<!tpu.dma_semaphore, #tpu.memory_space<semaphore_mem>>) src(%dma_wait3A_1298 : memref<64x128xf32, #tpu.memory_space<vmem>>) dst(%dma_wait3A_1304 : memref<10240x128xf32, #tpu.memory_space<vmem_shared>>)
      %dma_start3A_1305 = arith.constant 29 : i32
      %dma_start3A_1306 = arith.constant 1 : i32
      %dma_start3A_1307 = arith.constant 0 : i32
      %dma_start3A_1308 = arith.constant 0 : i32
      %dma_start3A_1309 = tpu.memref_slice %arg9[%dma_start3A_1306, %dma_start3A_1307, %dma_start3A_1308] : memref<4x64x128xf32, #tpu.memory_space<vmem>> -> memref<1x64x128xf32, #tpu.memory_space<vmem>>
      %dma_start3A_1310 = tpu.memref_squeeze %dma_start3A_1309 : memref<1x64x128xf32, #tpu.memory_space<vmem>> -> memref<64x128xf32, #tpu.memory_space<vmem>>
      %dma_start3A_1311 = arith.constant 0 : i32
      %dma_start3A_1312 = tpu.memref_slice %arg7[%dma_start3A_1305, %dma_start3A_1311] : memref<40x64xi32, #tpu.memory_space<vmem>> -> memref<1x64xi32, #tpu.memory_space<vmem>>
      %dma_start3A_1313 = tpu.memref_squeeze %dma_start3A_1312 : memref<1x64xi32, #tpu.memory_space<vmem>> -> memref<64xi32, #tpu.memory_space<vmem>>
      %dma_start3A_1314 = arith.constant 0 : i32
      %dma_start3A_1315 = arith.constant 0 : i32
      %dma_start3A_1316 = tpu.memref_slice %arg2[%dma_start3A_1314, %dma_start3A_1315] : memref<20000x128xf32, #tpu.memory_space<hbm>> -> memref<20000x128xf32, #tpu.memory_space<hbm>>
      tpu.enqueue_indirect_dma source(%dma_start3A_1316 : memref<20000x128xf32, #tpu.memory_space<hbm>>) target(%dma_start3A_1310 : memref<64x128xf32, #tpu.memory_space<vmem>>) offsets(%dma_start3A_1313 : memref<64xi32, #tpu.memory_space<vmem>>) semaphore(%arg12 : memref<!tpu.dma_semaphore, #tpu.memory_space<semaphore_mem>>)
      %dma_wait3A_1317 = arith.constant 26 : i32
      %dma_wait3A_1318 = arith.constant 2 : i32
      %dma_wait3A_1319 = arith.constant 0 : i32
      %dma_wait3A_1320 = arith.constant 0 : i32
      %dma_wait3A_1321 = tpu.memref_slice %arg9[%dma_wait3A_1318, %dma_wait3A_1319, %dma_wait3A_1320] : memref<4x64x128xf32, #tpu.memory_space<vmem>> -> memref<1x64x128xf32, #tpu.memory_space<vmem>>
      %dma_wait3A_1322 = tpu.memref_squeeze %dma_wait3A_1321 : memref<1x64x128xf32, #tpu.memory_space<vmem>> -> memref<64x128xf32, #tpu.memory_space<vmem>>
      %dma_wait3A_1323 = arith.constant 0 : i32
      %dma_wait3A_1324 = tpu.memref_slice %arg7[%dma_wait3A_1317, %dma_wait3A_1323] : memref<40x64xi32, #tpu.memory_space<vmem>> -> memref<1x64xi32, #tpu.memory_space<vmem>>
      %dma_wait3A_1325 = tpu.memref_squeeze %dma_wait3A_1324 : memref<1x64xi32, #tpu.memory_space<vmem>> -> memref<64xi32, #tpu.memory_space<vmem>>
      %dma_wait3A_1326 = arith.constant 0 : i32
      %dma_wait3A_1327 = arith.constant 0 : i32
      %dma_wait3A_1328 = tpu.memref_slice %arg2[%dma_wait3A_1326, %dma_wait3A_1327] : memref<20000x128xf32, #tpu.memory_space<hbm>> -> memref<20000x128xf32, #tpu.memory_space<hbm>>
      tpu.wait_indirect_dma semaphore(%arg13 : memref<!tpu.dma_semaphore, #tpu.memory_space<semaphore_mem>>) src(%dma_wait3A_1328 : memref<20000x128xf32, #tpu.memory_space<hbm>>) dst(%dma_wait3A_1322 : memref<64x128xf32, #tpu.memory_space<vmem>>)
      %dma_start3A_1329 = arith.constant 2 : i32
      %dma_start3A_1330 = arith.constant 26 : i32
      %dma_start3A_1331 = arith.constant 0 : i32
      %dma_start3A_1332 = arith.constant 0 : i32
      %dma_start3A_1333 = tpu.memref_slice %arg9[%dma_start3A_1329, %dma_start3A_1331, %dma_start3A_1332] : memref<4x64x128xf32, #tpu.memory_space<vmem>> -> memref<1x64x128xf32, #tpu.memory_space<vmem>>
      %dma_start3A_1334 = tpu.memref_squeeze %dma_start3A_1333 : memref<1x64x128xf32, #tpu.memory_space<vmem>> -> memref<64x128xf32, #tpu.memory_space<vmem>>
      %dma_start3A_1335 = arith.constant 0 : i32
      %dma_start3A_1336 = tpu.memref_slice %arg8[%dma_start3A_1330, %dma_start3A_1335] : memref<40x64xi32, #tpu.memory_space<vmem>> -> memref<1x64xi32, #tpu.memory_space<vmem>>
      %dma_start3A_1337 = tpu.memref_squeeze %dma_start3A_1336 : memref<1x64xi32, #tpu.memory_space<vmem>> -> memref<64xi32, #tpu.memory_space<vmem>>
      %dma_start3A_1338 = arith.constant 0 : i32
      %dma_start3A_1339 = arith.constant 0 : i32
      %dma_start3A_1340 = tpu.memref_slice %arg10[%dma_start3A_1338, %dma_start3A_1339] : memref<10240x128xf32, #tpu.memory_space<vmem_shared>> -> memref<10240x128xf32, #tpu.memory_space<vmem_shared>>
      tpu.enqueue_indirect_dma source(%dma_start3A_1334 : memref<64x128xf32, #tpu.memory_space<vmem>>) target(%dma_start3A_1340 : memref<10240x128xf32, #tpu.memory_space<vmem_shared>>) offsets(%dma_start3A_1337 : memref<64xi32, #tpu.memory_space<vmem>>) semaphore(%arg17 : memref<!tpu.dma_semaphore, #tpu.memory_space<semaphore_mem>>) {add = true}
      %dma_wait3A_1341 = arith.constant 2 : i32
      %dma_wait3A_1342 = arith.constant 26 : i32
      %dma_wait3A_1343 = arith.constant 0 : i32
      %dma_wait3A_1344 = arith.constant 0 : i32
      %dma_wait3A_1345 = tpu.memref_slice %arg9[%dma_wait3A_1341, %dma_wait3A_1343, %dma_wait3A_1344] : memref<4x64x128xf32, #tpu.memory_space<vmem>> -> memref<1x64x128xf32, #tpu.memory_space<vmem>>
      %dma_wait3A_1346 = tpu.memref_squeeze %dma_wait3A_1345 : memref<1x64x128xf32, #tpu.memory_space<vmem>> -> memref<64x128xf32, #tpu.memory_space<vmem>>
      %dma_wait3A_1347 = arith.constant 0 : i32
      %dma_wait3A_1348 = tpu.memref_slice %arg8[%dma_wait3A_1342, %dma_wait3A_1347] : memref<40x64xi32, #tpu.memory_space<vmem>> -> memref<1x64xi32, #tpu.memory_space<vmem>>
      %dma_wait3A_1349 = tpu.memref_squeeze %dma_wait3A_1348 : memref<1x64xi32, #tpu.memory_space<vmem>> -> memref<64xi32, #tpu.memory_space<vmem>>
      %dma_wait3A_1350 = arith.constant 0 : i32
      %dma_wait3A_1351 = arith.constant 0 : i32
      %dma_wait3A_1352 = tpu.memref_slice %arg10[%dma_wait3A_1350, %dma_wait3A_1351] : memref<10240x128xf32, #tpu.memory_space<vmem_shared>> -> memref<10240x128xf32, #tpu.memory_space<vmem_shared>>
      tpu.wait_indirect_dma semaphore(%arg17 : memref<!tpu.dma_semaphore, #tpu.memory_space<semaphore_mem>>) src(%dma_wait3A_1346 : memref<64x128xf32, #tpu.memory_space<vmem>>) dst(%dma_wait3A_1352 : memref<10240x128xf32, #tpu.memory_space<vmem_shared>>)
      %dma_start3A_1353 = arith.constant 30 : i32
      %dma_start3A_1354 = arith.constant 2 : i32
      %dma_start3A_1355 = arith.constant 0 : i32
      %dma_start3A_1356 = arith.constant 0 : i32
      %dma_start3A_1357 = tpu.memref_slice %arg9[%dma_start3A_1354, %dma_start3A_1355, %dma_start3A_1356] : memref<4x64x128xf32, #tpu.memory_space<vmem>> -> memref<1x64x128xf32, #tpu.memory_space<vmem>>
      %dma_start3A_1358 = tpu.memref_squeeze %dma_start3A_1357 : memref<1x64x128xf32, #tpu.memory_space<vmem>> -> memref<64x128xf32, #tpu.memory_space<vmem>>
      %dma_start3A_1359 = arith.constant 0 : i32
      %dma_start3A_1360 = tpu.memref_slice %arg7[%dma_start3A_1353, %dma_start3A_1359] : memref<40x64xi32, #tpu.memory_space<vmem>> -> memref<1x64xi32, #tpu.memory_space<vmem>>
      %dma_start3A_1361 = tpu.memref_squeeze %dma_start3A_1360 : memref<1x64xi32, #tpu.memory_space<vmem>> -> memref<64xi32, #tpu.memory_space<vmem>>
      %dma_start3A_1362 = arith.constant 0 : i32
      %dma_start3A_1363 = arith.constant 0 : i32
      %dma_start3A_1364 = tpu.memref_slice %arg2[%dma_start3A_1362, %dma_start3A_1363] : memref<20000x128xf32, #tpu.memory_space<hbm>> -> memref<20000x128xf32, #tpu.memory_space<hbm>>
      tpu.enqueue_indirect_dma source(%dma_start3A_1364 : memref<20000x128xf32, #tpu.memory_space<hbm>>) target(%dma_start3A_1358 : memref<64x128xf32, #tpu.memory_space<vmem>>) offsets(%dma_start3A_1361 : memref<64xi32, #tpu.memory_space<vmem>>) semaphore(%arg13 : memref<!tpu.dma_semaphore, #tpu.memory_space<semaphore_mem>>)
      %dma_wait3A_1365 = arith.constant 27 : i32
      %dma_wait3A_1366 = arith.constant 3 : i32
      %dma_wait3A_1367 = arith.constant 0 : i32
      %dma_wait3A_1368 = arith.constant 0 : i32
      %dma_wait3A_1369 = tpu.memref_slice %arg9[%dma_wait3A_1366, %dma_wait3A_1367, %dma_wait3A_1368] : memref<4x64x128xf32, #tpu.memory_space<vmem>> -> memref<1x64x128xf32, #tpu.memory_space<vmem>>
      %dma_wait3A_1370 = tpu.memref_squeeze %dma_wait3A_1369 : memref<1x64x128xf32, #tpu.memory_space<vmem>> -> memref<64x128xf32, #tpu.memory_space<vmem>>
      %dma_wait3A_1371 = arith.constant 0 : i32
      %dma_wait3A_1372 = tpu.memref_slice %arg7[%dma_wait3A_1365, %dma_wait3A_1371] : memref<40x64xi32, #tpu.memory_space<vmem>> -> memref<1x64xi32, #tpu.memory_space<vmem>>
      %dma_wait3A_1373 = tpu.memref_squeeze %dma_wait3A_1372 : memref<1x64xi32, #tpu.memory_space<vmem>> -> memref<64xi32, #tpu.memory_space<vmem>>
      %dma_wait3A_1374 = arith.constant 0 : i32
      %dma_wait3A_1375 = arith.constant 0 : i32
      %dma_wait3A_1376 = tpu.memref_slice %arg2[%dma_wait3A_1374, %dma_wait3A_1375] : memref<20000x128xf32, #tpu.memory_space<hbm>> -> memref<20000x128xf32, #tpu.memory_space<hbm>>
      tpu.wait_indirect_dma semaphore(%arg14 : memref<!tpu.dma_semaphore, #tpu.memory_space<semaphore_mem>>) src(%dma_wait3A_1376 : memref<20000x128xf32, #tpu.memory_space<hbm>>) dst(%dma_wait3A_1370 : memref<64x128xf32, #tpu.memory_space<vmem>>)
      %dma_start3A_1377 = arith.constant 3 : i32
      %dma_start3A_1378 = arith.constant 27 : i32
      %dma_start3A_1379 = arith.constant 0 : i32
      %dma_start3A_1380 = arith.constant 0 : i32
      %dma_start3A_1381 = tpu.memref_slice %arg9[%dma_start3A_1377, %dma_start3A_1379, %dma_start3A_1380] : memref<4x64x128xf32, #tpu.memory_space<vmem>> -> memref<1x64x128xf32, #tpu.memory_space<vmem>>
      %dma_start3A_1382 = tpu.memref_squeeze %dma_start3A_1381 : memref<1x64x128xf32, #tpu.memory_space<vmem>> -> memref<64x128xf32, #tpu.memory_space<vmem>>
      %dma_start3A_1383 = arith.constant 0 : i32
      %dma_start3A_1384 = tpu.memref_slice %arg8[%dma_start3A_1378, %dma_start3A_1383] : memref<40x64xi32, #tpu.memory_space<vmem>> -> memref<1x64xi32, #tpu.memory_space<vmem>>
      %dma_start3A_1385 = tpu.memref_squeeze %dma_start3A_1384 : memref<1x64xi32, #tpu.memory_space<vmem>> -> memref<64xi32, #tpu.memory_space<vmem>>
      %dma_start3A_1386 = arith.constant 0 : i32
      %dma_start3A_1387 = arith.constant 0 : i32
      %dma_start3A_1388 = tpu.memref_slice %arg10[%dma_start3A_1386, %dma_start3A_1387] : memref<10240x128xf32, #tpu.memory_space<vmem_shared>> -> memref<10240x128xf32, #tpu.memory_space<vmem_shared>>
      tpu.enqueue_indirect_dma source(%dma_start3A_1382 : memref<64x128xf32, #tpu.memory_space<vmem>>) target(%dma_start3A_1388 : memref<10240x128xf32, #tpu.memory_space<vmem_shared>>) offsets(%dma_start3A_1385 : memref<64xi32, #tpu.memory_space<vmem>>) semaphore(%arg18 : memref<!tpu.dma_semaphore, #tpu.memory_space<semaphore_mem>>) {add = true}
      %dma_wait3A_1389 = arith.constant 3 : i32
      %dma_wait3A_1390 = arith.constant 27 : i32
      %dma_wait3A_1391 = arith.constant 0 : i32
      %dma_wait3A_1392 = arith.constant 0 : i32
      %dma_wait3A_1393 = tpu.memref_slice %arg9[%dma_wait3A_1389, %dma_wait3A_1391, %dma_wait3A_1392] : memref<4x64x128xf32, #tpu.memory_space<vmem>> -> memref<1x64x128xf32, #tpu.memory_space<vmem>>
      %dma_wait3A_1394 = tpu.memref_squeeze %dma_wait3A_1393 : memref<1x64x128xf32, #tpu.memory_space<vmem>> -> memref<64x128xf32, #tpu.memory_space<vmem>>
      %dma_wait3A_1395 = arith.constant 0 : i32
      %dma_wait3A_1396 = tpu.memref_slice %arg8[%dma_wait3A_1390, %dma_wait3A_1395] : memref<40x64xi32, #tpu.memory_space<vmem>> -> memref<1x64xi32, #tpu.memory_space<vmem>>
      %dma_wait3A_1397 = tpu.memref_squeeze %dma_wait3A_1396 : memref<1x64xi32, #tpu.memory_space<vmem>> -> memref<64xi32, #tpu.memory_space<vmem>>
      %dma_wait3A_1398 = arith.constant 0 : i32
      %dma_wait3A_1399 = arith.constant 0 : i32
      %dma_wait3A_1400 = tpu.memref_slice %arg10[%dma_wait3A_1398, %dma_wait3A_1399] : memref<10240x128xf32, #tpu.memory_space<vmem_shared>> -> memref<10240x128xf32, #tpu.memory_space<vmem_shared>>
      tpu.wait_indirect_dma semaphore(%arg18 : memref<!tpu.dma_semaphore, #tpu.memory_space<semaphore_mem>>) src(%dma_wait3A_1394 : memref<64x128xf32, #tpu.memory_space<vmem>>) dst(%dma_wait3A_1400 : memref<10240x128xf32, #tpu.memory_space<vmem_shared>>)
      %dma_start3A_1401 = arith.constant 31 : i32
      %dma_start3A_1402 = arith.constant 3 : i32
      %dma_start3A_1403 = arith.constant 0 : i32
      %dma_start3A_1404 = arith.constant 0 : i32
      %dma_start3A_1405 = tpu.memref_slice %arg9[%dma_start3A_1402, %dma_start3A_1403, %dma_start3A_1404] : memref<4x64x128xf32, #tpu.memory_space<vmem>> -> memref<1x64x128xf32, #tpu.memory_space<vmem>>
      %dma_start3A_1406 = tpu.memref_squeeze %dma_start3A_1405 : memref<1x64x128xf32, #tpu.memory_space<vmem>> -> memref<64x128xf32, #tpu.memory_space<vmem>>
      %dma_start3A_1407 = arith.constant 0 : i32
      %dma_start3A_1408 = tpu.memref_slice %arg7[%dma_start3A_1401, %dma_start3A_1407] : memref<40x64xi32, #tpu.memory_space<vmem>> -> memref<1x64xi32, #tpu.memory_space<vmem>>
      %dma_start3A_1409 = tpu.memref_squeeze %dma_start3A_1408 : memref<1x64xi32, #tpu.memory_space<vmem>> -> memref<64xi32, #tpu.memory_space<vmem>>
      %dma_start3A_1410 = arith.constant 0 : i32
      %dma_start3A_1411 = arith.constant 0 : i32
      %dma_start3A_1412 = tpu.memref_slice %arg2[%dma_start3A_1410, %dma_start3A_1411] : memref<20000x128xf32, #tpu.memory_space<hbm>> -> memref<20000x128xf32, #tpu.memory_space<hbm>>
      tpu.enqueue_indirect_dma source(%dma_start3A_1412 : memref<20000x128xf32, #tpu.memory_space<hbm>>) target(%dma_start3A_1406 : memref<64x128xf32, #tpu.memory_space<vmem>>) offsets(%dma_start3A_1409 : memref<64xi32, #tpu.memory_space<vmem>>) semaphore(%arg14 : memref<!tpu.dma_semaphore, #tpu.memory_space<semaphore_mem>>)
      %dma_wait3A_1413 = arith.constant 28 : i32
      %dma_wait3A_1414 = arith.constant 0 : i32
      %dma_wait3A_1415 = arith.constant 0 : i32
      %dma_wait3A_1416 = arith.constant 0 : i32
      %dma_wait3A_1417 = tpu.memref_slice %arg9[%dma_wait3A_1414, %dma_wait3A_1415, %dma_wait3A_1416] : memref<4x64x128xf32, #tpu.memory_space<vmem>> -> memref<1x64x128xf32, #tpu.memory_space<vmem>>
      %dma_wait3A_1418 = tpu.memref_squeeze %dma_wait3A_1417 : memref<1x64x128xf32, #tpu.memory_space<vmem>> -> memref<64x128xf32, #tpu.memory_space<vmem>>
      %dma_wait3A_1419 = arith.constant 0 : i32
      %dma_wait3A_1420 = tpu.memref_slice %arg7[%dma_wait3A_1413, %dma_wait3A_1419] : memref<40x64xi32, #tpu.memory_space<vmem>> -> memref<1x64xi32, #tpu.memory_space<vmem>>
      %dma_wait3A_1421 = tpu.memref_squeeze %dma_wait3A_1420 : memref<1x64xi32, #tpu.memory_space<vmem>> -> memref<64xi32, #tpu.memory_space<vmem>>
      %dma_wait3A_1422 = arith.constant 0 : i32
      %dma_wait3A_1423 = arith.constant 0 : i32
      %dma_wait3A_1424 = tpu.memref_slice %arg2[%dma_wait3A_1422, %dma_wait3A_1423] : memref<20000x128xf32, #tpu.memory_space<hbm>> -> memref<20000x128xf32, #tpu.memory_space<hbm>>
      tpu.wait_indirect_dma semaphore(%arg11 : memref<!tpu.dma_semaphore, #tpu.memory_space<semaphore_mem>>) src(%dma_wait3A_1424 : memref<20000x128xf32, #tpu.memory_space<hbm>>) dst(%dma_wait3A_1418 : memref<64x128xf32, #tpu.memory_space<vmem>>)
      %dma_start3A_1425 = arith.constant 0 : i32
      %dma_start3A_1426 = arith.constant 28 : i32
      %dma_start3A_1427 = arith.constant 0 : i32
      %dma_start3A_1428 = arith.constant 0 : i32
      %dma_start3A_1429 = tpu.memref_slice %arg9[%dma_start3A_1425, %dma_start3A_1427, %dma_start3A_1428] : memref<4x64x128xf32, #tpu.memory_space<vmem>> -> memref<1x64x128xf32, #tpu.memory_space<vmem>>
      %dma_start3A_1430 = tpu.memref_squeeze %dma_start3A_1429 : memref<1x64x128xf32, #tpu.memory_space<vmem>> -> memref<64x128xf32, #tpu.memory_space<vmem>>
      %dma_start3A_1431 = arith.constant 0 : i32
      %dma_start3A_1432 = tpu.memref_slice %arg8[%dma_start3A_1426, %dma_start3A_1431] : memref<40x64xi32, #tpu.memory_space<vmem>> -> memref<1x64xi32, #tpu.memory_space<vmem>>
      %dma_start3A_1433 = tpu.memref_squeeze %dma_start3A_1432 : memref<1x64xi32, #tpu.memory_space<vmem>> -> memref<64xi32, #tpu.memory_space<vmem>>
      %dma_start3A_1434 = arith.constant 0 : i32
      %dma_start3A_1435 = arith.constant 0 : i32
      %dma_start3A_1436 = tpu.memref_slice %arg10[%dma_start3A_1434, %dma_start3A_1435] : memref<10240x128xf32, #tpu.memory_space<vmem_shared>> -> memref<10240x128xf32, #tpu.memory_space<vmem_shared>>
      tpu.enqueue_indirect_dma source(%dma_start3A_1430 : memref<64x128xf32, #tpu.memory_space<vmem>>) target(%dma_start3A_1436 : memref<10240x128xf32, #tpu.memory_space<vmem_shared>>) offsets(%dma_start3A_1433 : memref<64xi32, #tpu.memory_space<vmem>>) semaphore(%arg15 : memref<!tpu.dma_semaphore, #tpu.memory_space<semaphore_mem>>) {add = true}
      %dma_wait3A_1437 = arith.constant 0 : i32
      %dma_wait3A_1438 = arith.constant 28 : i32
      %dma_wait3A_1439 = arith.constant 0 : i32
      %dma_wait3A_1440 = arith.constant 0 : i32
      %dma_wait3A_1441 = tpu.memref_slice %arg9[%dma_wait3A_1437, %dma_wait3A_1439, %dma_wait3A_1440] : memref<4x64x128xf32, #tpu.memory_space<vmem>> -> memref<1x64x128xf32, #tpu.memory_space<vmem>>
      %dma_wait3A_1442 = tpu.memref_squeeze %dma_wait3A_1441 : memref<1x64x128xf32, #tpu.memory_space<vmem>> -> memref<64x128xf32, #tpu.memory_space<vmem>>
      %dma_wait3A_1443 = arith.constant 0 : i32
      %dma_wait3A_1444 = tpu.memref_slice %arg8[%dma_wait3A_1438, %dma_wait3A_1443] : memref<40x64xi32, #tpu.memory_space<vmem>> -> memref<1x64xi32, #tpu.memory_space<vmem>>
      %dma_wait3A_1445 = tpu.memref_squeeze %dma_wait3A_1444 : memref<1x64xi32, #tpu.memory_space<vmem>> -> memref<64xi32, #tpu.memory_space<vmem>>
      %dma_wait3A_1446 = arith.constant 0 : i32
      %dma_wait3A_1447 = arith.constant 0 : i32
      %dma_wait3A_1448 = tpu.memref_slice %arg10[%dma_wait3A_1446, %dma_wait3A_1447] : memref<10240x128xf32, #tpu.memory_space<vmem_shared>> -> memref<10240x128xf32, #tpu.memory_space<vmem_shared>>
      tpu.wait_indirect_dma semaphore(%arg15 : memref<!tpu.dma_semaphore, #tpu.memory_space<semaphore_mem>>) src(%dma_wait3A_1442 : memref<64x128xf32, #tpu.memory_space<vmem>>) dst(%dma_wait3A_1448 : memref<10240x128xf32, #tpu.memory_space<vmem_shared>>)
      %dma_start3A_1449 = arith.constant 32 : i32
      %dma_start3A_1450 = arith.constant 0 : i32
      %dma_start3A_1451 = arith.constant 0 : i32
      %dma_start3A_1452 = arith.constant 0 : i32
      %dma_start3A_1453 = tpu.memref_slice %arg9[%dma_start3A_1450, %dma_start3A_1451, %dma_start3A_1452] : memref<4x64x128xf32, #tpu.memory_space<vmem>> -> memref<1x64x128xf32, #tpu.memory_space<vmem>>
      %dma_start3A_1454 = tpu.memref_squeeze %dma_start3A_1453 : memref<1x64x128xf32, #tpu.memory_space<vmem>> -> memref<64x128xf32, #tpu.memory_space<vmem>>
      %dma_start3A_1455 = arith.constant 0 : i32
      %dma_start3A_1456 = tpu.memref_slice %arg7[%dma_start3A_1449, %dma_start3A_1455] : memref<40x64xi32, #tpu.memory_space<vmem>> -> memref<1x64xi32, #tpu.memory_space<vmem>>
      %dma_start3A_1457 = tpu.memref_squeeze %dma_start3A_1456 : memref<1x64xi32, #tpu.memory_space<vmem>> -> memref<64xi32, #tpu.memory_space<vmem>>
      %dma_start3A_1458 = arith.constant 0 : i32
      %dma_start3A_1459 = arith.constant 0 : i32
      %dma_start3A_1460 = tpu.memref_slice %arg2[%dma_start3A_1458, %dma_start3A_1459] : memref<20000x128xf32, #tpu.memory_space<hbm>> -> memref<20000x128xf32, #tpu.memory_space<hbm>>
      tpu.enqueue_indirect_dma source(%dma_start3A_1460 : memref<20000x128xf32, #tpu.memory_space<hbm>>) target(%dma_start3A_1454 : memref<64x128xf32, #tpu.memory_space<vmem>>) offsets(%dma_start3A_1457 : memref<64xi32, #tpu.memory_space<vmem>>) semaphore(%arg11 : memref<!tpu.dma_semaphore, #tpu.memory_space<semaphore_mem>>)
      %dma_wait3A_1461 = arith.constant 29 : i32
      %dma_wait3A_1462 = arith.constant 1 : i32
      %dma_wait3A_1463 = arith.constant 0 : i32
      %dma_wait3A_1464 = arith.constant 0 : i32
      %dma_wait3A_1465 = tpu.memref_slice %arg9[%dma_wait3A_1462, %dma_wait3A_1463, %dma_wait3A_1464] : memref<4x64x128xf32, #tpu.memory_space<vmem>> -> memref<1x64x128xf32, #tpu.memory_space<vmem>>
      %dma_wait3A_1466 = tpu.memref_squeeze %dma_wait3A_1465 : memref<1x64x128xf32, #tpu.memory_space<vmem>> -> memref<64x128xf32, #tpu.memory_space<vmem>>
      %dma_wait3A_1467 = arith.constant 0 : i32
      %dma_wait3A_1468 = tpu.memref_slice %arg7[%dma_wait3A_1461, %dma_wait3A_1467] : memref<40x64xi32, #tpu.memory_space<vmem>> -> memref<1x64xi32, #tpu.memory_space<vmem>>
      %dma_wait3A_1469 = tpu.memref_squeeze %dma_wait3A_1468 : memref<1x64xi32, #tpu.memory_space<vmem>> -> memref<64xi32, #tpu.memory_space<vmem>>
      %dma_wait3A_1470 = arith.constant 0 : i32
      %dma_wait3A_1471 = arith.constant 0 : i32
      %dma_wait3A_1472 = tpu.memref_slice %arg2[%dma_wait3A_1470, %dma_wait3A_1471] : memref<20000x128xf32, #tpu.memory_space<hbm>> -> memref<20000x128xf32, #tpu.memory_space<hbm>>
      tpu.wait_indirect_dma semaphore(%arg12 : memref<!tpu.dma_semaphore, #tpu.memory_space<semaphore_mem>>) src(%dma_wait3A_1472 : memref<20000x128xf32, #tpu.memory_space<hbm>>) dst(%dma_wait3A_1466 : memref<64x128xf32, #tpu.memory_space<vmem>>)
      %dma_start3A_1473 = arith.constant 1 : i32
      %dma_start3A_1474 = arith.constant 29 : i32
      %dma_start3A_1475 = arith.constant 0 : i32
      %dma_start3A_1476 = arith.constant 0 : i32
      %dma_start3A_1477 = tpu.memref_slice %arg9[%dma_start3A_1473, %dma_start3A_1475, %dma_start3A_1476] : memref<4x64x128xf32, #tpu.memory_space<vmem>> -> memref<1x64x128xf32, #tpu.memory_space<vmem>>
      %dma_start3A_1478 = tpu.memref_squeeze %dma_start3A_1477 : memref<1x64x128xf32, #tpu.memory_space<vmem>> -> memref<64x128xf32, #tpu.memory_space<vmem>>
      %dma_start3A_1479 = arith.constant 0 : i32
      %dma_start3A_1480 = tpu.memref_slice %arg8[%dma_start3A_1474, %dma_start3A_1479] : memref<40x64xi32, #tpu.memory_space<vmem>> -> memref<1x64xi32, #tpu.memory_space<vmem>>
      %dma_start3A_1481 = tpu.memref_squeeze %dma_start3A_1480 : memref<1x64xi32, #tpu.memory_space<vmem>> -> memref<64xi32, #tpu.memory_space<vmem>>
      %dma_start3A_1482 = arith.constant 0 : i32
      %dma_start3A_1483 = arith.constant 0 : i32
      %dma_start3A_1484 = tpu.memref_slice %arg10[%dma_start3A_1482, %dma_start3A_1483] : memref<10240x128xf32, #tpu.memory_space<vmem_shared>> -> memref<10240x128xf32, #tpu.memory_space<vmem_shared>>
      tpu.enqueue_indirect_dma source(%dma_start3A_1478 : memref<64x128xf32, #tpu.memory_space<vmem>>) target(%dma_start3A_1484 : memref<10240x128xf32, #tpu.memory_space<vmem_shared>>) offsets(%dma_start3A_1481 : memref<64xi32, #tpu.memory_space<vmem>>) semaphore(%arg16 : memref<!tpu.dma_semaphore, #tpu.memory_space<semaphore_mem>>) {add = true}
      %dma_wait3A_1485 = arith.constant 1 : i32
      %dma_wait3A_1486 = arith.constant 29 : i32
      %dma_wait3A_1487 = arith.constant 0 : i32
      %dma_wait3A_1488 = arith.constant 0 : i32
      %dma_wait3A_1489 = tpu.memref_slice %arg9[%dma_wait3A_1485, %dma_wait3A_1487, %dma_wait3A_1488] : memref<4x64x128xf32, #tpu.memory_space<vmem>> -> memref<1x64x128xf32, #tpu.memory_space<vmem>>
      %dma_wait3A_1490 = tpu.memref_squeeze %dma_wait3A_1489 : memref<1x64x128xf32, #tpu.memory_space<vmem>> -> memref<64x128xf32, #tpu.memory_space<vmem>>
      %dma_wait3A_1491 = arith.constant 0 : i32
      %dma_wait3A_1492 = tpu.memref_slice %arg8[%dma_wait3A_1486, %dma_wait3A_1491] : memref<40x64xi32, #tpu.memory_space<vmem>> -> memref<1x64xi32, #tpu.memory_space<vmem>>
      %dma_wait3A_1493 = tpu.memref_squeeze %dma_wait3A_1492 : memref<1x64xi32, #tpu.memory_space<vmem>> -> memref<64xi32, #tpu.memory_space<vmem>>
      %dma_wait3A_1494 = arith.constant 0 : i32
      %dma_wait3A_1495 = arith.constant 0 : i32
      %dma_wait3A_1496 = tpu.memref_slice %arg10[%dma_wait3A_1494, %dma_wait3A_1495] : memref<10240x128xf32, #tpu.memory_space<vmem_shared>> -> memref<10240x128xf32, #tpu.memory_space<vmem_shared>>
      tpu.wait_indirect_dma semaphore(%arg16 : memref<!tpu.dma_semaphore, #tpu.memory_space<semaphore_mem>>) src(%dma_wait3A_1490 : memref<64x128xf32, #tpu.memory_space<vmem>>) dst(%dma_wait3A_1496 : memref<10240x128xf32, #tpu.memory_space<vmem_shared>>)
      %dma_start3A_1497 = arith.constant 33 : i32
      %dma_start3A_1498 = arith.constant 1 : i32
      %dma_start3A_1499 = arith.constant 0 : i32
      %dma_start3A_1500 = arith.constant 0 : i32
      %dma_start3A_1501 = tpu.memref_slice %arg9[%dma_start3A_1498, %dma_start3A_1499, %dma_start3A_1500] : memref<4x64x128xf32, #tpu.memory_space<vmem>> -> memref<1x64x128xf32, #tpu.memory_space<vmem>>
      %dma_start3A_1502 = tpu.memref_squeeze %dma_start3A_1501 : memref<1x64x128xf32, #tpu.memory_space<vmem>> -> memref<64x128xf32, #tpu.memory_space<vmem>>
      %dma_start3A_1503 = arith.constant 0 : i32
      %dma_start3A_1504 = tpu.memref_slice %arg7[%dma_start3A_1497, %dma_start3A_1503] : memref<40x64xi32, #tpu.memory_space<vmem>> -> memref<1x64xi32, #tpu.memory_space<vmem>>
      %dma_start3A_1505 = tpu.memref_squeeze %dma_start3A_1504 : memref<1x64xi32, #tpu.memory_space<vmem>> -> memref<64xi32, #tpu.memory_space<vmem>>
      %dma_start3A_1506 = arith.constant 0 : i32
      %dma_start3A_1507 = arith.constant 0 : i32
      %dma_start3A_1508 = tpu.memref_slice %arg2[%dma_start3A_1506, %dma_start3A_1507] : memref<20000x128xf32, #tpu.memory_space<hbm>> -> memref<20000x128xf32, #tpu.memory_space<hbm>>
      tpu.enqueue_indirect_dma source(%dma_start3A_1508 : memref<20000x128xf32, #tpu.memory_space<hbm>>) target(%dma_start3A_1502 : memref<64x128xf32, #tpu.memory_space<vmem>>) offsets(%dma_start3A_1505 : memref<64xi32, #tpu.memory_space<vmem>>) semaphore(%arg12 : memref<!tpu.dma_semaphore, #tpu.memory_space<semaphore_mem>>)
      %dma_wait3A_1509 = arith.constant 30 : i32
      %dma_wait3A_1510 = arith.constant 2 : i32
      %dma_wait3A_1511 = arith.constant 0 : i32
      %dma_wait3A_1512 = arith.constant 0 : i32
      %dma_wait3A_1513 = tpu.memref_slice %arg9[%dma_wait3A_1510, %dma_wait3A_1511, %dma_wait3A_1512] : memref<4x64x128xf32, #tpu.memory_space<vmem>> -> memref<1x64x128xf32, #tpu.memory_space<vmem>>
      %dma_wait3A_1514 = tpu.memref_squeeze %dma_wait3A_1513 : memref<1x64x128xf32, #tpu.memory_space<vmem>> -> memref<64x128xf32, #tpu.memory_space<vmem>>
      %dma_wait3A_1515 = arith.constant 0 : i32
      %dma_wait3A_1516 = tpu.memref_slice %arg7[%dma_wait3A_1509, %dma_wait3A_1515] : memref<40x64xi32, #tpu.memory_space<vmem>> -> memref<1x64xi32, #tpu.memory_space<vmem>>
      %dma_wait3A_1517 = tpu.memref_squeeze %dma_wait3A_1516 : memref<1x64xi32, #tpu.memory_space<vmem>> -> memref<64xi32, #tpu.memory_space<vmem>>
      %dma_wait3A_1518 = arith.constant 0 : i32
      %dma_wait3A_1519 = arith.constant 0 : i32
      %dma_wait3A_1520 = tpu.memref_slice %arg2[%dma_wait3A_1518, %dma_wait3A_1519] : memref<20000x128xf32, #tpu.memory_space<hbm>> -> memref<20000x128xf32, #tpu.memory_space<hbm>>
      tpu.wait_indirect_dma semaphore(%arg13 : memref<!tpu.dma_semaphore, #tpu.memory_space<semaphore_mem>>) src(%dma_wait3A_1520 : memref<20000x128xf32, #tpu.memory_space<hbm>>) dst(%dma_wait3A_1514 : memref<64x128xf32, #tpu.memory_space<vmem>>)
      %dma_start3A_1521 = arith.constant 2 : i32
      %dma_start3A_1522 = arith.constant 30 : i32
      %dma_start3A_1523 = arith.constant 0 : i32
      %dma_start3A_1524 = arith.constant 0 : i32
      %dma_start3A_1525 = tpu.memref_slice %arg9[%dma_start3A_1521, %dma_start3A_1523, %dma_start3A_1524] : memref<4x64x128xf32, #tpu.memory_space<vmem>> -> memref<1x64x128xf32, #tpu.memory_space<vmem>>
      %dma_start3A_1526 = tpu.memref_squeeze %dma_start3A_1525 : memref<1x64x128xf32, #tpu.memory_space<vmem>> -> memref<64x128xf32, #tpu.memory_space<vmem>>
      %dma_start3A_1527 = arith.constant 0 : i32
      %dma_start3A_1528 = tpu.memref_slice %arg8[%dma_start3A_1522, %dma_start3A_1527] : memref<40x64xi32, #tpu.memory_space<vmem>> -> memref<1x64xi32, #tpu.memory_space<vmem>>
      %dma_start3A_1529 = tpu.memref_squeeze %dma_start3A_1528 : memref<1x64xi32, #tpu.memory_space<vmem>> -> memref<64xi32, #tpu.memory_space<vmem>>
      %dma_start3A_1530 = arith.constant 0 : i32
      %dma_start3A_1531 = arith.constant 0 : i32
      %dma_start3A_1532 = tpu.memref_slice %arg10[%dma_start3A_1530, %dma_start3A_1531] : memref<10240x128xf32, #tpu.memory_space<vmem_shared>> -> memref<10240x128xf32, #tpu.memory_space<vmem_shared>>
      tpu.enqueue_indirect_dma source(%dma_start3A_1526 : memref<64x128xf32, #tpu.memory_space<vmem>>) target(%dma_start3A_1532 : memref<10240x128xf32, #tpu.memory_space<vmem_shared>>) offsets(%dma_start3A_1529 : memref<64xi32, #tpu.memory_space<vmem>>) semaphore(%arg17 : memref<!tpu.dma_semaphore, #tpu.memory_space<semaphore_mem>>) {add = true}
      %dma_wait3A_1533 = arith.constant 2 : i32
      %dma_wait3A_1534 = arith.constant 30 : i32
      %dma_wait3A_1535 = arith.constant 0 : i32
      %dma_wait3A_1536 = arith.constant 0 : i32
      %dma_wait3A_1537 = tpu.memref_slice %arg9[%dma_wait3A_1533, %dma_wait3A_1535, %dma_wait3A_1536] : memref<4x64x128xf32, #tpu.memory_space<vmem>> -> memref<1x64x128xf32, #tpu.memory_space<vmem>>
      %dma_wait3A_1538 = tpu.memref_squeeze %dma_wait3A_1537 : memref<1x64x128xf32, #tpu.memory_space<vmem>> -> memref<64x128xf32, #tpu.memory_space<vmem>>
      %dma_wait3A_1539 = arith.constant 0 : i32
      %dma_wait3A_1540 = tpu.memref_slice %arg8[%dma_wait3A_1534, %dma_wait3A_1539] : memref<40x64xi32, #tpu.memory_space<vmem>> -> memref<1x64xi32, #tpu.memory_space<vmem>>
      %dma_wait3A_1541 = tpu.memref_squeeze %dma_wait3A_1540 : memref<1x64xi32, #tpu.memory_space<vmem>> -> memref<64xi32, #tpu.memory_space<vmem>>
      %dma_wait3A_1542 = arith.constant 0 : i32
      %dma_wait3A_1543 = arith.constant 0 : i32
      %dma_wait3A_1544 = tpu.memref_slice %arg10[%dma_wait3A_1542, %dma_wait3A_1543] : memref<10240x128xf32, #tpu.memory_space<vmem_shared>> -> memref<10240x128xf32, #tpu.memory_space<vmem_shared>>
      tpu.wait_indirect_dma semaphore(%arg17 : memref<!tpu.dma_semaphore, #tpu.memory_space<semaphore_mem>>) src(%dma_wait3A_1538 : memref<64x128xf32, #tpu.memory_space<vmem>>) dst(%dma_wait3A_1544 : memref<10240x128xf32, #tpu.memory_space<vmem_shared>>)
      %dma_start3A_1545 = arith.constant 34 : i32
      %dma_start3A_1546 = arith.constant 2 : i32
      %dma_start3A_1547 = arith.constant 0 : i32
      %dma_start3A_1548 = arith.constant 0 : i32
      %dma_start3A_1549 = tpu.memref_slice %arg9[%dma_start3A_1546, %dma_start3A_1547, %dma_start3A_1548] : memref<4x64x128xf32, #tpu.memory_space<vmem>> -> memref<1x64x128xf32, #tpu.memory_space<vmem>>
      %dma_start3A_1550 = tpu.memref_squeeze %dma_start3A_1549 : memref<1x64x128xf32, #tpu.memory_space<vmem>> -> memref<64x128xf32, #tpu.memory_space<vmem>>
      %dma_start3A_1551 = arith.constant 0 : i32
      %dma_start3A_1552 = tpu.memref_slice %arg7[%dma_start3A_1545, %dma_start3A_1551] : memref<40x64xi32, #tpu.memory_space<vmem>> -> memref<1x64xi32, #tpu.memory_space<vmem>>
      %dma_start3A_1553 = tpu.memref_squeeze %dma_start3A_1552 : memref<1x64xi32, #tpu.memory_space<vmem>> -> memref<64xi32, #tpu.memory_space<vmem>>
      %dma_start3A_1554 = arith.constant 0 : i32
      %dma_start3A_1555 = arith.constant 0 : i32
      %dma_start3A_1556 = tpu.memref_slice %arg2[%dma_start3A_1554, %dma_start3A_1555] : memref<20000x128xf32, #tpu.memory_space<hbm>> -> memref<20000x128xf32, #tpu.memory_space<hbm>>
      tpu.enqueue_indirect_dma source(%dma_start3A_1556 : memref<20000x128xf32, #tpu.memory_space<hbm>>) target(%dma_start3A_1550 : memref<64x128xf32, #tpu.memory_space<vmem>>) offsets(%dma_start3A_1553 : memref<64xi32, #tpu.memory_space<vmem>>) semaphore(%arg13 : memref<!tpu.dma_semaphore, #tpu.memory_space<semaphore_mem>>)
      %dma_wait3A_1557 = arith.constant 31 : i32
      %dma_wait3A_1558 = arith.constant 3 : i32
      %dma_wait3A_1559 = arith.constant 0 : i32
      %dma_wait3A_1560 = arith.constant 0 : i32
      %dma_wait3A_1561 = tpu.memref_slice %arg9[%dma_wait3A_1558, %dma_wait3A_1559, %dma_wait3A_1560] : memref<4x64x128xf32, #tpu.memory_space<vmem>> -> memref<1x64x128xf32, #tpu.memory_space<vmem>>
      %dma_wait3A_1562 = tpu.memref_squeeze %dma_wait3A_1561 : memref<1x64x128xf32, #tpu.memory_space<vmem>> -> memref<64x128xf32, #tpu.memory_space<vmem>>
      %dma_wait3A_1563 = arith.constant 0 : i32
      %dma_wait3A_1564 = tpu.memref_slice %arg7[%dma_wait3A_1557, %dma_wait3A_1563] : memref<40x64xi32, #tpu.memory_space<vmem>> -> memref<1x64xi32, #tpu.memory_space<vmem>>
      %dma_wait3A_1565 = tpu.memref_squeeze %dma_wait3A_1564 : memref<1x64xi32, #tpu.memory_space<vmem>> -> memref<64xi32, #tpu.memory_space<vmem>>
      %dma_wait3A_1566 = arith.constant 0 : i32
      %dma_wait3A_1567 = arith.constant 0 : i32
      %dma_wait3A_1568 = tpu.memref_slice %arg2[%dma_wait3A_1566, %dma_wait3A_1567] : memref<20000x128xf32, #tpu.memory_space<hbm>> -> memref<20000x128xf32, #tpu.memory_space<hbm>>
      tpu.wait_indirect_dma semaphore(%arg14 : memref<!tpu.dma_semaphore, #tpu.memory_space<semaphore_mem>>) src(%dma_wait3A_1568 : memref<20000x128xf32, #tpu.memory_space<hbm>>) dst(%dma_wait3A_1562 : memref<64x128xf32, #tpu.memory_space<vmem>>)
      %dma_start3A_1569 = arith.constant 3 : i32
      %dma_start3A_1570 = arith.constant 31 : i32
      %dma_start3A_1571 = arith.constant 0 : i32
      %dma_start3A_1572 = arith.constant 0 : i32
      %dma_start3A_1573 = tpu.memref_slice %arg9[%dma_start3A_1569, %dma_start3A_1571, %dma_start3A_1572] : memref<4x64x128xf32, #tpu.memory_space<vmem>> -> memref<1x64x128xf32, #tpu.memory_space<vmem>>
      %dma_start3A_1574 = tpu.memref_squeeze %dma_start3A_1573 : memref<1x64x128xf32, #tpu.memory_space<vmem>> -> memref<64x128xf32, #tpu.memory_space<vmem>>
      %dma_start3A_1575 = arith.constant 0 : i32
      %dma_start3A_1576 = tpu.memref_slice %arg8[%dma_start3A_1570, %dma_start3A_1575] : memref<40x64xi32, #tpu.memory_space<vmem>> -> memref<1x64xi32, #tpu.memory_space<vmem>>
      %dma_start3A_1577 = tpu.memref_squeeze %dma_start3A_1576 : memref<1x64xi32, #tpu.memory_space<vmem>> -> memref<64xi32, #tpu.memory_space<vmem>>
      %dma_start3A_1578 = arith.constant 0 : i32
      %dma_start3A_1579 = arith.constant 0 : i32
      %dma_start3A_1580 = tpu.memref_slice %arg10[%dma_start3A_1578, %dma_start3A_1579] : memref<10240x128xf32, #tpu.memory_space<vmem_shared>> -> memref<10240x128xf32, #tpu.memory_space<vmem_shared>>
      tpu.enqueue_indirect_dma source(%dma_start3A_1574 : memref<64x128xf32, #tpu.memory_space<vmem>>) target(%dma_start3A_1580 : memref<10240x128xf32, #tpu.memory_space<vmem_shared>>) offsets(%dma_start3A_1577 : memref<64xi32, #tpu.memory_space<vmem>>) semaphore(%arg18 : memref<!tpu.dma_semaphore, #tpu.memory_space<semaphore_mem>>) {add = true}
      %dma_wait3A_1581 = arith.constant 3 : i32
      %dma_wait3A_1582 = arith.constant 31 : i32
      %dma_wait3A_1583 = arith.constant 0 : i32
      %dma_wait3A_1584 = arith.constant 0 : i32
      %dma_wait3A_1585 = tpu.memref_slice %arg9[%dma_wait3A_1581, %dma_wait3A_1583, %dma_wait3A_1584] : memref<4x64x128xf32, #tpu.memory_space<vmem>> -> memref<1x64x128xf32, #tpu.memory_space<vmem>>
      %dma_wait3A_1586 = tpu.memref_squeeze %dma_wait3A_1585 : memref<1x64x128xf32, #tpu.memory_space<vmem>> -> memref<64x128xf32, #tpu.memory_space<vmem>>
      %dma_wait3A_1587 = arith.constant 0 : i32
      %dma_wait3A_1588 = tpu.memref_slice %arg8[%dma_wait3A_1582, %dma_wait3A_1587] : memref<40x64xi32, #tpu.memory_space<vmem>> -> memref<1x64xi32, #tpu.memory_space<vmem>>
      %dma_wait3A_1589 = tpu.memref_squeeze %dma_wait3A_1588 : memref<1x64xi32, #tpu.memory_space<vmem>> -> memref<64xi32, #tpu.memory_space<vmem>>
      %dma_wait3A_1590 = arith.constant 0 : i32
      %dma_wait3A_1591 = arith.constant 0 : i32
      %dma_wait3A_1592 = tpu.memref_slice %arg10[%dma_wait3A_1590, %dma_wait3A_1591] : memref<10240x128xf32, #tpu.memory_space<vmem_shared>> -> memref<10240x128xf32, #tpu.memory_space<vmem_shared>>
      tpu.wait_indirect_dma semaphore(%arg18 : memref<!tpu.dma_semaphore, #tpu.memory_space<semaphore_mem>>) src(%dma_wait3A_1586 : memref<64x128xf32, #tpu.memory_space<vmem>>) dst(%dma_wait3A_1592 : memref<10240x128xf32, #tpu.memory_space<vmem_shared>>)
      %dma_start3A_1593 = arith.constant 35 : i32
      %dma_start3A_1594 = arith.constant 3 : i32
      %dma_start3A_1595 = arith.constant 0 : i32
      %dma_start3A_1596 = arith.constant 0 : i32
      %dma_start3A_1597 = tpu.memref_slice %arg9[%dma_start3A_1594, %dma_start3A_1595, %dma_start3A_1596] : memref<4x64x128xf32, #tpu.memory_space<vmem>> -> memref<1x64x128xf32, #tpu.memory_space<vmem>>
      %dma_start3A_1598 = tpu.memref_squeeze %dma_start3A_1597 : memref<1x64x128xf32, #tpu.memory_space<vmem>> -> memref<64x128xf32, #tpu.memory_space<vmem>>
      %dma_start3A_1599 = arith.constant 0 : i32
      %dma_start3A_1600 = tpu.memref_slice %arg7[%dma_start3A_1593, %dma_start3A_1599] : memref<40x64xi32, #tpu.memory_space<vmem>> -> memref<1x64xi32, #tpu.memory_space<vmem>>
      %dma_start3A_1601 = tpu.memref_squeeze %dma_start3A_1600 : memref<1x64xi32, #tpu.memory_space<vmem>> -> memref<64xi32, #tpu.memory_space<vmem>>
      %dma_start3A_1602 = arith.constant 0 : i32
      %dma_start3A_1603 = arith.constant 0 : i32
      %dma_start3A_1604 = tpu.memref_slice %arg2[%dma_start3A_1602, %dma_start3A_1603] : memref<20000x128xf32, #tpu.memory_space<hbm>> -> memref<20000x128xf32, #tpu.memory_space<hbm>>
      tpu.enqueue_indirect_dma source(%dma_start3A_1604 : memref<20000x128xf32, #tpu.memory_space<hbm>>) target(%dma_start3A_1598 : memref<64x128xf32, #tpu.memory_space<vmem>>) offsets(%dma_start3A_1601 : memref<64xi32, #tpu.memory_space<vmem>>) semaphore(%arg14 : memref<!tpu.dma_semaphore, #tpu.memory_space<semaphore_mem>>)
      %dma_wait3A_1605 = arith.constant 32 : i32
      %dma_wait3A_1606 = arith.constant 0 : i32
      %dma_wait3A_1607 = arith.constant 0 : i32
      %dma_wait3A_1608 = arith.constant 0 : i32
      %dma_wait3A_1609 = tpu.memref_slice %arg9[%dma_wait3A_1606, %dma_wait3A_1607, %dma_wait3A_1608] : memref<4x64x128xf32, #tpu.memory_space<vmem>> -> memref<1x64x128xf32, #tpu.memory_space<vmem>>
      %dma_wait3A_1610 = tpu.memref_squeeze %dma_wait3A_1609 : memref<1x64x128xf32, #tpu.memory_space<vmem>> -> memref<64x128xf32, #tpu.memory_space<vmem>>
      %dma_wait3A_1611 = arith.constant 0 : i32
      %dma_wait3A_1612 = tpu.memref_slice %arg7[%dma_wait3A_1605, %dma_wait3A_1611] : memref<40x64xi32, #tpu.memory_space<vmem>> -> memref<1x64xi32, #tpu.memory_space<vmem>>
      %dma_wait3A_1613 = tpu.memref_squeeze %dma_wait3A_1612 : memref<1x64xi32, #tpu.memory_space<vmem>> -> memref<64xi32, #tpu.memory_space<vmem>>
      %dma_wait3A_1614 = arith.constant 0 : i32
      %dma_wait3A_1615 = arith.constant 0 : i32
      %dma_wait3A_1616 = tpu.memref_slice %arg2[%dma_wait3A_1614, %dma_wait3A_1615] : memref<20000x128xf32, #tpu.memory_space<hbm>> -> memref<20000x128xf32, #tpu.memory_space<hbm>>
      tpu.wait_indirect_dma semaphore(%arg11 : memref<!tpu.dma_semaphore, #tpu.memory_space<semaphore_mem>>) src(%dma_wait3A_1616 : memref<20000x128xf32, #tpu.memory_space<hbm>>) dst(%dma_wait3A_1610 : memref<64x128xf32, #tpu.memory_space<vmem>>)
      %dma_start3A_1617 = arith.constant 0 : i32
      %dma_start3A_1618 = arith.constant 32 : i32
      %dma_start3A_1619 = arith.constant 0 : i32
      %dma_start3A_1620 = arith.constant 0 : i32
      %dma_start3A_1621 = tpu.memref_slice %arg9[%dma_start3A_1617, %dma_start3A_1619, %dma_start3A_1620] : memref<4x64x128xf32, #tpu.memory_space<vmem>> -> memref<1x64x128xf32, #tpu.memory_space<vmem>>
      %dma_start3A_1622 = tpu.memref_squeeze %dma_start3A_1621 : memref<1x64x128xf32, #tpu.memory_space<vmem>> -> memref<64x128xf32, #tpu.memory_space<vmem>>
      %dma_start3A_1623 = arith.constant 0 : i32
      %dma_start3A_1624 = tpu.memref_slice %arg8[%dma_start3A_1618, %dma_start3A_1623] : memref<40x64xi32, #tpu.memory_space<vmem>> -> memref<1x64xi32, #tpu.memory_space<vmem>>
      %dma_start3A_1625 = tpu.memref_squeeze %dma_start3A_1624 : memref<1x64xi32, #tpu.memory_space<vmem>> -> memref<64xi32, #tpu.memory_space<vmem>>
      %dma_start3A_1626 = arith.constant 0 : i32
      %dma_start3A_1627 = arith.constant 0 : i32
      %dma_start3A_1628 = tpu.memref_slice %arg10[%dma_start3A_1626, %dma_start3A_1627] : memref<10240x128xf32, #tpu.memory_space<vmem_shared>> -> memref<10240x128xf32, #tpu.memory_space<vmem_shared>>
      tpu.enqueue_indirect_dma source(%dma_start3A_1622 : memref<64x128xf32, #tpu.memory_space<vmem>>) target(%dma_start3A_1628 : memref<10240x128xf32, #tpu.memory_space<vmem_shared>>) offsets(%dma_start3A_1625 : memref<64xi32, #tpu.memory_space<vmem>>) semaphore(%arg15 : memref<!tpu.dma_semaphore, #tpu.memory_space<semaphore_mem>>) {add = true}
      %dma_wait3A_1629 = arith.constant 0 : i32
      %dma_wait3A_1630 = arith.constant 32 : i32
      %dma_wait3A_1631 = arith.constant 0 : i32
      %dma_wait3A_1632 = arith.constant 0 : i32
      %dma_wait3A_1633 = tpu.memref_slice %arg9[%dma_wait3A_1629, %dma_wait3A_1631, %dma_wait3A_1632] : memref<4x64x128xf32, #tpu.memory_space<vmem>> -> memref<1x64x128xf32, #tpu.memory_space<vmem>>
      %dma_wait3A_1634 = tpu.memref_squeeze %dma_wait3A_1633 : memref<1x64x128xf32, #tpu.memory_space<vmem>> -> memref<64x128xf32, #tpu.memory_space<vmem>>
      %dma_wait3A_1635 = arith.constant 0 : i32
      %dma_wait3A_1636 = tpu.memref_slice %arg8[%dma_wait3A_1630, %dma_wait3A_1635] : memref<40x64xi32, #tpu.memory_space<vmem>> -> memref<1x64xi32, #tpu.memory_space<vmem>>
      %dma_wait3A_1637 = tpu.memref_squeeze %dma_wait3A_1636 : memref<1x64xi32, #tpu.memory_space<vmem>> -> memref<64xi32, #tpu.memory_space<vmem>>
      %dma_wait3A_1638 = arith.constant 0 : i32
      %dma_wait3A_1639 = arith.constant 0 : i32
      %dma_wait3A_1640 = tpu.memref_slice %arg10[%dma_wait3A_1638, %dma_wait3A_1639] : memref<10240x128xf32, #tpu.memory_space<vmem_shared>> -> memref<10240x128xf32, #tpu.memory_space<vmem_shared>>
      tpu.wait_indirect_dma semaphore(%arg15 : memref<!tpu.dma_semaphore, #tpu.memory_space<semaphore_mem>>) src(%dma_wait3A_1634 : memref<64x128xf32, #tpu.memory_space<vmem>>) dst(%dma_wait3A_1640 : memref<10240x128xf32, #tpu.memory_space<vmem_shared>>)
      %dma_start3A_1641 = arith.constant 36 : i32
      %dma_start3A_1642 = arith.constant 0 : i32
      %dma_start3A_1643 = arith.constant 0 : i32
      %dma_start3A_1644 = arith.constant 0 : i32
      %dma_start3A_1645 = tpu.memref_slice %arg9[%dma_start3A_1642, %dma_start3A_1643, %dma_start3A_1644] : memref<4x64x128xf32, #tpu.memory_space<vmem>> -> memref<1x64x128xf32, #tpu.memory_space<vmem>>
      %dma_start3A_1646 = tpu.memref_squeeze %dma_start3A_1645 : memref<1x64x128xf32, #tpu.memory_space<vmem>> -> memref<64x128xf32, #tpu.memory_space<vmem>>
      %dma_start3A_1647 = arith.constant 0 : i32
      %dma_start3A_1648 = tpu.memref_slice %arg7[%dma_start3A_1641, %dma_start3A_1647] : memref<40x64xi32, #tpu.memory_space<vmem>> -> memref<1x64xi32, #tpu.memory_space<vmem>>
      %dma_start3A_1649 = tpu.memref_squeeze %dma_start3A_1648 : memref<1x64xi32, #tpu.memory_space<vmem>> -> memref<64xi32, #tpu.memory_space<vmem>>
      %dma_start3A_1650 = arith.constant 0 : i32
      %dma_start3A_1651 = arith.constant 0 : i32
      %dma_start3A_1652 = tpu.memref_slice %arg2[%dma_start3A_1650, %dma_start3A_1651] : memref<20000x128xf32, #tpu.memory_space<hbm>> -> memref<20000x128xf32, #tpu.memory_space<hbm>>
      tpu.enqueue_indirect_dma source(%dma_start3A_1652 : memref<20000x128xf32, #tpu.memory_space<hbm>>) target(%dma_start3A_1646 : memref<64x128xf32, #tpu.memory_space<vmem>>) offsets(%dma_start3A_1649 : memref<64xi32, #tpu.memory_space<vmem>>) semaphore(%arg11 : memref<!tpu.dma_semaphore, #tpu.memory_space<semaphore_mem>>)
      %dma_wait3A_1653 = arith.constant 33 : i32
      %dma_wait3A_1654 = arith.constant 1 : i32
      %dma_wait3A_1655 = arith.constant 0 : i32
      %dma_wait3A_1656 = arith.constant 0 : i32
      %dma_wait3A_1657 = tpu.memref_slice %arg9[%dma_wait3A_1654, %dma_wait3A_1655, %dma_wait3A_1656] : memref<4x64x128xf32, #tpu.memory_space<vmem>> -> memref<1x64x128xf32, #tpu.memory_space<vmem>>
      %dma_wait3A_1658 = tpu.memref_squeeze %dma_wait3A_1657 : memref<1x64x128xf32, #tpu.memory_space<vmem>> -> memref<64x128xf32, #tpu.memory_space<vmem>>
      %dma_wait3A_1659 = arith.constant 0 : i32
      %dma_wait3A_1660 = tpu.memref_slice %arg7[%dma_wait3A_1653, %dma_wait3A_1659] : memref<40x64xi32, #tpu.memory_space<vmem>> -> memref<1x64xi32, #tpu.memory_space<vmem>>
      %dma_wait3A_1661 = tpu.memref_squeeze %dma_wait3A_1660 : memref<1x64xi32, #tpu.memory_space<vmem>> -> memref<64xi32, #tpu.memory_space<vmem>>
      %dma_wait3A_1662 = arith.constant 0 : i32
      %dma_wait3A_1663 = arith.constant 0 : i32
      %dma_wait3A_1664 = tpu.memref_slice %arg2[%dma_wait3A_1662, %dma_wait3A_1663] : memref<20000x128xf32, #tpu.memory_space<hbm>> -> memref<20000x128xf32, #tpu.memory_space<hbm>>
      tpu.wait_indirect_dma semaphore(%arg12 : memref<!tpu.dma_semaphore, #tpu.memory_space<semaphore_mem>>) src(%dma_wait3A_1664 : memref<20000x128xf32, #tpu.memory_space<hbm>>) dst(%dma_wait3A_1658 : memref<64x128xf32, #tpu.memory_space<vmem>>)
      %dma_start3A_1665 = arith.constant 1 : i32
      %dma_start3A_1666 = arith.constant 33 : i32
      %dma_start3A_1667 = arith.constant 0 : i32
      %dma_start3A_1668 = arith.constant 0 : i32
      %dma_start3A_1669 = tpu.memref_slice %arg9[%dma_start3A_1665, %dma_start3A_1667, %dma_start3A_1668] : memref<4x64x128xf32, #tpu.memory_space<vmem>> -> memref<1x64x128xf32, #tpu.memory_space<vmem>>
      %dma_start3A_1670 = tpu.memref_squeeze %dma_start3A_1669 : memref<1x64x128xf32, #tpu.memory_space<vmem>> -> memref<64x128xf32, #tpu.memory_space<vmem>>
      %dma_start3A_1671 = arith.constant 0 : i32
      %dma_start3A_1672 = tpu.memref_slice %arg8[%dma_start3A_1666, %dma_start3A_1671] : memref<40x64xi32, #tpu.memory_space<vmem>> -> memref<1x64xi32, #tpu.memory_space<vmem>>
      %dma_start3A_1673 = tpu.memref_squeeze %dma_start3A_1672 : memref<1x64xi32, #tpu.memory_space<vmem>> -> memref<64xi32, #tpu.memory_space<vmem>>
      %dma_start3A_1674 = arith.constant 0 : i32
      %dma_start3A_1675 = arith.constant 0 : i32
      %dma_start3A_1676 = tpu.memref_slice %arg10[%dma_start3A_1674, %dma_start3A_1675] : memref<10240x128xf32, #tpu.memory_space<vmem_shared>> -> memref<10240x128xf32, #tpu.memory_space<vmem_shared>>
      tpu.enqueue_indirect_dma source(%dma_start3A_1670 : memref<64x128xf32, #tpu.memory_space<vmem>>) target(%dma_start3A_1676 : memref<10240x128xf32, #tpu.memory_space<vmem_shared>>) offsets(%dma_start3A_1673 : memref<64xi32, #tpu.memory_space<vmem>>) semaphore(%arg16 : memref<!tpu.dma_semaphore, #tpu.memory_space<semaphore_mem>>) {add = true}
      %dma_wait3A_1677 = arith.constant 1 : i32
      %dma_wait3A_1678 = arith.constant 33 : i32
      %dma_wait3A_1679 = arith.constant 0 : i32
      %dma_wait3A_1680 = arith.constant 0 : i32
      %dma_wait3A_1681 = tpu.memref_slice %arg9[%dma_wait3A_1677, %dma_wait3A_1679, %dma_wait3A_1680] : memref<4x64x128xf32, #tpu.memory_space<vmem>> -> memref<1x64x128xf32, #tpu.memory_space<vmem>>
      %dma_wait3A_1682 = tpu.memref_squeeze %dma_wait3A_1681 : memref<1x64x128xf32, #tpu.memory_space<vmem>> -> memref<64x128xf32, #tpu.memory_space<vmem>>
      %dma_wait3A_1683 = arith.constant 0 : i32
      %dma_wait3A_1684 = tpu.memref_slice %arg8[%dma_wait3A_1678, %dma_wait3A_1683] : memref<40x64xi32, #tpu.memory_space<vmem>> -> memref<1x64xi32, #tpu.memory_space<vmem>>
      %dma_wait3A_1685 = tpu.memref_squeeze %dma_wait3A_1684 : memref<1x64xi32, #tpu.memory_space<vmem>> -> memref<64xi32, #tpu.memory_space<vmem>>
      %dma_wait3A_1686 = arith.constant 0 : i32
      %dma_wait3A_1687 = arith.constant 0 : i32
      %dma_wait3A_1688 = tpu.memref_slice %arg10[%dma_wait3A_1686, %dma_wait3A_1687] : memref<10240x128xf32, #tpu.memory_space<vmem_shared>> -> memref<10240x128xf32, #tpu.memory_space<vmem_shared>>
      tpu.wait_indirect_dma semaphore(%arg16 : memref<!tpu.dma_semaphore, #tpu.memory_space<semaphore_mem>>) src(%dma_wait3A_1682 : memref<64x128xf32, #tpu.memory_space<vmem>>) dst(%dma_wait3A_1688 : memref<10240x128xf32, #tpu.memory_space<vmem_shared>>)
      %dma_start3A_1689 = arith.constant 37 : i32
      %dma_start3A_1690 = arith.constant 1 : i32
      %dma_start3A_1691 = arith.constant 0 : i32
      %dma_start3A_1692 = arith.constant 0 : i32
      %dma_start3A_1693 = tpu.memref_slice %arg9[%dma_start3A_1690, %dma_start3A_1691, %dma_start3A_1692] : memref<4x64x128xf32, #tpu.memory_space<vmem>> -> memref<1x64x128xf32, #tpu.memory_space<vmem>>
      %dma_start3A_1694 = tpu.memref_squeeze %dma_start3A_1693 : memref<1x64x128xf32, #tpu.memory_space<vmem>> -> memref<64x128xf32, #tpu.memory_space<vmem>>
      %dma_start3A_1695 = arith.constant 0 : i32
      %dma_start3A_1696 = tpu.memref_slice %arg7[%dma_start3A_1689, %dma_start3A_1695] : memref<40x64xi32, #tpu.memory_space<vmem>> -> memref<1x64xi32, #tpu.memory_space<vmem>>
      %dma_start3A_1697 = tpu.memref_squeeze %dma_start3A_1696 : memref<1x64xi32, #tpu.memory_space<vmem>> -> memref<64xi32, #tpu.memory_space<vmem>>
      %dma_start3A_1698 = arith.constant 0 : i32
      %dma_start3A_1699 = arith.constant 0 : i32
      %dma_start3A_1700 = tpu.memref_slice %arg2[%dma_start3A_1698, %dma_start3A_1699] : memref<20000x128xf32, #tpu.memory_space<hbm>> -> memref<20000x128xf32, #tpu.memory_space<hbm>>
      tpu.enqueue_indirect_dma source(%dma_start3A_1700 : memref<20000x128xf32, #tpu.memory_space<hbm>>) target(%dma_start3A_1694 : memref<64x128xf32, #tpu.memory_space<vmem>>) offsets(%dma_start3A_1697 : memref<64xi32, #tpu.memory_space<vmem>>) semaphore(%arg12 : memref<!tpu.dma_semaphore, #tpu.memory_space<semaphore_mem>>)
      %dma_wait3A_1701 = arith.constant 34 : i32
      %dma_wait3A_1702 = arith.constant 2 : i32
      %dma_wait3A_1703 = arith.constant 0 : i32
      %dma_wait3A_1704 = arith.constant 0 : i32
      %dma_wait3A_1705 = tpu.memref_slice %arg9[%dma_wait3A_1702, %dma_wait3A_1703, %dma_wait3A_1704] : memref<4x64x128xf32, #tpu.memory_space<vmem>> -> memref<1x64x128xf32, #tpu.memory_space<vmem>>
      %dma_wait3A_1706 = tpu.memref_squeeze %dma_wait3A_1705 : memref<1x64x128xf32, #tpu.memory_space<vmem>> -> memref<64x128xf32, #tpu.memory_space<vmem>>
      %dma_wait3A_1707 = arith.constant 0 : i32
      %dma_wait3A_1708 = tpu.memref_slice %arg7[%dma_wait3A_1701, %dma_wait3A_1707] : memref<40x64xi32, #tpu.memory_space<vmem>> -> memref<1x64xi32, #tpu.memory_space<vmem>>
      %dma_wait3A_1709 = tpu.memref_squeeze %dma_wait3A_1708 : memref<1x64xi32, #tpu.memory_space<vmem>> -> memref<64xi32, #tpu.memory_space<vmem>>
      %dma_wait3A_1710 = arith.constant 0 : i32
      %dma_wait3A_1711 = arith.constant 0 : i32
      %dma_wait3A_1712 = tpu.memref_slice %arg2[%dma_wait3A_1710, %dma_wait3A_1711] : memref<20000x128xf32, #tpu.memory_space<hbm>> -> memref<20000x128xf32, #tpu.memory_space<hbm>>
      tpu.wait_indirect_dma semaphore(%arg13 : memref<!tpu.dma_semaphore, #tpu.memory_space<semaphore_mem>>) src(%dma_wait3A_1712 : memref<20000x128xf32, #tpu.memory_space<hbm>>) dst(%dma_wait3A_1706 : memref<64x128xf32, #tpu.memory_space<vmem>>)
      %dma_start3A_1713 = arith.constant 2 : i32
      %dma_start3A_1714 = arith.constant 34 : i32
      %dma_start3A_1715 = arith.constant 0 : i32
      %dma_start3A_1716 = arith.constant 0 : i32
      %dma_start3A_1717 = tpu.memref_slice %arg9[%dma_start3A_1713, %dma_start3A_1715, %dma_start3A_1716] : memref<4x64x128xf32, #tpu.memory_space<vmem>> -> memref<1x64x128xf32, #tpu.memory_space<vmem>>
      %dma_start3A_1718 = tpu.memref_squeeze %dma_start3A_1717 : memref<1x64x128xf32, #tpu.memory_space<vmem>> -> memref<64x128xf32, #tpu.memory_space<vmem>>
      %dma_start3A_1719 = arith.constant 0 : i32
      %dma_start3A_1720 = tpu.memref_slice %arg8[%dma_start3A_1714, %dma_start3A_1719] : memref<40x64xi32, #tpu.memory_space<vmem>> -> memref<1x64xi32, #tpu.memory_space<vmem>>
      %dma_start3A_1721 = tpu.memref_squeeze %dma_start3A_1720 : memref<1x64xi32, #tpu.memory_space<vmem>> -> memref<64xi32, #tpu.memory_space<vmem>>
      %dma_start3A_1722 = arith.constant 0 : i32
      %dma_start3A_1723 = arith.constant 0 : i32
      %dma_start3A_1724 = tpu.memref_slice %arg10[%dma_start3A_1722, %dma_start3A_1723] : memref<10240x128xf32, #tpu.memory_space<vmem_shared>> -> memref<10240x128xf32, #tpu.memory_space<vmem_shared>>
      tpu.enqueue_indirect_dma source(%dma_start3A_1718 : memref<64x128xf32, #tpu.memory_space<vmem>>) target(%dma_start3A_1724 : memref<10240x128xf32, #tpu.memory_space<vmem_shared>>) offsets(%dma_start3A_1721 : memref<64xi32, #tpu.memory_space<vmem>>) semaphore(%arg17 : memref<!tpu.dma_semaphore, #tpu.memory_space<semaphore_mem>>) {add = true}
      %dma_wait3A_1725 = arith.constant 2 : i32
      %dma_wait3A_1726 = arith.constant 34 : i32
      %dma_wait3A_1727 = arith.constant 0 : i32
      %dma_wait3A_1728 = arith.constant 0 : i32
      %dma_wait3A_1729 = tpu.memref_slice %arg9[%dma_wait3A_1725, %dma_wait3A_1727, %dma_wait3A_1728] : memref<4x64x128xf32, #tpu.memory_space<vmem>> -> memref<1x64x128xf32, #tpu.memory_space<vmem>>
      %dma_wait3A_1730 = tpu.memref_squeeze %dma_wait3A_1729 : memref<1x64x128xf32, #tpu.memory_space<vmem>> -> memref<64x128xf32, #tpu.memory_space<vmem>>
      %dma_wait3A_1731 = arith.constant 0 : i32
      %dma_wait3A_1732 = tpu.memref_slice %arg8[%dma_wait3A_1726, %dma_wait3A_1731] : memref<40x64xi32, #tpu.memory_space<vmem>> -> memref<1x64xi32, #tpu.memory_space<vmem>>
      %dma_wait3A_1733 = tpu.memref_squeeze %dma_wait3A_1732 : memref<1x64xi32, #tpu.memory_space<vmem>> -> memref<64xi32, #tpu.memory_space<vmem>>
      %dma_wait3A_1734 = arith.constant 0 : i32
      %dma_wait3A_1735 = arith.constant 0 : i32
      %dma_wait3A_1736 = tpu.memref_slice %arg10[%dma_wait3A_1734, %dma_wait3A_1735] : memref<10240x128xf32, #tpu.memory_space<vmem_shared>> -> memref<10240x128xf32, #tpu.memory_space<vmem_shared>>
      tpu.wait_indirect_dma semaphore(%arg17 : memref<!tpu.dma_semaphore, #tpu.memory_space<semaphore_mem>>) src(%dma_wait3A_1730 : memref<64x128xf32, #tpu.memory_space<vmem>>) dst(%dma_wait3A_1736 : memref<10240x128xf32, #tpu.memory_space<vmem_shared>>)
      %dma_start3A_1737 = arith.constant 38 : i32
      %dma_start3A_1738 = arith.constant 2 : i32
      %dma_start3A_1739 = arith.constant 0 : i32
      %dma_start3A_1740 = arith.constant 0 : i32
      %dma_start3A_1741 = tpu.memref_slice %arg9[%dma_start3A_1738, %dma_start3A_1739, %dma_start3A_1740] : memref<4x64x128xf32, #tpu.memory_space<vmem>> -> memref<1x64x128xf32, #tpu.memory_space<vmem>>
      %dma_start3A_1742 = tpu.memref_squeeze %dma_start3A_1741 : memref<1x64x128xf32, #tpu.memory_space<vmem>> -> memref<64x128xf32, #tpu.memory_space<vmem>>
      %dma_start3A_1743 = arith.constant 0 : i32
      %dma_start3A_1744 = tpu.memref_slice %arg7[%dma_start3A_1737, %dma_start3A_1743] : memref<40x64xi32, #tpu.memory_space<vmem>> -> memref<1x64xi32, #tpu.memory_space<vmem>>
      %dma_start3A_1745 = tpu.memref_squeeze %dma_start3A_1744 : memref<1x64xi32, #tpu.memory_space<vmem>> -> memref<64xi32, #tpu.memory_space<vmem>>
      %dma_start3A_1746 = arith.constant 0 : i32
      %dma_start3A_1747 = arith.constant 0 : i32
      %dma_start3A_1748 = tpu.memref_slice %arg2[%dma_start3A_1746, %dma_start3A_1747] : memref<20000x128xf32, #tpu.memory_space<hbm>> -> memref<20000x128xf32, #tpu.memory_space<hbm>>
      tpu.enqueue_indirect_dma source(%dma_start3A_1748 : memref<20000x128xf32, #tpu.memory_space<hbm>>) target(%dma_start3A_1742 : memref<64x128xf32, #tpu.memory_space<vmem>>) offsets(%dma_start3A_1745 : memref<64xi32, #tpu.memory_space<vmem>>) semaphore(%arg13 : memref<!tpu.dma_semaphore, #tpu.memory_space<semaphore_mem>>)
      %dma_wait3A_1749 = arith.constant 35 : i32
      %dma_wait3A_1750 = arith.constant 3 : i32
      %dma_wait3A_1751 = arith.constant 0 : i32
      %dma_wait3A_1752 = arith.constant 0 : i32
      %dma_wait3A_1753 = tpu.memref_slice %arg9[%dma_wait3A_1750, %dma_wait3A_1751, %dma_wait3A_1752] : memref<4x64x128xf32, #tpu.memory_space<vmem>> -> memref<1x64x128xf32, #tpu.memory_space<vmem>>
      %dma_wait3A_1754 = tpu.memref_squeeze %dma_wait3A_1753 : memref<1x64x128xf32, #tpu.memory_space<vmem>> -> memref<64x128xf32, #tpu.memory_space<vmem>>
      %dma_wait3A_1755 = arith.constant 0 : i32
      %dma_wait3A_1756 = tpu.memref_slice %arg7[%dma_wait3A_1749, %dma_wait3A_1755] : memref<40x64xi32, #tpu.memory_space<vmem>> -> memref<1x64xi32, #tpu.memory_space<vmem>>
      %dma_wait3A_1757 = tpu.memref_squeeze %dma_wait3A_1756 : memref<1x64xi32, #tpu.memory_space<vmem>> -> memref<64xi32, #tpu.memory_space<vmem>>
      %dma_wait3A_1758 = arith.constant 0 : i32
      %dma_wait3A_1759 = arith.constant 0 : i32
      %dma_wait3A_1760 = tpu.memref_slice %arg2[%dma_wait3A_1758, %dma_wait3A_1759] : memref<20000x128xf32, #tpu.memory_space<hbm>> -> memref<20000x128xf32, #tpu.memory_space<hbm>>
      tpu.wait_indirect_dma semaphore(%arg14 : memref<!tpu.dma_semaphore, #tpu.memory_space<semaphore_mem>>) src(%dma_wait3A_1760 : memref<20000x128xf32, #tpu.memory_space<hbm>>) dst(%dma_wait3A_1754 : memref<64x128xf32, #tpu.memory_space<vmem>>)
      %dma_start3A_1761 = arith.constant 3 : i32
      %dma_start3A_1762 = arith.constant 35 : i32
      %dma_start3A_1763 = arith.constant 0 : i32
      %dma_start3A_1764 = arith.constant 0 : i32
      %dma_start3A_1765 = tpu.memref_slice %arg9[%dma_start3A_1761, %dma_start3A_1763, %dma_start3A_1764] : memref<4x64x128xf32, #tpu.memory_space<vmem>> -> memref<1x64x128xf32, #tpu.memory_space<vmem>>
      %dma_start3A_1766 = tpu.memref_squeeze %dma_start3A_1765 : memref<1x64x128xf32, #tpu.memory_space<vmem>> -> memref<64x128xf32, #tpu.memory_space<vmem>>
      %dma_start3A_1767 = arith.constant 0 : i32
      %dma_start3A_1768 = tpu.memref_slice %arg8[%dma_start3A_1762, %dma_start3A_1767] : memref<40x64xi32, #tpu.memory_space<vmem>> -> memref<1x64xi32, #tpu.memory_space<vmem>>
      %dma_start3A_1769 = tpu.memref_squeeze %dma_start3A_1768 : memref<1x64xi32, #tpu.memory_space<vmem>> -> memref<64xi32, #tpu.memory_space<vmem>>
      %dma_start3A_1770 = arith.constant 0 : i32
      %dma_start3A_1771 = arith.constant 0 : i32
      %dma_start3A_1772 = tpu.memref_slice %arg10[%dma_start3A_1770, %dma_start3A_1771] : memref<10240x128xf32, #tpu.memory_space<vmem_shared>> -> memref<10240x128xf32, #tpu.memory_space<vmem_shared>>
      tpu.enqueue_indirect_dma source(%dma_start3A_1766 : memref<64x128xf32, #tpu.memory_space<vmem>>) target(%dma_start3A_1772 : memref<10240x128xf32, #tpu.memory_space<vmem_shared>>) offsets(%dma_start3A_1769 : memref<64xi32, #tpu.memory_space<vmem>>) semaphore(%arg18 : memref<!tpu.dma_semaphore, #tpu.memory_space<semaphore_mem>>) {add = true}
      %dma_wait3A_1773 = arith.constant 3 : i32
      %dma_wait3A_1774 = arith.constant 35 : i32
      %dma_wait3A_1775 = arith.constant 0 : i32
      %dma_wait3A_1776 = arith.constant 0 : i32
      %dma_wait3A_1777 = tpu.memref_slice %arg9[%dma_wait3A_1773, %dma_wait3A_1775, %dma_wait3A_1776] : memref<4x64x128xf32, #tpu.memory_space<vmem>> -> memref<1x64x128xf32, #tpu.memory_space<vmem>>
      %dma_wait3A_1778 = tpu.memref_squeeze %dma_wait3A_1777 : memref<1x64x128xf32, #tpu.memory_space<vmem>> -> memref<64x128xf32, #tpu.memory_space<vmem>>
      %dma_wait3A_1779 = arith.constant 0 : i32
      %dma_wait3A_1780 = tpu.memref_slice %arg8[%dma_wait3A_1774, %dma_wait3A_1779] : memref<40x64xi32, #tpu.memory_space<vmem>> -> memref<1x64xi32, #tpu.memory_space<vmem>>
      %dma_wait3A_1781 = tpu.memref_squeeze %dma_wait3A_1780 : memref<1x64xi32, #tpu.memory_space<vmem>> -> memref<64xi32, #tpu.memory_space<vmem>>
      %dma_wait3A_1782 = arith.constant 0 : i32
      %dma_wait3A_1783 = arith.constant 0 : i32
      %dma_wait3A_1784 = tpu.memref_slice %arg10[%dma_wait3A_1782, %dma_wait3A_1783] : memref<10240x128xf32, #tpu.memory_space<vmem_shared>> -> memref<10240x128xf32, #tpu.memory_space<vmem_shared>>
      tpu.wait_indirect_dma semaphore(%arg18 : memref<!tpu.dma_semaphore, #tpu.memory_space<semaphore_mem>>) src(%dma_wait3A_1778 : memref<64x128xf32, #tpu.memory_space<vmem>>) dst(%dma_wait3A_1784 : memref<10240x128xf32, #tpu.memory_space<vmem_shared>>)
      %dma_start3A_1785 = arith.constant 39 : i32
      %dma_start3A_1786 = arith.constant 3 : i32
      %dma_start3A_1787 = arith.constant 0 : i32
      %dma_start3A_1788 = arith.constant 0 : i32
      %dma_start3A_1789 = tpu.memref_slice %arg9[%dma_start3A_1786, %dma_start3A_1787, %dma_start3A_1788] : memref<4x64x128xf32, #tpu.memory_space<vmem>> -> memref<1x64x128xf32, #tpu.memory_space<vmem>>
      %dma_start3A_1790 = tpu.memref_squeeze %dma_start3A_1789 : memref<1x64x128xf32, #tpu.memory_space<vmem>> -> memref<64x128xf32, #tpu.memory_space<vmem>>
      %dma_start3A_1791 = arith.constant 0 : i32
      %dma_start3A_1792 = tpu.memref_slice %arg7[%dma_start3A_1785, %dma_start3A_1791] : memref<40x64xi32, #tpu.memory_space<vmem>> -> memref<1x64xi32, #tpu.memory_space<vmem>>
      %dma_start3A_1793 = tpu.memref_squeeze %dma_start3A_1792 : memref<1x64xi32, #tpu.memory_space<vmem>> -> memref<64xi32, #tpu.memory_space<vmem>>
      %dma_start3A_1794 = arith.constant 0 : i32
      %dma_start3A_1795 = arith.constant 0 : i32
      %dma_start3A_1796 = tpu.memref_slice %arg2[%dma_start3A_1794, %dma_start3A_1795] : memref<20000x128xf32, #tpu.memory_space<hbm>> -> memref<20000x128xf32, #tpu.memory_space<hbm>>
      tpu.enqueue_indirect_dma source(%dma_start3A_1796 : memref<20000x128xf32, #tpu.memory_space<hbm>>) target(%dma_start3A_1790 : memref<64x128xf32, #tpu.memory_space<vmem>>) offsets(%dma_start3A_1793 : memref<64xi32, #tpu.memory_space<vmem>>) semaphore(%arg14 : memref<!tpu.dma_semaphore, #tpu.memory_space<semaphore_mem>>)
      %dma_wait3A_1797 = arith.constant 36 : i32
      %dma_wait3A_1798 = arith.constant 0 : i32
      %dma_wait3A_1799 = arith.constant 0 : i32
      %dma_wait3A_1800 = arith.constant 0 : i32
      %dma_wait3A_1801 = tpu.memref_slice %arg9[%dma_wait3A_1798, %dma_wait3A_1799, %dma_wait3A_1800] : memref<4x64x128xf32, #tpu.memory_space<vmem>> -> memref<1x64x128xf32, #tpu.memory_space<vmem>>
      %dma_wait3A_1802 = tpu.memref_squeeze %dma_wait3A_1801 : memref<1x64x128xf32, #tpu.memory_space<vmem>> -> memref<64x128xf32, #tpu.memory_space<vmem>>
      %dma_wait3A_1803 = arith.constant 0 : i32
      %dma_wait3A_1804 = tpu.memref_slice %arg7[%dma_wait3A_1797, %dma_wait3A_1803] : memref<40x64xi32, #tpu.memory_space<vmem>> -> memref<1x64xi32, #tpu.memory_space<vmem>>
      %dma_wait3A_1805 = tpu.memref_squeeze %dma_wait3A_1804 : memref<1x64xi32, #tpu.memory_space<vmem>> -> memref<64xi32, #tpu.memory_space<vmem>>
      %dma_wait3A_1806 = arith.constant 0 : i32
      %dma_wait3A_1807 = arith.constant 0 : i32
      %dma_wait3A_1808 = tpu.memref_slice %arg2[%dma_wait3A_1806, %dma_wait3A_1807] : memref<20000x128xf32, #tpu.memory_space<hbm>> -> memref<20000x128xf32, #tpu.memory_space<hbm>>
      tpu.wait_indirect_dma semaphore(%arg11 : memref<!tpu.dma_semaphore, #tpu.memory_space<semaphore_mem>>) src(%dma_wait3A_1808 : memref<20000x128xf32, #tpu.memory_space<hbm>>) dst(%dma_wait3A_1802 : memref<64x128xf32, #tpu.memory_space<vmem>>)
      %dma_start3A_1809 = arith.constant 0 : i32
      %dma_start3A_1810 = arith.constant 36 : i32
      %dma_start3A_1811 = arith.constant 0 : i32
      %dma_start3A_1812 = arith.constant 0 : i32
      %dma_start3A_1813 = tpu.memref_slice %arg9[%dma_start3A_1809, %dma_start3A_1811, %dma_start3A_1812] : memref<4x64x128xf32, #tpu.memory_space<vmem>> -> memref<1x64x128xf32, #tpu.memory_space<vmem>>
      %dma_start3A_1814 = tpu.memref_squeeze %dma_start3A_1813 : memref<1x64x128xf32, #tpu.memory_space<vmem>> -> memref<64x128xf32, #tpu.memory_space<vmem>>
      %dma_start3A_1815 = arith.constant 0 : i32
      %dma_start3A_1816 = tpu.memref_slice %arg8[%dma_start3A_1810, %dma_start3A_1815] : memref<40x64xi32, #tpu.memory_space<vmem>> -> memref<1x64xi32, #tpu.memory_space<vmem>>
      %dma_start3A_1817 = tpu.memref_squeeze %dma_start3A_1816 : memref<1x64xi32, #tpu.memory_space<vmem>> -> memref<64xi32, #tpu.memory_space<vmem>>
      %dma_start3A_1818 = arith.constant 0 : i32
      %dma_start3A_1819 = arith.constant 0 : i32
      %dma_start3A_1820 = tpu.memref_slice %arg10[%dma_start3A_1818, %dma_start3A_1819] : memref<10240x128xf32, #tpu.memory_space<vmem_shared>> -> memref<10240x128xf32, #tpu.memory_space<vmem_shared>>
      tpu.enqueue_indirect_dma source(%dma_start3A_1814 : memref<64x128xf32, #tpu.memory_space<vmem>>) target(%dma_start3A_1820 : memref<10240x128xf32, #tpu.memory_space<vmem_shared>>) offsets(%dma_start3A_1817 : memref<64xi32, #tpu.memory_space<vmem>>) semaphore(%arg15 : memref<!tpu.dma_semaphore, #tpu.memory_space<semaphore_mem>>) {add = true}
      %dma_wait3A_1821 = arith.constant 37 : i32
      %dma_wait3A_1822 = arith.constant 1 : i32
      %dma_wait3A_1823 = arith.constant 0 : i32
      %dma_wait3A_1824 = arith.constant 0 : i32
      %dma_wait3A_1825 = tpu.memref_slice %arg9[%dma_wait3A_1822, %dma_wait3A_1823, %dma_wait3A_1824] : memref<4x64x128xf32, #tpu.memory_space<vmem>> -> memref<1x64x128xf32, #tpu.memory_space<vmem>>
      %dma_wait3A_1826 = tpu.memref_squeeze %dma_wait3A_1825 : memref<1x64x128xf32, #tpu.memory_space<vmem>> -> memref<64x128xf32, #tpu.memory_space<vmem>>
      %dma_wait3A_1827 = arith.constant 0 : i32
      %dma_wait3A_1828 = tpu.memref_slice %arg7[%dma_wait3A_1821, %dma_wait3A_1827] : memref<40x64xi32, #tpu.memory_space<vmem>> -> memref<1x64xi32, #tpu.memory_space<vmem>>
      %dma_wait3A_1829 = tpu.memref_squeeze %dma_wait3A_1828 : memref<1x64xi32, #tpu.memory_space<vmem>> -> memref<64xi32, #tpu.memory_space<vmem>>
      %dma_wait3A_1830 = arith.constant 0 : i32
      %dma_wait3A_1831 = arith.constant 0 : i32
      %dma_wait3A_1832 = tpu.memref_slice %arg2[%dma_wait3A_1830, %dma_wait3A_1831] : memref<20000x128xf32, #tpu.memory_space<hbm>> -> memref<20000x128xf32, #tpu.memory_space<hbm>>
      tpu.wait_indirect_dma semaphore(%arg12 : memref<!tpu.dma_semaphore, #tpu.memory_space<semaphore_mem>>) src(%dma_wait3A_1832 : memref<20000x128xf32, #tpu.memory_space<hbm>>) dst(%dma_wait3A_1826 : memref<64x128xf32, #tpu.memory_space<vmem>>)
      %dma_start3A_1833 = arith.constant 1 : i32
      %dma_start3A_1834 = arith.constant 37 : i32
      %dma_start3A_1835 = arith.constant 0 : i32
      %dma_start3A_1836 = arith.constant 0 : i32
      %dma_start3A_1837 = tpu.memref_slice %arg9[%dma_start3A_1833, %dma_start3A_1835, %dma_start3A_1836] : memref<4x64x128xf32, #tpu.memory_space<vmem>> -> memref<1x64x128xf32, #tpu.memory_space<vmem>>
      %dma_start3A_1838 = tpu.memref_squeeze %dma_start3A_1837 : memref<1x64x128xf32, #tpu.memory_space<vmem>> -> memref<64x128xf32, #tpu.memory_space<vmem>>
      %dma_start3A_1839 = arith.constant 0 : i32
      %dma_start3A_1840 = tpu.memref_slice %arg8[%dma_start3A_1834, %dma_start3A_1839] : memref<40x64xi32, #tpu.memory_space<vmem>> -> memref<1x64xi32, #tpu.memory_space<vmem>>
      %dma_start3A_1841 = tpu.memref_squeeze %dma_start3A_1840 : memref<1x64xi32, #tpu.memory_space<vmem>> -> memref<64xi32, #tpu.memory_space<vmem>>
      %dma_start3A_1842 = arith.constant 0 : i32
      %dma_start3A_1843 = arith.constant 0 : i32
      %dma_start3A_1844 = tpu.memref_slice %arg10[%dma_start3A_1842, %dma_start3A_1843] : memref<10240x128xf32, #tpu.memory_space<vmem_shared>> -> memref<10240x128xf32, #tpu.memory_space<vmem_shared>>
      tpu.enqueue_indirect_dma source(%dma_start3A_1838 : memref<64x128xf32, #tpu.memory_space<vmem>>) target(%dma_start3A_1844 : memref<10240x128xf32, #tpu.memory_space<vmem_shared>>) offsets(%dma_start3A_1841 : memref<64xi32, #tpu.memory_space<vmem>>) semaphore(%arg16 : memref<!tpu.dma_semaphore, #tpu.memory_space<semaphore_mem>>) {add = true}
      %dma_wait3A_1845 = arith.constant 38 : i32
      %dma_wait3A_1846 = arith.constant 2 : i32
      %dma_wait3A_1847 = arith.constant 0 : i32
      %dma_wait3A_1848 = arith.constant 0 : i32
      %dma_wait3A_1849 = tpu.memref_slice %arg9[%dma_wait3A_1846, %dma_wait3A_1847, %dma_wait3A_1848] : memref<4x64x128xf32, #tpu.memory_space<vmem>> -> memref<1x64x128xf32, #tpu.memory_space<vmem>>
      %dma_wait3A_1850 = tpu.memref_squeeze %dma_wait3A_1849 : memref<1x64x128xf32, #tpu.memory_space<vmem>> -> memref<64x128xf32, #tpu.memory_space<vmem>>
      %dma_wait3A_1851 = arith.constant 0 : i32
      %dma_wait3A_1852 = tpu.memref_slice %arg7[%dma_wait3A_1845, %dma_wait3A_1851] : memref<40x64xi32, #tpu.memory_space<vmem>> -> memref<1x64xi32, #tpu.memory_space<vmem>>
      %dma_wait3A_1853 = tpu.memref_squeeze %dma_wait3A_1852 : memref<1x64xi32, #tpu.memory_space<vmem>> -> memref<64xi32, #tpu.memory_space<vmem>>
      %dma_wait3A_1854 = arith.constant 0 : i32
      %dma_wait3A_1855 = arith.constant 0 : i32
      %dma_wait3A_1856 = tpu.memref_slice %arg2[%dma_wait3A_1854, %dma_wait3A_1855] : memref<20000x128xf32, #tpu.memory_space<hbm>> -> memref<20000x128xf32, #tpu.memory_space<hbm>>
      tpu.wait_indirect_dma semaphore(%arg13 : memref<!tpu.dma_semaphore, #tpu.memory_space<semaphore_mem>>) src(%dma_wait3A_1856 : memref<20000x128xf32, #tpu.memory_space<hbm>>) dst(%dma_wait3A_1850 : memref<64x128xf32, #tpu.memory_space<vmem>>)
      %dma_start3A_1857 = arith.constant 2 : i32
      %dma_start3A_1858 = arith.constant 38 : i32
      %dma_start3A_1859 = arith.constant 0 : i32
      %dma_start3A_1860 = arith.constant 0 : i32
      %dma_start3A_1861 = tpu.memref_slice %arg9[%dma_start3A_1857, %dma_start3A_1859, %dma_start3A_1860] : memref<4x64x128xf32, #tpu.memory_space<vmem>> -> memref<1x64x128xf32, #tpu.memory_space<vmem>>
      %dma_start3A_1862 = tpu.memref_squeeze %dma_start3A_1861 : memref<1x64x128xf32, #tpu.memory_space<vmem>> -> memref<64x128xf32, #tpu.memory_space<vmem>>
      %dma_start3A_1863 = arith.constant 0 : i32
      %dma_start3A_1864 = tpu.memref_slice %arg8[%dma_start3A_1858, %dma_start3A_1863] : memref<40x64xi32, #tpu.memory_space<vmem>> -> memref<1x64xi32, #tpu.memory_space<vmem>>
      %dma_start3A_1865 = tpu.memref_squeeze %dma_start3A_1864 : memref<1x64xi32, #tpu.memory_space<vmem>> -> memref<64xi32, #tpu.memory_space<vmem>>
      %dma_start3A_1866 = arith.constant 0 : i32
      %dma_start3A_1867 = arith.constant 0 : i32
      %dma_start3A_1868 = tpu.memref_slice %arg10[%dma_start3A_1866, %dma_start3A_1867] : memref<10240x128xf32, #tpu.memory_space<vmem_shared>> -> memref<10240x128xf32, #tpu.memory_space<vmem_shared>>
      tpu.enqueue_indirect_dma source(%dma_start3A_1862 : memref<64x128xf32, #tpu.memory_space<vmem>>) target(%dma_start3A_1868 : memref<10240x128xf32, #tpu.memory_space<vmem_shared>>) offsets(%dma_start3A_1865 : memref<64xi32, #tpu.memory_space<vmem>>) semaphore(%arg17 : memref<!tpu.dma_semaphore, #tpu.memory_space<semaphore_mem>>) {add = true}
      %dma_wait3A_1869 = arith.constant 39 : i32
      %dma_wait3A_1870 = arith.constant 3 : i32
      %dma_wait3A_1871 = arith.constant 0 : i32
      %dma_wait3A_1872 = arith.constant 0 : i32
      %dma_wait3A_1873 = tpu.memref_slice %arg9[%dma_wait3A_1870, %dma_wait3A_1871, %dma_wait3A_1872] : memref<4x64x128xf32, #tpu.memory_space<vmem>> -> memref<1x64x128xf32, #tpu.memory_space<vmem>>
      %dma_wait3A_1874 = tpu.memref_squeeze %dma_wait3A_1873 : memref<1x64x128xf32, #tpu.memory_space<vmem>> -> memref<64x128xf32, #tpu.memory_space<vmem>>
      %dma_wait3A_1875 = arith.constant 0 : i32
      %dma_wait3A_1876 = tpu.memref_slice %arg7[%dma_wait3A_1869, %dma_wait3A_1875] : memref<40x64xi32, #tpu.memory_space<vmem>> -> memref<1x64xi32, #tpu.memory_space<vmem>>
      %dma_wait3A_1877 = tpu.memref_squeeze %dma_wait3A_1876 : memref<1x64xi32, #tpu.memory_space<vmem>> -> memref<64xi32, #tpu.memory_space<vmem>>
      %dma_wait3A_1878 = arith.constant 0 : i32
      %dma_wait3A_1879 = arith.constant 0 : i32
      %dma_wait3A_1880 = tpu.memref_slice %arg2[%dma_wait3A_1878, %dma_wait3A_1879] : memref<20000x128xf32, #tpu.memory_space<hbm>> -> memref<20000x128xf32, #tpu.memory_space<hbm>>
      tpu.wait_indirect_dma semaphore(%arg14 : memref<!tpu.dma_semaphore, #tpu.memory_space<semaphore_mem>>) src(%dma_wait3A_1880 : memref<20000x128xf32, #tpu.memory_space<hbm>>) dst(%dma_wait3A_1874 : memref<64x128xf32, #tpu.memory_space<vmem>>)
      %dma_start3A_1881 = arith.constant 3 : i32
      %dma_start3A_1882 = arith.constant 39 : i32
      %dma_start3A_1883 = arith.constant 0 : i32
      %dma_start3A_1884 = arith.constant 0 : i32
      %dma_start3A_1885 = tpu.memref_slice %arg9[%dma_start3A_1881, %dma_start3A_1883, %dma_start3A_1884] : memref<4x64x128xf32, #tpu.memory_space<vmem>> -> memref<1x64x128xf32, #tpu.memory_space<vmem>>
      %dma_start3A_1886 = tpu.memref_squeeze %dma_start3A_1885 : memref<1x64x128xf32, #tpu.memory_space<vmem>> -> memref<64x128xf32, #tpu.memory_space<vmem>>
      %dma_start3A_1887 = arith.constant 0 : i32
      %dma_start3A_1888 = tpu.memref_slice %arg8[%dma_start3A_1882, %dma_start3A_1887] : memref<40x64xi32, #tpu.memory_space<vmem>> -> memref<1x64xi32, #tpu.memory_space<vmem>>
      %dma_start3A_1889 = tpu.memref_squeeze %dma_start3A_1888 : memref<1x64xi32, #tpu.memory_space<vmem>> -> memref<64xi32, #tpu.memory_space<vmem>>
      %dma_start3A_1890 = arith.constant 0 : i32
      %dma_start3A_1891 = arith.constant 0 : i32
      %dma_start3A_1892 = tpu.memref_slice %arg10[%dma_start3A_1890, %dma_start3A_1891] : memref<10240x128xf32, #tpu.memory_space<vmem_shared>> -> memref<10240x128xf32, #tpu.memory_space<vmem_shared>>
      tpu.enqueue_indirect_dma source(%dma_start3A_1886 : memref<64x128xf32, #tpu.memory_space<vmem>>) target(%dma_start3A_1892 : memref<10240x128xf32, #tpu.memory_space<vmem_shared>>) offsets(%dma_start3A_1889 : memref<64xi32, #tpu.memory_space<vmem>>) semaphore(%arg18 : memref<!tpu.dma_semaphore, #tpu.memory_space<semaphore_mem>>) {add = true}
      %dma_wait3A_1893 = arith.constant 0 : i32
      %dma_wait3A_1894 = arith.constant 36 : i32
      %dma_wait3A_1895 = arith.constant 0 : i32
      %dma_wait3A_1896 = arith.constant 0 : i32
      %dma_wait3A_1897 = tpu.memref_slice %arg9[%dma_wait3A_1893, %dma_wait3A_1895, %dma_wait3A_1896] : memref<4x64x128xf32, #tpu.memory_space<vmem>> -> memref<1x64x128xf32, #tpu.memory_space<vmem>>
      %dma_wait3A_1898 = tpu.memref_squeeze %dma_wait3A_1897 : memref<1x64x128xf32, #tpu.memory_space<vmem>> -> memref<64x128xf32, #tpu.memory_space<vmem>>
      %dma_wait3A_1899 = arith.constant 0 : i32
      %dma_wait3A_1900 = tpu.memref_slice %arg8[%dma_wait3A_1894, %dma_wait3A_1899] : memref<40x64xi32, #tpu.memory_space<vmem>> -> memref<1x64xi32, #tpu.memory_space<vmem>>
      %dma_wait3A_1901 = tpu.memref_squeeze %dma_wait3A_1900 : memref<1x64xi32, #tpu.memory_space<vmem>> -> memref<64xi32, #tpu.memory_space<vmem>>
      %dma_wait3A_1902 = arith.constant 0 : i32
      %dma_wait3A_1903 = arith.constant 0 : i32
      %dma_wait3A_1904 = tpu.memref_slice %arg10[%dma_wait3A_1902, %dma_wait3A_1903] : memref<10240x128xf32, #tpu.memory_space<vmem_shared>> -> memref<10240x128xf32, #tpu.memory_space<vmem_shared>>
      tpu.wait_indirect_dma semaphore(%arg15 : memref<!tpu.dma_semaphore, #tpu.memory_space<semaphore_mem>>) src(%dma_wait3A_1898 : memref<64x128xf32, #tpu.memory_space<vmem>>) dst(%dma_wait3A_1904 : memref<10240x128xf32, #tpu.memory_space<vmem_shared>>)
      %dma_wait3A_1905 = arith.constant 1 : i32
      %dma_wait3A_1906 = arith.constant 37 : i32
      %dma_wait3A_1907 = arith.constant 0 : i32
      %dma_wait3A_1908 = arith.constant 0 : i32
      %dma_wait3A_1909 = tpu.memref_slice %arg9[%dma_wait3A_1905, %dma_wait3A_1907, %dma_wait3A_1908] : memref<4x64x128xf32, #tpu.memory_space<vmem>> -> memref<1x64x128xf32, #tpu.memory_space<vmem>>
      %dma_wait3A_1910 = tpu.memref_squeeze %dma_wait3A_1909 : memref<1x64x128xf32, #tpu.memory_space<vmem>> -> memref<64x128xf32, #tpu.memory_space<vmem>>
      %dma_wait3A_1911 = arith.constant 0 : i32
      %dma_wait3A_1912 = tpu.memref_slice %arg8[%dma_wait3A_1906, %dma_wait3A_1911] : memref<40x64xi32, #tpu.memory_space<vmem>> -> memref<1x64xi32, #tpu.memory_space<vmem>>
      %dma_wait3A_1913 = tpu.memref_squeeze %dma_wait3A_1912 : memref<1x64xi32, #tpu.memory_space<vmem>> -> memref<64xi32, #tpu.memory_space<vmem>>
      %dma_wait3A_1914 = arith.constant 0 : i32
      %dma_wait3A_1915 = arith.constant 0 : i32
      %dma_wait3A_1916 = tpu.memref_slice %arg10[%dma_wait3A_1914, %dma_wait3A_1915] : memref<10240x128xf32, #tpu.memory_space<vmem_shared>> -> memref<10240x128xf32, #tpu.memory_space<vmem_shared>>
      tpu.wait_indirect_dma semaphore(%arg16 : memref<!tpu.dma_semaphore, #tpu.memory_space<semaphore_mem>>) src(%dma_wait3A_1910 : memref<64x128xf32, #tpu.memory_space<vmem>>) dst(%dma_wait3A_1916 : memref<10240x128xf32, #tpu.memory_space<vmem_shared>>)
      %dma_wait3A_1917 = arith.constant 2 : i32
      %dma_wait3A_1918 = arith.constant 38 : i32
      %dma_wait3A_1919 = arith.constant 0 : i32
      %dma_wait3A_1920 = arith.constant 0 : i32
      %dma_wait3A_1921 = tpu.memref_slice %arg9[%dma_wait3A_1917, %dma_wait3A_1919, %dma_wait3A_1920] : memref<4x64x128xf32, #tpu.memory_space<vmem>> -> memref<1x64x128xf32, #tpu.memory_space<vmem>>
      %dma_wait3A_1922 = tpu.memref_squeeze %dma_wait3A_1921 : memref<1x64x128xf32, #tpu.memory_space<vmem>> -> memref<64x128xf32, #tpu.memory_space<vmem>>
      %dma_wait3A_1923 = arith.constant 0 : i32
      %dma_wait3A_1924 = tpu.memref_slice %arg8[%dma_wait3A_1918, %dma_wait3A_1923] : memref<40x64xi32, #tpu.memory_space<vmem>> -> memref<1x64xi32, #tpu.memory_space<vmem>>
      %dma_wait3A_1925 = tpu.memref_squeeze %dma_wait3A_1924 : memref<1x64xi32, #tpu.memory_space<vmem>> -> memref<64xi32, #tpu.memory_space<vmem>>
      %dma_wait3A_1926 = arith.constant 0 : i32
      %dma_wait3A_1927 = arith.constant 0 : i32
      %dma_wait3A_1928 = tpu.memref_slice %arg10[%dma_wait3A_1926, %dma_wait3A_1927] : memref<10240x128xf32, #tpu.memory_space<vmem_shared>> -> memref<10240x128xf32, #tpu.memory_space<vmem_shared>>
      tpu.wait_indirect_dma semaphore(%arg17 : memref<!tpu.dma_semaphore, #tpu.memory_space<semaphore_mem>>) src(%dma_wait3A_1922 : memref<64x128xf32, #tpu.memory_space<vmem>>) dst(%dma_wait3A_1928 : memref<10240x128xf32, #tpu.memory_space<vmem_shared>>)
      %dma_wait3A_1929 = arith.constant 3 : i32
      %dma_wait3A_1930 = arith.constant 39 : i32
      %dma_wait3A_1931 = arith.constant 0 : i32
      %dma_wait3A_1932 = arith.constant 0 : i32
      %dma_wait3A_1933 = tpu.memref_slice %arg9[%dma_wait3A_1929, %dma_wait3A_1931, %dma_wait3A_1932] : memref<4x64x128xf32, #tpu.memory_space<vmem>> -> memref<1x64x128xf32, #tpu.memory_space<vmem>>
      %dma_wait3A_1934 = tpu.memref_squeeze %dma_wait3A_1933 : memref<1x64x128xf32, #tpu.memory_space<vmem>> -> memref<64x128xf32, #tpu.memory_space<vmem>>
      %dma_wait3A_1935 = arith.constant 0 : i32
      %dma_wait3A_1936 = tpu.memref_slice %arg8[%dma_wait3A_1930, %dma_wait3A_1935] : memref<40x64xi32, #tpu.memory_space<vmem>> -> memref<1x64xi32, #tpu.memory_space<vmem>>
      %dma_wait3A_1937 = tpu.memref_squeeze %dma_wait3A_1936 : memref<1x64xi32, #tpu.memory_space<vmem>> -> memref<64xi32, #tpu.memory_space<vmem>>
      %dma_wait3A_1938 = arith.constant 0 : i32
      %dma_wait3A_1939 = arith.constant 0 : i32
      %dma_wait3A_1940 = tpu.memref_slice %arg10[%dma_wait3A_1938, %dma_wait3A_1939] : memref<10240x128xf32, #tpu.memory_space<vmem_shared>> -> memref<10240x128xf32, #tpu.memory_space<vmem_shared>>
      tpu.wait_indirect_dma semaphore(%arg18 : memref<!tpu.dma_semaphore, #tpu.memory_space<semaphore_mem>>) src(%dma_wait3A_1934 : memref<64x128xf32, #tpu.memory_space<vmem>>) dst(%dma_wait3A_1940 : memref<10240x128xf32, #tpu.memory_space<vmem_shared>>)
    }
    %scan3A_11 = arith.constant 4 : i32
    %barrier3A_12 = arith.constant 0 : index
    tpu.barrier barrier_id(%barrier3A_12)
    %mul3A_13 = arith.constant 10240 : i32
    %mul3A_14 = arith.muli %arg0, %mul3A_13 : i32
    %add3A_15 = arith.addi %mul3A_14, %mul3A_0 : i32
    "tpu.region"() ({
      %run_scoped3A = tpu.sem_alloc : memref<!tpu.dma_semaphore, #tpu.memory_space<semaphore_mem>>
      %dma_start3A = arith.constant 0 : i32
      %dma_start3A_16 = tpu.memref_slice %arg6[%add3A_15, %dma_start3A] : memref<20480x128xf32, #tpu.memory_space<hbm>> -> memref<640x128xf32, #tpu.memory_space<hbm>>
      %dma_start3A_17 = arith.constant 0 : i32
      %dma_start3A_18 = tpu.memref_slice %arg10[%mul3A_0, %dma_start3A_17] : memref<10240x128xf32, #tpu.memory_space<vmem_shared>> -> memref<640x128xf32, #tpu.memory_space<vmem_shared>>
      tpu.enqueue_dma source(%dma_start3A_18 : memref<640x128xf32, #tpu.memory_space<vmem_shared>>) target(%dma_start3A_16 : memref<640x128xf32, #tpu.memory_space<hbm>>) target_semaphore(%run_scoped3A : memref<!tpu.dma_semaphore, #tpu.memory_space<semaphore_mem>>)
      %dma_wait3A = arith.constant 0 : i32
      %dma_wait3A_19 = tpu.memref_slice %arg6[%add3A_15, %dma_wait3A] : memref<20480x128xf32, #tpu.memory_space<hbm>> -> memref<640x128xf32, #tpu.memory_space<hbm>>
      %dma_wait3A_20 = arith.constant 0 : i32
      %dma_wait3A_21 = tpu.memref_slice %arg10[%mul3A_0, %dma_wait3A_20] : memref<10240x128xf32, #tpu.memory_space<vmem_shared>> -> memref<640x128xf32, #tpu.memory_space<vmem_shared>>
      tpu.wait_dma2 semaphore(%run_scoped3A : memref<!tpu.dma_semaphore, #tpu.memory_space<semaphore_mem>>) src(%dma_wait3A_21 : memref<640x128xf32, #tpu.memory_space<vmem_shared>>) dst(%dma_wait3A_19 : memref<640x128xf32, #tpu.memory_space<hbm>>)
      tpu.yield
    }) : () -> ()
    return
  }
}

module attributes {stable_mosaic.version = 14 : i64} {
  func.func @_mlp_pre_body(%arg0: i32, %arg1: memref<2000x256xf32, #tpu.memory_space<vmem>>, %arg2: memref<256x256xf32, #tpu.memory_space<vmem>>, %arg3: memref<1x256xf32, #tpu.memory_space<vmem>>, %arg4: memref<256x256xf32, #tpu.memory_space<vmem>>, %arg5: memref<1x256xf32, #tpu.memory_space<vmem>>, %arg6: memref<2x2000x128xf32, #tpu.memory_space<vmem>>) attributes {dimension_semantics = [#tpu.dimension_semantics<arbitrary>], iteration_bounds = array<i64: 5>, scalar_prefetch = 0 : i64, scratch_operands = 0 : i64, tpu.core_type = #tpu.core_type<tc>, window_params = [{transform_indices = @transform_0, window_bounds = array<i64: 2000, 256>}, {pipeline_mode = #tpu.pipeline_mode<synchronous>, transform_indices = @transform_1, window_bounds = array<i64: 256, 256>}, {pipeline_mode = #tpu.pipeline_mode<synchronous>, transform_indices = @transform_2, window_bounds = array<i64: 1, 256>}, {pipeline_mode = #tpu.pipeline_mode<synchronous>, transform_indices = @transform_3, window_bounds = array<i64: 256, 256>}, {pipeline_mode = #tpu.pipeline_mode<synchronous>, transform_indices = @transform_4, window_bounds = array<i64: 1, 256>}, {transform_indices = @transform_5, window_bounds = array<i64: 2, 2000, 128>}]} {
    %get3A = arith.constant 0 : index
    %get3A_0 = arith.constant 0 : index
    %get3A_1 = vector.load %arg1[%get3A, %get3A_0] : memref<2000x256xf32, #tpu.memory_space<vmem>>, vector<2000x256xf32>
    %get3A_2 = arith.constant 0 : index
    %get3A_3 = arith.constant 0 : index
    %get3A_4 = vector.load %arg2[%get3A_2, %get3A_3] : memref<256x256xf32, #tpu.memory_space<vmem>>, vector<256x256xf32>
    %dot_general3A = arith.constant dense<0.000000e+00> : vector<2000x256xf32>
    %dot_general3A_5 = tpu.matmul %get3A_1, %get3A_4, %dot_general3A {dimension_numbers = #tpu.dot_dimension_numbers<[1], [0], [0], [1], [0, 0, 1, 1], [], []>, transpose_lhs_hint = false} : vector<2000x256xf32>, vector<256x256xf32>, vector<2000x256xf32> -> vector<2000x256xf32>
    %get3A_6 = arith.constant 0 : index
    %get3A_7 = arith.constant 0 : index
    %get3A_8 = vector.load %arg3[%get3A_6, %get3A_7] : memref<1x256xf32, #tpu.memory_space<vmem>>, vector<1x256xf32>
    %add3A = vector.broadcast %get3A_8 : vector<1x256xf32> to vector<2000x256xf32>
    %add3A_9 = arith.addf %dot_general3A_5, %add3A : vector<2000x256xf32>
    %max3A = arith.constant 0.000000e+00 : f32
    %max3A_10 = vector.broadcast %max3A : f32 to vector<2000x256xf32>
    %max3A_11 = arith.maximumf %add3A_9, %max3A_10 : vector<2000x256xf32>
    %get3A_12 = arith.constant 0 : index
    %get3A_13 = arith.constant 0 : index
    %get3A_14 = vector.load %arg4[%get3A_12, %get3A_13] : memref<256x256xf32, #tpu.memory_space<vmem>>, vector<256x256xf32>
    %dot_general3A_15 = arith.constant dense<0.000000e+00> : vector<2000x256xf32>
    %dot_general3A_16 = tpu.matmul %max3A_11, %get3A_14, %dot_general3A_15 {dimension_numbers = #tpu.dot_dimension_numbers<[1], [0], [0], [1], [0, 0, 1, 1], [], []>, transpose_lhs_hint = false} : vector<2000x256xf32>, vector<256x256xf32>, vector<2000x256xf32> -> vector<2000x256xf32>
    %get3A_17 = arith.constant 0 : index
    %get3A_18 = arith.constant 0 : index
    %get3A_19 = vector.load %arg5[%get3A_17, %get3A_18] : memref<1x256xf32, #tpu.memory_space<vmem>>, vector<1x256xf32>
    %add3A_20 = vector.broadcast %get3A_19 : vector<1x256xf32> to vector<2000x256xf32>
    %add3A_21 = arith.addf %dot_general3A_16, %add3A_20 : vector<2000x256xf32>
    %max3A_22 = arith.constant 0.000000e+00 : f32
    %max3A_23 = vector.broadcast %max3A_22 : f32 to vector<2000x256xf32>
    %max3A_24 = arith.maximumf %add3A_21, %max3A_23 : vector<2000x256xf32>
    %slice3A = vector.extract_strided_slice %max3A_24 {offsets = [0, 0], sizes = [2000, 128], strides = [1, 1]} : vector<2000x256xf32> to vector<2000x128xf32>
    %swap3A = arith.constant 0 : index
    %swap3A_25 = arith.constant 0 : index
    %swap3A_26 = arith.constant 0 : index
    %swap3A_27 = vector.load %arg6[%swap3A, %swap3A_25, %swap3A_26] : memref<2x2000x128xf32, #tpu.memory_space<vmem>>, vector<1x2000x128xf32>
    %swap3A_28 = vector.shape_cast %swap3A_27 : vector<1x2000x128xf32> to vector<2000x128xf32>
    %swap3A_29 = vector.shape_cast %slice3A : vector<2000x128xf32> to vector<1x2000x128xf32>
    tpu.vector_store %arg6[%swap3A, %swap3A_25, %swap3A_26], %swap3A_29 {strides = array<i32>} : memref<2x2000x128xf32, #tpu.memory_space<vmem>>, vector<1x2000x128xf32>,
    %slice3A_30 = vector.extract_strided_slice %max3A_24 {offsets = [0, 128], sizes = [2000, 128], strides = [1, 1]} : vector<2000x256xf32> to vector<2000x128xf32>
    %swap3A_31 = arith.constant 1 : index
    %swap3A_32 = arith.constant 0 : index
    %swap3A_33 = arith.constant 0 : index
    %swap3A_34 = vector.load %arg6[%swap3A_31, %swap3A_32, %swap3A_33] : memref<2x2000x128xf32, #tpu.memory_space<vmem>>, vector<1x2000x128xf32>
    %swap3A_35 = vector.shape_cast %swap3A_34 : vector<1x2000x128xf32> to vector<2000x128xf32>
    %swap3A_36 = vector.shape_cast %slice3A_30 : vector<2000x128xf32> to vector<1x2000x128xf32>
    tpu.vector_store %arg6[%swap3A_31, %swap3A_32, %swap3A_33], %swap3A_36 {strides = array<i32>} : memref<2x2000x128xf32, #tpu.memory_space<vmem>>, vector<1x2000x128xf32>,
    return
  }
  func.func @transform_0(%arg0: i32) -> (i32, i32) {
    %c0_i32 = arith.constant 0 : i32
    %c0_i32_0 = arith.constant 0 : i32
    return %arg0, %c0_i32 : i32, i32
  }
  func.func @transform_1(%arg0: i32) -> (i32, i32) {
    %c0_i32 = arith.constant 0 : i32
    %c0_i32_0 = arith.constant 0 : i32
    %c0_i32_1 = arith.constant 0 : i32
    return %c0_i32, %c0_i32_0 : i32, i32
  }
  func.func @transform_2(%arg0: i32) -> (i32, i32) {
    %c0_i32 = arith.constant 0 : i32
    %c0_i32_0 = arith.constant 0 : i32
    %c0_i32_1 = arith.constant 0 : i32
    return %c0_i32, %c0_i32_0 : i32, i32
  }
  func.func @transform_3(%arg0: i32) -> (i32, i32) {
    %c0_i32 = arith.constant 0 : i32
    %c0_i32_0 = arith.constant 0 : i32
    %c0_i32_1 = arith.constant 0 : i32
    return %c0_i32, %c0_i32_0 : i32, i32
  }
  func.func @transform_4(%arg0: i32) -> (i32, i32) {
    %c0_i32 = arith.constant 0 : i32
    %c0_i32_0 = arith.constant 0 : i32
    %c0_i32_1 = arith.constant 0 : i32
    return %c0_i32, %c0_i32_0 : i32, i32
  }
  func.func @transform_5(%arg0: i32) -> (i32, i32, i32) {
    %c0_i32 = arith.constant 0 : i32
    %c0_i32_0 = arith.constant 0 : i32
    %c0_i32_1 = arith.constant 0 : i32
    return %c0_i32, %arg0, %c0_i32_0 : i32, i32, i32
  }
}

module attributes {stable_mosaic.version = 14 : i64} {
  func.func @_mlp_post_body(%arg0: i32, %arg1: memref<2x2000x128xf32, #tpu.memory_space<vmem>>, %arg2: memref<128x256xf32, #tpu.memory_space<vmem>>, %arg3: memref<128x256xf32, #tpu.memory_space<vmem>>, %arg4: memref<1x256xf32, #tpu.memory_space<vmem>>, %arg5: memref<256x256xf32, #tpu.memory_space<vmem>>, %arg6: memref<1x256xf32, #tpu.memory_space<vmem>>, %arg7: memref<2000x256xf32, #tpu.memory_space<vmem>>) attributes {dimension_semantics = [#tpu.dimension_semantics<arbitrary>], iteration_bounds = array<i64: 5>, scalar_prefetch = 0 : i64, scratch_operands = 0 : i64, tpu.core_type = #tpu.core_type<tc>, window_params = [{transform_indices = @transform_0, window_bounds = array<i64: 2, 2000, 128>}, {pipeline_mode = #tpu.pipeline_mode<synchronous>, transform_indices = @transform_1, window_bounds = array<i64: 128, 256>}, {pipeline_mode = #tpu.pipeline_mode<synchronous>, transform_indices = @transform_2, window_bounds = array<i64: 128, 256>}, {pipeline_mode = #tpu.pipeline_mode<synchronous>, transform_indices = @transform_3, window_bounds = array<i64: 1, 256>}, {pipeline_mode = #tpu.pipeline_mode<synchronous>, transform_indices = @transform_4, window_bounds = array<i64: 256, 256>}, {pipeline_mode = #tpu.pipeline_mode<synchronous>, transform_indices = @transform_5, window_bounds = array<i64: 1, 256>}, {transform_indices = @transform_6, window_bounds = array<i64: 2000, 256>}]} {
    %get3A = arith.constant 0 : index
    %get3A_0 = arith.constant 0 : index
    %get3A_1 = arith.constant 0 : index
    %get3A_2 = vector.load %arg1[%get3A, %get3A_0, %get3A_1] : memref<2x2000x128xf32, #tpu.memory_space<vmem>>, vector<1x2000x128xf32>
    %get3A_3 = vector.shape_cast %get3A_2 : vector<1x2000x128xf32> to vector<2000x128xf32>
    %get3A_4 = arith.constant 0 : index
    %get3A_5 = arith.constant 0 : index
    %get3A_6 = vector.load %arg2[%get3A_4, %get3A_5] : memref<128x256xf32, #tpu.memory_space<vmem>>, vector<128x256xf32>
    %dot_general3A = arith.constant dense<0.000000e+00> : vector<2000x256xf32>
    %dot_general3A_7 = tpu.matmul %get3A_3, %get3A_6, %dot_general3A {dimension_numbers = #tpu.dot_dimension_numbers<[1], [0], [0], [1], [0, 0, 1, 1], [], []>, transpose_lhs_hint = false} : vector<2000x128xf32>, vector<128x256xf32>, vector<2000x256xf32> -> vector<2000x256xf32>
    %get3A_8 = arith.constant 1 : index
    %get3A_9 = arith.constant 0 : index
    %get3A_10 = arith.constant 0 : index
    %get3A_11 = vector.load %arg1[%get3A_8, %get3A_9, %get3A_10] : memref<2x2000x128xf32, #tpu.memory_space<vmem>>, vector<1x2000x128xf32>
    %get3A_12 = vector.shape_cast %get3A_11 : vector<1x2000x128xf32> to vector<2000x128xf32>
    %get3A_13 = arith.constant 0 : index
    %get3A_14 = arith.constant 0 : index
    %get3A_15 = vector.load %arg3[%get3A_13, %get3A_14] : memref<128x256xf32, #tpu.memory_space<vmem>>, vector<128x256xf32>
    %dot_general3A_16 = arith.constant dense<0.000000e+00> : vector<2000x256xf32>
    %dot_general3A_17 = tpu.matmul %get3A_12, %get3A_15, %dot_general3A_16 {dimension_numbers = #tpu.dot_dimension_numbers<[1], [0], [0], [1], [0, 0, 1, 1], [], []>, transpose_lhs_hint = false} : vector<2000x128xf32>, vector<128x256xf32>, vector<2000x256xf32> -> vector<2000x256xf32>
    %add3A = arith.addf %dot_general3A_7, %dot_general3A_17 : vector<2000x256xf32>
    %get3A_18 = arith.constant 0 : index
    %get3A_19 = arith.constant 0 : index
    %get3A_20 = vector.load %arg4[%get3A_18, %get3A_19] : memref<1x256xf32, #tpu.memory_space<vmem>>, vector<1x256xf32>
    %add3A_21 = vector.broadcast %get3A_20 : vector<1x256xf32> to vector<2000x256xf32>
    %add3A_22 = arith.addf %add3A, %add3A_21 : vector<2000x256xf32>
    %max3A = arith.constant 0.000000e+00 : f32
    %max3A_23 = vector.broadcast %max3A : f32 to vector<2000x256xf32>
    %max3A_24 = arith.maximumf %add3A_22, %max3A_23 : vector<2000x256xf32>
    %get3A_25 = arith.constant 0 : index
    %get3A_26 = arith.constant 0 : index
    %get3A_27 = vector.load %arg5[%get3A_25, %get3A_26] : memref<256x256xf32, #tpu.memory_space<vmem>>, vector<256x256xf32>
    %dot_general3A_28 = arith.constant dense<0.000000e+00> : vector<2000x256xf32>
    %dot_general3A_29 = tpu.matmul %max3A_24, %get3A_27, %dot_general3A_28 {dimension_numbers = #tpu.dot_dimension_numbers<[1], [0], [0], [1], [0, 0, 1, 1], [], []>, transpose_lhs_hint = false} : vector<2000x256xf32>, vector<256x256xf32>, vector<2000x256xf32> -> vector<2000x256xf32>
    %get3A_30 = arith.constant 0 : index
    %get3A_31 = arith.constant 0 : index
    %get3A_32 = vector.load %arg6[%get3A_30, %get3A_31] : memref<1x256xf32, #tpu.memory_space<vmem>>, vector<1x256xf32>
    %add3A_33 = vector.broadcast %get3A_32 : vector<1x256xf32> to vector<2000x256xf32>
    %add3A_34 = arith.addf %dot_general3A_29, %add3A_33 : vector<2000x256xf32>
    %max3A_35 = arith.constant 0.000000e+00 : f32
    %max3A_36 = vector.broadcast %max3A_35 : f32 to vector<2000x256xf32>
    %max3A_37 = arith.maximumf %add3A_34, %max3A_36 : vector<2000x256xf32>
    %swap3A = arith.constant 0 : index
    %swap3A_38 = arith.constant 0 : index
    %swap3A_39 = vector.load %arg7[%swap3A, %swap3A_38] : memref<2000x256xf32, #tpu.memory_space<vmem>>, vector<2000x256xf32>
    tpu.vector_store %arg7[%swap3A, %swap3A_38], %max3A_37 {strides = array<i32>} : memref<2000x256xf32, #tpu.memory_space<vmem>>, vector<2000x256xf32>,
    return
  }
  func.func @transform_0(%arg0: i32) -> (i32, i32, i32) {
    %c0_i32 = arith.constant 0 : i32
    %c0_i32_0 = arith.constant 0 : i32
    %c0_i32_1 = arith.constant 0 : i32
    return %c0_i32, %arg0, %c0_i32_0 : i32, i32, i32
  }
  func.func @transform_1(%arg0: i32) -> (i32, i32) {
    %c0_i32 = arith.constant 0 : i32
    %c0_i32_0 = arith.constant 0 : i32
    %c0_i32_1 = arith.constant 0 : i32
    return %c0_i32, %c0_i32_0 : i32, i32
  }
  func.func @transform_2(%arg0: i32) -> (i32, i32) {
    %c0_i32 = arith.constant 0 : i32
    %c0_i32_0 = arith.constant 0 : i32
    %c0_i32_1 = arith.constant 0 : i32
    return %c0_i32, %c0_i32_0 : i32, i32
  }
  func.func @transform_3(%arg0: i32) -> (i32, i32) {
    %c0_i32 = arith.constant 0 : i32
    %c0_i32_0 = arith.constant 0 : i32
    %c0_i32_1 = arith.constant 0 : i32
    return %c0_i32, %c0_i32_0 : i32, i32
  }
  func.func @transform_4(%arg0: i32) -> (i32, i32) {
    %c0_i32 = arith.constant 0 : i32
    %c0_i32_0 = arith.constant 0 : i32
    %c0_i32_1 = arith.constant 0 : i32
    return %c0_i32, %c0_i32_0 : i32, i32
  }
  func.func @transform_5(%arg0: i32) -> (i32, i32) {
    %c0_i32 = arith.constant 0 : i32
    %c0_i32_0 = arith.constant 0 : i32
    %c0_i32_1 = arith.constant 0 : i32
    return %c0_i32, %c0_i32_0 : i32, i32
  }
  func.func @transform_6(%arg0: i32) -> (i32, i32) {
    %c0_i32 = arith.constant 0 : i32
    %c0_i32_0 = arith.constant 0 : i32
    return %arg0, %c0_i32 : i32, i32
  }
}

</mosaic_0001>

<sc_bundles>
// kernel: kernel.5.cloned.1.call-start
scs
__scs_entry_jumppad:
0x0: {  	(pc) =	sbr.rel $0x88, $3  }
0x1: {  	(tag) =	ssettag $0x0;
	lr =	simm.s32 $0x1  }
0x2: {  	[smem:$0x3F97] =	sst lr;
	_ =	strace $0xD0000000  }
0x3: {  	_ = 	snop  }
0x4: {  	_ = 	snop  }
0x5: {  	_ = 	snop  }
0x6: {  	_ = 	snop  }
0x7: {  	_ = 	snop  }
__scs_overlays_trampoline_lowered:
0x8: {  	[smem:$0x3FA6] =	sst s0  }
0x9: {  	[smem:$0x3FA7] =	sst s1  }
0xa: {  	[smem:$0x3FA8] =	sst s2  }
0xb: {  	[smem:$0x3FA9] =	sst s3  }
0xc: {  	[smem:$0x3FAA] =	sst s4  }
0xd: {  	[smem:$0x3FAB] =	sst s5  }
0xe: {  	[smem:$0x3FAC] =	sst s6  }
0xf: {  	[smem:$0x3FAD] =	sst s7  }
0x10: {  	[smem:$0x3FAE] =	sst s8  }
0x11: {  	[smem:$0x3FAF] =	sst s9;
	s0 =	simm.s32 @!p0 $0x0  }
0x12: {  	s1 =	sld [smem:$0x3F95];
	s0 =	simm.s32 @p0 $0x1  }
0x13: {  	[smem:$0x3FB0] =	sst s0;
	s0 =	simm.s32 @!p1 $0x0  }
0x14: {  	s2 =	sld [smem:$0x3F94];
	s0 =	simm.s32 @p1 $0x1  }
0x15: {  	[smem:$0x3FB1] =	sst s0;
	s0 =	simm.s32 @!p2 $0x0  }
0x16: {  	s3 =	sld [smem:$0x3FDB];
	s0 =	simm.s32 @p2 $0x1  }
0x17: {  	s4 =	simm.s32 $0x1BF5;
	[smem:$0x3FB3] =	sst s0  }
0x18: {  	s0 =	sld [smem:$0x3F96];
	_ =	swait.ge [sflag:s4], $0x0  }
0x19: {  	s7 =	sld [smem:$0x3F97]  }
0x1a: {  	s8 =	sadd.s32 $0xFFFFE003, lr  }
0x1b: {  	s9 =	sadd.s32 $0xFFFFFEF7, lr;
	s5 =	simm.s32 $0xFFFFFFFF;
	p2 =	slt.u32 s8, $0xFFFFF086  }
0x1c: {  	p1 =	slt.u32 s9, $0xF7A;
	s5 =	simm.s32 @!p2 $0x0  }
0x1d: {  	s5 =	simm.s32 @p1 $0x1;
	p0 =	seq.s32 s7, s2  }
0x1e: {  	s7 =	smul.u32 @!p0 $0xF7A, s2;
	p2 =	seq.s32 @!p0 s5, $0x0  }
0x1f: {  	s9 =	smul.u32 $0xF7A, s1;
	s8 =	simm.s32 @!p0 $0x1BF5;
	p2 =	por !p2, p0  }
0x20: {  	[sflag:s8] =	ssyncset.s32 @!p0 $0xFFFFF086;
	s6 =	sadd.s32 @!p0 s3, s7;
	s7 =	simm.s32 @!p0 $0x108  }
0x21: {  	s3 =	sadd.s32 s3, s9;
	s6 =	sadd.s32 @!p0 $0x88, s6;
	s7 =	simm.s32 @p2 $0x1082  }
0x22: {  	[simem:s7], [sflag:s8] =	dma.local @!p0 [hbm:s6], $0xF7A  }
0x23: {  	s9 =	sor.u32 $0xD0000000, s2;
	s6 =	simm.s32 $0x108;
	_ =	swait.ge @!p0 [sflag:s8], $0x0  }
0x24: {  	s3 =	sadd.s32 $0x88, s3;
	s6 =	simm.s32 @!p1 $0x1082;
	[sflag:s4] =	ssyncset.s32 $0xFFFFF086  }
0x25: {  	[simem:s6], [sflag:s4] =	dma.local [hbm:s3], $0xF7A  }
0x26: {  	[smem:$0x3F97] =	sst s1;
	(tag) =	ssettag s2;
	_ =	strace s9  }
0x27: {  	s1 =	sld [smem:$0x3FA7]  }
0x28: {  	s2 =	sld [smem:$0x3FA8]  }
0x29: {  	s4 =	sld [smem:$0x3FAA]  }
0x2a: {  	p0 =	seq.s32 s5, $0x0;
	s5 =	sld [smem:$0x3FAB]  }
0x2b: {  	s6 =	sld [smem:$0x3FAC]  }
0x2c: {  	s7 =	sld [smem:$0x3FAD]  }
0x2d: {  	s3 =	simm.s32 $0x108;
	s8 =	sld [smem:$0x3FAE]  }
0x2e: {  	s3 =	simm.s32 @!p0 $0x1082;
	s9 =	sld [smem:$0x3FAF]  }
0x2f: {  	lr =	sadd.s32 s0, s3;
	s0 =	sld [smem:$0x3FA6]  }
0x30: {  	s3 =	sld [smem:$0x3FA9]  }
0x31: {  	[smem:$0x3FB2] =	sst s10  }
0x32: {  	s10 =	sld [smem:$0x3FB0];
	_ =	sdelay $0x3  }
0x33: {  	p0 =	seq.s32 s10, $0x1;
	s10 =	sld [smem:$0x3FB2];
	_ =	sdelay $0x3  }
0x34: {  	[smem:$0x3FB2] =	sst s10  }
0x35: {  	s10 =	sld [smem:$0x3FB1];
	_ =	sdelay $0x3  }
0x36: {  	p1 =	seq.s32 s10, $0x1;
	s10 =	sld [smem:$0x3FB2];
	_ =	sdelay $0x3  }
0x37: {  	[smem:$0x3FB2] =	sst s10  }
0x38: {  	s10 =	sld [smem:$0x3FB3]  }
0x39: {  	_ = 	snop;
	(pc) =	sbr.ind lr, $3  }
0x3a: {  	_ = 	snop  }
0x3b: {  	_ = 	snop  }
0x3c: {  	p2 =	seq.s32 s10, $0x1;
	s10 =	sld [smem:$0x3FB2]  }
0x3d: {  	_ =	shalt  }
0x3e: {  	_ =	shalt  }
0x3f: {  	_ =	shalt  }
0x40: {  	_ =	shalt  }
0x41: {  	_ =	shalt  }
0x42: {  	_ =	shalt  }
0x43: {  	_ =	shalt  }
0x44: {  	_ =	shalt  }
0x45: {  	_ =	shalt  }
0x46: {  	_ =	shalt  }
0x47: {  	_ =	shalt  }
0x48: {  	_ =	shalt  }
0x49: {  	_ =	shalt  }
0x4a: {  	_ =	shalt  }
0x4b: {  	_ =	shalt  }
0x4c: {  	_ =	shalt  }
0x4d: {  	_ =	shalt  }
0x4e: {  	_ =	shalt  }
0x4f: {  	_ =	shalt  }
0x50: {  	_ =	shalt  }
0x51: {  	_ =	shalt  }
0x52: {  	_ =	shalt  }
0x53: {  	_ =	shalt  }
0x54: {  	_ =	shalt  }
0x55: {  	_ =	shalt  }
0x56: {  	_ =	shalt  }
0x57: {  	_ =	shalt  }
0x58: {  	_ =	shalt  }
0x59: {  	_ =	shalt  }
0x5a: {  	_ =	shalt  }
0x5b: {  	_ =	shalt  }
0x5c: {  	_ =	shalt  }
0x5d: {  	_ =	shalt  }
0x5e: {  	_ =	shalt  }
0x5f: {  	_ =	shalt  }
0x60: {  	_ =	shalt  }
0x61: {  	_ =	shalt  }
0x62: {  	_ =	shalt  }
0x63: {  	_ =	shalt  }
0x64: {  	_ =	shalt  }
0x65: {  	_ =	shalt  }
0x66: {  	_ =	shalt  }
0x67: {  	_ =	shalt  }
0x68: {  	_ =	shalt  }
0x69: {  	_ =	shalt  }
0x6a: {  	_ =	shalt  }
0x6b: {  	_ =	shalt  }
0x6c: {  	_ =	shalt  }
0x6d: {  	_ =	shalt  }
0x6e: {  	_ =	shalt  }
0x6f: {  	_ =	shalt  }
0x70: {  	_ =	shalt  }
0x71: {  	_ =	shalt  }
0x72: {  	_ =	shalt  }
0x73: {  	_ =	shalt  }
0x74: {  	_ =	shalt  }
0x75: {  	_ =	shalt  }
0x76: {  	_ =	shalt  }
0x77: {  	_ =	shalt  }
0x78: {  	_ =	shalt  }
0x79: {  	_ =	shalt  }
0x7a: {  	_ =	shalt  }
0x7b: {  	_ =	shalt  }
0x7c: {  	_ =	shalt  }
0x7d: {  	_ =	shalt  }
0x7e: {  	_ =	shalt  }
0x7f: {  	_ =	shalt  }
0x80: {  	_ =	shalt  }
0x81: {  	_ =	shalt  }
0x82: {  	_ =	shalt  }
0x83: {  	_ =	shalt  }
0x84: {  	_ =	shalt  }
0x85: {  	_ =	shalt  }
0x86: {  	_ =	shalt  }
0x87: {  	_ =	shalt  }
.Lfunc_end0:
.L_simem_size_0:
called_computation_lowered:
.L_overlay_start_0:
0x88: {  	s2 =	sld [smem:$0x3FD9]  }
0x89: {  	s3 =	sld [smem:$0x3FFE];
	_ =	sdelay $0x1  }
0x8a: {  	s1 =	srdreg.scid  }
0x8b: {  	s0 =	sand.u32 $0x1, s1  }
0x8c: {  	s17 =	sshll.u32 s0, $0xA;
	s2 =	sadd.s32 s3, s2  }
0x8d: {  	s2 =	sadd.s32 s2, s17  }
0x8e: {  	[smem:$0x3FBE] =	sst s2  }
0x8f: {  	_ = 	snop  }
0x90: {  	s2 =	sld [smem:$0x3FD0];
	(tm) =	ssettm $0x1  }
0x91: {  	s18 =	sld [smem:$0x3FFB];
	_ =	sdelay $0x3  }
0x92: {  	_ =	strace s18  }
0x93: {  	s3 =	sld [smem:$0x3FFC];
	_ =	sdelay $0x3  }
0x94: {  	_ =	strace s3  }
0x95: {  	s3 =	sld [smem:$0x3FFD];
	_ =	sdelay $0x3  }
0x96: {  	_ =	strace s3  }
0x97: {  	_ =	strace $0x8FFFFFFF  }
0x98: {  	s19 =	sld [smem:$0x3FDB];
	_ =	sdelay $0x1  }
0x99: {  	s4 =	simm.s32 $_scs_section_size  }
0x9a: {  	s5 =	simm.s32 $_size__tile_overlayer_lowered;
	s6 =	simm.s32 $_tile_overlayer_lowered  }
0x9b: {  	s22 =	simm.s32 $0x1BFF;
	s21 =	sshll.u32 s6, $0x1;
	s3 =	sadd.s32 s4, s19  }
0x9c: {  	s7 =	simm.s32 $0x0;
	s20 =	sshll.u32 s5, $0x1;
	s5 =	sadd.s32 s21, s3  }
0x9d: {  	[timem:s7], [sflag:s22] =	dma.local [hbm:s5], s20  }
0x9e: {  	_ =	swait.ge [sflag:s22], s20  }
0x9f: {  	s4 =	ssub.s32 $0x0, s20;
	[sflag:s22] =	ssyncset.done $0x0  }
0xa0: {  	[sflag:s22] =	ssyncadd.s32 s4;
	_ =	sdelay $0x1  }
0xa1: {  	s23 =	simm.s32 $0x1B8B  }
0xa2: {  	_ =	swait.ge [sflag:s23], $0x1  }
0xa3: {  	[sflag:s23] =	ssyncset.done $0x0  }
0xa4: {  	s25 =	simm.s32 $0x1B8E;
	s24 =	sld [smem:$0x3FFE];
	[sflag:s23] =	ssyncadd.s32 $0xFFFFFFFF  }
0xa5: {  	s26 =	simm.s32 $execute0_lowered;
	[smem:$0x3FD2] =	sst s25  }
0xa6: {  	s5 =	sshll.u32 s26, $0x1;
	_ =	strace $0x80000046;
	[dreg:$0x1] =	wrdreg $0xFFFFFFFF  }
0xa7: {  	s28 =	simm.s32 $_size_execute0_lowered;
	s3 =	sadd.s32 s3, s5;
	[dreg:$0x0] =	wrdreg $0x0  }
0xa8: {  	s5 =	sshll.u32 s28, $0x1;
	[dreg:$0x2] =	wrdreg s3  }
0xa9: {  	[dreg:$0x3] =	wrdreg s5  }
0xaa: {  	[dreg:$0x4] =	wrdreg $0xC0  }
0xab: {  	_ =	task [dreg:s7], $0x5FFFF  }
0xac: {  	[dreg:$0x1] =	wrdreg $0xFFFFFFFF  }
0xad: {  	[dreg:$0x0] =	wrdreg $0x60  }
0xae: {  	[dreg:$0x2] =	wrdreg s2  }
0xaf: {  	[dreg:$0x3] =	wrdreg s24  }
0xb0: {  	[dreg:$0x4] =	wrdreg $0xA8000  }
0xb1: {  	[dreg:$0x5] =	wrdreg $0x9  }
0xb2: {  	_ =	task.clear_ibuf [dreg:s7], $0x6FFFF;
	_ =	strace $0x90000046  }
0xb3: {  	s29 =	simm.s32 $0x9;
	_ =	strace $0x80000048  }
0xb4: {  	_ =	swait.ge [sflag:s29], $0x1  }
0xb5: {  	[sflag:s29] =	ssyncadd.s32 $0xFFFFFFFF  }
0xb6: {  	_ =	strace $0x90000048  }
0xb7: {  	_ =	sfence  }
0xb8: {  	s30 =	sld [smem:$0x0];
	_ =	sdelay $0x2  }
0xb9: {  	s31 =	sshll.u32 s1, $0xD;
	s1 =	sshrl.u32 s1, $0x2  }
0xba: {  	s3 =	sand.u32 $0x4000, s31;
	s1 =	sadd.s32 s1, s30  }
0xbb: {  	s0 =	sor.u32 s3, s0;
	s1 =	sshll.u32 s1, $0x11  }
0xbc: {  	s0 =	sor.u32 s1, s0  }
0xbd: {  	s0 =	sadd.s32 $0x8F2B, s0  }
0xbe: {  	[sflag:s0] =	ssyncadd.remote.s32 $0x1  }
0xbf: {  	_ =	sfence.sel $0xFFFF  }
0xc0: {  	[dreg:$0x0] =	wrdreg $0xFFFFFFFF;
	(pc) =	sbr.abs _section_cstart, $3  }
0xc1: {  	[dreg:$0x1] =	wrdreg $0xFFFFFFFF  }
0xc2: {  	_ =	task.clear_ibuf [dreg:s7], $0x2FFFF;
	_ =	strace $0x9FFFFFFF  }
0xc3: {  	(tm) =	ssettm $0x7FFFFFFF  }
tec
execute0_lowered:
.L_overlay_start_1:
0x0: {  	(tag) =	ssettag $0x1  }
0x1: {  	s1 =	rddreg [dreg:$0x0]  }
0x2: {  	s0 =	rddreg [dreg:$0x1]  }
0x3: {  	s3 =	rddreg [dreg:$0x2];
	s4 =	simm.s32 $0x0  }
0x4: {  	s11 =	simm.s32 $0x80;
	[smem:$0x7FF] =	sst s4  }
0x5: {  	s12 =	simm.s32 $0x100;
	_ =	strace $0x80000047;
	[dreg:$0x6] =	wrdreg s11  }
0x6: {  	s13 =	simm.s32 $0x180;
	[dreg:$0x7] =	wrdreg s12  }
0x7: {  	s14 =	simm.s32 $0x200;
	[dreg:$0x8] =	wrdreg s13  }
0x8: {  	s15 =	simm.s32 $0x1480;
	[dreg:$0x9] =	wrdreg s14  }
0x9: {  	s16 =	simm.s32 $0x280;
	[dreg:$0xa] =	wrdreg s15  }
0xa: {  	s17 =	simm.s32 $0x1500;
	[dreg:$0xb] =	wrdreg s16  }
0xb: {  	s18 =	simm.s32 $0x300;
	[dreg:$0xc] =	wrdreg s17  }
0xc: {  	s19 =	simm.s32 $0x1580;
	[dreg:$0xd] =	wrdreg s18  }
0xd: {  	s20 =	simm.s32 $0x380;
	[dreg:$0xe] =	wrdreg s19  }
0xe: {  	s21 =	simm.s32 $0x1600;
	[dreg:$0xf] =	wrdreg s20  }
0xf: {  	s22 =	simm.s32 $0x400;
	[dreg:$0x10] =	wrdreg s21  }
0x10: {  	s23 =	simm.s32 $0x1680;
	[dreg:$0x11] =	wrdreg s22  }
0x11: {  	s24 =	simm.s32 $0x480;
	[dreg:$0x12] =	wrdreg s23  }
0x12: {  	s25 =	simm.s32 $0x1700;
	[dreg:$0x13] =	wrdreg s24  }
0x13: {  	s26 =	simm.s32 $0x500;
	[dreg:$0x14] =	wrdreg s25  }
0x14: {  	s9 =	simm.s32 $0x1800;
	[dreg:$0x15] =	wrdreg s26  }
0x15: {  	s10 =	simm.s32 $0x600;
	[dreg:$0x18] =	wrdreg s9  }
0x16: {  	[dreg:$0x19] =	wrdreg s10;
	s11 =	simm.s32 $0x1880  }
0x17: {  	s12 =	simm.s32 $0x680;
	[dreg:$0x1a] =	wrdreg s11  }
0x18: {  	s13 =	simm.s32 $0x1900;
	[dreg:$0x1b] =	wrdreg s12  }
0x19: {  	s14 =	simm.s32 $0x700;
	[dreg:$0x1c] =	wrdreg s13  }
0x1a: {  	s15 =	simm.s32 $0x1980;
	[dreg:$0x1d] =	wrdreg s14  }
0x1b: {  	s16 =	simm.s32 $0x780;
	[dreg:$0x1e] =	wrdreg s15  }
0x1c: {  	s17 =	simm.s32 $0x1A00;
	[dreg:$0x1f] =	wrdreg s16  }
0x1d: {  	s18 =	simm.s32 $0x800;
	[smem:$0x7CE] =	sst s17  }
0x1e: {  	s19 =	simm.s32 $0x1A80;
	[smem:$0x7CF] =	sst s18  }
0x1f: {  	s20 =	simm.s32 $0x880;
	[smem:$0x7D0] =	sst s19  }
0x20: {  	s21 =	simm.s32 $0x1B00;
	[smem:$0x7D1] =	sst s20  }
0x21: {  	s22 =	simm.s32 $0x900;
	[smem:$0x7D2] =	sst s21  }
0x22: {  	s23 =	simm.s32 $0x1B80;
	[smem:$0x7D3] =	sst s22  }
0x23: {  	s24 =	simm.s32 $0x980;
	[smem:$0x7D4] =	sst s23  }
0x24: {  	s25 =	simm.s32 $0x1C00;
	[smem:$0x7D5] =	sst s24  }
0x25: {  	s26 =	simm.s32 $0xA00;
	[smem:$0x7D6] =	sst s25  }
0x26: {  	s9 =	simm.s32 $0x1D00;
	[smem:$0x7D7] =	sst s26  }
0x27: {  	s8 =	stileid.u32;
	[smem:$0x7DA] =	sst s9;
	s11 =	simm.s32 $0xB00  }
0x28: {  	s2 =	srdreg.scid;
	s9 =	sadd.s32 $0x1F400, s0;
	[smem:$0x7DB] =	sst s11  }
0x29: {  	s28 =	simm.s32 $0x1300;
	s13 =	simm.s32 $0x1D80;
	[smem:$0x7DC] =	sst s9  }
0x2a: {  	s29 =	simm.s32 $0x2580;
	s14 =	simm.s32 $0xB80;
	[smem:$0x7DD] =	sst s13  }
0x2b: {  	s30 =	simm.s32 $0x1380;
	s15 =	simm.s32 $0x1E00;
	[smem:$0x7DE] =	sst s14  }
0x2c: {  	s31 =	simm.s32 $0x2600;
	s16 =	simm.s32 $0xC00;
	[smem:$0x7DF] =	sst s15  }
0x2d: {  	s5 =	smul.u32 $0xA00, s8;
	s17 =	simm.s32 $0x1E80;
	[smem:$0x7E0] =	sst s16  }
0x2e: {  	s2 =	sand.u32 $0x1, s2;
	s19 =	simm.s32 $0xC80;
	[smem:$0x7E1] =	sst s17  }
0x2f: {  	s6 =	smul.u32 $0xA000, s2;
	s21 =	simm.s32 $0x1F00;
	[smem:$0x7E2] =	sst s19  }
0x30: {  	s10 =	smul.u32 $0x2800, s8;
	s22 =	simm.s32 $0xD00;
	[smem:$0x7E3] =	sst s21  }
0x31: {  	s5 =	sadd.s32 s5, s0;
	s24 =	simm.s32 $0x1F80;
	[smem:$0x7E4] =	sst s22  }
0x32: {  	s20 =	smul.u32 $0x50000, s8;
	s25 =	simm.s32 $0xD80;
	[smem:$0x7E5] =	sst s24  }
0x33: {  	s26 =	sshll.u32 s8, $0x6;
	s8 =	simm.s32 $0x2000;
	[smem:$0x7E6] =	sst s25  }
0x34: {  	s12 =	smul.u32 $0x28000, s2;
	s7 =	sadd.s32 $0x15400, s5;
	[smem:$0x7E7] =	sst s8  }
0x35: {  	s5 =	sadd.s32 s6, s5;
	s6 =	simm.s32 $0x1780;
	[dreg:$0x4] =	wrdreg s7  }
0x36: {  	s2 =	ssub.s32 $0x2, s2;
	s9 =	simm.s32 $0xE00;
	[dreg:$0x16] =	wrdreg s6  }
0x37: {  	s18 =	sshrl.u32 s2, $0x1;
	s11 =	simm.s32 $0xE80;
	[smem:$0x7E9] =	sst s9  }
0x38: {  	s13 =	simm.s32 $0xF00;
	s14 =	simm.s32 $0x2180;
	[smem:$0x7EC] =	sst s11  }
0x39: {  	s15 =	simm.s32 $0xF80;
	s16 =	simm.s32 $0x2200;
	[smem:$0x7EE] =	sst s13  }
0x3a: {  	s17 =	simm.s32 $0x1000;
	s19 =	simm.s32 $0x1080;
	[smem:$0x7EF] =	sst s14  }
0x3b: {  	s21 =	simm.s32 $0x1100;
	s22 =	simm.s32 $0x2380;
	[smem:$0x7F0] =	sst s15  }
0x3c: {  	s24 =	simm.s32 $0x2400;
	s25 =	simm.s32 $0x1200;
	[smem:$0x7F1] =	sst s16  }
0x3d: {  	s5 =	sadd.s32 $0x1400, s5;
	s7 =	simm.s32 $0x580;
	[smem:$0x7F2] =	sst s17  }
0x3e: {  	s6 =	simm.s32 $0x1C80;
	s2 =	ssub.s32 s2, s18;
	[smem:$0x7F4] =	sst s19  }
0x3f: {  	s23 =	sshrl.u32 s20, $0x2;
	s11 =	simm.s32 $0x1400;
	[smem:$0x7F6] =	sst s21  }
0x40: {  	s13 =	simm.s32 $0x2800;
	s14 =	simm.s32 $0x4800;
	[smem:$0x7F7] =	sst s22  }
0x41: {  	s15 =	simm.s32 $0x6800;
	s18 =	simm.s32 $0x2280;
	[smem:$0x7F9] =	sst s24  }
0x42: {  	s16 =	simm.s32 $0x8800;
	s17 =	simm.s32 $0x1;
	[smem:$0x7FA] =	sst s25  }
0x43: {  	s20 =	simm.s32 $0x2300;
	s19 =	simm.s32 $0x2;
	[dreg:$0x5] =	wrdreg s5  }
0x44: {  	s21 =	simm.s32 $0x3;
	s22 =	simm.s32 $0x7;
	[dreg:$0x17] =	wrdreg s7  }
0x45: {  	s24 =	simm.s32 $0x8;
	s25 =	simm.s32 $0x1280;
	[smem:$0x7D8] =	sst s6  }
0x46: {  	s9 =	simm.s32 $0x0;
	s7 =	simm.s32 $0xA80;
	[smem:$0x7F3] =	sst s18  }
0x47: {  	s6 =	sadd.s32 s10, s12;
	s10 =	simm.s32 $0x2080;
	[smem:$0x7F5] =	sst s20  }
0x48: {  	s2 =	smax.u32 s2, $0x1;
	s12 =	simm.s32 $0x2100;
	[smem:$0x7D9] =	sst s7  }
0x49: {  	s18 =	simm.s32 $0x5;
	s20 =	simm.s32 $0x6;
	[smem:$0x7EA] =	sst s2  }
0x4a: {  	s5 =	simm.s32 $0x2780;
	s0 =	sadd.s32 s6, s0;
	[smem:$0x7EB] =	sst s10  }
0x4b: {  	s6 =	sadd.s32 s23, s3;
	[smem:$0x7ED] =	sst s12;
	s23 =	simm.s32 $0x1180  }
0x4c: {  	s7 =	sor.u32 $0x1C09, s26;
	s26 =	simm.s32 $0x2480;
	[smem:$0x7F8] =	sst s23  }
0x4d: {  	s10 =	simm.s32 $0x9;
	s12 =	simm.s32 $0x40;
	[smem:$0x7FB] =	sst s26  }
0x4e: {  	s2 =	simm.s32 $0x2680;
	s0 =	sadd.s32 $0x21C00, s0;
	[smem:$0x7FC] =	sst s7  }
0x4f: {  	s8 =	sshrl.u32 s6, $0x3;
	s23 =	simm.s32 $0x4;
	[smem:$0x7E8] =	sst s0  }
0x50: {  	s26 =	simm.s32 $0x2500;
	s0 =	simm.s32 $0x2700;
	[smem:$0x7FD] =	sst s8  }
.LBB2_1:
0x51: {  	s6 =	sld [smem:$0x7DC];
	_ =	sdelay $0x1  }
0x52: {  	[smem:$0x7CD] =	sst s9  }
0x53: {  	[spmem:s8], [sflag:s7] =	dma.local [hbm:s6], $0x2800  }
0x54: {  	_ =	swait.ge [sflag:s10], $0x2800  }
0x55: {  	[sflag:s10] =	ssyncset.done $0x0  }
0x56: {  	[sflag:s10] =	ssyncadd.s32 $0xFFFFD800  }
0x57: {  	[bflag:$0x0] =	sbarrier.arrive $0xFFFF  }
0x58: {  	s7 =	rddreg [dreg:$0x5]  }
0x59: {  	s6 =	sadd.s32 $0x0, s7  }
0x5a: {  	[tilespmem:s4], [sflag:$0x9] =	stream.linear.gather [hbm4b:s6+s4], $0x1400, $0x38;
	[tilespmem:$0x1E800] =	vst v63  }
0x5b: {  	_ =	swait.ge [sflag:s10], $0x1400  }
0x5c: {  	s8 =	rddreg [dreg:$0x4];
	[sflag:s10] =	ssyncset.done $0x0  }
0x5d: {  	[sflag:s10] =	ssyncadd.s32 $0xFFFFEC00;
	s6 =	sadd.s32 $0x0, s8  }
0x5e: {  	[tilespmem:s11], [sflag:$0x9] =	stream.linear.gather [hbm4b:s6+s4], $0x1400, $0x38;
	[tilespmem:$0x1E800] =	vst v63  }
0x5f: {  	_ =	swait.ge [sflag:s10], $0x1400  }
0x60: {  	[sflag:s10] =	ssyncset.done $0x0  }
0x61: {  	[sflag:s10] =	ssyncadd.s32 $0xFFFFEC00  }
0x62: {  	[tilespmem:s13], [sflag:$0x1] =	stream.indirect.gather [hbm4b:s1+s12], $0x80, s4, s12, $0xb8;
	[tilespmem:$0x1E800] =	vst v63  }
0x63: {  	s9 =	rddreg [dreg:$0x6]  }
0x64: {  	[tilespmem:s14], [sflag:$0x2] =	stream.indirect.gather [hbm4b:s1+s12], $0x80, s9, s12, $0xb8;
	[tilespmem:$0x1E800] =	vst v63  }
0x65: {  	s7 =	rddreg [dreg:$0x7]  }
0x66: {  	[tilespmem:s15], [sflag:$0x3] =	stream.indirect.gather [hbm4b:s1+s12], $0x80, s7, s12, $0xb8;
	[tilespmem:$0x1E800] =	vst v63  }
0x67: {  	s9 =	rddreg [dreg:$0x8]  }
0x68: {  	[tilespmem:s16], [sflag:$0x4] =	stream.indirect.gather [hbm4b:s1+s12], $0x80, s9, s12, $0xb8;
	[tilespmem:$0x1E800] =	vst v63  }
0x69: {  	_ =	swait.ge [sflag:s17], $0x2000  }
0x6a: {  	[sflag:s17] =	ssyncset.done $0x0  }
0x6b: {  	[sflag:s17] =	ssyncadd.s32 $0xFFFFE000  }
0x6c: {  	[spmem:s3] =	stream.indirect.scatter.add.f32 [tilespmem:s13], [sflag:$0x5], $0x80, s11, s12, $0xb8;
	[tilespmem:$0x1E800] =	vst v63  }
0x6d: {  	_ =	swait.ge [sflag:s18], $0x2000  }
0x6e: {  	[sflag:s18] =	ssyncset.done $0x0  }
0x6f: {  	s7 =	rddreg [dreg:$0x9];
	[sflag:s18] =	ssyncadd.s32 $0xFFFFE000  }
0x70: {  	[tilespmem:s13], [sflag:$0x1] =	stream.indirect.gather [hbm4b:s1+s12], $0x80, s7, s12, $0xb8;
	[tilespmem:$0x1E800] =	vst v63  }
0x71: {  	_ =	swait.ge [sflag:s19], $0x2000  }
0x72: {  	[sflag:s19] =	ssyncset.done $0x0  }
0x73: {  	s8 =	rddreg [dreg:$0xa];
	[sflag:s19] =	ssyncadd.s32 $0xFFFFE000  }
0x74: {  	[spmem:s3] =	stream.indirect.scatter.add.f32 [tilespmem:s14], [sflag:$0x6], $0x80, s8, s12, $0xb8;
	[tilespmem:$0x1E800] =	vst v63  }
0x75: {  	_ =	swait.ge [sflag:s20], $0x2000  }
0x76: {  	[sflag:s20] =	ssyncset.done $0x0  }
0x77: {  	s9 =	rddreg [dreg:$0xb];
	[sflag:s20] =	ssyncadd.s32 $0xFFFFE000  }
0x78: {  	[tilespmem:s14], [sflag:$0x2] =	stream.indirect.gather [hbm4b:s1+s12], $0x80, s9, s12, $0xb8;
	[tilespmem:$0x1E800] =	vst v63  }
0x79: {  	_ =	swait.ge [sflag:s21], $0x2000  }
0x7a: {  	[sflag:s21] =	ssyncset.done $0x0  }
0x7b: {  	s7 =	rddreg [dreg:$0xc];
	[sflag:s21] =	ssyncadd.s32 $0xFFFFE000  }
0x7c: {  	[spmem:s3] =	stream.indirect.scatter.add.f32 [tilespmem:s15], [sflag:$0x7], $0x80, s7, s12, $0xb8;
	[tilespmem:$0x1E800] =	vst v63  }
0x7d: {  	_ =	swait.ge [sflag:s22], $0x2000  }
0x7e: {  	[sflag:s22] =	ssyncset.done $0x0  }
0x7f: {  	s8 =	rddreg [dreg:$0xd];
	[sflag:s22] =	ssyncadd.s32 $0xFFFFE000  }
0x80: {  	[tilespmem:s15], [sflag:$0x3] =	stream.indirect.gather [hbm4b:s1+s12], $0x80, s8, s12, $0xb8;
	[tilespmem:$0x1E800] =	vst v63  }
0x81: {  	_ =	swait.ge [sflag:s23], $0x2000  }
0x82: {  	[sflag:s23] =	ssyncset.done $0x0  }
0x83: {  	s9 =	rddreg [dreg:$0xe];
	[sflag:s23] =	ssyncadd.s32 $0xFFFFE000  }
0x84: {  	[spmem:s3] =	stream.indirect.scatter.add.f32 [tilespmem:s16], [sflag:$0x8], $0x80, s9, s12, $0xb8;
	[tilespmem:$0x1E800] =	vst v63  }
0x85: {  	_ =	swait.ge [sflag:s24], $0x2000  }
0x86: {  	[sflag:s24] =	ssyncset.done $0x0  }
0x87: {  	s7 =	rddreg [dreg:$0xf];
	[sflag:s24] =	ssyncadd.s32 $0xFFFFE000  }
0x88: {  	[tilespmem:s16], [sflag:$0x4] =	stream.indirect.gather [hbm4b:s1+s12], $0x80, s7, s12, $0xb8;
	[tilespmem:$0x1E800] =	vst v63  }
0x89: {  	_ =	swait.ge [sflag:s17], $0x2000  }
0x8a: {  	[sflag:s17] =	ssyncset.done $0x0  }
0x8b: {  	s8 =	rddreg [dreg:$0x10];
	[sflag:s17] =	ssyncadd.s32 $0xFFFFE000  }
0x8c: {  	[spmem:s3] =	stream.indirect.scatter.add.f32 [tilespmem:s13], [sflag:$0x5], $0x80, s8, s12, $0xb8;
	[tilespmem:$0x1E800] =	vst v63  }
0x8d: {  	_ =	swait.ge [sflag:s18], $0x2000  }
0x8e: {  	[sflag:s18] =	ssyncset.done $0x0  }
0x8f: {  	s9 =	rddreg [dreg:$0x11];
	[sflag:s18] =	ssyncadd.s32 $0xFFFFE000  }
0x90: {  	[tilespmem:s13], [sflag:$0x1] =	stream.indirect.gather [hbm4b:s1+s12], $0x80, s9, s12, $0xb8;
	[tilespmem:$0x1E800] =	vst v63  }
0x91: {  	_ =	swait.ge [sflag:s19], $0x2000  }
0x92: {  	[sflag:s19] =	ssyncset.done $0x0  }
0x93: {  	s7 =	rddreg [dreg:$0x12];
	[sflag:s19] =	ssyncadd.s32 $0xFFFFE000  }
0x94: {  	[spmem:s3] =	stream.indirect.scatter.add.f32 [tilespmem:s14], [sflag:$0x6], $0x80, s7, s12, $0xb8;
	[tilespmem:$0x1E800] =	vst v63  }
0x95: {  	_ =	swait.ge [sflag:s20], $0x2000  }
0x96: {  	[sflag:s20] =	ssyncset.done $0x0  }
0x97: {  	s8 =	rddreg [dreg:$0x13];
	[sflag:s20] =	ssyncadd.s32 $0xFFFFE000  }
0x98: {  	[tilespmem:s14], [sflag:$0x2] =	stream.indirect.gather [hbm4b:s1+s12], $0x80, s8, s12, $0xb8;
	[tilespmem:$0x1E800] =	vst v63  }
0x99: {  	_ =	swait.ge [sflag:s21], $0x2000  }
0x9a: {  	[sflag:s21] =	ssyncset.done $0x0  }
0x9b: {  	s9 =	rddreg [dreg:$0x14];
	[sflag:s21] =	ssyncadd.s32 $0xFFFFE000  }
0x9c: {  	[spmem:s3] =	stream.indirect.scatter.add.f32 [tilespmem:s15], [sflag:$0x7], $0x80, s9, s12, $0xb8;
	[tilespmem:$0x1E800] =	vst v63  }
0x9d: {  	_ =	swait.ge [sflag:s22], $0x2000  }
0x9e: {  	[sflag:s22] =	ssyncset.done $0x0  }
0x9f: {  	s7 =	rddreg [dreg:$0x15];
	[sflag:s22] =	ssyncadd.s32 $0xFFFFE000  }
0xa0: {  	[tilespmem:s15], [sflag:$0x3] =	stream.indirect.gather [hbm4b:s1+s12], $0x80, s7, s12, $0xb8;
	[tilespmem:$0x1E800] =	vst v63  }
0xa1: {  	_ =	swait.ge [sflag:s23], $0x2000  }
0xa2: {  	[sflag:s23] =	ssyncset.done $0x0  }
0xa3: {  	s8 =	rddreg [dreg:$0x16];
	[sflag:s23] =	ssyncadd.s32 $0xFFFFE000  }
0xa4: {  	[spmem:s3] =	stream.indirect.scatter.add.f32 [tilespmem:s16], [sflag:$0x8], $0x80, s8, s12, $0xb8;
	[tilespmem:$0x1E800] =	vst v63  }
0xa5: {  	_ =	swait.ge [sflag:s24], $0x2000  }
0xa6: {  	[sflag:s24] =	ssyncset.done $0x0  }
0xa7: {  	s9 =	rddreg [dreg:$0x17];
	[sflag:s24] =	ssyncadd.s32 $0xFFFFE000  }
0xa8: {  	[tilespmem:s16], [sflag:$0x4] =	stream.indirect.gather [hbm4b:s1+s12], $0x80, s9, s12, $0xb8;
	[tilespmem:$0x1E800] =	vst v63  }
0xa9: {  	_ =	swait.ge [sflag:s17], $0x2000  }
0xaa: {  	[sflag:s17] =	ssyncset.done $0x0  }
0xab: {  	s7 =	rddreg [dreg:$0x18];
	[sflag:s17] =	ssyncadd.s32 $0xFFFFE000  }
0xac: {  	[spmem:s3] =	stream.indirect.scatter.add.f32 [tilespmem:s13], [sflag:$0x5], $0x80, s7, s12, $0xb8;
	[tilespmem:$0x1E800] =	vst v63  }
0xad: {  	_ =	swait.ge [sflag:s18], $0x2000  }
0xae: {  	[sflag:s18] =	ssyncset.done $0x0  }
0xaf: {  	s8 =	rddreg [dreg:$0x19];
	[sflag:s18] =	ssyncadd.s32 $0xFFFFE000  }
0xb0: {  	[tilespmem:s13], [sflag:$0x1] =	stream.indirect.gather [hbm4b:s1+s12], $0x80, s8, s12, $0xb8;
	[tilespmem:$0x1E800] =	vst v63  }
0xb1: {  	_ =	swait.ge [sflag:s19], $0x2000  }
0xb2: {  	[sflag:s19] =	ssyncset.done $0x0  }
0xb3: {  	s9 =	rddreg [dreg:$0x1a];
	[sflag:s19] =	ssyncadd.s32 $0xFFFFE000  }
0xb4: {  	[spmem:s3] =	stream.indirect.scatter.add.f32 [tilespmem:s14], [sflag:$0x6], $0x80, s9, s12, $0xb8;
	[tilespmem:$0x1E800] =	vst v63  }
0xb5: {  	_ =	swait.ge [sflag:s20], $0x2000  }
0xb6: {  	[sflag:s20] =	ssyncset.done $0x0  }
0xb7: {  	s7 =	rddreg [dreg:$0x1b];
	[sflag:s20] =	ssyncadd.s32 $0xFFFFE000  }
0xb8: {  	[tilespmem:s14], [sflag:$0x2] =	stream.indirect.gather [hbm4b:s1+s12], $0x80, s7, s12, $0xb8;
	[tilespmem:$0x1E800] =	vst v63  }
0xb9: {  	_ =	swait.ge [sflag:s21], $0x2000  }
0xba: {  	[sflag:s21] =	ssyncset.done $0x0  }
0xbb: {  	s8 =	rddreg [dreg:$0x1c];
	[sflag:s21] =	ssyncadd.s32 $0xFFFFE000  }
0xbc: {  	[spmem:s3] =	stream.indirect.scatter.add.f32 [tilespmem:s15], [sflag:$0x7], $0x80, s8, s12, $0xb8;
	[tilespmem:$0x1E800] =	vst v63  }
0xbd: {  	_ =	swait.ge [sflag:s22], $0x2000  }
0xbe: {  	[sflag:s22] =	ssyncset.done $0x0  }
0xbf: {  	s9 =	rddreg [dreg:$0x1d];
	[sflag:s22] =	ssyncadd.s32 $0xFFFFE000  }
0xc0: {  	[tilespmem:s15], [sflag:$0x3] =	stream.indirect.gather [hbm4b:s1+s12], $0x80, s9, s12, $0xb8;
	[tilespmem:$0x1E800] =	vst v63  }
0xc1: {  	_ =	swait.ge [sflag:s23], $0x2000  }
0xc2: {  	[sflag:s23] =	ssyncset.done $0x0  }
0xc3: {  	s7 =	rddreg [dreg:$0x1e];
	[sflag:s23] =	ssyncadd.s32 $0xFFFFE000  }
0xc4: {  	[spmem:s3] =	stream.indirect.scatter.add.f32 [tilespmem:s16], [sflag:$0x8], $0x80, s7, s12, $0xb8;
	[tilespmem:$0x1E800] =	vst v63  }
0xc5: {  	_ =	swait.ge [sflag:s24], $0x2000  }
0xc6: {  	[sflag:s24] =	ssyncset.done $0x0  }
0xc7: {  	s8 =	rddreg [dreg:$0x1f];
	[sflag:s24] =	ssyncadd.s32 $0xFFFFE000  }
0xc8: {  	[tilespmem:s16], [sflag:$0x4] =	stream.indirect.gather [hbm4b:s1+s12], $0x80, s8, s12, $0xb8;
	[tilespmem:$0x1E800] =	vst v63  }
0xc9: {  	_ =	swait.ge [sflag:s17], $0x2000  }
0xca: {  	s9 =	sld [smem:$0x7CE]  }
0xcb: {  	[sflag:s17] =	ssyncset.done $0x0  }
0xcc: {  	[sflag:s17] =	ssyncadd.s32 $0xFFFFE000  }
0xcd: {  	[spmem:s3] =	stream.indirect.scatter.add.f32 [tilespmem:s13], [sflag:$0x5], $0x80, s9, s12, $0xb8;
	[tilespmem:$0x1E800] =	vst v63  }
0xce: {  	_ =	swait.ge [sflag:s18], $0x2000  }
0xcf: {  	s7 =	sld [smem:$0x7CF]  }
0xd0: {  	[sflag:s18] =	ssyncset.done $0x0  }
0xd1: {  	[sflag:s18] =	ssyncadd.s32 $0xFFFFE000  }
0xd2: {  	[tilespmem:s13], [sflag:$0x1] =	stream.indirect.gather [hbm4b:s1+s12], $0x80, s7, s12, $0xb8;
	[tilespmem:$0x1E800] =	vst v63  }
0xd3: {  	_ =	swait.ge [sflag:s19], $0x2000  }
0xd4: {  	s8 =	sld [smem:$0x7D0]  }
0xd5: {  	[sflag:s19] =	ssyncset.done $0x0  }
0xd6: {  	[sflag:s19] =	ssyncadd.s32 $0xFFFFE000  }
0xd7: {  	[spmem:s3] =	stream.indirect.scatter.add.f32 [tilespmem:s14], [sflag:$0x6], $0x80, s8, s12, $0xb8;
	[tilespmem:$0x1E800] =	vst v63  }
0xd8: {  	_ =	swait.ge [sflag:s20], $0x2000  }
0xd9: {  	s9 =	sld [smem:$0x7D1]  }
0xda: {  	[sflag:s20] =	ssyncset.done $0x0  }
0xdb: {  	[sflag:s20] =	ssyncadd.s32 $0xFFFFE000  }
0xdc: {  	[tilespmem:s14], [sflag:$0x2] =	stream.indirect.gather [hbm4b:s1+s12], $0x80, s9, s12, $0xb8;
	[tilespmem:$0x1E800] =	vst v63  }
0xdd: {  	_ =	swait.ge [sflag:s21], $0x2000  }
0xde: {  	s7 =	sld [smem:$0x7D2]  }
0xdf: {  	[sflag:s21] =	ssyncset.done $0x0  }
0xe0: {  	[sflag:s21] =	ssyncadd.s32 $0xFFFFE000  }
0xe1: {  	[spmem:s3] =	stream.indirect.scatter.add.f32 [tilespmem:s15], [sflag:$0x7], $0x80, s7, s12, $0xb8;
	[tilespmem:$0x1E800] =	vst v63  }
0xe2: {  	_ =	swait.ge [sflag:s22], $0x2000  }
0xe3: {  	s8 =	sld [smem:$0x7D3]  }
0xe4: {  	[sflag:s22] =	ssyncset.done $0x0  }
0xe5: {  	[sflag:s22] =	ssyncadd.s32 $0xFFFFE000  }
0xe6: {  	[tilespmem:s15], [sflag:$0x3] =	stream.indirect.gather [hbm4b:s1+s12], $0x80, s8, s12, $0xb8;
	[tilespmem:$0x1E800] =	vst v63  }
0xe7: {  	_ =	swait.ge [sflag:s23], $0x2000  }
0xe8: {  	s9 =	sld [smem:$0x7D4]  }
0xe9: {  	[sflag:s23] =	ssyncset.done $0x0  }
0xea: {  	[sflag:s23] =	ssyncadd.s32 $0xFFFFE000  }
0xeb: {  	[spmem:s3] =	stream.indirect.scatter.add.f32 [tilespmem:s16], [sflag:$0x8], $0x80, s9, s12, $0xb8;
	[tilespmem:$0x1E800] =	vst v63  }
0xec: {  	_ =	swait.ge [sflag:s24], $0x2000  }
0xed: {  	s7 =	sld [smem:$0x7D5]  }
0xee: {  	[sflag:s24] =	ssyncset.done $0x0  }
0xef: {  	[sflag:s24] =	ssyncadd.s32 $0xFFFFE000  }
0xf0: {  	[tilespmem:s16], [sflag:$0x4] =	stream.indirect.gather [hbm4b:s1+s12], $0x80, s7, s12, $0xb8;
	[tilespmem:$0x1E800] =	vst v63  }
0xf1: {  	_ =	swait.ge [sflag:s17], $0x2000  }
0xf2: {  	s8 =	sld [smem:$0x7D6]  }
0xf3: {  	[sflag:s17] =	ssyncset.done $0x0  }
0xf4: {  	[sflag:s17] =	ssyncadd.s32 $0xFFFFE000  }
0xf5: {  	[spmem:s3] =	stream.indirect.scatter.add.f32 [tilespmem:s13], [sflag:$0x5], $0x80, s8, s12, $0xb8;
	[tilespmem:$0x1E800] =	vst v63  }
0xf6: {  	_ =	swait.ge [sflag:s18], $0x2000  }
0xf7: {  	s9 =	sld [smem:$0x7D7]  }
0xf8: {  	[sflag:s18] =	ssyncset.done $0x0  }
0xf9: {  	[sflag:s18] =	ssyncadd.s32 $0xFFFFE000  }
0xfa: {  	[tilespmem:s13], [sflag:$0x1] =	stream.indirect.gather [hbm4b:s1+s12], $0x80, s9, s12, $0xb8;
	[tilespmem:$0x1E800] =	vst v63  }
0xfb: {  	_ =	swait.ge [sflag:s19], $0x2000  }
0xfc: {  	s7 =	sld [smem:$0x7D8]  }
0xfd: {  	[sflag:s19] =	ssyncset.done $0x0  }
0xfe: {  	[sflag:s19] =	ssyncadd.s32 $0xFFFFE000  }
0xff: {  	[spmem:s3] =	stream.indirect.scatter.add.f32 [tilespmem:s14], [sflag:$0x6], $0x80, s7, s12, $0xb8;
	[tilespmem:$0x1E800] =	vst v63  }
0x100: {  	_ =	swait.ge [sflag:s20], $0x2000  }
0x101: {  	s8 =	sld [smem:$0x7D9]  }
0x102: {  	[sflag:s20] =	ssyncset.done $0x0  }
0x103: {  	[sflag:s20] =	ssyncadd.s32 $0xFFFFE000  }
0x104: {  	[tilespmem:s14], [sflag:$0x2] =	stream.indirect.gather [hbm4b:s1+s12], $0x80, s8, s12, $0xb8;
	[tilespmem:$0x1E800] =	vst v63  }
0x105: {  	_ =	swait.ge [sflag:s21], $0x2000  }
0x106: {  	s9 =	sld [smem:$0x7DA]  }
0x107: {  	[sflag:s21] =	ssyncset.done $0x0  }
0x108: {  	[sflag:s21] =	ssyncadd.s32 $0xFFFFE000  }
0x109: {  	[spmem:s3] =	stream.indirect.scatter.add.f32 [tilespmem:s15], [sflag:$0x7], $0x80, s9, s12, $0xb8;
	[tilespmem:$0x1E800] =	vst v63  }
0x10a: {  	_ =	swait.ge [sflag:s22], $0x2000  }
0x10b: {  	s7 =	sld [smem:$0x7DB]  }
0x10c: {  	[sflag:s22] =	ssyncset.done $0x0  }
0x10d: {  	[sflag:s22] =	ssyncadd.s32 $0xFFFFE000  }
0x10e: {  	[tilespmem:s15], [sflag:$0x3] =	stream.indirect.gather [hbm4b:s1+s12], $0x80, s7, s12, $0xb8;
	[tilespmem:$0x1E800] =	vst v63  }
0x10f: {  	_ =	swait.ge [sflag:s23], $0x2000  }
0x110: {  	s8 =	sld [smem:$0x7DD]  }
0x111: {  	[sflag:s23] =	ssyncset.done $0x0  }
0x112: {  	[sflag:s23] =	ssyncadd.s32 $0xFFFFE000  }
0x113: {  	[spmem:s3] =	stream.indirect.scatter.add.f32 [tilespmem:s16], [sflag:$0x8], $0x80, s8, s12, $0xb8;
	[tilespmem:$0x1E800] =	vst v63  }
0x114: {  	_ =	swait.ge [sflag:s24], $0x2000  }
0x115: {  	s9 =	sld [smem:$0x7DE]  }
0x116: {  	[sflag:s24] =	ssyncset.done $0x0  }
0x117: {  	[sflag:s24] =	ssyncadd.s32 $0xFFFFE000  }
0x118: {  	[tilespmem:s16], [sflag:$0x4] =	stream.indirect.gather [hbm4b:s1+s12], $0x80, s9, s12, $0xb8;
	[tilespmem:$0x1E800] =	vst v63  }
0x119: {  	_ =	swait.ge [sflag:s17], $0x2000  }
0x11a: {  	s7 =	sld [smem:$0x7DF]  }
0x11b: {  	[sflag:s17] =	ssyncset.done $0x0  }
0x11c: {  	[sflag:s17] =	ssyncadd.s32 $0xFFFFE000  }
0x11d: {  	[spmem:s3] =	stream.indirect.scatter.add.f32 [tilespmem:s13], [sflag:$0x5], $0x80, s7, s12, $0xb8;
	[tilespmem:$0x1E800] =	vst v63  }
0x11e: {  	_ =	swait.ge [sflag:s18], $0x2000  }
0x11f: {  	s8 =	sld [smem:$0x7E0]  }
0x120: {  	[sflag:s18] =	ssyncset.done $0x0  }
0x121: {  	[sflag:s18] =	ssyncadd.s32 $0xFFFFE000  }
0x122: {  	[tilespmem:s13], [sflag:$0x1] =	stream.indirect.gather [hbm4b:s1+s12], $0x80, s8, s12, $0xb8;
	[tilespmem:$0x1E800] =	vst v63  }
0x123: {  	_ =	swait.ge [sflag:s19], $0x2000  }
0x124: {  	s9 =	sld [smem:$0x7E1]  }
0x125: {  	[sflag:s19] =	ssyncset.done $0x0  }
0x126: {  	[sflag:s19] =	ssyncadd.s32 $0xFFFFE000  }
0x127: {  	[spmem:s3] =	stream.indirect.scatter.add.f32 [tilespmem:s14], [sflag:$0x6], $0x80, s9, s12, $0xb8;
	[tilespmem:$0x1E800] =	vst v63  }
0x128: {  	_ =	swait.ge [sflag:s20], $0x2000  }
0x129: {  	s7 =	sld [smem:$0x7E2]  }
0x12a: {  	[sflag:s20] =	ssyncset.done $0x0  }
0x12b: {  	[sflag:s20] =	ssyncadd.s32 $0xFFFFE000  }
0x12c: {  	[tilespmem:s14], [sflag:$0x2] =	stream.indirect.gather [hbm4b:s1+s12], $0x80, s7, s12, $0xb8;
	[tilespmem:$0x1E800] =	vst v63  }
0x12d: {  	_ =	swait.ge [sflag:s21], $0x2000  }
0x12e: {  	s8 =	sld [smem:$0x7E3]  }
0x12f: {  	[sflag:s21] =	ssyncset.done $0x0  }
0x130: {  	[sflag:s21] =	ssyncadd.s32 $0xFFFFE000  }
0x131: {  	[spmem:s3] =	stream.indirect.scatter.add.f32 [tilespmem:s15], [sflag:$0x7], $0x80, s8, s12, $0xb8;
	[tilespmem:$0x1E800] =	vst v63  }
0x132: {  	_ =	swait.ge [sflag:s22], $0x2000  }
0x133: {  	s9 =	sld [smem:$0x7E4]  }
0x134: {  	[sflag:s22] =	ssyncset.done $0x0  }
0x135: {  	[sflag:s22] =	ssyncadd.s32 $0xFFFFE000  }
0x136: {  	[tilespmem:s15], [sflag:$0x3] =	stream.indirect.gather [hbm4b:s1+s12], $0x80, s9, s12, $0xb8;
	[tilespmem:$0x1E800] =	vst v63  }
0x137: {  	_ =	swait.ge [sflag:s23], $0x2000  }
0x138: {  	s7 =	sld [smem:$0x7E5]  }
0x139: {  	[sflag:s23] =	ssyncset.done $0x0  }
0x13a: {  	[sflag:s23] =	ssyncadd.s32 $0xFFFFE000  }
0x13b: {  	[spmem:s3] =	stream.indirect.scatter.add.f32 [tilespmem:s16], [sflag:$0x8], $0x80, s7, s12, $0xb8;
	[tilespmem:$0x1E800] =	vst v63  }
0x13c: {  	_ =	swait.ge [sflag:s24], $0x2000  }
0x13d: {  	s8 =	sld [smem:$0x7E6]  }
0x13e: {  	[sflag:s24] =	ssyncset.done $0x0  }
0x13f: {  	[sflag:s24] =	ssyncadd.s32 $0xFFFFE000  }
0x140: {  	[tilespmem:s16], [sflag:$0x4] =	stream.indirect.gather [hbm4b:s1+s12], $0x80, s8, s12, $0xb8;
	[tilespmem:$0x1E800] =	vst v63  }
0x141: {  	_ =	swait.ge [sflag:s17], $0x2000  }
0x142: {  	s9 =	sld [smem:$0x7E7]  }
0x143: {  	[sflag:s17] =	ssyncset.done $0x0  }
0x144: {  	[sflag:s17] =	ssyncadd.s32 $0xFFFFE000  }
0x145: {  	[spmem:s3] =	stream.indirect.scatter.add.f32 [tilespmem:s13], [sflag:$0x5], $0x80, s9, s12, $0xb8;
	[tilespmem:$0x1E800] =	vst v63  }
0x146: {  	_ =	swait.ge [sflag:s18], $0x2000  }
0x147: {  	s7 =	sld [smem:$0x7E9]  }
0x148: {  	[sflag:s18] =	ssyncset.done $0x0  }
0x149: {  	[sflag:s18] =	ssyncadd.s32 $0xFFFFE000  }
0x14a: {  	[tilespmem:s13], [sflag:$0x1] =	stream.indirect.gather [hbm4b:s1+s12], $0x80, s7, s12, $0xb8;
	[tilespmem:$0x1E800] =	vst v63  }
0x14b: {  	_ =	swait.ge [sflag:s19], $0x2000  }
0x14c: {  	s8 =	sld [smem:$0x7EB]  }
0x14d: {  	[sflag:s19] =	ssyncset.done $0x0  }
0x14e: {  	[sflag:s19] =	ssyncadd.s32 $0xFFFFE000  }
0x14f: {  	[spmem:s3] =	stream.indirect.scatter.add.f32 [tilespmem:s14], [sflag:$0x6], $0x80, s8, s12, $0xb8;
	[tilespmem:$0x1E800] =	vst v63  }
0x150: {  	_ =	swait.ge [sflag:s20], $0x2000  }
0x151: {  	s9 =	sld [smem:$0x7EC]  }
0x152: {  	[sflag:s20] =	ssyncset.done $0x0  }
0x153: {  	[sflag:s20] =	ssyncadd.s32 $0xFFFFE000  }
0x154: {  	[tilespmem:s14], [sflag:$0x2] =	stream.indirect.gather [hbm4b:s1+s12], $0x80, s9, s12, $0xb8;
	[tilespmem:$0x1E800] =	vst v63  }
0x155: {  	_ =	swait.ge [sflag:s21], $0x2000  }
0x156: {  	s7 =	sld [smem:$0x7ED]  }
0x157: {  	[sflag:s21] =	ssyncset.done $0x0  }
0x158: {  	[sflag:s21] =	ssyncadd.s32 $0xFFFFE000  }
0x159: {  	[spmem:s3] =	stream.indirect.scatter.add.f32 [tilespmem:s15], [sflag:$0x7], $0x80, s7, s12, $0xb8;
	[tilespmem:$0x1E800] =	vst v63  }
0x15a: {  	_ =	swait.ge [sflag:s22], $0x2000  }
0x15b: {  	s8 =	sld [smem:$0x7EE]  }
0x15c: {  	[sflag:s22] =	ssyncset.done $0x0  }
0x15d: {  	[sflag:s22] =	ssyncadd.s32 $0xFFFFE000  }
0x15e: {  	[tilespmem:s15], [sflag:$0x3] =	stream.indirect.gather [hbm4b:s1+s12], $0x80, s8, s12, $0xb8;
	[tilespmem:$0x1E800] =	vst v63  }
0x15f: {  	_ =	swait.ge [sflag:s23], $0x2000  }
0x160: {  	s9 =	sld [smem:$0x7EF]  }
0x161: {  	[sflag:s23] =	ssyncset.done $0x0  }
0x162: {  	[sflag:s23] =	ssyncadd.s32 $0xFFFFE000  }
0x163: {  	[spmem:s3] =	stream.indirect.scatter.add.f32 [tilespmem:s16], [sflag:$0x8], $0x80, s9, s12, $0xb8;
	[tilespmem:$0x1E800] =	vst v63  }
0x164: {  	_ =	swait.ge [sflag:s24], $0x2000  }
0x165: {  	s7 =	sld [smem:$0x7F0]  }
0x166: {  	[sflag:s24] =	ssyncset.done $0x0  }
0x167: {  	[sflag:s24] =	ssyncadd.s32 $0xFFFFE000  }
0x168: {  	[tilespmem:s16], [sflag:$0x4] =	stream.indirect.gather [hbm4b:s1+s12], $0x80, s7, s12, $0xb8;
	[tilespmem:$0x1E800] =	vst v63  }
0x169: {  	_ =	swait.ge [sflag:s17], $0x2000  }
0x16a: {  	s8 =	sld [smem:$0x7F1]  }
0x16b: {  	[sflag:s17] =	ssyncset.done $0x0  }
0x16c: {  	[sflag:s17] =	ssyncadd.s32 $0xFFFFE000  }
0x16d: {  	[spmem:s3] =	stream.indirect.scatter.add.f32 [tilespmem:s13], [sflag:$0x5], $0x80, s8, s12, $0xb8;
	[tilespmem:$0x1E800] =	vst v63  }
0x16e: {  	_ =	swait.ge [sflag:s18], $0x2000  }
0x16f: {  	s9 =	sld [smem:$0x7F2]  }
0x170: {  	[sflag:s18] =	ssyncset.done $0x0  }
0x171: {  	[sflag:s18] =	ssyncadd.s32 $0xFFFFE000  }
0x172: {  	[tilespmem:s13], [sflag:$0x1] =	stream.indirect.gather [hbm4b:s1+s12], $0x80, s9, s12, $0xb8;
	[tilespmem:$0x1E800] =	vst v63  }
0x173: {  	_ =	swait.ge [sflag:s19], $0x2000  }
0x174: {  	s7 =	sld [smem:$0x7F3]  }
0x175: {  	[sflag:s19] =	ssyncset.done $0x0  }
0x176: {  	[sflag:s19] =	ssyncadd.s32 $0xFFFFE000  }
0x177: {  	[spmem:s3] =	stream.indirect.scatter.add.f32 [tilespmem:s14], [sflag:$0x6], $0x80, s7, s12, $0xb8;
	[tilespmem:$0x1E800] =	vst v63  }
0x178: {  	_ =	swait.ge [sflag:s20], $0x2000  }
0x179: {  	s8 =	sld [smem:$0x7F4]  }
0x17a: {  	[sflag:s20] =	ssyncset.done $0x0  }
0x17b: {  	[sflag:s20] =	ssyncadd.s32 $0xFFFFE000  }
0x17c: {  	[tilespmem:s14], [sflag:$0x2] =	stream.indirect.gather [hbm4b:s1+s12], $0x80, s8, s12, $0xb8;
	[tilespmem:$0x1E800] =	vst v63  }
0x17d: {  	_ =	swait.ge [sflag:s21], $0x2000  }
0x17e: {  	s9 =	sld [smem:$0x7F5]  }
0x17f: {  	[sflag:s21] =	ssyncset.done $0x0  }
0x180: {  	[sflag:s21] =	ssyncadd.s32 $0xFFFFE000  }
0x181: {  	[spmem:s3] =	stream.indirect.scatter.add.f32 [tilespmem:s15], [sflag:$0x7], $0x80, s9, s12, $0xb8;
	[tilespmem:$0x1E800] =	vst v63  }
0x182: {  	_ =	swait.ge [sflag:s22], $0x2000  }
0x183: {  	s7 =	sld [smem:$0x7F6]  }
0x184: {  	[sflag:s22] =	ssyncset.done $0x0  }
0x185: {  	[sflag:s22] =	ssyncadd.s32 $0xFFFFE000  }
0x186: {  	[tilespmem:s15], [sflag:$0x3] =	stream.indirect.gather [hbm4b:s1+s12], $0x80, s7, s12, $0xb8;
	[tilespmem:$0x1E800] =	vst v63  }
0x187: {  	_ =	swait.ge [sflag:s23], $0x2000  }
0x188: {  	s8 =	sld [smem:$0x7F7]  }
0x189: {  	[sflag:s23] =	ssyncset.done $0x0  }
0x18a: {  	[sflag:s23] =	ssyncadd.s32 $0xFFFFE000  }
0x18b: {  	[spmem:s3] =	stream.indirect.scatter.add.f32 [tilespmem:s16], [sflag:$0x8], $0x80, s8, s12, $0xb8;
	[tilespmem:$0x1E800] =	vst v63  }
0x18c: {  	_ =	swait.ge [sflag:s24], $0x2000  }
0x18d: {  	s9 =	sld [smem:$0x7F8]  }
0x18e: {  	[sflag:s24] =	ssyncset.done $0x0  }
0x18f: {  	[sflag:s24] =	ssyncadd.s32 $0xFFFFE000  }
0x190: {  	[tilespmem:s16], [sflag:$0x4] =	stream.indirect.gather [hbm4b:s1+s12], $0x80, s9, s12, $0xb8;
	[tilespmem:$0x1E800] =	vst v63  }
0x191: {  	_ =	swait.ge [sflag:s17], $0x2000  }
0x192: {  	s7 =	sld [smem:$0x7F9]  }
0x193: {  	[sflag:s17] =	ssyncset.done $0x0  }
0x194: {  	[sflag:s17] =	ssyncadd.s32 $0xFFFFE000  }
0x195: {  	[spmem:s3] =	stream.indirect.scatter.add.f32 [tilespmem:s13], [sflag:$0x5], $0x80, s7, s12, $0xb8;
	[tilespmem:$0x1E800] =	vst v63  }
0x196: {  	_ =	swait.ge [sflag:s18], $0x2000  }
0x197: {  	s8 =	sld [smem:$0x7FA]  }
0x198: {  	[sflag:s18] =	ssyncset.done $0x0  }
0x199: {  	[sflag:s18] =	ssyncadd.s32 $0xFFFFE000  }
0x19a: {  	[tilespmem:s13], [sflag:$0x1] =	stream.indirect.gather [hbm4b:s1+s12], $0x80, s8, s12, $0xb8;
	[tilespmem:$0x1E800] =	vst v63  }
0x19b: {  	_ =	swait.ge [sflag:s19], $0x2000  }
0x19c: {  	s9 =	sld [smem:$0x7FB]  }
0x19d: {  	[sflag:s19] =	ssyncset.done $0x0  }
0x19e: {  	[sflag:s19] =	ssyncadd.s32 $0xFFFFE000  }
0x19f: {  	[spmem:s3] =	stream.indirect.scatter.add.f32 [tilespmem:s14], [sflag:$0x6], $0x80, s9, s12, $0xb8;
	[tilespmem:$0x1E800] =	vst v63  }
0x1a0: {  	_ =	swait.ge [sflag:s20], $0x2000  }
0x1a1: {  	[sflag:s20] =	ssyncset.done $0x0  }
0x1a2: {  	[sflag:s20] =	ssyncadd.s32 $0xFFFFE000  }
0x1a3: {  	[tilespmem:s14], [sflag:$0x2] =	stream.indirect.gather [hbm4b:s1+s12], $0x80, s25, s12, $0xb8;
	[tilespmem:$0x1E800] =	vst v63  }
0x1a4: {  	_ =	swait.ge [sflag:s21], $0x2000  }
0x1a5: {  	[sflag:s21] =	ssyncset.done $0x0  }
0x1a6: {  	[sflag:s21] =	ssyncadd.s32 $0xFFFFE000  }
0x1a7: {  	[spmem:s3] =	stream.indirect.scatter.add.f32 [tilespmem:s15], [sflag:$0x7], $0x80, s26, s12, $0xb8;
	[tilespmem:$0x1E800] =	vst v63  }
0x1a8: {  	_ =	swait.ge [sflag:s22], $0x2000  }
0x1a9: {  	[sflag:s22] =	ssyncset.done $0x0  }
0x1aa: {  	[sflag:s22] =	ssyncadd.s32 $0xFFFFE000  }
0x1ab: {  	[tilespmem:s15], [sflag:$0x3] =	stream.indirect.gather [hbm4b:s1+s12], $0x80, s28, s12, $0xb8;
	[tilespmem:$0x1E800] =	vst v63  }
0x1ac: {  	_ =	swait.ge [sflag:s23], $0x2000  }
0x1ad: {  	[sflag:s23] =	ssyncset.done $0x0  }
0x1ae: {  	[sflag:s23] =	ssyncadd.s32 $0xFFFFE000  }
0x1af: {  	[spmem:s3] =	stream.indirect.scatter.add.f32 [tilespmem:s16], [sflag:$0x8], $0x80, s29, s12, $0xb8;
	[tilespmem:$0x1E800] =	vst v63  }
0x1b0: {  	_ =	swait.ge [sflag:s24], $0x2000  }
0x1b1: {  	[sflag:s24] =	ssyncset.done $0x0  }
0x1b2: {  	[sflag:s24] =	ssyncadd.s32 $0xFFFFE000  }
0x1b3: {  	[tilespmem:s16], [sflag:$0x4] =	stream.indirect.gather [hbm4b:s1+s12], $0x80, s30, s12, $0xb8;
	[tilespmem:$0x1E800] =	vst v63  }
0x1b4: {  	_ =	swait.ge [sflag:s17], $0x2000  }
0x1b5: {  	[sflag:s17] =	ssyncset.done $0x0  }
0x1b6: {  	[sflag:s17] =	ssyncadd.s32 $0xFFFFE000  }
0x1b7: {  	[spmem:s3] =	stream.indirect.scatter.add.f32 [tilespmem:s13], [sflag:$0x5], $0x80, s31, s12, $0xb8;
	[tilespmem:$0x1E800] =	vst v63  }
0x1b8: {  	_ =	swait.ge [sflag:s19], $0x2000  }
0x1b9: {  	[sflag:s19] =	ssyncset.done $0x0  }
0x1ba: {  	[sflag:s19] =	ssyncadd.s32 $0xFFFFE000  }
0x1bb: {  	[spmem:s3] =	stream.indirect.scatter.add.f32 [tilespmem:s14], [sflag:$0x6], $0x80, s2, s12, $0xb8;
	[tilespmem:$0x1E800] =	vst v63  }
0x1bc: {  	_ =	swait.ge [sflag:s21], $0x2000  }
0x1bd: {  	[sflag:s21] =	ssyncset.done $0x0  }
0x1be: {  	[sflag:s21] =	ssyncadd.s32 $0xFFFFE000  }
0x1bf: {  	[spmem:s3] =	stream.indirect.scatter.add.f32 [tilespmem:s15], [sflag:$0x7], $0x80, s0, s12, $0xb8;
	[tilespmem:$0x1E800] =	vst v63  }
0x1c0: {  	_ =	swait.ge [sflag:s23], $0x2000  }
0x1c1: {  	[sflag:s23] =	ssyncset.done $0x0  }
0x1c2: {  	[sflag:s23] =	ssyncadd.s32 $0xFFFFE000  }
0x1c3: {  	[spmem:s3] =	stream.indirect.scatter.add.f32 [tilespmem:s16], [sflag:$0x8], $0x80, s5, s12, $0xb8;
	[tilespmem:$0x1E800] =	vst v63  }
0x1c4: {  	_ =	swait.ge [sflag:s18], $0x2000  }
0x1c5: {  	[sflag:s18] =	ssyncset.done $0x0  }
0x1c6: {  	[sflag:s18] =	ssyncadd.s32 $0xFFFFE000  }
0x1c7: {  	_ =	swait.ge [sflag:s20], $0x2000  }
0x1c8: {  	[sflag:s20] =	ssyncset.done $0x0  }
0x1c9: {  	[sflag:s20] =	ssyncadd.s32 $0xFFFFE000  }
0x1ca: {  	_ =	swait.ge [sflag:s22], $0x2000  }
0x1cb: {  	[sflag:s22] =	ssyncset.done $0x0  }
0x1cc: {  	[sflag:s22] =	ssyncadd.s32 $0xFFFFE000  }
0x1cd: {  	s6 =	simm.s32 $0x500;
	_ =	swait.ge [sflag:s24], $0x2000  }
0x1ce: {  	s8 =	simm.s32 $0x280;
	s9 =	rddreg [dreg:$0x5];
	[sflag:s24] =	ssyncset.done $0x0  }
.LBB2_2:
0x1cf: {  	[sflag:s24] =	ssyncadd.s32 $0xFFFFE000;
	s9 =	sadd.s32 s8, s9  }
0x1d0: {  	[tilespmem:s4], [sflag:$0x9] =	stream.linear.gather [hbm4b:s9+s4], $0x1400, $0x38;
	[tilespmem:$0x1E800] =	vst v63  }
0x1d1: {  	_ =	swait.ge [sflag:s10], $0x1400  }
0x1d2: {  	s9 =	rddreg [dreg:$0x4];
	[sflag:s10] =	ssyncset.done $0x0  }
0x1d3: {  	[sflag:s10] =	ssyncadd.s32 $0xFFFFEC00;
	s9 =	sadd.s32 s8, s9  }
0x1d4: {  	[tilespmem:s11], [sflag:$0x9] =	stream.linear.gather [hbm4b:s9+s4], $0x1400, $0x38;
	[tilespmem:$0x1E800] =	vst v63  }
0x1d5: {  	_ =	swait.ge [sflag:s10], $0x1400  }
0x1d6: {  	[sflag:s10] =	ssyncset.done $0x0  }
0x1d7: {  	s7 =	smov.u32 s6;
	[sflag:s10] =	ssyncadd.s32 $0xFFFFEC00  }
0x1d8: {  	[tilespmem:s13], [sflag:$0x1] =	stream.indirect.gather [hbm4b:s1+s12], $0x80, s4, s12, $0xb8;
	[tilespmem:$0x1E800] =	vst v63  }
0x1d9: {  	s8 =	smov.u32 s7;
	s7 =	rddreg [dreg:$0x6]  }
0x1da: {  	[tilespmem:s14], [sflag:$0x2] =	stream.indirect.gather [hbm4b:s1+s12], $0x80, s7, s12, $0xb8;
	[tilespmem:$0x1E800] =	vst v63  }
0x1db: {  	s9 =	rddreg [dreg:$0x7]  }
0x1dc: {  	[tilespmem:s15], [sflag:$0x3] =	stream.indirect.gather [hbm4b:s1+s12], $0x80, s9, s12, $0xb8;
	[tilespmem:$0x1E800] =	vst v63  }
0x1dd: {  	s7 =	rddreg [dreg:$0x8]  }
0x1de: {  	[tilespmem:s16], [sflag:$0x4] =	stream.indirect.gather [hbm4b:s1+s12], $0x80, s7, s12, $0xb8;
	[tilespmem:$0x1E800] =	vst v63  }
0x1df: {  	_ =	swait.ge [sflag:s17], $0x2000  }
0x1e0: {  	[sflag:s17] =	ssyncset.done $0x0  }
0x1e1: {  	[sflag:s17] =	ssyncadd.s32 $0xFFFFE000  }
0x1e2: {  	[spmem:s3] =	stream.indirect.scatter.add.f32 [tilespmem:s13], [sflag:$0x5], $0x80, s11, s12, $0xb8;
	[tilespmem:$0x1E800] =	vst v63  }
0x1e3: {  	_ =	swait.ge [sflag:s18], $0x2000  }
0x1e4: {  	[sflag:s18] =	ssyncset.done $0x0  }
0x1e5: {  	s9 =	rddreg [dreg:$0x9];
	[sflag:s18] =	ssyncadd.s32 $0xFFFFE000  }
0x1e6: {  	[tilespmem:s13], [sflag:$0x1] =	stream.indirect.gather [hbm4b:s1+s12], $0x80, s9, s12, $0xb8;
	[tilespmem:$0x1E800] =	vst v63  }
0x1e7: {  	_ =	swait.ge [sflag:s19], $0x2000  }
0x1e8: {  	[sflag:s19] =	ssyncset.done $0x0  }
0x1e9: {  	s9 =	rddreg [dreg:$0xa];
	[sflag:s19] =	ssyncadd.s32 $0xFFFFE000  }
0x1ea: {  	[spmem:s3] =	stream.indirect.scatter.add.f32 [tilespmem:s14], [sflag:$0x6], $0x80, s9, s12, $0xb8;
	[tilespmem:$0x1E800] =	vst v63  }
0x1eb: {  	_ =	swait.ge [sflag:s20], $0x2000  }
0x1ec: {  	[sflag:s20] =	ssyncset.done $0x0  }
0x1ed: {  	s9 =	rddreg [dreg:$0xb];
	[sflag:s20] =	ssyncadd.s32 $0xFFFFE000  }
0x1ee: {  	[tilespmem:s14], [sflag:$0x2] =	stream.indirect.gather [hbm4b:s1+s12], $0x80, s9, s12, $0xb8;
	[tilespmem:$0x1E800] =	vst v63  }
0x1ef: {  	_ =	swait.ge [sflag:s21], $0x2000  }
0x1f0: {  	[sflag:s21] =	ssyncset.done $0x0  }
0x1f1: {  	s9 =	rddreg [dreg:$0xc];
	[sflag:s21] =	ssyncadd.s32 $0xFFFFE000  }
0x1f2: {  	[spmem:s3] =	stream.indirect.scatter.add.f32 [tilespmem:s15], [sflag:$0x7], $0x80, s9, s12, $0xb8;
	[tilespmem:$0x1E800] =	vst v63  }
0x1f3: {  	_ =	swait.ge [sflag:s22], $0x2000  }
0x1f4: {  	[sflag:s22] =	ssyncset.done $0x0  }
0x1f5: {  	s9 =	rddreg [dreg:$0xd];
	[sflag:s22] =	ssyncadd.s32 $0xFFFFE000  }
0x1f6: {  	[tilespmem:s15], [sflag:$0x3] =	stream.indirect.gather [hbm4b:s1+s12], $0x80, s9, s12, $0xb8;
	[tilespmem:$0x1E800] =	vst v63  }
0x1f7: {  	_ =	swait.ge [sflag:s23], $0x2000  }
0x1f8: {  	[sflag:s23] =	ssyncset.done $0x0  }
0x1f9: {  	s9 =	rddreg [dreg:$0xe];
	[sflag:s23] =	ssyncadd.s32 $0xFFFFE000  }
0x1fa: {  	[spmem:s3] =	stream.indirect.scatter.add.f32 [tilespmem:s16], [sflag:$0x8], $0x80, s9, s12, $0xb8;
	[tilespmem:$0x1E800] =	vst v63  }
0x1fb: {  	_ =	swait.ge [sflag:s24], $0x2000  }
0x1fc: {  	[sflag:s24] =	ssyncset.done $0x0  }
0x1fd: {  	s9 =	rddreg [dreg:$0xf];
	[sflag:s24] =	ssyncadd.s32 $0xFFFFE000  }
0x1fe: {  	[tilespmem:s16], [sflag:$0x4] =	stream.indirect.gather [hbm4b:s1+s12], $0x80, s9, s12, $0xb8;
	[tilespmem:$0x1E800] =	vst v63  }
0x1ff: {  	_ =	swait.ge [sflag:s17], $0x2000  }
0x200: {  	[sflag:s17] =	ssyncset.done $0x0  }
0x201: {  	s9 =	rddreg [dreg:$0x10];
	[sflag:s17] =	ssyncadd.s32 $0xFFFFE000  }
0x202: {  	[spmem:s3] =	stream.indirect.scatter.add.f32 [tilespmem:s13], [sflag:$0x5], $0x80, s9, s12, $0xb8;
	[tilespmem:$0x1E800] =	vst v63  }
0x203: {  	_ =	swait.ge [sflag:s18], $0x2000  }
0x204: {  	[sflag:s18] =	ssyncset.done $0x0  }
0x205: {  	s9 =	rddreg [dreg:$0x11];
	[sflag:s18] =	ssyncadd.s32 $0xFFFFE000  }
0x206: {  	[tilespmem:s13], [sflag:$0x1] =	stream.indirect.gather [hbm4b:s1+s12], $0x80, s9, s12, $0xb8;
	[tilespmem:$0x1E800] =	vst v63  }
0x207: {  	_ =	swait.ge [sflag:s19], $0x2000  }
0x208: {  	[sflag:s19] =	ssyncset.done $0x0  }
0x209: {  	s9 =	rddreg [dreg:$0x12];
	[sflag:s19] =	ssyncadd.s32 $0xFFFFE000  }
0x20a: {  	[spmem:s3] =	stream.indirect.scatter.add.f32 [tilespmem:s14], [sflag:$0x6], $0x80, s9, s12, $0xb8;
	[tilespmem:$0x1E800] =	vst v63  }
0x20b: {  	_ =	swait.ge [sflag:s20], $0x2000  }
0x20c: {  	[sflag:s20] =	ssyncset.done $0x0  }
0x20d: {  	s9 =	rddreg [dreg:$0x13];
	[sflag:s20] =	ssyncadd.s32 $0xFFFFE000  }
0x20e: {  	[tilespmem:s14], [sflag:$0x2] =	stream.indirect.gather [hbm4b:s1+s12], $0x80, s9, s12, $0xb8;
	[tilespmem:$0x1E800] =	vst v63  }
0x20f: {  	_ =	swait.ge [sflag:s21], $0x2000  }
0x210: {  	[sflag:s21] =	ssyncset.done $0x0  }
0x211: {  	s9 =	rddreg [dreg:$0x14];
	[sflag:s21] =	ssyncadd.s32 $0xFFFFE000  }
0x212: {  	[spmem:s3] =	stream.indirect.scatter.add.f32 [tilespmem:s15], [sflag:$0x7], $0x80, s9, s12, $0xb8;
	[tilespmem:$0x1E800] =	vst v63  }
0x213: {  	_ =	swait.ge [sflag:s22], $0x2000  }
0x214: {  	[sflag:s22] =	ssyncset.done $0x0  }
0x215: {  	s9 =	rddreg [dreg:$0x15];
	[sflag:s22] =	ssyncadd.s32 $0xFFFFE000  }
0x216: {  	[tilespmem:s15], [sflag:$0x3] =	stream.indirect.gather [hbm4b:s1+s12], $0x80, s9, s12, $0xb8;
	[tilespmem:$0x1E800] =	vst v63  }
0x217: {  	_ =	swait.ge [sflag:s23], $0x2000  }
0x218: {  	[sflag:s23] =	ssyncset.done $0x0  }
0x219: {  	s9 =	rddreg [dreg:$0x16];
	[sflag:s23] =	ssyncadd.s32 $0xFFFFE000  }
0x21a: {  	[spmem:s3] =	stream.indirect.scatter.add.f32 [tilespmem:s16], [sflag:$0x8], $0x80, s9, s12, $0xb8;
	[tilespmem:$0x1E800] =	vst v63  }
0x21b: {  	_ =	swait.ge [sflag:s24], $0x2000  }
0x21c: {  	[sflag:s24] =	ssyncset.done $0x0  }
0x21d: {  	s9 =	rddreg [dreg:$0x17];
	[sflag:s24] =	ssyncadd.s32 $0xFFFFE000  }
0x21e: {  	[tilespmem:s16], [sflag:$0x4] =	stream.indirect.gather [hbm4b:s1+s12], $0x80, s9, s12, $0xb8;
	[tilespmem:$0x1E800] =	vst v63  }
0x21f: {  	_ =	swait.ge [sflag:s17], $0x2000  }
0x220: {  	[sflag:s17] =	ssyncset.done $0x0  }
0x221: {  	s9 =	rddreg [dreg:$0x18];
	[sflag:s17] =	ssyncadd.s32 $0xFFFFE000  }
0x222: {  	[spmem:s3] =	stream.indirect.scatter.add.f32 [tilespmem:s13], [sflag:$0x5], $0x80, s9, s12, $0xb8;
	[tilespmem:$0x1E800] =	vst v63  }
0x223: {  	_ =	swait.ge [sflag:s18], $0x2000  }
0x224: {  	[sflag:s18] =	ssyncset.done $0x0  }
0x225: {  	s9 =	rddreg [dreg:$0x19];
	[sflag:s18] =	ssyncadd.s32 $0xFFFFE000  }
0x226: {  	[tilespmem:s13], [sflag:$0x1] =	stream.indirect.gather [hbm4b:s1+s12], $0x80, s9, s12, $0xb8;
	[tilespmem:$0x1E800] =	vst v63  }
0x227: {  	_ =	swait.ge [sflag:s19], $0x2000  }
0x228: {  	[sflag:s19] =	ssyncset.done $0x0  }
0x229: {  	s9 =	rddreg [dreg:$0x1a];
	[sflag:s19] =	ssyncadd.s32 $0xFFFFE000  }
0x22a: {  	[spmem:s3] =	stream.indirect.scatter.add.f32 [tilespmem:s14], [sflag:$0x6], $0x80, s9, s12, $0xb8;
	[tilespmem:$0x1E800] =	vst v63  }
0x22b: {  	_ =	swait.ge [sflag:s20], $0x2000  }
0x22c: {  	[sflag:s20] =	ssyncset.done $0x0  }
0x22d: {  	s9 =	rddreg [dreg:$0x1b];
	[sflag:s20] =	ssyncadd.s32 $0xFFFFE000  }
0x22e: {  	[tilespmem:s14], [sflag:$0x2] =	stream.indirect.gather [hbm4b:s1+s12], $0x80, s9, s12, $0xb8;
	[tilespmem:$0x1E800] =	vst v63  }
0x22f: {  	_ =	swait.ge [sflag:s21], $0x2000  }
0x230: {  	[sflag:s21] =	ssyncset.done $0x0  }
0x231: {  	s9 =	rddreg [dreg:$0x1c];
	[sflag:s21] =	ssyncadd.s32 $0xFFFFE000  }
0x232: {  	[spmem:s3] =	stream.indirect.scatter.add.f32 [tilespmem:s15], [sflag:$0x7], $0x80, s9, s12, $0xb8;
	[tilespmem:$0x1E800] =	vst v63  }
0x233: {  	_ =	swait.ge [sflag:s22], $0x2000  }
0x234: {  	[sflag:s22] =	ssyncset.done $0x0  }
0x235: {  	s9 =	rddreg [dreg:$0x1d];
	[sflag:s22] =	ssyncadd.s32 $0xFFFFE000  }
0x236: {  	[tilespmem:s15], [sflag:$0x3] =	stream.indirect.gather [hbm4b:s1+s12], $0x80, s9, s12, $0xb8;
	[tilespmem:$0x1E800] =	vst v63  }
0x237: {  	_ =	swait.ge [sflag:s23], $0x2000  }
0x238: {  	[sflag:s23] =	ssyncset.done $0x0  }
0x239: {  	s9 =	rddreg [dreg:$0x1e];
	[sflag:s23] =	ssyncadd.s32 $0xFFFFE000  }
0x23a: {  	[spmem:s3] =	stream.indirect.scatter.add.f32 [tilespmem:s16], [sflag:$0x8], $0x80, s9, s12, $0xb8;
	[tilespmem:$0x1E800] =	vst v63  }
0x23b: {  	_ =	swait.ge [sflag:s24], $0x2000  }
0x23c: {  	[sflag:s24] =	ssyncset.done $0x0  }
0x23d: {  	s9 =	rddreg [dreg:$0x1f];
	[sflag:s24] =	ssyncadd.s32 $0xFFFFE000  }
0x23e: {  	[tilespmem:s16], [sflag:$0x4] =	stream.indirect.gather [hbm4b:s1+s12], $0x80, s9, s12, $0xb8;
	[tilespmem:$0x1E800] =	vst v63  }
0x23f: {  	_ =	swait.ge [sflag:s17], $0x2000  }
0x240: {  	s9 =	sld [smem:$0x7CE]  }
0x241: {  	[sflag:s17] =	ssyncset.done $0x0  }
0x242: {  	[sflag:s17] =	ssyncadd.s32 $0xFFFFE000  }
0x243: {  	[spmem:s3] =	stream.indirect.scatter.add.f32 [tilespmem:s13], [sflag:$0x5], $0x80, s9, s12, $0xb8;
	[tilespmem:$0x1E800] =	vst v63  }
0x244: {  	_ =	swait.ge [sflag:s18], $0x2000  }
0x245: {  	s9 =	sld [smem:$0x7CF]  }
0x246: {  	[sflag:s18] =	ssyncset.done $0x0  }
0x247: {  	[sflag:s18] =	ssyncadd.s32 $0xFFFFE000  }
0x248: {  	[tilespmem:s13], [sflag:$0x1] =	stream.indirect.gather [hbm4b:s1+s12], $0x80, s9, s12, $0xb8;
	[tilespmem:$0x1E800] =	vst v63  }
0x249: {  	_ =	swait.ge [sflag:s19], $0x2000  }
0x24a: {  	s9 =	sld [smem:$0x7D0]  }
0x24b: {  	[sflag:s19] =	ssyncset.done $0x0  }
0x24c: {  	[sflag:s19] =	ssyncadd.s32 $0xFFFFE000  }
0x24d: {  	[spmem:s3] =	stream.indirect.scatter.add.f32 [tilespmem:s14], [sflag:$0x6], $0x80, s9, s12, $0xb8;
	[tilespmem:$0x1E800] =	vst v63  }
0x24e: {  	_ =	swait.ge [sflag:s20], $0x2000  }
0x24f: {  	s9 =	sld [smem:$0x7D1]  }
0x250: {  	[sflag:s20] =	ssyncset.done $0x0  }
0x251: {  	[sflag:s20] =	ssyncadd.s32 $0xFFFFE000  }
0x252: {  	[tilespmem:s14], [sflag:$0x2] =	stream.indirect.gather [hbm4b:s1+s12], $0x80, s9, s12, $0xb8;
	[tilespmem:$0x1E800] =	vst v63  }
0x253: {  	_ =	swait.ge [sflag:s21], $0x2000  }
0x254: {  	s9 =	sld [smem:$0x7D2]  }
0x255: {  	[sflag:s21] =	ssyncset.done $0x0  }
0x256: {  	[sflag:s21] =	ssyncadd.s32 $0xFFFFE000  }
0x257: {  	[spmem:s3] =	stream.indirect.scatter.add.f32 [tilespmem:s15], [sflag:$0x7], $0x80, s9, s12, $0xb8;
	[tilespmem:$0x1E800] =	vst v63  }
0x258: {  	_ =	swait.ge [sflag:s22], $0x2000  }
0x259: {  	s9 =	sld [smem:$0x7D3]  }
0x25a: {  	[sflag:s22] =	ssyncset.done $0x0  }
0x25b: {  	[sflag:s22] =	ssyncadd.s32 $0xFFFFE000  }
0x25c: {  	[tilespmem:s15], [sflag:$0x3] =	stream.indirect.gather [hbm4b:s1+s12], $0x80, s9, s12, $0xb8;
	[tilespmem:$0x1E800] =	vst v63  }
0x25d: {  	_ =	swait.ge [sflag:s23], $0x2000  }
0x25e: {  	s9 =	sld [smem:$0x7D4]  }
0x25f: {  	[sflag:s23] =	ssyncset.done $0x0  }
0x260: {  	[sflag:s23] =	ssyncadd.s32 $0xFFFFE000  }
0x261: {  	[spmem:s3] =	stream.indirect.scatter.add.f32 [tilespmem:s16], [sflag:$0x8], $0x80, s9, s12, $0xb8;
	[tilespmem:$0x1E800] =	vst v63  }
0x262: {  	_ =	swait.ge [sflag:s24], $0x2000  }
0x263: {  	s9 =	sld [smem:$0x7D5]  }
0x264: {  	[sflag:s24] =	ssyncset.done $0x0  }
0x265: {  	[sflag:s24] =	ssyncadd.s32 $0xFFFFE000  }
0x266: {  	[tilespmem:s16], [sflag:$0x4] =	stream.indirect.gather [hbm4b:s1+s12], $0x80, s9, s12, $0xb8;
	[tilespmem:$0x1E800] =	vst v63  }
0x267: {  	_ =	swait.ge [sflag:s17], $0x2000  }
0x268: {  	s9 =	sld [smem:$0x7D6]  }
0x269: {  	[sflag:s17] =	ssyncset.done $0x0  }
0x26a: {  	[sflag:s17] =	ssyncadd.s32 $0xFFFFE000  }
0x26b: {  	[spmem:s3] =	stream.indirect.scatter.add.f32 [tilespmem:s13], [sflag:$0x5], $0x80, s9, s12, $0xb8;
	[tilespmem:$0x1E800] =	vst v63  }
0x26c: {  	_ =	swait.ge [sflag:s18], $0x2000  }
0x26d: {  	s9 =	sld [smem:$0x7D7]  }
0x26e: {  	[sflag:s18] =	ssyncset.done $0x0  }
0x26f: {  	[sflag:s18] =	ssyncadd.s32 $0xFFFFE000  }
0x270: {  	[tilespmem:s13], [sflag:$0x1] =	stream.indirect.gather [hbm4b:s1+s12], $0x80, s9, s12, $0xb8;
	[tilespmem:$0x1E800] =	vst v63  }
0x271: {  	_ =	swait.ge [sflag:s19], $0x2000  }
0x272: {  	s9 =	sld [smem:$0x7D8]  }
0x273: {  	[sflag:s19] =	ssyncset.done $0x0  }
0x274: {  	[sflag:s19] =	ssyncadd.s32 $0xFFFFE000  }
0x275: {  	[spmem:s3] =	stream.indirect.scatter.add.f32 [tilespmem:s14], [sflag:$0x6], $0x80, s9, s12, $0xb8;
	[tilespmem:$0x1E800] =	vst v63  }
0x276: {  	_ =	swait.ge [sflag:s20], $0x2000  }
0x277: {  	s9 =	sld [smem:$0x7D9]  }
0x278: {  	[sflag:s20] =	ssyncset.done $0x0  }
0x279: {  	[sflag:s20] =	ssyncadd.s32 $0xFFFFE000  }
0x27a: {  	[tilespmem:s14], [sflag:$0x2] =	stream.indirect.gather [hbm4b:s1+s12], $0x80, s9, s12, $0xb8;
	[tilespmem:$0x1E800] =	vst v63  }
0x27b: {  	_ =	swait.ge [sflag:s21], $0x2000  }
0x27c: {  	s9 =	sld [smem:$0x7DA]  }
0x27d: {  	[sflag:s21] =	ssyncset.done $0x0  }
0x27e: {  	[sflag:s21] =	ssyncadd.s32 $0xFFFFE000  }
0x27f: {  	[spmem:s3] =	stream.indirect.scatter.add.f32 [tilespmem:s15], [sflag:$0x7], $0x80, s9, s12, $0xb8;
	[tilespmem:$0x1E800] =	vst v63  }
0x280: {  	_ =	swait.ge [sflag:s22], $0x2000  }
0x281: {  	s9 =	sld [smem:$0x7DB]  }
0x282: {  	[sflag:s22] =	ssyncset.done $0x0  }
0x283: {  	[sflag:s22] =	ssyncadd.s32 $0xFFFFE000  }
0x284: {  	[tilespmem:s15], [sflag:$0x3] =	stream.indirect.gather [hbm4b:s1+s12], $0x80, s9, s12, $0xb8;
	[tilespmem:$0x1E800] =	vst v63  }
0x285: {  	_ =	swait.ge [sflag:s23], $0x2000  }
0x286: {  	s9 =	sld [smem:$0x7DD]  }
0x287: {  	[sflag:s23] =	ssyncset.done $0x0  }
0x288: {  	[sflag:s23] =	ssyncadd.s32 $0xFFFFE000  }
0x289: {  	[spmem:s3] =	stream.indirect.scatter.add.f32 [tilespmem:s16], [sflag:$0x8], $0x80, s9, s12, $0xb8;
	[tilespmem:$0x1E800] =	vst v63  }
0x28a: {  	_ =	swait.ge [sflag:s24], $0x2000  }
0x28b: {  	s9 =	sld [smem:$0x7DE]  }
0x28c: {  	[sflag:s24] =	ssyncset.done $0x0  }
0x28d: {  	[sflag:s24] =	ssyncadd.s32 $0xFFFFE000  }
0x28e: {  	[tilespmem:s16], [sflag:$0x4] =	stream.indirect.gather [hbm4b:s1+s12], $0x80, s9, s12, $0xb8;
	[tilespmem:$0x1E800] =	vst v63  }
0x28f: {  	_ =	swait.ge [sflag:s17], $0x2000  }
0x290: {  	s9 =	sld [smem:$0x7DF]  }
0x291: {  	[sflag:s17] =	ssyncset.done $0x0  }
0x292: {  	[sflag:s17] =	ssyncadd.s32 $0xFFFFE000  }
0x293: {  	[spmem:s3] =	stream.indirect.scatter.add.f32 [tilespmem:s13], [sflag:$0x5], $0x80, s9, s12, $0xb8;
	[tilespmem:$0x1E800] =	vst v63  }
0x294: {  	_ =	swait.ge [sflag:s18], $0x2000  }
0x295: {  	s9 =	sld [smem:$0x7E0]  }
0x296: {  	[sflag:s18] =	ssyncset.done $0x0  }
0x297: {  	[sflag:s18] =	ssyncadd.s32 $0xFFFFE000  }
0x298: {  	[tilespmem:s13], [sflag:$0x1] =	stream.indirect.gather [hbm4b:s1+s12], $0x80, s9, s12, $0xb8;
	[tilespmem:$0x1E800] =	vst v63  }
0x299: {  	_ =	swait.ge [sflag:s19], $0x2000  }
0x29a: {  	s9 =	sld [smem:$0x7E1]  }
0x29b: {  	[sflag:s19] =	ssyncset.done $0x0  }
0x29c: {  	[sflag:s19] =	ssyncadd.s32 $0xFFFFE000  }
0x29d: {  	[spmem:s3] =	stream.indirect.scatter.add.f32 [tilespmem:s14], [sflag:$0x6], $0x80, s9, s12, $0xb8;
	[tilespmem:$0x1E800] =	vst v63  }
0x29e: {  	_ =	swait.ge [sflag:s20], $0x2000  }
0x29f: {  	s9 =	sld [smem:$0x7E2]  }
0x2a0: {  	[sflag:s20] =	ssyncset.done $0x0  }
0x2a1: {  	[sflag:s20] =	ssyncadd.s32 $0xFFFFE000  }
0x2a2: {  	[tilespmem:s14], [sflag:$0x2] =	stream.indirect.gather [hbm4b:s1+s12], $0x80, s9, s12, $0xb8;
	[tilespmem:$0x1E800] =	vst v63  }
0x2a3: {  	_ =	swait.ge [sflag:s21], $0x2000  }
0x2a4: {  	s9 =	sld [smem:$0x7E3]  }
0x2a5: {  	[sflag:s21] =	ssyncset.done $0x0  }
0x2a6: {  	[sflag:s21] =	ssyncadd.s32 $0xFFFFE000  }
0x2a7: {  	[spmem:s3] =	stream.indirect.scatter.add.f32 [tilespmem:s15], [sflag:$0x7], $0x80, s9, s12, $0xb8;
	[tilespmem:$0x1E800] =	vst v63  }
0x2a8: {  	_ =	swait.ge [sflag:s22], $0x2000  }
0x2a9: {  	s9 =	sld [smem:$0x7E4]  }
0x2aa: {  	[sflag:s22] =	ssyncset.done $0x0  }
0x2ab: {  	[sflag:s22] =	ssyncadd.s32 $0xFFFFE000  }
0x2ac: {  	[tilespmem:s15], [sflag:$0x3] =	stream.indirect.gather [hbm4b:s1+s12], $0x80, s9, s12, $0xb8;
	[tilespmem:$0x1E800] =	vst v63  }
0x2ad: {  	_ =	swait.ge [sflag:s23], $0x2000  }
0x2ae: {  	s9 =	sld [smem:$0x7E5]  }
0x2af: {  	[sflag:s23] =	ssyncset.done $0x0  }
0x2b0: {  	[sflag:s23] =	ssyncadd.s32 $0xFFFFE000  }
0x2b1: {  	[spmem:s3] =	stream.indirect.scatter.add.f32 [tilespmem:s16], [sflag:$0x8], $0x80, s9, s12, $0xb8;
	[tilespmem:$0x1E800] =	vst v63  }
0x2b2: {  	_ =	swait.ge [sflag:s24], $0x2000  }
0x2b3: {  	s9 =	sld [smem:$0x7E6]  }
0x2b4: {  	[sflag:s24] =	ssyncset.done $0x0  }
0x2b5: {  	[sflag:s24] =	ssyncadd.s32 $0xFFFFE000  }
0x2b6: {  	[tilespmem:s16], [sflag:$0x4] =	stream.indirect.gather [hbm4b:s1+s12], $0x80, s9, s12, $0xb8;
	[tilespmem:$0x1E800] =	vst v63  }
0x2b7: {  	_ =	swait.ge [sflag:s17], $0x2000  }
0x2b8: {  	s9 =	sld [smem:$0x7E7]  }
0x2b9: {  	[sflag:s17] =	ssyncset.done $0x0  }
0x2ba: {  	[sflag:s17] =	ssyncadd.s32 $0xFFFFE000  }
0x2bb: {  	[spmem:s3] =	stream.indirect.scatter.add.f32 [tilespmem:s13], [sflag:$0x5], $0x80, s9, s12, $0xb8;
	[tilespmem:$0x1E800] =	vst v63  }
0x2bc: {  	_ =	swait.ge [sflag:s18], $0x2000  }
0x2bd: {  	s9 =	sld [smem:$0x7E9]  }
0x2be: {  	[sflag:s18] =	ssyncset.done $0x0  }
0x2bf: {  	[sflag:s18] =	ssyncadd.s32 $0xFFFFE000  }
0x2c0: {  	[tilespmem:s13], [sflag:$0x1] =	stream.indirect.gather [hbm4b:s1+s12], $0x80, s9, s12, $0xb8;
	[tilespmem:$0x1E800] =	vst v63  }
0x2c1: {  	_ =	swait.ge [sflag:s19], $0x2000  }
0x2c2: {  	s9 =	sld [smem:$0x7EB]  }
0x2c3: {  	[sflag:s19] =	ssyncset.done $0x0  }
0x2c4: {  	[sflag:s19] =	ssyncadd.s32 $0xFFFFE000  }
0x2c5: {  	[spmem:s3] =	stream.indirect.scatter.add.f32 [tilespmem:s14], [sflag:$0x6], $0x80, s9, s12, $0xb8;
	[tilespmem:$0x1E800] =	vst v63  }
0x2c6: {  	_ =	swait.ge [sflag:s20], $0x2000  }
0x2c7: {  	s9 =	sld [smem:$0x7EC]  }
0x2c8: {  	[sflag:s20] =	ssyncset.done $0x0  }
0x2c9: {  	[sflag:s20] =	ssyncadd.s32 $0xFFFFE000  }
0x2ca: {  	[tilespmem:s14], [sflag:$0x2] =	stream.indirect.gather [hbm4b:s1+s12], $0x80, s9, s12, $0xb8;
	[tilespmem:$0x1E800] =	vst v63  }
0x2cb: {  	_ =	swait.ge [sflag:s21], $0x2000  }
0x2cc: {  	s9 =	sld [smem:$0x7ED]  }
0x2cd: {  	[sflag:s21] =	ssyncset.done $0x0  }
0x2ce: {  	[sflag:s21] =	ssyncadd.s32 $0xFFFFE000  }
0x2cf: {  	[spmem:s3] =	stream.indirect.scatter.add.f32 [tilespmem:s15], [sflag:$0x7], $0x80, s9, s12, $0xb8;
	[tilespmem:$0x1E800] =	vst v63  }
0x2d0: {  	_ =	swait.ge [sflag:s22], $0x2000  }
0x2d1: {  	s9 =	sld [smem:$0x7EE]  }
0x2d2: {  	[sflag:s22] =	ssyncset.done $0x0  }
0x2d3: {  	[sflag:s22] =	ssyncadd.s32 $0xFFFFE000  }
0x2d4: {  	[tilespmem:s15], [sflag:$0x3] =	stream.indirect.gather [hbm4b:s1+s12], $0x80, s9, s12, $0xb8;
	[tilespmem:$0x1E800] =	vst v63  }
0x2d5: {  	_ =	swait.ge [sflag:s23], $0x2000  }
0x2d6: {  	s9 =	sld [smem:$0x7EF]  }
0x2d7: {  	[sflag:s23] =	ssyncset.done $0x0  }
0x2d8: {  	[sflag:s23] =	ssyncadd.s32 $0xFFFFE000  }
0x2d9: {  	[spmem:s3] =	stream.indirect.scatter.add.f32 [tilespmem:s16], [sflag:$0x8], $0x80, s9, s12, $0xb8;
	[tilespmem:$0x1E800] =	vst v63  }
0x2da: {  	_ =	swait.ge [sflag:s24], $0x2000  }
0x2db: {  	s9 =	sld [smem:$0x7F0]  }
0x2dc: {  	[sflag:s24] =	ssyncset.done $0x0  }
0x2dd: {  	[sflag:s24] =	ssyncadd.s32 $0xFFFFE000  }
0x2de: {  	[tilespmem:s16], [sflag:$0x4] =	stream.indirect.gather [hbm4b:s1+s12], $0x80, s9, s12, $0xb8;
	[tilespmem:$0x1E800] =	vst v63  }
0x2df: {  	_ =	swait.ge [sflag:s17], $0x2000  }
0x2e0: {  	s9 =	sld [smem:$0x7F1]  }
0x2e1: {  	[sflag:s17] =	ssyncset.done $0x0  }
0x2e2: {  	[sflag:s17] =	ssyncadd.s32 $0xFFFFE000  }
0x2e3: {  	[spmem:s3] =	stream.indirect.scatter.add.f32 [tilespmem:s13], [sflag:$0x5], $0x80, s9, s12, $0xb8;
	[tilespmem:$0x1E800] =	vst v63  }
0x2e4: {  	_ =	swait.ge [sflag:s18], $0x2000  }
0x2e5: {  	s9 =	sld [smem:$0x7F2]  }
0x2e6: {  	[sflag:s18] =	ssyncset.done $0x0  }
0x2e7: {  	[sflag:s18] =	ssyncadd.s32 $0xFFFFE000  }
0x2e8: {  	[tilespmem:s13], [sflag:$0x1] =	stream.indirect.gather [hbm4b:s1+s12], $0x80, s9, s12, $0xb8;
	[tilespmem:$0x1E800] =	vst v63  }
0x2e9: {  	_ =	swait.ge [sflag:s19], $0x2000  }
0x2ea: {  	s9 =	sld [smem:$0x7F3]  }
0x2eb: {  	[sflag:s19] =	ssyncset.done $0x0  }
0x2ec: {  	[sflag:s19] =	ssyncadd.s32 $0xFFFFE000  }
0x2ed: {  	[spmem:s3] =	stream.indirect.scatter.add.f32 [tilespmem:s14], [sflag:$0x6], $0x80, s9, s12, $0xb8;
	[tilespmem:$0x1E800] =	vst v63  }
0x2ee: {  	_ =	swait.ge [sflag:s20], $0x2000  }
0x2ef: {  	s9 =	sld [smem:$0x7F4]  }
0x2f0: {  	[sflag:s20] =	ssyncset.done $0x0  }
0x2f1: {  	[sflag:s20] =	ssyncadd.s32 $0xFFFFE000  }
0x2f2: {  	[tilespmem:s14], [sflag:$0x2] =	stream.indirect.gather [hbm4b:s1+s12], $0x80, s9, s12, $0xb8;
	[tilespmem:$0x1E800] =	vst v63  }
0x2f3: {  	_ =	swait.ge [sflag:s21], $0x2000  }
0x2f4: {  	s9 =	sld [smem:$0x7F5]  }
0x2f5: {  	[sflag:s21] =	ssyncset.done $0x0  }
0x2f6: {  	[sflag:s21] =	ssyncadd.s32 $0xFFFFE000  }
0x2f7: {  	[spmem:s3] =	stream.indirect.scatter.add.f32 [tilespmem:s15], [sflag:$0x7], $0x80, s9, s12, $0xb8;
	[tilespmem:$0x1E800] =	vst v63  }
0x2f8: {  	_ =	swait.ge [sflag:s22], $0x2000  }
0x2f9: {  	s9 =	sld [smem:$0x7F6]  }
0x2fa: {  	[sflag:s22] =	ssyncset.done $0x0  }
0x2fb: {  	[sflag:s22] =	ssyncadd.s32 $0xFFFFE000  }
0x2fc: {  	[tilespmem:s15], [sflag:$0x3] =	stream.indirect.gather [hbm4b:s1+s12], $0x80, s9, s12, $0xb8;
	[tilespmem:$0x1E800] =	vst v63  }
0x2fd: {  	_ =	swait.ge [sflag:s23], $0x2000  }
0x2fe: {  	s9 =	sld [smem:$0x7F7]  }
0x2ff: {  	[sflag:s23] =	ssyncset.done $0x0  }
0x300: {  	[sflag:s23] =	ssyncadd.s32 $0xFFFFE000  }
0x301: {  	[spmem:s3] =	stream.indirect.scatter.add.f32 [tilespmem:s16], [sflag:$0x8], $0x80, s9, s12, $0xb8;
	[tilespmem:$0x1E800] =	vst v63  }
0x302: {  	_ =	swait.ge [sflag:s24], $0x2000  }
0x303: {  	s9 =	sld [smem:$0x7F8]  }
0x304: {  	[sflag:s24] =	ssyncset.done $0x0  }
0x305: {  	[sflag:s24] =	ssyncadd.s32 $0xFFFFE000  }
0x306: {  	[tilespmem:s16], [sflag:$0x4] =	stream.indirect.gather [hbm4b:s1+s12], $0x80, s9, s12, $0xb8;
	[tilespmem:$0x1E800] =	vst v63  }
0x307: {  	_ =	swait.ge [sflag:s17], $0x2000  }
0x308: {  	s9 =	sld [smem:$0x7F9]  }
0x309: {  	[sflag:s17] =	ssyncset.done $0x0  }
0x30a: {  	[sflag:s17] =	ssyncadd.s32 $0xFFFFE000  }
0x30b: {  	[spmem:s3] =	stream.indirect.scatter.add.f32 [tilespmem:s13], [sflag:$0x5], $0x80, s9, s12, $0xb8;
	[tilespmem:$0x1E800] =	vst v63  }
0x30c: {  	_ =	swait.ge [sflag:s18], $0x2000  }
0x30d: {  	s9 =	sld [smem:$0x7FA]  }
0x30e: {  	[sflag:s18] =	ssyncset.done $0x0  }
0x30f: {  	[sflag:s18] =	ssyncadd.s32 $0xFFFFE000  }
0x310: {  	[tilespmem:s13], [sflag:$0x1] =	stream.indirect.gather [hbm4b:s1+s12], $0x80, s9, s12, $0xb8;
	[tilespmem:$0x1E800] =	vst v63  }
0x311: {  	_ =	swait.ge [sflag:s19], $0x2000  }
0x312: {  	s9 =	sld [smem:$0x7FB]  }
0x313: {  	[sflag:s19] =	ssyncset.done $0x0  }
0x314: {  	[sflag:s19] =	ssyncadd.s32 $0xFFFFE000  }
0x315: {  	[spmem:s3] =	stream.indirect.scatter.add.f32 [tilespmem:s14], [sflag:$0x6], $0x80, s9, s12, $0xb8;
	[tilespmem:$0x1E800] =	vst v63  }
0x316: {  	_ =	swait.ge [sflag:s20], $0x2000  }
0x317: {  	[sflag:s20] =	ssyncset.done $0x0  }
0x318: {  	[sflag:s20] =	ssyncadd.s32 $0xFFFFE000  }
0x319: {  	[tilespmem:s14], [sflag:$0x2] =	stream.indirect.gather [hbm4b:s1+s12], $0x80, s25, s12, $0xb8;
	[tilespmem:$0x1E800] =	vst v63  }
0x31a: {  	_ =	swait.ge [sflag:s21], $0x2000  }
0x31b: {  	[sflag:s21] =	ssyncset.done $0x0  }
0x31c: {  	[sflag:s21] =	ssyncadd.s32 $0xFFFFE000  }
0x31d: {  	[spmem:s3] =	stream.indirect.scatter.add.f32 [tilespmem:s15], [sflag:$0x7], $0x80, s26, s12, $0xb8;
	[tilespmem:$0x1E800] =	vst v63  }
0x31e: {  	_ =	swait.ge [sflag:s22], $0x2000  }
0x31f: {  	[sflag:s22] =	ssyncset.done $0x0  }
0x320: {  	[sflag:s22] =	ssyncadd.s32 $0xFFFFE000  }
0x321: {  	[tilespmem:s15], [sflag:$0x3] =	stream.indirect.gather [hbm4b:s1+s12], $0x80, s28, s12, $0xb8;
	[tilespmem:$0x1E800] =	vst v63  }
0x322: {  	_ =	swait.ge [sflag:s23], $0x2000  }
0x323: {  	[sflag:s23] =	ssyncset.done $0x0  }
0x324: {  	[sflag:s23] =	ssyncadd.s32 $0xFFFFE000  }
0x325: {  	[spmem:s3] =	stream.indirect.scatter.add.f32 [tilespmem:s16], [sflag:$0x8], $0x80, s29, s12, $0xb8;
	[tilespmem:$0x1E800] =	vst v63  }
0x326: {  	_ =	swait.ge [sflag:s24], $0x2000  }
0x327: {  	[sflag:s24] =	ssyncset.done $0x0  }
0x328: {  	[sflag:s24] =	ssyncadd.s32 $0xFFFFE000  }
0x329: {  	[tilespmem:s16], [sflag:$0x4] =	stream.indirect.gather [hbm4b:s1+s12], $0x80, s30, s12, $0xb8;
	[tilespmem:$0x1E800] =	vst v63  }
0x32a: {  	_ =	swait.ge [sflag:s17], $0x2000  }
0x32b: {  	[sflag:s17] =	ssyncset.done $0x0  }
0x32c: {  	[sflag:s17] =	ssyncadd.s32 $0xFFFFE000  }
0x32d: {  	[spmem:s3] =	stream.indirect.scatter.add.f32 [tilespmem:s13], [sflag:$0x5], $0x80, s31, s12, $0xb8;
	[tilespmem:$0x1E800] =	vst v63  }
0x32e: {  	_ =	swait.ge [sflag:s19], $0x2000  }
0x32f: {  	[sflag:s19] =	ssyncset.done $0x0  }
0x330: {  	[sflag:s19] =	ssyncadd.s32 $0xFFFFE000  }
0x331: {  	[spmem:s3] =	stream.indirect.scatter.add.f32 [tilespmem:s14], [sflag:$0x6], $0x80, s2, s12, $0xb8;
	[tilespmem:$0x1E800] =	vst v63  }
0x332: {  	_ =	swait.ge [sflag:s21], $0x2000  }
0x333: {  	[sflag:s21] =	ssyncset.done $0x0  }
0x334: {  	[sflag:s21] =	ssyncadd.s32 $0xFFFFE000  }
0x335: {  	[spmem:s3] =	stream.indirect.scatter.add.f32 [tilespmem:s15], [sflag:$0x7], $0x80, s0, s12, $0xb8;
	[tilespmem:$0x1E800] =	vst v63  }
0x336: {  	_ =	swait.ge [sflag:s23], $0x2000  }
0x337: {  	[sflag:s23] =	ssyncset.done $0x0  }
0x338: {  	[sflag:s23] =	ssyncadd.s32 $0xFFFFE000  }
0x339: {  	[spmem:s3] =	stream.indirect.scatter.add.f32 [tilespmem:s16], [sflag:$0x8], $0x80, s5, s12, $0xb8;
	[tilespmem:$0x1E800] =	vst v63  }
0x33a: {  	_ =	swait.ge [sflag:s18], $0x2000  }
0x33b: {  	[sflag:s18] =	ssyncset.done $0x0  }
0x33c: {  	[sflag:s18] =	ssyncadd.s32 $0xFFFFE000  }
0x33d: {  	_ =	swait.ge [sflag:s20], $0x2000  }
0x33e: {  	[sflag:s20] =	ssyncset.done $0x0  }
0x33f: {  	p0 =	sne.s32 s6, $0x780;
	[sflag:s20] =	ssyncadd.s32 $0xFFFFE000  }
.Ltmp0:
0x340: {  	_ =	swait.ge [sflag:s22], $0x2000;
	(pc) =	sbr.rel @p0 .LBB2_2-.Ltmp0, $4  }
0x341: {  	[sflag:s22] =	ssyncset.done $0x0  }
0x342: {  	[sflag:s22] =	ssyncadd.s32 $0xFFFFE000  }
0x343: {  	_ =	swait.ge [sflag:s24], $0x2000  }
0x344: {  	s6 =	sadd.s32 $0x280, s6;
	s9 =	rddreg [dreg:$0x5];
	[sflag:s24] =	ssyncset.done $0x0  }
0x345: {  	[sflag:s24] =	ssyncadd.s32 $0xFFFFE000;
	s6 =	sadd.s32 s8, s9  }
0x346: {  	[tilespmem:s4], [sflag:$0x9] =	stream.linear.gather [hbm4b:s6+s4], $0x1400, $0x38;
	[tilespmem:$0x1E800] =	vst v63  }
0x347: {  	_ =	swait.ge [sflag:s10], $0x1400  }
0x348: {  	s7 =	rddreg [dreg:$0x4];
	[sflag:s10] =	ssyncset.done $0x0  }
0x349: {  	[sflag:s10] =	ssyncadd.s32 $0xFFFFEC00;
	s6 =	sadd.s32 s8, s7  }
0x34a: {  	[tilespmem:s11], [sflag:$0x9] =	stream.linear.gather [hbm4b:s6+s4], $0x1400, $0x38;
	[tilespmem:$0x1E800] =	vst v63  }
0x34b: {  	_ =	swait.ge [sflag:s10], $0x1400  }
0x34c: {  	[sflag:s10] =	ssyncset.done $0x0  }
0x34d: {  	[sflag:s10] =	ssyncadd.s32 $0xFFFFEC00  }
0x34e: {  	[tilespmem:s13], [sflag:$0x1] =	stream.indirect.gather [hbm4b:s1+s12], $0x80, s4, s12, $0xb8;
	[tilespmem:$0x1E800] =	vst v63  }
0x34f: {  	s9 =	rddreg [dreg:$0x6]  }
0x350: {  	[tilespmem:s14], [sflag:$0x2] =	stream.indirect.gather [hbm4b:s1+s12], $0x80, s9, s12, $0xb8;
	[tilespmem:$0x1E800] =	vst v63  }
0x351: {  	s7 =	rddreg [dreg:$0x7]  }
0x352: {  	[tilespmem:s15], [sflag:$0x3] =	stream.indirect.gather [hbm4b:s1+s12], $0x80, s7, s12, $0xb8;
	[tilespmem:$0x1E800] =	vst v63  }
0x353: {  	s8 =	rddreg [dreg:$0x8]  }
0x354: {  	[tilespmem:s16], [sflag:$0x4] =	stream.indirect.gather [hbm4b:s1+s12], $0x80, s8, s12, $0xb8;
	[tilespmem:$0x1E800] =	vst v63  }
0x355: {  	_ =	swait.ge [sflag:s17], $0x2000  }
0x356: {  	[sflag:s17] =	ssyncset.done $0x0  }
0x357: {  	[sflag:s17] =	ssyncadd.s32 $0xFFFFE000  }
0x358: {  	[spmem:s3] =	stream.indirect.scatter.add.f32 [tilespmem:s13], [sflag:$0x5], $0x80, s11, s12, $0xb8;
	[tilespmem:$0x1E800] =	vst v63  }
0x359: {  	_ =	swait.ge [sflag:s18], $0x2000  }
0x35a: {  	[sflag:s18] =	ssyncset.done $0x0  }
0x35b: {  	s9 =	rddreg [dreg:$0x9];
	[sflag:s18] =	ssyncadd.s32 $0xFFFFE000  }
0x35c: {  	[tilespmem:s13], [sflag:$0x1] =	stream.indirect.gather [hbm4b:s1+s12], $0x80, s9, s12, $0xb8;
	[tilespmem:$0x1E800] =	vst v63  }
0x35d: {  	_ =	swait.ge [sflag:s19], $0x2000  }
0x35e: {  	[sflag:s19] =	ssyncset.done $0x0  }
0x35f: {  	s7 =	rddreg [dreg:$0xa];
	[sflag:s19] =	ssyncadd.s32 $0xFFFFE000  }
0x360: {  	[spmem:s3] =	stream.indirect.scatter.add.f32 [tilespmem:s14], [sflag:$0x6], $0x80, s7, s12, $0xb8;
	[tilespmem:$0x1E800] =	vst v63  }
0x361: {  	_ =	swait.ge [sflag:s20], $0x2000  }
0x362: {  	[sflag:s20] =	ssyncset.done $0x0  }
0x363: {  	s8 =	rddreg [dreg:$0xb];
	[sflag:s20] =	ssyncadd.s32 $0xFFFFE000  }
0x364: {  	[tilespmem:s14], [sflag:$0x2] =	stream.indirect.gather [hbm4b:s1+s12], $0x80, s8, s12, $0xb8;
	[tilespmem:$0x1E800] =	vst v63  }
0x365: {  	_ =	swait.ge [sflag:s21], $0x2000  }
0x366: {  	[sflag:s21] =	ssyncset.done $0x0  }
0x367: {  	s9 =	rddreg [dreg:$0xc];
	[sflag:s21] =	ssyncadd.s32 $0xFFFFE000  }
0x368: {  	[spmem:s3] =	stream.indirect.scatter.add.f32 [tilespmem:s15], [sflag:$0x7], $0x80, s9, s12, $0xb8;
	[tilespmem:$0x1E800] =	vst v63  }
0x369: {  	_ =	swait.ge [sflag:s22], $0x2000  }
0x36a: {  	[sflag:s22] =	ssyncset.done $0x0  }
0x36b: {  	s7 =	rddreg [dreg:$0xd];
	[sflag:s22] =	ssyncadd.s32 $0xFFFFE000  }
0x36c: {  	[tilespmem:s15], [sflag:$0x3] =	stream.indirect.gather [hbm4b:s1+s12], $0x80, s7, s12, $0xb8;
	[tilespmem:$0x1E800] =	vst v63  }
0x36d: {  	_ =	swait.ge [sflag:s23], $0x2000  }
0x36e: {  	[sflag:s23] =	ssyncset.done $0x0  }
0x36f: {  	s8 =	rddreg [dreg:$0xe];
	[sflag:s23] =	ssyncadd.s32 $0xFFFFE000  }
0x370: {  	[spmem:s3] =	stream.indirect.scatter.add.f32 [tilespmem:s16], [sflag:$0x8], $0x80, s8, s12, $0xb8;
	[tilespmem:$0x1E800] =	vst v63  }
0x371: {  	_ =	swait.ge [sflag:s24], $0x2000  }
0x372: {  	[sflag:s24] =	ssyncset.done $0x0  }
0x373: {  	s9 =	rddreg [dreg:$0xf];
	[sflag:s24] =	ssyncadd.s32 $0xFFFFE000  }
0x374: {  	[tilespmem:s16], [sflag:$0x4] =	stream.indirect.gather [hbm4b:s1+s12], $0x80, s9, s12, $0xb8;
	[tilespmem:$0x1E800] =	vst v63  }
0x375: {  	_ =	swait.ge [sflag:s17], $0x2000  }
0x376: {  	[sflag:s17] =	ssyncset.done $0x0  }
0x377: {  	s7 =	rddreg [dreg:$0x10];
	[sflag:s17] =	ssyncadd.s32 $0xFFFFE000  }
0x378: {  	[spmem:s3] =	stream.indirect.scatter.add.f32 [tilespmem:s13], [sflag:$0x5], $0x80, s7, s12, $0xb8;
	[tilespmem:$0x1E800] =	vst v63  }
0x379: {  	_ =	swait.ge [sflag:s18], $0x2000  }
0x37a: {  	[sflag:s18] =	ssyncset.done $0x0  }
0x37b: {  	s8 =	rddreg [dreg:$0x11];
	[sflag:s18] =	ssyncadd.s32 $0xFFFFE000  }
0x37c: {  	[tilespmem:s13], [sflag:$0x1] =	stream.indirect.gather [hbm4b:s1+s12], $0x80, s8, s12, $0xb8;
	[tilespmem:$0x1E800] =	vst v63  }
0x37d: {  	_ =	swait.ge [sflag:s19], $0x2000  }
0x37e: {  	[sflag:s19] =	ssyncset.done $0x0  }
0x37f: {  	s9 =	rddreg [dreg:$0x12];
	[sflag:s19] =	ssyncadd.s32 $0xFFFFE000  }
0x380: {  	[spmem:s3] =	stream.indirect.scatter.add.f32 [tilespmem:s14], [sflag:$0x6], $0x80, s9, s12, $0xb8;
	[tilespmem:$0x1E800] =	vst v63  }
0x381: {  	_ =	swait.ge [sflag:s20], $0x2000  }
0x382: {  	[sflag:s20] =	ssyncset.done $0x0  }
0x383: {  	s7 =	rddreg [dreg:$0x13];
	[sflag:s20] =	ssyncadd.s32 $0xFFFFE000  }
0x384: {  	[tilespmem:s14], [sflag:$0x2] =	stream.indirect.gather [hbm4b:s1+s12], $0x80, s7, s12, $0xb8;
	[tilespmem:$0x1E800] =	vst v63  }
0x385: {  	_ =	swait.ge [sflag:s21], $0x2000  }
0x386: {  	[sflag:s21] =	ssyncset.done $0x0  }
0x387: {  	s8 =	rddreg [dreg:$0x14];
	[sflag:s21] =	ssyncadd.s32 $0xFFFFE000  }
0x388: {  	[spmem:s3] =	stream.indirect.scatter.add.f32 [tilespmem:s15], [sflag:$0x7], $0x80, s8, s12, $0xb8;
	[tilespmem:$0x1E800] =	vst v63  }
0x389: {  	_ =	swait.ge [sflag:s22], $0x2000  }
0x38a: {  	[sflag:s22] =	ssyncset.done $0x0  }
0x38b: {  	s9 =	rddreg [dreg:$0x15];
	[sflag:s22] =	ssyncadd.s32 $0xFFFFE000  }
0x38c: {  	[tilespmem:s15], [sflag:$0x3] =	stream.indirect.gather [hbm4b:s1+s12], $0x80, s9, s12, $0xb8;
	[tilespmem:$0x1E800] =	vst v63  }
0x38d: {  	_ =	swait.ge [sflag:s23], $0x2000  }
0x38e: {  	[sflag:s23] =	ssyncset.done $0x0  }
0x38f: {  	s7 =	rddreg [dreg:$0x16];
	[sflag:s23] =	ssyncadd.s32 $0xFFFFE000  }
0x390: {  	[spmem:s3] =	stream.indirect.scatter.add.f32 [tilespmem:s16], [sflag:$0x8], $0x80, s7, s12, $0xb8;
	[tilespmem:$0x1E800] =	vst v63  }
0x391: {  	_ =	swait.ge [sflag:s24], $0x2000  }
0x392: {  	[sflag:s24] =	ssyncset.done $0x0  }
0x393: {  	s8 =	rddreg [dreg:$0x17];
	[sflag:s24] =	ssyncadd.s32 $0xFFFFE000  }
0x394: {  	[tilespmem:s16], [sflag:$0x4] =	stream.indirect.gather [hbm4b:s1+s12], $0x80, s8, s12, $0xb8;
	[tilespmem:$0x1E800] =	vst v63  }
0x395: {  	_ =	swait.ge [sflag:s17], $0x2000  }
0x396: {  	[sflag:s17] =	ssyncset.done $0x0  }
0x397: {  	s9 =	rddreg [dreg:$0x18];
	[sflag:s17] =	ssyncadd.s32 $0xFFFFE000  }
0x398: {  	[spmem:s3] =	stream.indirect.scatter.add.f32 [tilespmem:s13], [sflag:$0x5], $0x80, s9, s12, $0xb8;
	[tilespmem:$0x1E800] =	vst v63  }
0x399: {  	_ =	swait.ge [sflag:s18], $0x2000  }
0x39a: {  	[sflag:s18] =	ssyncset.done $0x0  }
0x39b: {  	s7 =	rddreg [dreg:$0x19];
	[sflag:s18] =	ssyncadd.s32 $0xFFFFE000  }
0x39c: {  	[tilespmem:s13], [sflag:$0x1] =	stream.indirect.gather [hbm4b:s1+s12], $0x80, s7, s12, $0xb8;
	[tilespmem:$0x1E800] =	vst v63  }
0x39d: {  	_ =	swait.ge [sflag:s19], $0x2000  }
0x39e: {  	[sflag:s19] =	ssyncset.done $0x0  }
0x39f: {  	s8 =	rddreg [dreg:$0x1a];
	[sflag:s19] =	ssyncadd.s32 $0xFFFFE000  }
0x3a0: {  	[spmem:s3] =	stream.indirect.scatter.add.f32 [tilespmem:s14], [sflag:$0x6], $0x80, s8, s12, $0xb8;
	[tilespmem:$0x1E800] =	vst v63  }
0x3a1: {  	_ =	swait.ge [sflag:s20], $0x2000  }
0x3a2: {  	[sflag:s20] =	ssyncset.done $0x0  }
0x3a3: {  	s9 =	rddreg [dreg:$0x1b];
	[sflag:s20] =	ssyncadd.s32 $0xFFFFE000  }
0x3a4: {  	[tilespmem:s14], [sflag:$0x2] =	stream.indirect.gather [hbm4b:s1+s12], $0x80, s9, s12, $0xb8;
	[tilespmem:$0x1E800] =	vst v63  }
0x3a5: {  	_ =	swait.ge [sflag:s21], $0x2000  }
0x3a6: {  	[sflag:s21] =	ssyncset.done $0x0  }
0x3a7: {  	s7 =	rddreg [dreg:$0x1c];
	[sflag:s21] =	ssyncadd.s32 $0xFFFFE000  }
0x3a8: {  	[spmem:s3] =	stream.indirect.scatter.add.f32 [tilespmem:s15], [sflag:$0x7], $0x80, s7, s12, $0xb8;
	[tilespmem:$0x1E800] =	vst v63  }
0x3a9: {  	_ =	swait.ge [sflag:s22], $0x2000  }
0x3aa: {  	[sflag:s22] =	ssyncset.done $0x0  }
0x3ab: {  	s8 =	rddreg [dreg:$0x1d];
	[sflag:s22] =	ssyncadd.s32 $0xFFFFE000  }
0x3ac: {  	[tilespmem:s15], [sflag:$0x3] =	stream.indirect.gather [hbm4b:s1+s12], $0x80, s8, s12, $0xb8;
	[tilespmem:$0x1E800] =	vst v63  }
0x3ad: {  	_ =	swait.ge [sflag:s23], $0x2000  }
0x3ae: {  	[sflag:s23] =	ssyncset.done $0x0  }
0x3af: {  	s9 =	rddreg [dreg:$0x1e];
	[sflag:s23] =	ssyncadd.s32 $0xFFFFE000  }
0x3b0: {  	[spmem:s3] =	stream.indirect.scatter.add.f32 [tilespmem:s16], [sflag:$0x8], $0x80, s9, s12, $0xb8;
	[tilespmem:$0x1E800] =	vst v63  }
0x3b1: {  	_ =	swait.ge [sflag:s24], $0x2000  }
0x3b2: {  	[sflag:s24] =	ssyncset.done $0x0  }
0x3b3: {  	s7 =	rddreg [dreg:$0x1f];
	[sflag:s24] =	ssyncadd.s32 $0xFFFFE000  }
0x3b4: {  	[tilespmem:s16], [sflag:$0x4] =	stream.indirect.gather [hbm4b:s1+s12], $0x80, s7, s12, $0xb8;
	[tilespmem:$0x1E800] =	vst v63  }
0x3b5: {  	_ =	swait.ge [sflag:s17], $0x2000  }
0x3b6: {  	s8 =	sld [smem:$0x7CE]  }
0x3b7: {  	[sflag:s17] =	ssyncset.done $0x0  }
0x3b8: {  	[sflag:s17] =	ssyncadd.s32 $0xFFFFE000  }
0x3b9: {  	[spmem:s3] =	stream.indirect.scatter.add.f32 [tilespmem:s13], [sflag:$0x5], $0x80, s8, s12, $0xb8;
	[tilespmem:$0x1E800] =	vst v63  }
0x3ba: {  	_ =	swait.ge [sflag:s18], $0x2000  }
0x3bb: {  	s9 =	sld [smem:$0x7CF]  }
0x3bc: {  	[sflag:s18] =	ssyncset.done $0x0  }
0x3bd: {  	[sflag:s18] =	ssyncadd.s32 $0xFFFFE000  }
0x3be: {  	[tilespmem:s13], [sflag:$0x1] =	stream.indirect.gather [hbm4b:s1+s12], $0x80, s9, s12, $0xb8;
	[tilespmem:$0x1E800] =	vst v63  }
0x3bf: {  	_ =	swait.ge [sflag:s19], $0x2000  }
0x3c0: {  	s7 =	sld [smem:$0x7D0]  }
0x3c1: {  	[sflag:s19] =	ssyncset.done $0x0  }
0x3c2: {  	[sflag:s19] =	ssyncadd.s32 $0xFFFFE000  }
0x3c3: {  	[spmem:s3] =	stream.indirect.scatter.add.f32 [tilespmem:s14], [sflag:$0x6], $0x80, s7, s12, $0xb8;
	[tilespmem:$0x1E800] =	vst v63  }
0x3c4: {  	_ =	swait.ge [sflag:s20], $0x2000  }
0x3c5: {  	s8 =	sld [smem:$0x7D1]  }
0x3c6: {  	[sflag:s20] =	ssyncset.done $0x0  }
0x3c7: {  	[sflag:s20] =	ssyncadd.s32 $0xFFFFE000  }
0x3c8: {  	[tilespmem:s14], [sflag:$0x2] =	stream.indirect.gather [hbm4b:s1+s12], $0x80, s8, s12, $0xb8;
	[tilespmem:$0x1E800] =	vst v63  }
0x3c9: {  	_ =	swait.ge [sflag:s21], $0x2000  }
0x3ca: {  	s9 =	sld [smem:$0x7D2]  }
0x3cb: {  	[sflag:s21] =	ssyncset.done $0x0  }
0x3cc: {  	[sflag:s21] =	ssyncadd.s32 $0xFFFFE000  }
0x3cd: {  	[spmem:s3] =	stream.indirect.scatter.add.f32 [tilespmem:s15], [sflag:$0x7], $0x80, s9, s12, $0xb8;
	[tilespmem:$0x1E800] =	vst v63  }
0x3ce: {  	_ =	swait.ge [sflag:s22], $0x2000  }
0x3cf: {  	s7 =	sld [smem:$0x7D3]  }
0x3d0: {  	[sflag:s22] =	ssyncset.done $0x0  }
0x3d1: {  	[sflag:s22] =	ssyncadd.s32 $0xFFFFE000  }
0x3d2: {  	[tilespmem:s15], [sflag:$0x3] =	stream.indirect.gather [hbm4b:s1+s12], $0x80, s7, s12, $0xb8;
	[tilespmem:$0x1E800] =	vst v63  }
0x3d3: {  	_ =	swait.ge [sflag:s23], $0x2000  }
0x3d4: {  	s8 =	sld [smem:$0x7D4]  }
0x3d5: {  	[sflag:s23] =	ssyncset.done $0x0  }
0x3d6: {  	[sflag:s23] =	ssyncadd.s32 $0xFFFFE000  }
0x3d7: {  	[spmem:s3] =	stream.indirect.scatter.add.f32 [tilespmem:s16], [sflag:$0x8], $0x80, s8, s12, $0xb8;
	[tilespmem:$0x1E800] =	vst v63  }
0x3d8: {  	_ =	swait.ge [sflag:s24], $0x2000  }
0x3d9: {  	s9 =	sld [smem:$0x7D5]  }
0x3da: {  	[sflag:s24] =	ssyncset.done $0x0  }
0x3db: {  	[sflag:s24] =	ssyncadd.s32 $0xFFFFE000  }
0x3dc: {  	[tilespmem:s16], [sflag:$0x4] =	stream.indirect.gather [hbm4b:s1+s12], $0x80, s9, s12, $0xb8;
	[tilespmem:$0x1E800] =	vst v63  }
0x3dd: {  	_ =	swait.ge [sflag:s17], $0x2000  }
0x3de: {  	s7 =	sld [smem:$0x7D6]  }
0x3df: {  	[sflag:s17] =	ssyncset.done $0x0  }
0x3e0: {  	[sflag:s17] =	ssyncadd.s32 $0xFFFFE000  }
0x3e1: {  	[spmem:s3] =	stream.indirect.scatter.add.f32 [tilespmem:s13], [sflag:$0x5], $0x80, s7, s12, $0xb8;
	[tilespmem:$0x1E800] =	vst v63  }
0x3e2: {  	_ =	swait.ge [sflag:s18], $0x2000  }
0x3e3: {  	s8 =	sld [smem:$0x7D7]  }
0x3e4: {  	[sflag:s18] =	ssyncset.done $0x0  }
0x3e5: {  	[sflag:s18] =	ssyncadd.s32 $0xFFFFE000  }
0x3e6: {  	[tilespmem:s13], [sflag:$0x1] =	stream.indirect.gather [hbm4b:s1+s12], $0x80, s8, s12, $0xb8;
	[tilespmem:$0x1E800] =	vst v63  }
0x3e7: {  	_ =	swait.ge [sflag:s19], $0x2000  }
0x3e8: {  	s9 =	sld [smem:$0x7D8]  }
0x3e9: {  	[sflag:s19] =	ssyncset.done $0x0  }
0x3ea: {  	[sflag:s19] =	ssyncadd.s32 $0xFFFFE000  }
0x3eb: {  	[spmem:s3] =	stream.indirect.scatter.add.f32 [tilespmem:s14], [sflag:$0x6], $0x80, s9, s12, $0xb8;
	[tilespmem:$0x1E800] =	vst v63  }
0x3ec: {  	_ =	swait.ge [sflag:s20], $0x2000  }
0x3ed: {  	s7 =	sld [smem:$0x7D9]  }
0x3ee: {  	[sflag:s20] =	ssyncset.done $0x0  }
0x3ef: {  	[sflag:s20] =	ssyncadd.s32 $0xFFFFE000  }
0x3f0: {  	[tilespmem:s14], [sflag:$0x2] =	stream.indirect.gather [hbm4b:s1+s12], $0x80, s7, s12, $0xb8;
	[tilespmem:$0x1E800] =	vst v63  }
0x3f1: {  	_ =	swait.ge [sflag:s21], $0x2000  }
0x3f2: {  	s8 =	sld [smem:$0x7DA]  }
0x3f3: {  	[sflag:s21] =	ssyncset.done $0x0  }
0x3f4: {  	[sflag:s21] =	ssyncadd.s32 $0xFFFFE000  }
0x3f5: {  	[spmem:s3] =	stream.indirect.scatter.add.f32 [tilespmem:s15], [sflag:$0x7], $0x80, s8, s12, $0xb8;
	[tilespmem:$0x1E800] =	vst v63  }
0x3f6: {  	_ =	swait.ge [sflag:s22], $0x2000  }
0x3f7: {  	s9 =	sld [smem:$0x7DB]  }
0x3f8: {  	[sflag:s22] =	ssyncset.done $0x0  }
0x3f9: {  	[sflag:s22] =	ssyncadd.s32 $0xFFFFE000  }
0x3fa: {  	[tilespmem:s15], [sflag:$0x3] =	stream.indirect.gather [hbm4b:s1+s12], $0x80, s9, s12, $0xb8;
	[tilespmem:$0x1E800] =	vst v63  }
0x3fb: {  	_ =	swait.ge [sflag:s23], $0x2000  }
0x3fc: {  	s7 =	sld [smem:$0x7DD]  }
0x3fd: {  	[sflag:s23] =	ssyncset.done $0x0  }
0x3fe: {  	[sflag:s23] =	ssyncadd.s32 $0xFFFFE000  }
0x3ff: {  	[spmem:s3] =	stream.indirect.scatter.add.f32 [tilespmem:s16], [sflag:$0x8], $0x80, s7, s12, $0xb8;
	[tilespmem:$0x1E800] =	vst v63  }
0x400: {  	_ =	swait.ge [sflag:s24], $0x2000  }
0x401: {  	s8 =	sld [smem:$0x7DE]  }
0x402: {  	[sflag:s24] =	ssyncset.done $0x0  }
0x403: {  	[sflag:s24] =	ssyncadd.s32 $0xFFFFE000  }
0x404: {  	[tilespmem:s16], [sflag:$0x4] =	stream.indirect.gather [hbm4b:s1+s12], $0x80, s8, s12, $0xb8;
	[tilespmem:$0x1E800] =	vst v63  }
0x405: {  	_ =	swait.ge [sflag:s17], $0x2000  }
0x406: {  	s9 =	sld [smem:$0x7DF]  }
0x407: {  	[sflag:s17] =	ssyncset.done $0x0  }
0x408: {  	[sflag:s17] =	ssyncadd.s32 $0xFFFFE000  }
0x409: {  	[spmem:s3] =	stream.indirect.scatter.add.f32 [tilespmem:s13], [sflag:$0x5], $0x80, s9, s12, $0xb8;
	[tilespmem:$0x1E800] =	vst v63  }
0x40a: {  	_ =	swait.ge [sflag:s18], $0x2000  }
0x40b: {  	s7 =	sld [smem:$0x7E0]  }
0x40c: {  	[sflag:s18] =	ssyncset.done $0x0  }
0x40d: {  	[sflag:s18] =	ssyncadd.s32 $0xFFFFE000  }
0x40e: {  	[tilespmem:s13], [sflag:$0x1] =	stream.indirect.gather [hbm4b:s1+s12], $0x80, s7, s12, $0xb8;
	[tilespmem:$0x1E800] =	vst v63  }
0x40f: {  	_ =	swait.ge [sflag:s19], $0x2000  }
0x410: {  	s8 =	sld [smem:$0x7E1]  }
0x411: {  	[sflag:s19] =	ssyncset.done $0x0  }
0x412: {  	[sflag:s19] =	ssyncadd.s32 $0xFFFFE000  }
0x413: {  	[spmem:s3] =	stream.indirect.scatter.add.f32 [tilespmem:s14], [sflag:$0x6], $0x80, s8, s12, $0xb8;
	[tilespmem:$0x1E800] =	vst v63  }
0x414: {  	_ =	swait.ge [sflag:s20], $0x2000  }
0x415: {  	s9 =	sld [smem:$0x7E2]  }
0x416: {  	[sflag:s20] =	ssyncset.done $0x0  }
0x417: {  	[sflag:s20] =	ssyncadd.s32 $0xFFFFE000  }
0x418: {  	[tilespmem:s14], [sflag:$0x2] =	stream.indirect.gather [hbm4b:s1+s12], $0x80, s9, s12, $0xb8;
	[tilespmem:$0x1E800] =	vst v63  }
0x419: {  	_ =	swait.ge [sflag:s21], $0x2000  }
0x41a: {  	s7 =	sld [smem:$0x7E3]  }
0x41b: {  	[sflag:s21] =	ssyncset.done $0x0  }
0x41c: {  	[sflag:s21] =	ssyncadd.s32 $0xFFFFE000  }
0x41d: {  	[spmem:s3] =	stream.indirect.scatter.add.f32 [tilespmem:s15], [sflag:$0x7], $0x80, s7, s12, $0xb8;
	[tilespmem:$0x1E800] =	vst v63  }
0x41e: {  	_ =	swait.ge [sflag:s22], $0x2000  }
0x41f: {  	s8 =	sld [smem:$0x7E4]  }
0x420: {  	[sflag:s22] =	ssyncset.done $0x0  }
0x421: {  	[sflag:s22] =	ssyncadd.s32 $0xFFFFE000  }
0x422: {  	[tilespmem:s15], [sflag:$0x3] =	stream.indirect.gather [hbm4b:s1+s12], $0x80, s8, s12, $0xb8;
	[tilespmem:$0x1E800] =	vst v63  }
0x423: {  	_ =	swait.ge [sflag:s23], $0x2000  }
0x424: {  	s9 =	sld [smem:$0x7E5]  }
0x425: {  	[sflag:s23] =	ssyncset.done $0x0  }
0x426: {  	[sflag:s23] =	ssyncadd.s32 $0xFFFFE000  }
0x427: {  	[spmem:s3] =	stream.indirect.scatter.add.f32 [tilespmem:s16], [sflag:$0x8], $0x80, s9, s12, $0xb8;
	[tilespmem:$0x1E800] =	vst v63  }
0x428: {  	_ =	swait.ge [sflag:s24], $0x2000  }
0x429: {  	s7 =	sld [smem:$0x7E6]  }
0x42a: {  	[sflag:s24] =	ssyncset.done $0x0  }
0x42b: {  	[sflag:s24] =	ssyncadd.s32 $0xFFFFE000  }
0x42c: {  	[tilespmem:s16], [sflag:$0x4] =	stream.indirect.gather [hbm4b:s1+s12], $0x80, s7, s12, $0xb8;
	[tilespmem:$0x1E800] =	vst v63  }
0x42d: {  	_ =	swait.ge [sflag:s17], $0x2000  }
0x42e: {  	s8 =	sld [smem:$0x7E7]  }
0x42f: {  	[sflag:s17] =	ssyncset.done $0x0  }
0x430: {  	[sflag:s17] =	ssyncadd.s32 $0xFFFFE000  }
0x431: {  	[spmem:s3] =	stream.indirect.scatter.add.f32 [tilespmem:s13], [sflag:$0x5], $0x80, s8, s12, $0xb8;
	[tilespmem:$0x1E800] =	vst v63  }
0x432: {  	_ =	swait.ge [sflag:s18], $0x2000  }
0x433: {  	s9 =	sld [smem:$0x7E9]  }
0x434: {  	[sflag:s18] =	ssyncset.done $0x0  }
0x435: {  	[sflag:s18] =	ssyncadd.s32 $0xFFFFE000  }
0x436: {  	[tilespmem:s13], [sflag:$0x1] =	stream.indirect.gather [hbm4b:s1+s12], $0x80, s9, s12, $0xb8;
	[tilespmem:$0x1E800] =	vst v63  }
0x437: {  	_ =	swait.ge [sflag:s19], $0x2000  }
0x438: {  	s7 =	sld [smem:$0x7EB]  }
0x439: {  	[sflag:s19] =	ssyncset.done $0x0  }
0x43a: {  	[sflag:s19] =	ssyncadd.s32 $0xFFFFE000  }
0x43b: {  	[spmem:s3] =	stream.indirect.scatter.add.f32 [tilespmem:s14], [sflag:$0x6], $0x80, s7, s12, $0xb8;
	[tilespmem:$0x1E800] =	vst v63  }
0x43c: {  	_ =	swait.ge [sflag:s20], $0x2000  }
0x43d: {  	s8 =	sld [smem:$0x7EC]  }
0x43e: {  	[sflag:s20] =	ssyncset.done $0x0  }
0x43f: {  	[sflag:s20] =	ssyncadd.s32 $0xFFFFE000  }
0x440: {  	[tilespmem:s14], [sflag:$0x2] =	stream.indirect.gather [hbm4b:s1+s12], $0x80, s8, s12, $0xb8;
	[tilespmem:$0x1E800] =	vst v63  }
0x441: {  	_ =	swait.ge [sflag:s21], $0x2000  }
0x442: {  	s9 =	sld [smem:$0x7ED]  }
0x443: {  	[sflag:s21] =	ssyncset.done $0x0  }
0x444: {  	[sflag:s21] =	ssyncadd.s32 $0xFFFFE000  }
0x445: {  	[spmem:s3] =	stream.indirect.scatter.add.f32 [tilespmem:s15], [sflag:$0x7], $0x80, s9, s12, $0xb8;
	[tilespmem:$0x1E800] =	vst v63  }
0x446: {  	_ =	swait.ge [sflag:s22], $0x2000  }
0x447: {  	s7 =	sld [smem:$0x7EE]  }
0x448: {  	[sflag:s22] =	ssyncset.done $0x0  }
0x449: {  	[sflag:s22] =	ssyncadd.s32 $0xFFFFE000  }
0x44a: {  	[tilespmem:s15], [sflag:$0x3] =	stream.indirect.gather [hbm4b:s1+s12], $0x80, s7, s12, $0xb8;
	[tilespmem:$0x1E800] =	vst v63  }
0x44b: {  	_ =	swait.ge [sflag:s23], $0x2000  }
0x44c: {  	s8 =	sld [smem:$0x7EF]  }
0x44d: {  	[sflag:s23] =	ssyncset.done $0x0  }
0x44e: {  	[sflag:s23] =	ssyncadd.s32 $0xFFFFE000  }
0x44f: {  	[spmem:s3] =	stream.indirect.scatter.add.f32 [tilespmem:s16], [sflag:$0x8], $0x80, s8, s12, $0xb8;
	[tilespmem:$0x1E800] =	vst v63  }
0x450: {  	_ =	swait.ge [sflag:s24], $0x2000  }
0x451: {  	s9 =	sld [smem:$0x7F0]  }
0x452: {  	[sflag:s24] =	ssyncset.done $0x0  }
0x453: {  	[sflag:s24] =	ssyncadd.s32 $0xFFFFE000  }
0x454: {  	[tilespmem:s16], [sflag:$0x4] =	stream.indirect.gather [hbm4b:s1+s12], $0x80, s9, s12, $0xb8;
	[tilespmem:$0x1E800] =	vst v63  }
0x455: {  	_ =	swait.ge [sflag:s17], $0x2000  }
0x456: {  	s7 =	sld [smem:$0x7F1]  }
0x457: {  	[sflag:s17] =	ssyncset.done $0x0  }
0x458: {  	[sflag:s17] =	ssyncadd.s32 $0xFFFFE000  }
0x459: {  	[spmem:s3] =	stream.indirect.scatter.add.f32 [tilespmem:s13], [sflag:$0x5], $0x80, s7, s12, $0xb8;
	[tilespmem:$0x1E800] =	vst v63  }
0x45a: {  	_ =	swait.ge [sflag:s18], $0x2000  }
0x45b: {  	s8 =	sld [smem:$0x7F2]  }
0x45c: {  	[sflag:s18] =	ssyncset.done $0x0  }
0x45d: {  	[sflag:s18] =	ssyncadd.s32 $0xFFFFE000  }
0x45e: {  	[tilespmem:s13], [sflag:$0x1] =	stream.indirect.gather [hbm4b:s1+s12], $0x80, s8, s12, $0xb8;
	[tilespmem:$0x1E800] =	vst v63  }
0x45f: {  	_ =	swait.ge [sflag:s19], $0x2000  }
0x460: {  	s9 =	sld [smem:$0x7F3]  }
0x461: {  	[sflag:s19] =	ssyncset.done $0x0  }
0x462: {  	[sflag:s19] =	ssyncadd.s32 $0xFFFFE000  }
0x463: {  	[spmem:s3] =	stream.indirect.scatter.add.f32 [tilespmem:s14], [sflag:$0x6], $0x80, s9, s12, $0xb8;
	[tilespmem:$0x1E800] =	vst v63  }
0x464: {  	_ =	swait.ge [sflag:s20], $0x2000  }
0x465: {  	s7 =	sld [smem:$0x7F4]  }
0x466: {  	[sflag:s20] =	ssyncset.done $0x0  }
0x467: {  	[sflag:s20] =	ssyncadd.s32 $0xFFFFE000  }
0x468: {  	[tilespmem:s14], [sflag:$0x2] =	stream.indirect.gather [hbm4b:s1+s12], $0x80, s7, s12, $0xb8;
	[tilespmem:$0x1E800] =	vst v63  }
0x469: {  	_ =	swait.ge [sflag:s21], $0x2000  }
0x46a: {  	s8 =	sld [smem:$0x7F5]  }
0x46b: {  	[sflag:s21] =	ssyncset.done $0x0  }
0x46c: {  	[sflag:s21] =	ssyncadd.s32 $0xFFFFE000  }
0x46d: {  	[spmem:s3] =	stream.indirect.scatter.add.f32 [tilespmem:s15], [sflag:$0x7], $0x80, s8, s12, $0xb8;
	[tilespmem:$0x1E800] =	vst v63  }
0x46e: {  	_ =	swait.ge [sflag:s22], $0x2000  }
0x46f: {  	s9 =	sld [smem:$0x7F6]  }
0x470: {  	[sflag:s22] =	ssyncset.done $0x0  }
0x471: {  	[sflag:s22] =	ssyncadd.s32 $0xFFFFE000  }
0x472: {  	[tilespmem:s15], [sflag:$0x3] =	stream.indirect.gather [hbm4b:s1+s12], $0x80, s9, s12, $0xb8;
	[tilespmem:$0x1E800] =	vst v63  }
0x473: {  	_ =	swait.ge [sflag:s23], $0x2000  }
0x474: {  	s7 =	sld [smem:$0x7F7]  }
0x475: {  	[sflag:s23] =	ssyncset.done $0x0  }
0x476: {  	[sflag:s23] =	ssyncadd.s32 $0xFFFFE000  }
0x477: {  	[spmem:s3] =	stream.indirect.scatter.add.f32 [tilespmem:s16], [sflag:$0x8], $0x80, s7, s12, $0xb8;
	[tilespmem:$0x1E800] =	vst v63  }
0x478: {  	_ =	swait.ge [sflag:s24], $0x2000  }
0x479: {  	s8 =	sld [smem:$0x7F8]  }
0x47a: {  	[sflag:s24] =	ssyncset.done $0x0  }
0x47b: {  	[sflag:s24] =	ssyncadd.s32 $0xFFFFE000  }
0x47c: {  	[tilespmem:s16], [sflag:$0x4] =	stream.indirect.gather [hbm4b:s1+s12], $0x80, s8, s12, $0xb8;
	[tilespmem:$0x1E800] =	vst v63  }
0x47d: {  	_ =	swait.ge [sflag:s17], $0x2000  }
0x47e: {  	s9 =	sld [smem:$0x7F9]  }
0x47f: {  	[sflag:s17] =	ssyncset.done $0x0  }
0x480: {  	[sflag:s17] =	ssyncadd.s32 $0xFFFFE000  }
0x481: {  	[spmem:s3] =	stream.indirect.scatter.add.f32 [tilespmem:s13], [sflag:$0x5], $0x80, s9, s12, $0xb8;
	[tilespmem:$0x1E800] =	vst v63  }
0x482: {  	_ =	swait.ge [sflag:s18], $0x2000  }
0x483: {  	s7 =	sld [smem:$0x7FA]  }
0x484: {  	[sflag:s18] =	ssyncset.done $0x0  }
0x485: {  	[sflag:s18] =	ssyncadd.s32 $0xFFFFE000  }
0x486: {  	[tilespmem:s13], [sflag:$0x1] =	stream.indirect.gather [hbm4b:s1+s12], $0x80, s7, s12, $0xb8;
	[tilespmem:$0x1E800] =	vst v63  }
0x487: {  	_ =	swait.ge [sflag:s19], $0x2000  }
0x488: {  	s8 =	sld [smem:$0x7FB]  }
0x489: {  	[sflag:s19] =	ssyncset.done $0x0  }
0x48a: {  	[sflag:s19] =	ssyncadd.s32 $0xFFFFE000  }
0x48b: {  	[spmem:s3] =	stream.indirect.scatter.add.f32 [tilespmem:s14], [sflag:$0x6], $0x80, s8, s12, $0xb8;
	[tilespmem:$0x1E800] =	vst v63  }
0x48c: {  	_ =	swait.ge [sflag:s20], $0x2000  }
0x48d: {  	[sflag:s20] =	ssyncset.done $0x0  }
0x48e: {  	[sflag:s20] =	ssyncadd.s32 $0xFFFFE000  }
0x48f: {  	[tilespmem:s14], [sflag:$0x2] =	stream.indirect.gather [hbm4b:s1+s12], $0x80, s25, s12, $0xb8;
	[tilespmem:$0x1E800] =	vst v63  }
0x490: {  	_ =	swait.ge [sflag:s21], $0x2000  }
0x491: {  	[sflag:s21] =	ssyncset.done $0x0  }
0x492: {  	[sflag:s21] =	ssyncadd.s32 $0xFFFFE000  }
0x493: {  	[spmem:s3] =	stream.indirect.scatter.add.f32 [tilespmem:s15], [sflag:$0x7], $0x80, s26, s12, $0xb8;
	[tilespmem:$0x1E800] =	vst v63  }
0x494: {  	_ =	swait.ge [sflag:s22], $0x2000  }
0x495: {  	[sflag:s22] =	ssyncset.done $0x0  }
0x496: {  	[sflag:s22] =	ssyncadd.s32 $0xFFFFE000  }
0x497: {  	[tilespmem:s15], [sflag:$0x3] =	stream.indirect.gather [hbm4b:s1+s12], $0x80, s28, s12, $0xb8;
	[tilespmem:$0x1E800] =	vst v63  }
0x498: {  	_ =	swait.ge [sflag:s23], $0x2000  }
0x499: {  	[sflag:s23] =	ssyncset.done $0x0  }
0x49a: {  	[sflag:s23] =	ssyncadd.s32 $0xFFFFE000  }
0x49b: {  	[spmem:s3] =	stream.indirect.scatter.add.f32 [tilespmem:s16], [sflag:$0x8], $0x80, s29, s12, $0xb8;
	[tilespmem:$0x1E800] =	vst v63  }
0x49c: {  	_ =	swait.ge [sflag:s24], $0x2000  }
0x49d: {  	[sflag:s24] =	ssyncset.done $0x0  }
0x49e: {  	[sflag:s24] =	ssyncadd.s32 $0xFFFFE000  }
0x49f: {  	[tilespmem:s16], [sflag:$0x4] =	stream.indirect.gather [hbm4b:s1+s12], $0x80, s30, s12, $0xb8;
	[tilespmem:$0x1E800] =	vst v63  }
0x4a0: {  	_ =	swait.ge [sflag:s17], $0x2000  }
0x4a1: {  	[sflag:s17] =	ssyncset.done $0x0  }
0x4a2: {  	[sflag:s17] =	ssyncadd.s32 $0xFFFFE000  }
0x4a3: {  	[spmem:s3] =	stream.indirect.scatter.add.f32 [tilespmem:s13], [sflag:$0x5], $0x80, s31, s12, $0xb8;
	[tilespmem:$0x1E800] =	vst v63  }
0x4a4: {  	_ =	swait.ge [sflag:s19], $0x2000  }
0x4a5: {  	[sflag:s19] =	ssyncset.done $0x0  }
0x4a6: {  	[sflag:s19] =	ssyncadd.s32 $0xFFFFE000  }
0x4a7: {  	[spmem:s3] =	stream.indirect.scatter.add.f32 [tilespmem:s14], [sflag:$0x6], $0x80, s2, s12, $0xb8;
	[tilespmem:$0x1E800] =	vst v63  }
0x4a8: {  	_ =	swait.ge [sflag:s21], $0x2000  }
0x4a9: {  	[sflag:s21] =	ssyncset.done $0x0  }
0x4aa: {  	[sflag:s21] =	ssyncadd.s32 $0xFFFFE000  }
0x4ab: {  	[spmem:s3] =	stream.indirect.scatter.add.f32 [tilespmem:s15], [sflag:$0x7], $0x80, s0, s12, $0xb8;
	[tilespmem:$0x1E800] =	vst v63  }
0x4ac: {  	_ =	swait.ge [sflag:s23], $0x2000  }
0x4ad: {  	[sflag:s23] =	ssyncset.done $0x0  }
0x4ae: {  	[sflag:s23] =	ssyncadd.s32 $0xFFFFE000  }
0x4af: {  	[spmem:s3] =	stream.indirect.scatter.add.f32 [tilespmem:s16], [sflag:$0x8], $0x80, s5, s12, $0xb8;
	[tilespmem:$0x1E800] =	vst v63  }
0x4b0: {  	_ =	swait.ge [sflag:s18], $0x2000  }
0x4b1: {  	[sflag:s18] =	ssyncset.done $0x0  }
0x4b2: {  	[sflag:s18] =	ssyncadd.s32 $0xFFFFE000  }
0x4b3: {  	_ =	swait.ge [sflag:s20], $0x2000  }
0x4b4: {  	[sflag:s20] =	ssyncset.done $0x0  }
0x4b5: {  	[sflag:s20] =	ssyncadd.s32 $0xFFFFE000  }
0x4b6: {  	_ =	swait.ge [sflag:s22], $0x2000  }
0x4b7: {  	[sflag:s22] =	ssyncset.done $0x0  }
0x4b8: {  	[sflag:s22] =	ssyncadd.s32 $0xFFFFE000  }
0x4b9: {  	_ =	swait.ge [sflag:s24], $0x2000  }
0x4ba: {  	[sflag:s24] =	ssyncset.done $0x0  }
0x4bb: {  	[sflag:s24] =	ssyncadd.s32 $0xFFFFE000  }
0x4bc: {  	[bflag:$0x0] =	sbarrier.arrive $0xFFFF  }
0x4bd: {  	s7 =	sld [smem:$0x7FC]  }
0x4be: {  	s9 =	sld [smem:$0x7E8]  }
0x4bf: {  	s8 =	sld [smem:$0x7FD];
	_ =	sdelay $0x2  }
0x4c0: {  	[hbm:s9], [sflag:s7] =	dma.local [spmem:s8], $0x2800  }
0x4c1: {  	_ =	swait.ge [sflag:s10], $0x2800  }
0x4c2: {  	s6 =	sld [smem:$0x7CD];
	_ =	sdelay $0x2  }
0x4c3: {  	s9 =	sadd.s32 $0x1, s6;
	s6 =	sld [smem:$0x7EA];
	_ =	sdelay $0x2  }
0x4c4: {  	p0 =	sne.s32 s9, s6  }
.Ltmp1:
0x4c5: {  	_ = 	snop;
	(pc) =	sbr.rel @p0 .LBB2_1-.Ltmp1, $3  }
0x4c6: {  	_ =	sdelay $0x1  }
0x4c7: {  	[sflag:s10] =	ssyncset.done $0x0  }
0x4c8: {  	[sflag:s10] =	ssyncadd.s32 $0xFFFFD800  }
0x4c9: {  	_ =	sfence.sel $0x180000  }
0x4ca: {  	[bflag:$0x0] =	sbarrier.arrive $0xFFFF  }
0x4cb: {  	_ =	strace $0x90000047  }
0x4cc: {  	s0 =	stileid.u32;
	[bflag:$0x2] =	sbarrier.arrive $0xFFFF  }
0x4cd: {  	p0 =	sne.s32 s0, $0x0;
	s0 =	rddreg [dreg:$0x3]  }
0x4ce: {  	s0 =	sadd.s32 @!p0 $0x100000, s0  }
0x4cf: {  	[sflag:s0] =	ssyncadd.tile.s32 @!p0 $0x1;
	_ =	shalt  }
.Lfunc_end2:
_tile_overlayer_lowered:
.L_overlay_start_2:
0x4d0: {  	(tag) =	ssettag $0x2  }
0x4d1: {  	s0 =	rddreg [dreg:$0x0];
	s2 =	stileid.u32  }
0x4d2: {  	s1 =	rddreg [dreg:$0x1];
	p0 =	sne.s32 s2, $0x0  }
0x4d3: {  	s3 =	rddreg [dreg:$0x2];
	[bflag:$0x3] =	sbarrier.arrive $0xFFFF;
	s2 =	simm.s32 @!p0 $0x1C09  }
0x4d4: {  	[timem:s3], [sflag:s2] =	dma.local @!p0 [hbm:s0], s1  }
0x4d5: {  	s0 =	simm.s32 @!p0 $0x9  }
0x4d6: {  	_ =	swait.ge @!p0 [sflag:s0], s1  }
0x4d7: {  	s1 =	ssub.s32 @!p0 $0x0, s1;
	[sflag:s0] =	ssyncset.done @!p0 $0x0  }
0x4d8: {  	[sflag:s0] =	ssyncadd.s32 @!p0 s1  }
0x4d9: {  	[bflag:$0x3] =	sbarrier.arrive $0xFFFF  }
0x4da: {  	_ =	shalt  }

</sc_bundles>
